<compile_context>
chip_gen: v7x
topology: tpu7x:2x2x1
jax: 0.10.2.dev20260603
libtpu: 0.0.44.dev20260713+nightly
codegen_flags: <defaults>
</compile_context>

<pallas_src>
import functools

import jax
import jax.numpy as jnp
from jax import lax
from jax.experimental import pallas as pl
from jax.experimental.pallas import tpu as pltpu
from jax.experimental.pallas import tpu_sc as plsc

_NC = 2
_NS = 16
_LW = 128
_BNS = float(1.0 / (1.0 + 1e-5) ** 0.5)


def _sc_deg(N, NPAD, CHT, RROWS, REMC, ZR, NWT, RW):
    mesh = plsc.VectorSubcoreMesh(core_axis_name="c", subcore_axis_name="s")

    @functools.partial(
        pl.kernel,
        out_type=[jax.ShapeDtypeStruct((NPAD,), jnp.float32)] * _NC,
        mesh=mesh,
        scratch_types=[
            pltpu.VMEM((CHT, _LW), jnp.int32),
            pltpu.VMEM((_LW,), jnp.float32),
            pltpu.VMEM((NPAD,), jnp.float32),
            pltpu.VMEM_SHARED((NPAD,), jnp.float32),
            pltpu.SemaphoreType.DMA,
        ],
    )
    def k(dstp_hbm, out0_hbm, out1_hbm, dst_slab, ones_v, zbuf, acc, dsem):
        c = lax.axis_index("c")
        s = lax.axis_index("s")

        for kk in range(_LW // 16):
            ones_v[pl.ds(16 * kk, 16)] = jnp.ones((16,), jnp.float32)

        @pl.when(s == 0)
        def _():
            def z16(i, carry):
                zbuf[pl.ds(pl.multiple_of(i * 16, 16), 16)] = jnp.zeros(
                    (16,), jnp.float32)
                return carry

            lax.fori_loop(0, NPAD // 16, z16, 0)
            pltpu.sync_copy(zbuf, acc)

        base = (c * _NS + s) * CHT
        plsc.subcore_barrier()

        def fire(j, carry):
            pltpu.async_copy(ones_v, acc.at[dst_slab.at[j]], dsem, add=True)
            return carry

        def drain(j, carry):
            pltpu.make_async_copy(ones_v, acc.at[dst_slab.at[0]], dsem).wait()
            return carry

        @pl.when(base + CHT <= RROWS)
        def _():
            pltpu.sync_copy(dstp_hbm.at[pl.ds(base, CHT)], dst_slab)
            lax.fori_loop(0, CHT, fire, 0)
            lax.fori_loop(0, CHT, drain, 0)

        if REMC:
            @pl.when(base == (RROWS // CHT) * CHT)
            def _():
                pltpu.sync_copy(dstp_hbm.at[pl.ds(base, REMC)],
                                dst_slab.at[pl.ds(0, REMC)])
                lax.fori_loop(0, REMC, fire, 0)
                lax.fori_loop(0, REMC, drain, 0)
        plsc.subcore_barrier()

        @pl.when(s == 0)
        def _():
            pltpu.sync_copy(acc, zbuf)

            @pl.when(c == 0)
            def _():
                pltpu.sync_copy(zbuf, out0_hbm)

            @pl.when(c == 1)
            def _():
                pltpu.sync_copy(zbuf, out1_hbm)

    return k


def _sc_spmm(N, D, NPAD, CHT, RROWS, REMS, ZR, NWT, RW):
    mesh = plsc.VectorSubcoreMesh(core_axis_name="c", subcore_axis_name="s")

    SEG = 40
    NSEG = CHT // SEG

    @functools.partial(
        pl.kernel,
        out_type=jax.ShapeDtypeStruct((_NC, N, D), jnp.float32),
        mesh=mesh,
        scratch_types=[
            pltpu.VMEM((SEG, _LW), jnp.int32),
            pltpu.VMEM((SEG, _LW), jnp.int32),
            pltpu.VMEM((2, _LW, D), jnp.float32),
            pltpu.VMEM_SHARED((NPAD, D), jnp.float32),
            pltpu.SemaphoreType.DMA,
            pltpu.SemaphoreType.DMA,
        ],
    )
    def k(h_hbm, srcp_hbm, dstp_hbm, out_hbm,
          src_slab, dst_slab, rows, acc, gsem, ssem):
        c = lax.axis_index("c")
        s = lax.axis_index("s")

        def zrow(i, carry):
            for kk in range(D // 16):
                rows[0, i, pl.ds(16 * kk, 16)] = jnp.zeros((16,), jnp.float32)
            return carry

        lax.fori_loop(0, _LW, zrow, 0)
        for q in range(ZR // _LW):
            pltpu.sync_copy(rows.at[0], acc.at[pl.ds(s * ZR + q * _LW, _LW)])
        ZREM = ZR % _LW
        if ZREM:
            pltpu.sync_copy(rows.at[0, pl.ds(0, ZREM)],
                            acc.at[pl.ds(s * ZR + (ZR // _LW) * _LW, ZREM)])

        base = (c * _NS + s) * CHT
        plsc.subcore_barrier()

        def g_issue(j, b):
            pltpu.async_copy(h_hbm.at[src_slab.at[j]], rows.at[b], gsem)

        def s_issue(j, b):
            pltpu.async_copy(rows.at[b], acc.at[dst_slab.at[j]], ssem, add=True)

        def g_wait():
            pltpu.make_async_copy(h_hbm.at[src_slab.at[0]], rows.at[0], gsem).wait()

        def s_wait():
            pltpu.make_async_copy(rows.at[0], acc.at[dst_slab.at[0]], ssem).wait()

        def ring(L):
            g_issue(0, 0)
            g_wait()
            g_issue(1, 1)
            s_issue(0, 0)

            def body(i, carry2):
                j = 2 * i + 1
                g_wait()
                s_wait()
                g_issue(j + 1, 0)
                s_issue(j, 1)
                g_wait()
                s_wait()
                g_issue(j + 2, 1)
                s_issue(j + 1, 0)
                return carry2

            lax.fori_loop(0, L // 2 - 1, body, 0)
            g_wait()
            s_wait()
            s_issue(L - 1, 1)
            s_wait()

        def segment(g, carry):
            sb = base + g * SEG

            @pl.when(sb + SEG <= RROWS)
            def _():
                pltpu.sync_copy(srcp_hbm.at[pl.ds(sb, SEG)], src_slab)
                pltpu.sync_copy(dstp_hbm.at[pl.ds(sb, SEG)], dst_slab)
                ring(SEG)

            if REMS:
                @pl.when(sb == (RROWS // SEG) * SEG)
                def _():
                    pltpu.sync_copy(srcp_hbm.at[pl.ds(sb, REMS)],
                                    src_slab.at[pl.ds(0, REMS)])
                    pltpu.sync_copy(dstp_hbm.at[pl.ds(sb, REMS)],
                                    dst_slab.at[pl.ds(0, REMS)])
                    ring(REMS)
            return carry

        lax.fori_loop(0, NSEG, segment, 0)
        plsc.subcore_barrier()

        @pl.when(s < NWT)
        def _():
            pltpu.sync_copy(acc.at[pl.ds(s * RW, RW)],
                            out_hbm.at[c, pl.ds(s * RW, RW)])

    return k


def _tc0a(x, W0, B):
    N, D = x.shape

    def body(x_ref, w_ref, h_ref):
        h_ref[...] = jnp.dot(x_ref[...], w_ref[...],
                             preferred_element_type=jnp.float32)

    return pl.pallas_call(
        body,
        grid=(N // B,),
        in_specs=[
            pl.BlockSpec((B, D), lambda i: (i, 0)),
            pl.BlockSpec((D, D), lambda i: (0, 0)),
        ],
        out_specs=pl.BlockSpec((B, D), lambda i: (i, 0)),
        out_shape=jax.ShapeDtypeStruct((N, D), jnp.float32),
    )(x, W0)


def _tc0b(degt, h0, B):
    N, D = h0.shape

    def body(dt_ref, h_ref, gp_ref):
        dt = dt_ref[...]
        dinv = lax.rsqrt(1.0 + dt[:, 0:1] + dt[:, 1:2])
        gp_ref[...] = dinv * h_ref[...]

    return pl.pallas_call(
        body,
        grid=(N // B,),
        in_specs=[
            pl.BlockSpec((B, 2), lambda i: (i, 0)),
            pl.BlockSpec((B, D), lambda i: (i, 0)),
        ],
        out_specs=pl.BlockSpec((B, D), lambda i: (i, 0)),
        out_shape=jax.ShapeDtypeStruct((N, D), jnp.float32),
    )(degt, h0)


def _tc_mid(A, gp, degt, res, W, b, gam, bet, B):
    N, D = gp.shape

    def body(a_ref, gp_ref, dt_ref, res_ref, w_ref, b_ref, g_ref, be_ref,
             z_ref, gn_ref):
        dt = dt_ref[...]
        dinv = lax.rsqrt(1.0 + dt[:, 0:1] + dt[:, 1:2])
        agg = a_ref[0] + a_ref[1] + gp_ref[...]
        u = dinv * agg + b_ref[...]
        v = u * (g_ref[...] * _BNS) + be_ref[...]
        z = jnp.where(v >= 0, v, 0.01 * v) + res_ref[...]
        z_ref[...] = z
        gn_ref[...] = dinv * jnp.dot(
            z, w_ref[...], preferred_element_type=jnp.float32)

    return pl.pallas_call(
        body,
        grid=(N // B,),
        in_specs=[
            pl.BlockSpec((_NC, B, D), lambda i: (0, i, 0)),
            pl.BlockSpec((B, D), lambda i: (i, 0)),
            pl.BlockSpec((B, 2), lambda i: (i, 0)),
            pl.BlockSpec((B, D), lambda i: (i, 0)),
            pl.BlockSpec((D, D), lambda i: (0, 0)),
            pl.BlockSpec((1, D), lambda i: (0, 0)),
            pl.BlockSpec((1, D), lambda i: (0, 0)),
            pl.BlockSpec((1, D), lambda i: (0, 0)),
        ],
        out_specs=[
            pl.BlockSpec((B, D), lambda i: (i, 0)),
            pl.BlockSpec((B, D), lambda i: (i, 0)),
        ],
        out_shape=[jax.ShapeDtypeStruct((N, D), jnp.float32)] * 2,
    )(A, gp, degt, res, W, b, gam, bet)


def _tc_fin(A, gp, degt, b, B):
    N, D = gp.shape

    def body(a_ref, gp_ref, dt_ref, b_ref, o_ref):
        dt = dt_ref[...]
        dinv = lax.rsqrt(1.0 + dt[:, 0:1] + dt[:, 1:2])
        agg = a_ref[0] + a_ref[1] + gp_ref[...]
        o_ref[...] = dinv * agg + b_ref[...]

    return pl.pallas_call(
        body,
        grid=(N // B,),
        in_specs=[
            pl.BlockSpec((_NC, B, D), lambda i: (0, i, 0)),
            pl.BlockSpec((B, D), lambda i: (i, 0)),
            pl.BlockSpec((B, 2), lambda i: (i, 0)),
            pl.BlockSpec((1, D), lambda i: (0, 0)),
        ],
        out_specs=pl.BlockSpec((B, D), lambda i: (i, 0)),
        out_shape=jax.ShapeDtypeStruct((N, D), jnp.float32),
    )(A, gp, degt, b)


def kernel(x, edge_index, W0, b0, g0, be0, W1, b1, g1, be1, W2, b2):
    N, D = x.shape
    E = edge_index.shape[1]
    src = edge_index[0]
    dst = edge_index[1]

    NPAD = (N // (8 * _NS) + 1) * (8 * _NS)
    SEG = 40
    RROWS = -(-E // _LW)
    while (RROWS % SEG) % 8:
        RROWS += 1
    padn = RROWS * _LW - E
    if padn:
        fill = jnp.arange(padn, dtype=src.dtype)
        src = jnp.concatenate([src, fill % N])
        dst = jnp.concatenate([dst, N + fill % (NPAD - N)])
    srcp = src.reshape(RROWS, _LW)
    dstp = dst.reshape(RROWS, _LW)
    CHT = -(-RROWS // (_NC * _NS))
    CHT = -(-CHT // SEG) * SEG
    REMS = RROWS % SEG
    REMC = RROWS % CHT
    ZR = NPAD // _NS
    NWT = 10
    RW = N // NWT

    B = 1000

    h0 = _tc0a(x, W0, B)
    d0, d1 = _sc_deg(N, NPAD, CHT, RROWS, REMC, ZR, NWT, RW)(dstp)
    degt = jnp.stack([d0[:N], d1[:N]], axis=1)

    spmm = _sc_spmm(N, D, NPAD, CHT, RROWS, REMS, ZR, NWT, RW)

    gp0 = _tc0b(degt, h0, B)
    A0 = spmm(gp0, srcp, dstp)
    z0, gp1 = _tc_mid(A0, gp0, degt, x, W1,
                      b0.reshape(1, D), g0.reshape(1, D), be0.reshape(1, D), B)
    A1 = spmm(gp1, srcp, dstp)
    z1, gp2 = _tc_mid(A1, gp1, degt, z0, W2,
                      b1.reshape(1, D), g1.reshape(1, D), be1.reshape(1, D), B)
    A2 = spmm(gp2, srcp, dstp)
    out = _tc_fin(A2, gp2, degt, b2.reshape(1, D), B)
    return out

# --- scband reference (transcript-rebuilt; emitter-appended) ---
"""Pipeline reference for scband-gcn-node-classification-75479755259980 (READ-ONLY COPY).

The authoritative reference and input builder live on the scoring server;
editing this copy changes nothing except your own understanding.
"""

import jax, jax.numpy as jnp
import numpy as np

N = 10000
E = 320000
D = 128
H = 128
O = 128
EPS = 1e-5


def setup_inputs(seed: int = 0) -> dict:
    key = jax.random.key(seed)
    ks = jax.random.split(key, 12)
    x = jax.random.normal(ks[0], (N, D), dtype=jnp.float32)
    edge_index = jax.random.randint(ks[1], (2, E), 0, N, dtype=jnp.int32)
    # GCNConv weights (glorot-ish scaling) and biases
    W0 = jax.random.normal(ks[2], (D, H), dtype=jnp.float32) / np.sqrt(D)
    b0 = jnp.zeros((H,), dtype=jnp.float32)
    W1 = jax.random.normal(ks[3], (H, H), dtype=jnp.float32) / np.sqrt(H)
    b1 = jnp.zeros((H,), dtype=jnp.float32)
    W2 = jax.random.normal(ks[4], (H, O), dtype=jnp.float32) / np.sqrt(H)
    b2 = jnp.zeros((O,), dtype=jnp.float32)
    # BatchNorm affine params (eval mode, running_mean=0, running_var=1)
    g0 = jnp.ones((H,), dtype=jnp.float32)
    be0 = jnp.zeros((H,), dtype=jnp.float32)
    g1 = jnp.ones((H,), dtype=jnp.float32)
    be1 = jnp.zeros((H,), dtype=jnp.float32)
    return {"x": x, "edge_index": edge_index, "W0": W0, "b0": b0, "g0": g0,
            "be0": be0, "W1": W1, "b1": b1, "g1": g1, "be1": be1,
            "W2": W2, "b2": b2}


def _gcn_conv(x, W, b, src, dst, n):
    # PyG GCNConv with normalize=True, add_self_loops=True
    h = x @ W
    loop = jnp.arange(n, dtype=src.dtype)
    src2 = jnp.concatenate([src, loop])
    dst2 = jnp.concatenate([dst, loop])
    deg = jnp.zeros((n,), dtype=h.dtype).at[dst2].add(1.0)
    dinv = jnp.where(deg > 0, deg ** -0.5, 0.0)
    norm = dinv[src2] * dinv[dst2]
    msg = h[src2] * norm[:, None]
    out = jnp.zeros((n, h.shape[1]), dtype=h.dtype).at[dst2].add(msg)
    return out + b


def _bn_eval(x, gamma, beta):
    # BatchNorm1d eval mode with running_mean=0, running_var=1
    return x / jnp.sqrt(1.0 + EPS) * gamma + beta


def _lrelu(x):
    return jnp.where(x >= 0, x, 0.01 * x)


def reference(x, edge_index, W0, b0, g0, be0, W1, b1, g1, be1, W2, b2):
    src = edge_index[0]
    dst = edge_index[1]
    n = x.shape[0]
    # layer 0
    x_res = x
    h = _gcn_conv(x, W0, b0, src, dst, n)
    h = _bn_eval(h, g0, be0)
    h = _lrelu(h)
    # dropout is identity in eval mode
    if x_res.shape[-1] == h.shape[-1]:
        h = h + x_res
    # layer 1
    x_res = h
    h = _gcn_conv(h, W1, b1, src, dst, n)
    h = _bn_eval(h, g1, be1)
    h = _lrelu(h)
    if x_res.shape[-1] == h.shape[-1]:
        h = h + x_res
    # final layer
    out = _gcn_conv(h, W2, b2, src, dst, n)
    return out

if __name__ == "__main__":
    import jax
    _d = setup_inputs()
    print(jax.jit(kernel)(*tuple(_d.values())))

</pallas_src>

<mosaic_0001>
#map = affine_map<(d0, d1) -> (0, 0)>
#map1 = affine_map<(d0, d1) -> (0, 0, 0)>
module attributes {stable_mosaic.version = 14 : i64} {
  func.func @k(%arg0: i32, %arg1: i32, %arg2: memref<10000x128xf32, #tpu.memory_space<hbm>>, %arg3: memref<2504x128xi32, #tpu.memory_space<hbm>>, %arg4: memref<2504x128xi32, #tpu.memory_space<hbm>>, %arg5: memref<2x10000x128xf32, #tpu.memory_space<hbm>>, %arg6: memref<40x128xi32, #tpu.memory_space<vmem>>, %arg7: memref<40x128xi32, #tpu.memory_space<vmem>>, %arg8: memref<2x128x128xf32, #tpu.memory_space<vmem>>, %arg9: memref<10112x128xf32, #tpu.memory_space<vmem_shared>>, %arg10: memref<!tpu.dma_semaphore, #tpu.memory_space<semaphore_mem>>, %arg11: memref<!tpu.dma_semaphore, #tpu.memory_space<semaphore_mem>>) attributes {dimension_semantics = [#tpu.dimension_semantics<core_parallel>, #tpu.dimension_semantics<subcore_parallel>], iteration_bounds = array<i64: 2, 16>, scalar_prefetch = 0 : i64, scratch_operands = 6 : i64, tpu.core_type = #tpu.core_type<sc_vector_subcore>, window_params = [{transform_indices = #map}, {transform_indices = #map}, {transform_indices = #map}, {transform_indices = #map1}]} {
    %scan3A = arith.constant 0 : i32
    %scan3A_0 = arith.constant 0 : i32
    %scan3A_1 = arith.constant 128 : i32
    %scan3A_2 = arith.addi %scan3A_0, %scan3A_1 : i32
    %scan3A_3 = arith.constant 1 : i32
    scf.for %scan3A_41 = %scan3A_0 to %scan3A_2 step %scan3A_3  : i32 {
      %broadcast_in_dim3A = arith.constant 0.000000e+00 : f32
      %broadcast_in_dim3A_42 = vector.broadcast %broadcast_in_dim3A : f32 to vector<16xf32>
      %swap3A = arith.constant 0 : i32
      %swap3A_43 = arith.index_cast %swap3A : i32 to index
      %swap3A_44 = arith.index_cast %scan3A_41 : i32 to index
      %swap3A_45 = arith.constant 0 : index
      %swap3A_46 = tpu.vector_load %arg8[%swap3A_43, %swap3A_44, %swap3A_45] {strides = array<i32>} : memref<2x128x128xf32, #tpu.memory_space<vmem>>, vector<1x1x16xf32>,
      %swap3A_47 = vector.shape_cast %swap3A_46 : vector<1x1x16xf32> to vector<16xf32>
      %swap3A_48 = vector.shape_cast %broadcast_in_dim3A_42 : vector<16xf32> to vector<1x1x16xf32>
      tpu.vector_store %arg8[%swap3A_43, %swap3A_44, %swap3A_45], %swap3A_48 {strides = array<i32>} : memref<2x128x128xf32, #tpu.memory_space<vmem>>, vector<1x1x16xf32>,
      %broadcast_in_dim3A_49 = arith.constant 0.000000e+00 : f32
      %broadcast_in_dim3A_50 = vector.broadcast %broadcast_in_dim3A_49 : f32 to vector<16xf32>
      %swap3A_51 = arith.constant 0 : i32
      %swap3A_52 = arith.index_cast %swap3A_51 : i32 to index
      %swap3A_53 = arith.index_cast %scan3A_41 : i32 to index
      %swap3A_54 = arith.constant 16 : index
      %swap3A_55 = tpu.vector_load %arg8[%swap3A_52, %swap3A_53, %swap3A_54] {strides = array<i32>} : memref<2x128x128xf32, #tpu.memory_space<vmem>>, vector<1x1x16xf32>,
      %swap3A_56 = vector.shape_cast %swap3A_55 : vector<1x1x16xf32> to vector<16xf32>
      %swap3A_57 = vector.shape_cast %broadcast_in_dim3A_50 : vector<16xf32> to vector<1x1x16xf32>
      tpu.vector_store %arg8[%swap3A_52, %swap3A_53, %swap3A_54], %swap3A_57 {strides = array<i32>} : memref<2x128x128xf32, #tpu.memory_space<vmem>>, vector<1x1x16xf32>,
      %broadcast_in_dim3A_58 = arith.constant 0.000000e+00 : f32
      %broadcast_in_dim3A_59 = vector.broadcast %broadcast_in_dim3A_58 : f32 to vector<16xf32>
      %swap3A_60 = arith.constant 0 : i32
      %swap3A_61 = arith.index_cast %swap3A_60 : i32 to index
      %swap3A_62 = arith.index_cast %scan3A_41 : i32 to index
      %swap3A_63 = arith.constant 32 : index
      %swap3A_64 = tpu.vector_load %arg8[%swap3A_61, %swap3A_62, %swap3A_63] {strides = array<i32>} : memref<2x128x128xf32, #tpu.memory_space<vmem>>, vector<1x1x16xf32>,
      %swap3A_65 = vector.shape_cast %swap3A_64 : vector<1x1x16xf32> to vector<16xf32>
      %swap3A_66 = vector.shape_cast %broadcast_in_dim3A_59 : vector<16xf32> to vector<1x1x16xf32>
      tpu.vector_store %arg8[%swap3A_61, %swap3A_62, %swap3A_63], %swap3A_66 {strides = array<i32>} : memref<2x128x128xf32, #tpu.memory_space<vmem>>, vector<1x1x16xf32>,
      %broadcast_in_dim3A_67 = arith.constant 0.000000e+00 : f32
      %broadcast_in_dim3A_68 = vector.broadcast %broadcast_in_dim3A_67 : f32 to vector<16xf32>
      %swap3A_69 = arith.constant 0 : i32
      %swap3A_70 = arith.index_cast %swap3A_69 : i32 to index
      %swap3A_71 = arith.index_cast %scan3A_41 : i32 to index
      %swap3A_72 = arith.constant 48 : index
      %swap3A_73 = tpu.vector_load %arg8[%swap3A_70, %swap3A_71, %swap3A_72] {strides = array<i32>} : memref<2x128x128xf32, #tpu.memory_space<vmem>>, vector<1x1x16xf32>,
      %swap3A_74 = vector.shape_cast %swap3A_73 : vector<1x1x16xf32> to vector<16xf32>
      %swap3A_75 = vector.shape_cast %broadcast_in_dim3A_68 : vector<16xf32> to vector<1x1x16xf32>
      tpu.vector_store %arg8[%swap3A_70, %swap3A_71, %swap3A_72], %swap3A_75 {strides = array<i32>} : memref<2x128x128xf32, #tpu.memory_space<vmem>>, vector<1x1x16xf32>,
      %broadcast_in_dim3A_76 = arith.constant 0.000000e+00 : f32
      %broadcast_in_dim3A_77 = vector.broadcast %broadcast_in_dim3A_76 : f32 to vector<16xf32>
      %swap3A_78 = arith.constant 0 : i32
      %swap3A_79 = arith.index_cast %swap3A_78 : i32 to index
      %swap3A_80 = arith.index_cast %scan3A_41 : i32 to index
      %swap3A_81 = arith.constant 64 : index
      %swap3A_82 = tpu.vector_load %arg8[%swap3A_79, %swap3A_80, %swap3A_81] {strides = array<i32>} : memref<2x128x128xf32, #tpu.memory_space<vmem>>, vector<1x1x16xf32>,
      %swap3A_83 = vector.shape_cast %swap3A_82 : vector<1x1x16xf32> to vector<16xf32>
      %swap3A_84 = vector.shape_cast %broadcast_in_dim3A_77 : vector<16xf32> to vector<1x1x16xf32>
      tpu.vector_store %arg8[%swap3A_79, %swap3A_80, %swap3A_81], %swap3A_84 {strides = array<i32>} : memref<2x128x128xf32, #tpu.memory_space<vmem>>, vector<1x1x16xf32>,
      %broadcast_in_dim3A_85 = arith.constant 0.000000e+00 : f32
      %broadcast_in_dim3A_86 = vector.broadcast %broadcast_in_dim3A_85 : f32 to vector<16xf32>
      %swap3A_87 = arith.constant 0 : i32
      %swap3A_88 = arith.index_cast %swap3A_87 : i32 to index
      %swap3A_89 = arith.index_cast %scan3A_41 : i32 to index
      %swap3A_90 = arith.constant 80 : index
      %swap3A_91 = tpu.vector_load %arg8[%swap3A_88, %swap3A_89, %swap3A_90] {strides = array<i32>} : memref<2x128x128xf32, #tpu.memory_space<vmem>>, vector<1x1x16xf32>,
      %swap3A_92 = vector.shape_cast %swap3A_91 : vector<1x1x16xf32> to vector<16xf32>
      %swap3A_93 = vector.shape_cast %broadcast_in_dim3A_86 : vector<16xf32> to vector<1x1x16xf32>
      tpu.vector_store %arg8[%swap3A_88, %swap3A_89, %swap3A_90], %swap3A_93 {strides = array<i32>} : memref<2x128x128xf32, #tpu.memory_space<vmem>>, vector<1x1x16xf32>,
      %broadcast_in_dim3A_94 = arith.constant 0.000000e+00 : f32
      %broadcast_in_dim3A_95 = vector.broadcast %broadcast_in_dim3A_94 : f32 to vector<16xf32>
      %swap3A_96 = arith.constant 0 : i32
      %swap3A_97 = arith.index_cast %swap3A_96 : i32 to index
      %swap3A_98 = arith.index_cast %scan3A_41 : i32 to index
      %swap3A_99 = arith.constant 96 : index
      %swap3A_100 = tpu.vector_load %arg8[%swap3A_97, %swap3A_98, %swap3A_99] {strides = array<i32>} : memref<2x128x128xf32, #tpu.memory_space<vmem>>, vector<1x1x16xf32>,
      %swap3A_101 = vector.shape_cast %swap3A_100 : vector<1x1x16xf32> to vector<16xf32>
      %swap3A_102 = vector.shape_cast %broadcast_in_dim3A_95 : vector<16xf32> to vector<1x1x16xf32>
      tpu.vector_store %arg8[%swap3A_97, %swap3A_98, %swap3A_99], %swap3A_102 {strides = array<i32>} : memref<2x128x128xf32, #tpu.memory_space<vmem>>, vector<1x1x16xf32>,
      %broadcast_in_dim3A_103 = arith.constant 0.000000e+00 : f32
      %broadcast_in_dim3A_104 = vector.broadcast %broadcast_in_dim3A_103 : f32 to vector<16xf32>
      %swap3A_105 = arith.constant 0 : i32
      %swap3A_106 = arith.index_cast %swap3A_105 : i32 to index
      %swap3A_107 = arith.index_cast %scan3A_41 : i32 to index
      %swap3A_108 = arith.constant 112 : index
      %swap3A_109 = tpu.vector_load %arg8[%swap3A_106, %swap3A_107, %swap3A_108] {strides = array<i32>} : memref<2x128x128xf32, #tpu.memory_space<vmem>>, vector<1x1x16xf32>,
      %swap3A_110 = vector.shape_cast %swap3A_109 : vector<1x1x16xf32> to vector<16xf32>
      %swap3A_111 = vector.shape_cast %broadcast_in_dim3A_104 : vector<16xf32> to vector<1x1x16xf32>
      tpu.vector_store %arg8[%swap3A_106, %swap3A_107, %swap3A_108], %swap3A_111 {strides = array<i32>} : memref<2x128x128xf32, #tpu.memory_space<vmem>>, vector<1x1x16xf32>,
    }
    %scan3A_4 = arith.constant 128 : i32
    %mul3A = arith.constant 632 : i32
    %mul3A_5 = arith.muli %arg1, %mul3A : i32
    %add3A = arith.constant 0 : i32
    %add3A_6 = arith.addi %mul3A_5, %add3A : i32
    %run_scoped3A = arith.constant 0 : i32
    "tpu.region"() ({
      %run_scoped3A_41 = tpu.sem_alloc : memref<!tpu.dma_semaphore, #tpu.memory_space<semaphore_mem>>
      %dma_start3A = arith.constant 0 : i32
      %dma_start3A_42 = arith.constant 0 : i32
      %dma_start3A_43 = tpu.memref_slice %arg8[%run_scoped3A, %dma_start3A, %dma_start3A_42] : memref<2x128x128xf32, #tpu.memory_space<vmem>> -> memref<1x128x128xf32, #tpu.memory_space<vmem>>
      %dma_start3A_44 = tpu.memref_squeeze %dma_start3A_43 : memref<1x128x128xf32, #tpu.memory_space<vmem>> -> memref<128x128xf32, #tpu.memory_space<vmem>>
      %dma_start3A_45 = arith.constant 0 : i32
      %dma_start3A_46 = tpu.memref_slice %arg9[%add3A_6, %dma_start3A_45] : memref<10112x128xf32, #tpu.memory_space<vmem_shared>> -> memref<128x128xf32, #tpu.memory_space<vmem_shared>>
      %dma_start3A_47 = arith.constant 0 : i32
      %dma_start3A_48 = tpu.memref_slice %arg9[%add3A_6, %dma_start3A_47] : memref<10112x128xf32, #tpu.memory_space<vmem_shared>> -> memref<128x128xf32, #tpu.memory_space<vmem_shared>>
      %dma_start3A_49 = arith.constant 0 : i32
      %dma_start3A_50 = arith.constant 0 : i32
      %dma_start3A_51 = tpu.memref_slice %arg8[%run_scoped3A, %dma_start3A_49, %dma_start3A_50] : memref<2x128x128xf32, #tpu.memory_space<vmem>> -> memref<1x128x128xf32, #tpu.memory_space<vmem>>
      %dma_start3A_52 = tpu.memref_squeeze %dma_start3A_51 : memref<1x128x128xf32, #tpu.memory_space<vmem>> -> memref<128x128xf32, #tpu.memory_space<vmem>>
      tpu.enqueue_dma source(%dma_start3A_52 : memref<128x128xf32, #tpu.memory_space<vmem>>) target(%dma_start3A_48 : memref<128x128xf32, #tpu.memory_space<vmem_shared>>) target_semaphore(%run_scoped3A_41 : memref<!tpu.dma_semaphore, #tpu.memory_space<semaphore_mem>>)
      %dma_wait3A = arith.constant 0 : i32
      %dma_wait3A_53 = arith.constant 0 : i32
      %dma_wait3A_54 = tpu.memref_slice %arg8[%run_scoped3A, %dma_wait3A, %dma_wait3A_53] : memref<2x128x128xf32, #tpu.memory_space<vmem>> -> memref<1x128x128xf32, #tpu.memory_space<vmem>>
      %dma_wait3A_55 = tpu.memref_squeeze %dma_wait3A_54 : memref<1x128x128xf32, #tpu.memory_space<vmem>> -> memref<128x128xf32, #tpu.memory_space<vmem>>
      %dma_wait3A_56 = arith.constant 0 : i32
      %dma_wait3A_57 = tpu.memref_slice %arg9[%add3A_6, %dma_wait3A_56] : memref<10112x128xf32, #tpu.memory_space<vmem_shared>> -> memref<128x128xf32, #tpu.memory_space<vmem_shared>>
      %dma_wait3A_58 = arith.constant 0 : i32
      %dma_wait3A_59 = tpu.memref_slice %arg9[%add3A_6, %dma_wait3A_58] : memref<10112x128xf32, #tpu.memory_space<vmem_shared>> -> memref<128x128xf32, #tpu.memory_space<vmem_shared>>
      %dma_wait3A_60 = arith.constant 0 : i32
      %dma_wait3A_61 = arith.constant 0 : i32
      %dma_wait3A_62 = tpu.memref_slice %arg8[%run_scoped3A, %dma_wait3A_60, %dma_wait3A_61] : memref<2x128x128xf32, #tpu.memory_space<vmem>> -> memref<1x128x128xf32, #tpu.memory_space<vmem>>
      %dma_wait3A_63 = tpu.memref_squeeze %dma_wait3A_62 : memref<1x128x128xf32, #tpu.memory_space<vmem>> -> memref<128x128xf32, #tpu.memory_space<vmem>>
      tpu.wait_dma2 semaphore(%run_scoped3A_41 : memref<!tpu.dma_semaphore, #tpu.memory_space<semaphore_mem>>) src(%dma_wait3A_63 : memref<128x128xf32, #tpu.memory_space<vmem>>) dst(%dma_wait3A_59 : memref<128x128xf32, #tpu.memory_space<vmem_shared>>)
      tpu.yield
    }) : () -> ()
    %mul3A_7 = arith.constant 632 : i32
    %mul3A_8 = arith.muli %arg1, %mul3A_7 : i32
    %add3A_9 = arith.constant 128 : i32
    %add3A_10 = arith.addi %mul3A_8, %add3A_9 : i32
    %run_scoped3A_11 = arith.constant 0 : i32
    "tpu.region"() ({
      %run_scoped3A_41 = tpu.sem_alloc : memref<!tpu.dma_semaphore, #tpu.memory_space<semaphore_mem>>
      %dma_start3A = arith.constant 0 : i32
      %dma_start3A_42 = arith.constant 0 : i32
      %dma_start3A_43 = tpu.memref_slice %arg8[%run_scoped3A_11, %dma_start3A, %dma_start3A_42] : memref<2x128x128xf32, #tpu.memory_space<vmem>> -> memref<1x128x128xf32, #tpu.memory_space<vmem>>
      %dma_start3A_44 = tpu.memref_squeeze %dma_start3A_43 : memref<1x128x128xf32, #tpu.memory_space<vmem>> -> memref<128x128xf32, #tpu.memory_space<vmem>>
      %dma_start3A_45 = arith.constant 0 : i32
      %dma_start3A_46 = tpu.memref_slice %arg9[%add3A_10, %dma_start3A_45] : memref<10112x128xf32, #tpu.memory_space<vmem_shared>> -> memref<128x128xf32, #tpu.memory_space<vmem_shared>>
      %dma_start3A_47 = arith.constant 0 : i32
      %dma_start3A_48 = tpu.memref_slice %arg9[%add3A_10, %dma_start3A_47] : memref<10112x128xf32, #tpu.memory_space<vmem_shared>> -> memref<128x128xf32, #tpu.memory_space<vmem_shared>>
      %dma_start3A_49 = arith.constant 0 : i32
      %dma_start3A_50 = arith.constant 0 : i32
      %dma_start3A_51 = tpu.memref_slice %arg8[%run_scoped3A_11, %dma_start3A_49, %dma_start3A_50] : memref<2x128x128xf32, #tpu.memory_space<vmem>> -> memref<1x128x128xf32, #tpu.memory_space<vmem>>
      %dma_start3A_52 = tpu.memref_squeeze %dma_start3A_51 : memref<1x128x128xf32, #tpu.memory_space<vmem>> -> memref<128x128xf32, #tpu.memory_space<vmem>>
      tpu.enqueue_dma source(%dma_start3A_52 : memref<128x128xf32, #tpu.memory_space<vmem>>) target(%dma_start3A_48 : memref<128x128xf32, #tpu.memory_space<vmem_shared>>) target_semaphore(%run_scoped3A_41 : memref<!tpu.dma_semaphore, #tpu.memory_space<semaphore_mem>>)
      %dma_wait3A = arith.constant 0 : i32
      %dma_wait3A_53 = arith.constant 0 : i32
      %dma_wait3A_54 = tpu.memref_slice %arg8[%run_scoped3A_11, %dma_wait3A, %dma_wait3A_53] : memref<2x128x128xf32, #tpu.memory_space<vmem>> -> memref<1x128x128xf32, #tpu.memory_space<vmem>>
      %dma_wait3A_55 = tpu.memref_squeeze %dma_wait3A_54 : memref<1x128x128xf32, #tpu.memory_space<vmem>> -> memref<128x128xf32, #tpu.memory_space<vmem>>
      %dma_wait3A_56 = arith.constant 0 : i32
      %dma_wait3A_57 = tpu.memref_slice %arg9[%add3A_10, %dma_wait3A_56] : memref<10112x128xf32, #tpu.memory_space<vmem_shared>> -> memref<128x128xf32, #tpu.memory_space<vmem_shared>>
      %dma_wait3A_58 = arith.constant 0 : i32
      %dma_wait3A_59 = tpu.memref_slice %arg9[%add3A_10, %dma_wait3A_58] : memref<10112x128xf32, #tpu.memory_space<vmem_shared>> -> memref<128x128xf32, #tpu.memory_space<vmem_shared>>
      %dma_wait3A_60 = arith.constant 0 : i32
      %dma_wait3A_61 = arith.constant 0 : i32
      %dma_wait3A_62 = tpu.memref_slice %arg8[%run_scoped3A_11, %dma_wait3A_60, %dma_wait3A_61] : memref<2x128x128xf32, #tpu.memory_space<vmem>> -> memref<1x128x128xf32, #tpu.memory_space<vmem>>
      %dma_wait3A_63 = tpu.memref_squeeze %dma_wait3A_62 : memref<1x128x128xf32, #tpu.memory_space<vmem>> -> memref<128x128xf32, #tpu.memory_space<vmem>>
      tpu.wait_dma2 semaphore(%run_scoped3A_41 : memref<!tpu.dma_semaphore, #tpu.memory_space<semaphore_mem>>) src(%dma_wait3A_63 : memref<128x128xf32, #tpu.memory_space<vmem>>) dst(%dma_wait3A_59 : memref<128x128xf32, #tpu.memory_space<vmem_shared>>)
      tpu.yield
    }) : () -> ()
    %mul3A_12 = arith.constant 632 : i32
    %mul3A_13 = arith.muli %arg1, %mul3A_12 : i32
    %add3A_14 = arith.constant 256 : i32
    %add3A_15 = arith.addi %mul3A_13, %add3A_14 : i32
    %run_scoped3A_16 = arith.constant 0 : i32
    "tpu.region"() ({
      %run_scoped3A_41 = tpu.sem_alloc : memref<!tpu.dma_semaphore, #tpu.memory_space<semaphore_mem>>
      %dma_start3A = arith.constant 0 : i32
      %dma_start3A_42 = arith.constant 0 : i32
      %dma_start3A_43 = tpu.memref_slice %arg8[%run_scoped3A_16, %dma_start3A, %dma_start3A_42] : memref<2x128x128xf32, #tpu.memory_space<vmem>> -> memref<1x128x128xf32, #tpu.memory_space<vmem>>
      %dma_start3A_44 = tpu.memref_squeeze %dma_start3A_43 : memref<1x128x128xf32, #tpu.memory_space<vmem>> -> memref<128x128xf32, #tpu.memory_space<vmem>>
      %dma_start3A_45 = arith.constant 0 : i32
      %dma_start3A_46 = tpu.memref_slice %arg9[%add3A_15, %dma_start3A_45] : memref<10112x128xf32, #tpu.memory_space<vmem_shared>> -> memref<128x128xf32, #tpu.memory_space<vmem_shared>>
      %dma_start3A_47 = arith.constant 0 : i32
      %dma_start3A_48 = tpu.memref_slice %arg9[%add3A_15, %dma_start3A_47] : memref<10112x128xf32, #tpu.memory_space<vmem_shared>> -> memref<128x128xf32, #tpu.memory_space<vmem_shared>>
      %dma_start3A_49 = arith.constant 0 : i32
      %dma_start3A_50 = arith.constant 0 : i32
      %dma_start3A_51 = tpu.memref_slice %arg8[%run_scoped3A_16, %dma_start3A_49, %dma_start3A_50] : memref<2x128x128xf32, #tpu.memory_space<vmem>> -> memref<1x128x128xf32, #tpu.memory_space<vmem>>
      %dma_start3A_52 = tpu.memref_squeeze %dma_start3A_51 : memref<1x128x128xf32, #tpu.memory_space<vmem>> -> memref<128x128xf32, #tpu.memory_space<vmem>>
      tpu.enqueue_dma source(%dma_start3A_52 : memref<128x128xf32, #tpu.memory_space<vmem>>) target(%dma_start3A_48 : memref<128x128xf32, #tpu.memory_space<vmem_shared>>) target_semaphore(%run_scoped3A_41 : memref<!tpu.dma_semaphore, #tpu.memory_space<semaphore_mem>>)
      %dma_wait3A = arith.constant 0 : i32
      %dma_wait3A_53 = arith.constant 0 : i32
      %dma_wait3A_54 = tpu.memref_slice %arg8[%run_scoped3A_16, %dma_wait3A, %dma_wait3A_53] : memref<2x128x128xf32, #tpu.memory_space<vmem>> -> memref<1x128x128xf32, #tpu.memory_space<vmem>>
      %dma_wait3A_55 = tpu.memref_squeeze %dma_wait3A_54 : memref<1x128x128xf32, #tpu.memory_space<vmem>> -> memref<128x128xf32, #tpu.memory_space<vmem>>
      %dma_wait3A_56 = arith.constant 0 : i32
      %dma_wait3A_57 = tpu.memref_slice %arg9[%add3A_15, %dma_wait3A_56] : memref<10112x128xf32, #tpu.memory_space<vmem_shared>> -> memref<128x128xf32, #tpu.memory_space<vmem_shared>>
      %dma_wait3A_58 = arith.constant 0 : i32
      %dma_wait3A_59 = tpu.memref_slice %arg9[%add3A_15, %dma_wait3A_58] : memref<10112x128xf32, #tpu.memory_space<vmem_shared>> -> memref<128x128xf32, #tpu.memory_space<vmem_shared>>
      %dma_wait3A_60 = arith.constant 0 : i32
      %dma_wait3A_61 = arith.constant 0 : i32
      %dma_wait3A_62 = tpu.memref_slice %arg8[%run_scoped3A_16, %dma_wait3A_60, %dma_wait3A_61] : memref<2x128x128xf32, #tpu.memory_space<vmem>> -> memref<1x128x128xf32, #tpu.memory_space<vmem>>
      %dma_wait3A_63 = tpu.memref_squeeze %dma_wait3A_62 : memref<1x128x128xf32, #tpu.memory_space<vmem>> -> memref<128x128xf32, #tpu.memory_space<vmem>>
      tpu.wait_dma2 semaphore(%run_scoped3A_41 : memref<!tpu.dma_semaphore, #tpu.memory_space<semaphore_mem>>) src(%dma_wait3A_63 : memref<128x128xf32, #tpu.memory_space<vmem>>) dst(%dma_wait3A_59 : memref<128x128xf32, #tpu.memory_space<vmem_shared>>)
      tpu.yield
    }) : () -> ()
    %mul3A_17 = arith.constant 632 : i32
    %mul3A_18 = arith.muli %arg1, %mul3A_17 : i32
    %add3A_19 = arith.constant 384 : i32
    %add3A_20 = arith.addi %mul3A_18, %add3A_19 : i32
    %run_scoped3A_21 = arith.constant 0 : i32
    "tpu.region"() ({
      %run_scoped3A_41 = tpu.sem_alloc : memref<!tpu.dma_semaphore, #tpu.memory_space<semaphore_mem>>
      %dma_start3A = arith.constant 0 : i32
      %dma_start3A_42 = arith.constant 0 : i32
      %dma_start3A_43 = tpu.memref_slice %arg8[%run_scoped3A_21, %dma_start3A, %dma_start3A_42] : memref<2x128x128xf32, #tpu.memory_space<vmem>> -> memref<1x128x128xf32, #tpu.memory_space<vmem>>
      %dma_start3A_44 = tpu.memref_squeeze %dma_start3A_43 : memref<1x128x128xf32, #tpu.memory_space<vmem>> -> memref<128x128xf32, #tpu.memory_space<vmem>>
      %dma_start3A_45 = arith.constant 0 : i32
      %dma_start3A_46 = tpu.memref_slice %arg9[%add3A_20, %dma_start3A_45] : memref<10112x128xf32, #tpu.memory_space<vmem_shared>> -> memref<128x128xf32, #tpu.memory_space<vmem_shared>>
      %dma_start3A_47 = arith.constant 0 : i32
      %dma_start3A_48 = tpu.memref_slice %arg9[%add3A_20, %dma_start3A_47] : memref<10112x128xf32, #tpu.memory_space<vmem_shared>> -> memref<128x128xf32, #tpu.memory_space<vmem_shared>>
      %dma_start3A_49 = arith.constant 0 : i32
      %dma_start3A_50 = arith.constant 0 : i32
      %dma_start3A_51 = tpu.memref_slice %arg8[%run_scoped3A_21, %dma_start3A_49, %dma_start3A_50] : memref<2x128x128xf32, #tpu.memory_space<vmem>> -> memref<1x128x128xf32, #tpu.memory_space<vmem>>
      %dma_start3A_52 = tpu.memref_squeeze %dma_start3A_51 : memref<1x128x128xf32, #tpu.memory_space<vmem>> -> memref<128x128xf32, #tpu.memory_space<vmem>>
      tpu.enqueue_dma source(%dma_start3A_52 : memref<128x128xf32, #tpu.memory_space<vmem>>) target(%dma_start3A_48 : memref<128x128xf32, #tpu.memory_space<vmem_shared>>) target_semaphore(%run_scoped3A_41 : memref<!tpu.dma_semaphore, #tpu.memory_space<semaphore_mem>>)
      %dma_wait3A = arith.constant 0 : i32
      %dma_wait3A_53 = arith.constant 0 : i32
      %dma_wait3A_54 = tpu.memref_slice %arg8[%run_scoped3A_21, %dma_wait3A, %dma_wait3A_53] : memref<2x128x128xf32, #tpu.memory_space<vmem>> -> memref<1x128x128xf32, #tpu.memory_space<vmem>>
      %dma_wait3A_55 = tpu.memref_squeeze %dma_wait3A_54 : memref<1x128x128xf32, #tpu.memory_space<vmem>> -> memref<128x128xf32, #tpu.memory_space<vmem>>
      %dma_wait3A_56 = arith.constant 0 : i32
      %dma_wait3A_57 = tpu.memref_slice %arg9[%add3A_20, %dma_wait3A_56] : memref<10112x128xf32, #tpu.memory_space<vmem_shared>> -> memref<128x128xf32, #tpu.memory_space<vmem_shared>>
      %dma_wait3A_58 = arith.constant 0 : i32
      %dma_wait3A_59 = tpu.memref_slice %arg9[%add3A_20, %dma_wait3A_58] : memref<10112x128xf32, #tpu.memory_space<vmem_shared>> -> memref<128x128xf32, #tpu.memory_space<vmem_shared>>
      %dma_wait3A_60 = arith.constant 0 : i32
      %dma_wait3A_61 = arith.constant 0 : i32
      %dma_wait3A_62 = tpu.memref_slice %arg8[%run_scoped3A_21, %dma_wait3A_60, %dma_wait3A_61] : memref<2x128x128xf32, #tpu.memory_space<vmem>> -> memref<1x128x128xf32, #tpu.memory_space<vmem>>
      %dma_wait3A_63 = tpu.memref_squeeze %dma_wait3A_62 : memref<1x128x128xf32, #tpu.memory_space<vmem>> -> memref<128x128xf32, #tpu.memory_space<vmem>>
      tpu.wait_dma2 semaphore(%run_scoped3A_41 : memref<!tpu.dma_semaphore, #tpu.memory_space<semaphore_mem>>) src(%dma_wait3A_63 : memref<128x128xf32, #tpu.memory_space<vmem>>) dst(%dma_wait3A_59 : memref<128x128xf32, #tpu.memory_space<vmem_shared>>)
      tpu.yield
    }) : () -> ()
    %mul3A_22 = arith.constant 632 : i32
    %mul3A_23 = arith.muli %arg1, %mul3A_22 : i32
    %add3A_24 = arith.constant 512 : i32
    %add3A_25 = arith.addi %mul3A_23, %add3A_24 : i32
    %run_scoped3A_26 = arith.constant 0 : i32
    "tpu.region"() ({
      %run_scoped3A_41 = tpu.sem_alloc : memref<!tpu.dma_semaphore, #tpu.memory_space<semaphore_mem>>
      %dma_start3A = arith.constant 0 : i32
      %dma_start3A_42 = arith.constant 0 : i32
      %dma_start3A_43 = tpu.memref_slice %arg8[%run_scoped3A_26, %dma_start3A, %dma_start3A_42] : memref<2x128x128xf32, #tpu.memory_space<vmem>> -> memref<1x120x128xf32, #tpu.memory_space<vmem>>
      %dma_start3A_44 = tpu.memref_squeeze %dma_start3A_43 : memref<1x120x128xf32, #tpu.memory_space<vmem>> -> memref<120x128xf32, #tpu.memory_space<vmem>>
      %dma_start3A_45 = arith.constant 0 : i32
      %dma_start3A_46 = tpu.memref_slice %arg9[%add3A_25, %dma_start3A_45] : memref<10112x128xf32, #tpu.memory_space<vmem_shared>> -> memref<120x128xf32, #tpu.memory_space<vmem_shared>>
      %dma_start3A_47 = arith.constant 0 : i32
      %dma_start3A_48 = tpu.memref_slice %arg9[%add3A_25, %dma_start3A_47] : memref<10112x128xf32, #tpu.memory_space<vmem_shared>> -> memref<120x128xf32, #tpu.memory_space<vmem_shared>>
      %dma_start3A_49 = arith.constant 0 : i32
      %dma_start3A_50 = arith.constant 0 : i32
      %dma_start3A_51 = tpu.memref_slice %arg8[%run_scoped3A_26, %dma_start3A_49, %dma_start3A_50] : memref<2x128x128xf32, #tpu.memory_space<vmem>> -> memref<1x120x128xf32, #tpu.memory_space<vmem>>
      %dma_start3A_52 = tpu.memref_squeeze %dma_start3A_51 : memref<1x120x128xf32, #tpu.memory_space<vmem>> -> memref<120x128xf32, #tpu.memory_space<vmem>>
      tpu.enqueue_dma source(%dma_start3A_52 : memref<120x128xf32, #tpu.memory_space<vmem>>) target(%dma_start3A_48 : memref<120x128xf32, #tpu.memory_space<vmem_shared>>) target_semaphore(%run_scoped3A_41 : memref<!tpu.dma_semaphore, #tpu.memory_space<semaphore_mem>>)
      %dma_wait3A = arith.constant 0 : i32
      %dma_wait3A_53 = arith.constant 0 : i32
      %dma_wait3A_54 = tpu.memref_slice %arg8[%run_scoped3A_26, %dma_wait3A, %dma_wait3A_53] : memref<2x128x128xf32, #tpu.memory_space<vmem>> -> memref<1x120x128xf32, #tpu.memory_space<vmem>>
      %dma_wait3A_55 = tpu.memref_squeeze %dma_wait3A_54 : memref<1x120x128xf32, #tpu.memory_space<vmem>> -> memref<120x128xf32, #tpu.memory_space<vmem>>
      %dma_wait3A_56 = arith.constant 0 : i32
      %dma_wait3A_57 = tpu.memref_slice %arg9[%add3A_25, %dma_wait3A_56] : memref<10112x128xf32, #tpu.memory_space<vmem_shared>> -> memref<120x128xf32, #tpu.memory_space<vmem_shared>>
      %dma_wait3A_58 = arith.constant 0 : i32
      %dma_wait3A_59 = tpu.memref_slice %arg9[%add3A_25, %dma_wait3A_58] : memref<10112x128xf32, #tpu.memory_space<vmem_shared>> -> memref<120x128xf32, #tpu.memory_space<vmem_shared>>
      %dma_wait3A_60 = arith.constant 0 : i32
      %dma_wait3A_61 = arith.constant 0 : i32
      %dma_wait3A_62 = tpu.memref_slice %arg8[%run_scoped3A_26, %dma_wait3A_60, %dma_wait3A_61] : memref<2x128x128xf32, #tpu.memory_space<vmem>> -> memref<1x120x128xf32, #tpu.memory_space<vmem>>
      %dma_wait3A_63 = tpu.memref_squeeze %dma_wait3A_62 : memref<1x120x128xf32, #tpu.memory_space<vmem>> -> memref<120x128xf32, #tpu.memory_space<vmem>>
      tpu.wait_dma2 semaphore(%run_scoped3A_41 : memref<!tpu.dma_semaphore, #tpu.memory_space<semaphore_mem>>) src(%dma_wait3A_63 : memref<120x128xf32, #tpu.memory_space<vmem>>) dst(%dma_wait3A_59 : memref<120x128xf32, #tpu.memory_space<vmem_shared>>)
      tpu.yield
    }) : () -> ()
    %mul3A_27 = arith.constant 16 : i32
    %mul3A_28 = arith.muli %arg0, %mul3A_27 : i32
    %add3A_29 = arith.addi %mul3A_28, %arg1 : i32
    %mul3A_30 = arith.constant 80 : i32
    %mul3A_31 = arith.muli %add3A_29, %mul3A_30 : i32
    %barrier3A = arith.constant 0 : index
    tpu.barrier barrier_id(%barrier3A)
    %scan3A_32 = arith.constant 0 : i32
    %scan3A_33 = arith.constant 0 : i32
    %scan3A_34 = arith.constant 2 : i32
    %scan3A_35 = arith.addi %scan3A_33, %scan3A_34 : i32
    %scan3A_36 = arith.constant 1 : i32
    scf.for %scan3A_41 = %scan3A_33 to %scan3A_35 step %scan3A_36  : i32 {
      %mul3A_42 = arith.constant 40 : i32
      %mul3A_43 = arith.muli %scan3A_41, %mul3A_42 : i32
      %add3A_44 = arith.addi %mul3A_31, %mul3A_43 : i32
      %add3A_45 = arith.constant 40 : i32
      %add3A_46 = arith.addi %add3A_44, %add3A_45 : i32
      %le3A = arith.constant 2504 : i32
      %le3A_47 = arith.cmpi sle, %add3A_46, %le3A : i32
      %convert_element_type3A_48 = arith.extui %le3A_47 : i1 to i32
      %cond3A_49 = arith.constant 0 : i32
      %cond3A_50 = arith.cmpi ne, %convert_element_type3A_48, %cond3A_49 : i32
      scf.if %cond3A_50 {
        "tpu.region"() ({
          %run_scoped3A_155 = tpu.sem_alloc : memref<!tpu.dma_semaphore, #tpu.memory_space<semaphore_mem>>
          %dma_start3A_156 = arith.constant 0 : i32
          %dma_start3A_157 = tpu.memref_slice %arg3[%add3A_44, %dma_start3A_156] : memref<2504x128xi32, #tpu.memory_space<hbm>> -> memref<40x128xi32, #tpu.memory_space<hbm>>
          %dma_start3A_158 = arith.constant 0 : i32
          %dma_start3A_159 = tpu.memref_slice %arg3[%add3A_44, %dma_start3A_158] : memref<2504x128xi32, #tpu.memory_space<hbm>> -> memref<40x128xi32, #tpu.memory_space<hbm>>
          tpu.enqueue_dma source(%dma_start3A_159 : memref<40x128xi32, #tpu.memory_space<hbm>>) target(%arg6 : memref<40x128xi32, #tpu.memory_space<vmem>>) target_semaphore(%run_scoped3A_155 : memref<!tpu.dma_semaphore, #tpu.memory_space<semaphore_mem>>)
          %dma_wait3A_160 = arith.constant 0 : i32
          %dma_wait3A_161 = tpu.memref_slice %arg3[%add3A_44, %dma_wait3A_160] : memref<2504x128xi32, #tpu.memory_space<hbm>> -> memref<40x128xi32, #tpu.memory_space<hbm>>
          %dma_wait3A_162 = arith.constant 0 : i32
          %dma_wait3A_163 = tpu.memref_slice %arg3[%add3A_44, %dma_wait3A_162] : memref<2504x128xi32, #tpu.memory_space<hbm>> -> memref<40x128xi32, #tpu.memory_space<hbm>>
          tpu.wait_dma2 semaphore(%run_scoped3A_155 : memref<!tpu.dma_semaphore, #tpu.memory_space<semaphore_mem>>) src(%dma_wait3A_163 : memref<40x128xi32, #tpu.memory_space<hbm>>) dst(%arg6 : memref<40x128xi32, #tpu.memory_space<vmem>>)
          tpu.yield
        }) : () -> ()
        "tpu.region"() ({
          %run_scoped3A_155 = tpu.sem_alloc : memref<!tpu.dma_semaphore, #tpu.memory_space<semaphore_mem>>
          %dma_start3A_156 = arith.constant 0 : i32
          %dma_start3A_157 = tpu.memref_slice %arg4[%add3A_44, %dma_start3A_156] : memref<2504x128xi32, #tpu.memory_space<hbm>> -> memref<40x128xi32, #tpu.memory_space<hbm>>
          %dma_start3A_158 = arith.constant 0 : i32
          %dma_start3A_159 = tpu.memref_slice %arg4[%add3A_44, %dma_start3A_158] : memref<2504x128xi32, #tpu.memory_space<hbm>> -> memref<40x128xi32, #tpu.memory_space<hbm>>
          tpu.enqueue_dma source(%dma_start3A_159 : memref<40x128xi32, #tpu.memory_space<hbm>>) target(%arg7 : memref<40x128xi32, #tpu.memory_space<vmem>>) target_semaphore(%run_scoped3A_155 : memref<!tpu.dma_semaphore, #tpu.memory_space<semaphore_mem>>)
          %dma_wait3A_160 = arith.constant 0 : i32
          %dma_wait3A_161 = tpu.memref_slice %arg4[%add3A_44, %dma_wait3A_160] : memref<2504x128xi32, #tpu.memory_space<hbm>> -> memref<40x128xi32, #tpu.memory_space<hbm>>
          %dma_wait3A_162 = arith.constant 0 : i32
          %dma_wait3A_163 = tpu.memref_slice %arg4[%add3A_44, %dma_wait3A_162] : memref<2504x128xi32, #tpu.memory_space<hbm>> -> memref<40x128xi32, #tpu.memory_space<hbm>>
          tpu.wait_dma2 semaphore(%run_scoped3A_155 : memref<!tpu.dma_semaphore, #tpu.memory_space<semaphore_mem>>) src(%dma_wait3A_163 : memref<40x128xi32, #tpu.memory_space<hbm>>) dst(%arg7 : memref<40x128xi32, #tpu.memory_space<vmem>>)
          tpu.yield
        }) : () -> ()
        %dma_start3A = arith.constant 0 : i32
        %dma_start3A_55 = arith.constant 0 : i32
        %dma_start3A_56 = arith.constant 0 : i32
        %dma_start3A_57 = arith.constant 0 : i32
        %dma_start3A_58 = tpu.memref_slice %arg8[%dma_start3A_55, %dma_start3A_56, %dma_start3A_57] : memref<2x128x128xf32, #tpu.memory_space<vmem>> -> memref<1x128x128xf32, #tpu.memory_space<vmem>>
        %dma_start3A_59 = tpu.memref_squeeze %dma_start3A_58 : memref<1x128x128xf32, #tpu.memory_space<vmem>> -> memref<128x128xf32, #tpu.memory_space<vmem>>
        %dma_start3A_60 = arith.constant 0 : i32
        %dma_start3A_61 = tpu.memref_slice %arg6[%dma_start3A, %dma_start3A_60] : memref<40x128xi32, #tpu.memory_space<vmem>> -> memref<1x128xi32, #tpu.memory_space<vmem>>
        %dma_start3A_62 = tpu.memref_squeeze %dma_start3A_61 : memref<1x128xi32, #tpu.memory_space<vmem>> -> memref<128xi32, #tpu.memory_space<vmem>>
        %dma_start3A_63 = arith.constant 0 : i32
        %dma_start3A_64 = arith.constant 0 : i32
        %dma_start3A_65 = tpu.memref_slice %arg2[%dma_start3A_63, %dma_start3A_64] : memref<10000x128xf32, #tpu.memory_space<hbm>> -> memref<10000x128xf32, #tpu.memory_space<hbm>>
        tpu.enqueue_indirect_dma source(%dma_start3A_65 : memref<10000x128xf32, #tpu.memory_space<hbm>>) target(%dma_start3A_59 : memref<128x128xf32, #tpu.memory_space<vmem>>) offsets(%dma_start3A_62 : memref<128xi32, #tpu.memory_space<vmem>>) semaphore(%arg10 : memref<!tpu.dma_semaphore, #tpu.memory_space<semaphore_mem>>)
        %dma_wait3A = arith.constant 0 : i32
        %dma_wait3A_66 = arith.constant 0 : i32
        %dma_wait3A_67 = arith.constant 0 : i32
        %dma_wait3A_68 = arith.constant 0 : i32
        %dma_wait3A_69 = tpu.memref_slice %arg8[%dma_wait3A_66, %dma_wait3A_67, %dma_wait3A_68] : memref<2x128x128xf32, #tpu.memory_space<vmem>> -> memref<1x128x128xf32, #tpu.memory_space<vmem>>
        %dma_wait3A_70 = tpu.memref_squeeze %dma_wait3A_69 : memref<1x128x128xf32, #tpu.memory_space<vmem>> -> memref<128x128xf32, #tpu.memory_space<vmem>>
        %dma_wait3A_71 = arith.constant 0 : i32
        %dma_wait3A_72 = tpu.memref_slice %arg6[%dma_wait3A, %dma_wait3A_71] : memref<40x128xi32, #tpu.memory_space<vmem>> -> memref<1x128xi32, #tpu.memory_space<vmem>>
        %dma_wait3A_73 = tpu.memref_squeeze %dma_wait3A_72 : memref<1x128xi32, #tpu.memory_space<vmem>> -> memref<128xi32, #tpu.memory_space<vmem>>
        %dma_wait3A_74 = arith.constant 0 : i32
        %dma_wait3A_75 = arith.constant 0 : i32
        %dma_wait3A_76 = tpu.memref_slice %arg2[%dma_wait3A_74, %dma_wait3A_75] : memref<10000x128xf32, #tpu.memory_space<hbm>> -> memref<10000x128xf32, #tpu.memory_space<hbm>>
        tpu.wait_indirect_dma semaphore(%arg10 : memref<!tpu.dma_semaphore, #tpu.memory_space<semaphore_mem>>) src(%dma_wait3A_76 : memref<10000x128xf32, #tpu.memory_space<hbm>>) dst(%dma_wait3A_70 : memref<128x128xf32, #tpu.memory_space<vmem>>)
        %dma_start3A_77 = arith.constant 1 : i32
        %dma_start3A_78 = arith.constant 1 : i32
        %dma_start3A_79 = arith.constant 0 : i32
        %dma_start3A_80 = arith.constant 0 : i32
        %dma_start3A_81 = tpu.memref_slice %arg8[%dma_start3A_78, %dma_start3A_79, %dma_start3A_80] : memref<2x128x128xf32, #tpu.memory_space<vmem>> -> memref<1x128x128xf32, #tpu.memory_space<vmem>>
        %dma_start3A_82 = tpu.memref_squeeze %dma_start3A_81 : memref<1x128x128xf32, #tpu.memory_space<vmem>> -> memref<128x128xf32, #tpu.memory_space<vmem>>
        %dma_start3A_83 = arith.constant 0 : i32
        %dma_start3A_84 = tpu.memref_slice %arg6[%dma_start3A_77, %dma_start3A_83] : memref<40x128xi32, #tpu.memory_space<vmem>> -> memref<1x128xi32, #tpu.memory_space<vmem>>
        %dma_start3A_85 = tpu.memref_squeeze %dma_start3A_84 : memref<1x128xi32, #tpu.memory_space<vmem>> -> memref<128xi32, #tpu.memory_space<vmem>>
        %dma_start3A_86 = arith.constant 0 : i32
        %dma_start3A_87 = arith.constant 0 : i32
        %dma_start3A_88 = tpu.memref_slice %arg2[%dma_start3A_86, %dma_start3A_87] : memref<10000x128xf32, #tpu.memory_space<hbm>> -> memref<10000x128xf32, #tpu.memory_space<hbm>>
        tpu.enqueue_indirect_dma source(%dma_start3A_88 : memref<10000x128xf32, #tpu.memory_space<hbm>>) target(%dma_start3A_82 : memref<128x128xf32, #tpu.memory_space<vmem>>) offsets(%dma_start3A_85 : memref<128xi32, #tpu.memory_space<vmem>>) semaphore(%arg10 : memref<!tpu.dma_semaphore, #tpu.memory_space<semaphore_mem>>)
        %dma_start3A_89 = arith.constant 0 : i32
        %dma_start3A_90 = arith.constant 0 : i32
        %dma_start3A_91 = arith.constant 0 : i32
        %dma_start3A_92 = arith.constant 0 : i32
        %dma_start3A_93 = tpu.memref_slice %arg8[%dma_start3A_89, %dma_start3A_91, %dma_start3A_92] : memref<2x128x128xf32, #tpu.memory_space<vmem>> -> memref<1x128x128xf32, #tpu.memory_space<vmem>>
        %dma_start3A_94 = tpu.memref_squeeze %dma_start3A_93 : memref<1x128x128xf32, #tpu.memory_space<vmem>> -> memref<128x128xf32, #tpu.memory_space<vmem>>
        %dma_start3A_95 = arith.constant 0 : i32
        %dma_start3A_96 = tpu.memref_slice %arg7[%dma_start3A_90, %dma_start3A_95] : memref<40x128xi32, #tpu.memory_space<vmem>> -> memref<1x128xi32, #tpu.memory_space<vmem>>
        %dma_start3A_97 = tpu.memref_squeeze %dma_start3A_96 : memref<1x128xi32, #tpu.memory_space<vmem>> -> memref<128xi32, #tpu.memory_space<vmem>>
        %dma_start3A_98 = arith.constant 0 : i32
        %dma_start3A_99 = arith.constant 0 : i32
        %dma_start3A_100 = tpu.memref_slice %arg9[%dma_start3A_98, %dma_start3A_99] : memref<10112x128xf32, #tpu.memory_space<vmem_shared>> -> memref<10112x128xf32, #tpu.memory_space<vmem_shared>>
        tpu.enqueue_indirect_dma source(%dma_start3A_94 : memref<128x128xf32, #tpu.memory_space<vmem>>) target(%dma_start3A_100 : memref<10112x128xf32, #tpu.memory_space<vmem_shared>>) offsets(%dma_start3A_97 : memref<128xi32, #tpu.memory_space<vmem>>) semaphore(%arg11 : memref<!tpu.dma_semaphore, #tpu.memory_space<semaphore_mem>>) {add = true}
        %scan3A_101 = arith.constant 0 : i32
        %scan3A_102 = arith.constant 0 : i32
        %scan3A_103 = arith.constant 19 : i32
        %scan3A_104 = arith.addi %scan3A_102, %scan3A_103 : i32
        %scan3A_105 = arith.constant 1 : i32
        scf.for %scan3A_155 = %scan3A_102 to %scan3A_104 step %scan3A_105  : i32 {
          %mul3A_156 = arith.constant 2 : i32
          %mul3A_157 = arith.muli %mul3A_156, %scan3A_155 : i32
          %add3A_158 = arith.constant 1 : i32
          %add3A_159 = arith.addi %mul3A_157, %add3A_158 : i32
          %dma_wait3A_160 = arith.constant 0 : i32
          %dma_wait3A_161 = arith.constant 0 : i32
          %dma_wait3A_162 = arith.constant 0 : i32
          %dma_wait3A_163 = arith.constant 0 : i32
          %dma_wait3A_164 = tpu.memref_slice %arg8[%dma_wait3A_161, %dma_wait3A_162, %dma_wait3A_163] : memref<2x128x128xf32, #tpu.memory_space<vmem>> -> memref<1x128x128xf32, #tpu.memory_space<vmem>>
          %dma_wait3A_165 = tpu.memref_squeeze %dma_wait3A_164 : memref<1x128x128xf32, #tpu.memory_space<vmem>> -> memref<128x128xf32, #tpu.memory_space<vmem>>
          %dma_wait3A_166 = arith.constant 0 : i32
          %dma_wait3A_167 = tpu.memref_slice %arg6[%dma_wait3A_160, %dma_wait3A_166] : memref<40x128xi32, #tpu.memory_space<vmem>> -> memref<1x128xi32, #tpu.memory_space<vmem>>
          %dma_wait3A_168 = tpu.memref_squeeze %dma_wait3A_167 : memref<1x128xi32, #tpu.memory_space<vmem>> -> memref<128xi32, #tpu.memory_space<vmem>>
          %dma_wait3A_169 = arith.constant 0 : i32
          %dma_wait3A_170 = arith.constant 0 : i32
          %dma_wait3A_171 = tpu.memref_slice %arg2[%dma_wait3A_169, %dma_wait3A_170] : memref<10000x128xf32, #tpu.memory_space<hbm>> -> memref<10000x128xf32, #tpu.memory_space<hbm>>
          tpu.wait_indirect_dma semaphore(%arg10 : memref<!tpu.dma_semaphore, #tpu.memory_space<semaphore_mem>>) src(%dma_wait3A_171 : memref<10000x128xf32, #tpu.memory_space<hbm>>) dst(%dma_wait3A_165 : memref<128x128xf32, #tpu.memory_space<vmem>>)
          %dma_wait3A_172 = arith.constant 0 : i32
          %dma_wait3A_173 = arith.constant 0 : i32
          %dma_wait3A_174 = arith.constant 0 : i32
          %dma_wait3A_175 = arith.constant 0 : i32
          %dma_wait3A_176 = tpu.memref_slice %arg8[%dma_wait3A_172, %dma_wait3A_174, %dma_wait3A_175] : memref<2x128x128xf32, #tpu.memory_space<vmem>> -> memref<1x128x128xf32, #tpu.memory_space<vmem>>
          %dma_wait3A_177 = tpu.memref_squeeze %dma_wait3A_176 : memref<1x128x128xf32, #tpu.memory_space<vmem>> -> memref<128x128xf32, #tpu.memory_space<vmem>>
          %dma_wait3A_178 = arith.constant 0 : i32
          %dma_wait3A_179 = tpu.memref_slice %arg7[%dma_wait3A_173, %dma_wait3A_178] : memref<40x128xi32, #tpu.memory_space<vmem>> -> memref<1x128xi32, #tpu.memory_space<vmem>>
          %dma_wait3A_180 = tpu.memref_squeeze %dma_wait3A_179 : memref<1x128xi32, #tpu.memory_space<vmem>> -> memref<128xi32, #tpu.memory_space<vmem>>
          %dma_wait3A_181 = arith.constant 0 : i32
          %dma_wait3A_182 = arith.constant 0 : i32
          %dma_wait3A_183 = tpu.memref_slice %arg9[%dma_wait3A_181, %dma_wait3A_182] : memref<10112x128xf32, #tpu.memory_space<vmem_shared>> -> memref<10112x128xf32, #tpu.memory_space<vmem_shared>>
          tpu.wait_indirect_dma semaphore(%arg11 : memref<!tpu.dma_semaphore, #tpu.memory_space<semaphore_mem>>) src(%dma_wait3A_177 : memref<128x128xf32, #tpu.memory_space<vmem>>) dst(%dma_wait3A_183 : memref<10112x128xf32, #tpu.memory_space<vmem_shared>>)
          %add3A_184 = arith.constant 1 : i32
          %add3A_185 = arith.addi %add3A_159, %add3A_184 : i32
          %dma_start3A_186 = arith.constant 0 : i32
          %dma_start3A_187 = arith.constant 0 : i32
          %dma_start3A_188 = arith.constant 0 : i32
          %dma_start3A_189 = tpu.memref_slice %arg8[%dma_start3A_186, %dma_start3A_187, %dma_start3A_188] : memref<2x128x128xf32, #tpu.memory_space<vmem>> -> memref<1x128x128xf32, #tpu.memory_space<vmem>>
          %dma_start3A_190 = tpu.memref_squeeze %dma_start3A_189 : memref<1x128x128xf32, #tpu.memory_space<vmem>> -> memref<128x128xf32, #tpu.memory_space<vmem>>
          %dma_start3A_191 = arith.constant 0 : i32
          %dma_start3A_192 = tpu.memref_slice %arg6[%add3A_185, %dma_start3A_191] : memref<40x128xi32, #tpu.memory_space<vmem>> -> memref<1x128xi32, #tpu.memory_space<vmem>>
          %dma_start3A_193 = tpu.memref_squeeze %dma_start3A_192 : memref<1x128xi32, #tpu.memory_space<vmem>> -> memref<128xi32, #tpu.memory_space<vmem>>
          %dma_start3A_194 = arith.constant 0 : i32
          %dma_start3A_195 = arith.constant 0 : i32
          %dma_start3A_196 = tpu.memref_slice %arg2[%dma_start3A_194, %dma_start3A_195] : memref<10000x128xf32, #tpu.memory_space<hbm>> -> memref<10000x128xf32, #tpu.memory_space<hbm>>
          tpu.enqueue_indirect_dma source(%dma_start3A_196 : memref<10000x128xf32, #tpu.memory_space<hbm>>) target(%dma_start3A_190 : memref<128x128xf32, #tpu.memory_space<vmem>>) offsets(%dma_start3A_193 : memref<128xi32, #tpu.memory_space<vmem>>) semaphore(%arg10 : memref<!tpu.dma_semaphore, #tpu.memory_space<semaphore_mem>>)
          %dma_start3A_197 = arith.constant 1 : i32
          %dma_start3A_198 = arith.constant 0 : i32
          %dma_start3A_199 = arith.constant 0 : i32
          %dma_start3A_200 = tpu.memref_slice %arg8[%dma_start3A_197, %dma_start3A_198, %dma_start3A_199] : memref<2x128x128xf32, #tpu.memory_space<vmem>> -> memref<1x128x128xf32, #tpu.memory_space<vmem>>
          %dma_start3A_201 = tpu.memref_squeeze %dma_start3A_200 : memref<1x128x128xf32, #tpu.memory_space<vmem>> -> memref<128x128xf32, #tpu.memory_space<vmem>>
          %dma_start3A_202 = arith.constant 0 : i32
          %dma_start3A_203 = tpu.memref_slice %arg7[%add3A_159, %dma_start3A_202] : memref<40x128xi32, #tpu.memory_space<vmem>> -> memref<1x128xi32, #tpu.memory_space<vmem>>
          %dma_start3A_204 = tpu.memref_squeeze %dma_start3A_203 : memref<1x128xi32, #tpu.memory_space<vmem>> -> memref<128xi32, #tpu.memory_space<vmem>>
          %dma_start3A_205 = arith.constant 0 : i32
          %dma_start3A_206 = arith.constant 0 : i32
          %dma_start3A_207 = tpu.memref_slice %arg9[%dma_start3A_205, %dma_start3A_206] : memref<10112x128xf32, #tpu.memory_space<vmem_shared>> -> memref<10112x128xf32, #tpu.memory_space<vmem_shared>>
          tpu.enqueue_indirect_dma source(%dma_start3A_201 : memref<128x128xf32, #tpu.memory_space<vmem>>) target(%dma_start3A_207 : memref<10112x128xf32, #tpu.memory_space<vmem_shared>>) offsets(%dma_start3A_204 : memref<128xi32, #tpu.memory_space<vmem>>) semaphore(%arg11 : memref<!tpu.dma_semaphore, #tpu.memory_space<semaphore_mem>>) {add = true}
          %dma_wait3A_208 = arith.constant 0 : i32
          %dma_wait3A_209 = arith.constant 0 : i32
          %dma_wait3A_210 = arith.constant 0 : i32
          %dma_wait3A_211 = arith.constant 0 : i32
          %dma_wait3A_212 = tpu.memref_slice %arg8[%dma_wait3A_209, %dma_wait3A_210, %dma_wait3A_211] : memref<2x128x128xf32, #tpu.memory_space<vmem>> -> memref<1x128x128xf32, #tpu.memory_space<vmem>>
          %dma_wait3A_213 = tpu.memref_squeeze %dma_wait3A_212 : memref<1x128x128xf32, #tpu.memory_space<vmem>> -> memref<128x128xf32, #tpu.memory_space<vmem>>
          %dma_wait3A_214 = arith.constant 0 : i32
          %dma_wait3A_215 = tpu.memref_slice %arg6[%dma_wait3A_208, %dma_wait3A_214] : memref<40x128xi32, #tpu.memory_space<vmem>> -> memref<1x128xi32, #tpu.memory_space<vmem>>
          %dma_wait3A_216 = tpu.memref_squeeze %dma_wait3A_215 : memref<1x128xi32, #tpu.memory_space<vmem>> -> memref<128xi32, #tpu.memory_space<vmem>>
          %dma_wait3A_217 = arith.constant 0 : i32
          %dma_wait3A_218 = arith.constant 0 : i32
          %dma_wait3A_219 = tpu.memref_slice %arg2[%dma_wait3A_217, %dma_wait3A_218] : memref<10000x128xf32, #tpu.memory_space<hbm>> -> memref<10000x128xf32, #tpu.memory_space<hbm>>
          tpu.wait_indirect_dma semaphore(%arg10 : memref<!tpu.dma_semaphore, #tpu.memory_space<semaphore_mem>>) src(%dma_wait3A_219 : memref<10000x128xf32, #tpu.memory_space<hbm>>) dst(%dma_wait3A_213 : memref<128x128xf32, #tpu.memory_space<vmem>>)
          %dma_wait3A_220 = arith.constant 0 : i32
          %dma_wait3A_221 = arith.constant 0 : i32
          %dma_wait3A_222 = arith.constant 0 : i32
          %dma_wait3A_223 = arith.constant 0 : i32
          %dma_wait3A_224 = tpu.memref_slice %arg8[%dma_wait3A_220, %dma_wait3A_222, %dma_wait3A_223] : memref<2x128x128xf32, #tpu.memory_space<vmem>> -> memref<1x128x128xf32, #tpu.memory_space<vmem>>
          %dma_wait3A_225 = tpu.memref_squeeze %dma_wait3A_224 : memref<1x128x128xf32, #tpu.memory_space<vmem>> -> memref<128x128xf32, #tpu.memory_space<vmem>>
          %dma_wait3A_226 = arith.constant 0 : i32
          %dma_wait3A_227 = tpu.memref_slice %arg7[%dma_wait3A_221, %dma_wait3A_226] : memref<40x128xi32, #tpu.memory_space<vmem>> -> memref<1x128xi32, #tpu.memory_space<vmem>>
          %dma_wait3A_228 = tpu.memref_squeeze %dma_wait3A_227 : memref<1x128xi32, #tpu.memory_space<vmem>> -> memref<128xi32, #tpu.memory_space<vmem>>
          %dma_wait3A_229 = arith.constant 0 : i32
          %dma_wait3A_230 = arith.constant 0 : i32
          %dma_wait3A_231 = tpu.memref_slice %arg9[%dma_wait3A_229, %dma_wait3A_230] : memref<10112x128xf32, #tpu.memory_space<vmem_shared>> -> memref<10112x128xf32, #tpu.memory_space<vmem_shared>>
          tpu.wait_indirect_dma semaphore(%arg11 : memref<!tpu.dma_semaphore, #tpu.memory_space<semaphore_mem>>) src(%dma_wait3A_225 : memref<128x128xf32, #tpu.memory_space<vmem>>) dst(%dma_wait3A_231 : memref<10112x128xf32, #tpu.memory_space<vmem_shared>>)
          %add3A_232 = arith.constant 2 : i32
          %add3A_233 = arith.addi %add3A_159, %add3A_232 : i32
          %dma_start3A_234 = arith.constant 1 : i32
          %dma_start3A_235 = arith.constant 0 : i32
          %dma_start3A_236 = arith.constant 0 : i32
          %dma_start3A_237 = tpu.memref_slice %arg8[%dma_start3A_234, %dma_start3A_235, %dma_start3A_236] : memref<2x128x128xf32, #tpu.memory_space<vmem>> -> memref<1x128x128xf32, #tpu.memory_space<vmem>>
          %dma_start3A_238 = tpu.memref_squeeze %dma_start3A_237 : memref<1x128x128xf32, #tpu.memory_space<vmem>> -> memref<128x128xf32, #tpu.memory_space<vmem>>
          %dma_start3A_239 = arith.constant 0 : i32
          %dma_start3A_240 = tpu.memref_slice %arg6[%add3A_233, %dma_start3A_239] : memref<40x128xi32, #tpu.memory_space<vmem>> -> memref<1x128xi32, #tpu.memory_space<vmem>>
          %dma_start3A_241 = tpu.memref_squeeze %dma_start3A_240 : memref<1x128xi32, #tpu.memory_space<vmem>> -> memref<128xi32, #tpu.memory_space<vmem>>
          %dma_start3A_242 = arith.constant 0 : i32
          %dma_start3A_243 = arith.constant 0 : i32
          %dma_start3A_244 = tpu.memref_slice %arg2[%dma_start3A_242, %dma_start3A_243] : memref<10000x128xf32, #tpu.memory_space<hbm>> -> memref<10000x128xf32, #tpu.memory_space<hbm>>
          tpu.enqueue_indirect_dma source(%dma_start3A_244 : memref<10000x128xf32, #tpu.memory_space<hbm>>) target(%dma_start3A_238 : memref<128x128xf32, #tpu.memory_space<vmem>>) offsets(%dma_start3A_241 : memref<128xi32, #tpu.memory_space<vmem>>) semaphore(%arg10 : memref<!tpu.dma_semaphore, #tpu.memory_space<semaphore_mem>>)
          %add3A_245 = arith.constant 1 : i32
          %add3A_246 = arith.addi %add3A_159, %add3A_245 : i32
          %dma_start3A_247 = arith.constant 0 : i32
          %dma_start3A_248 = arith.constant 0 : i32
          %dma_start3A_249 = arith.constant 0 : i32
          %dma_start3A_250 = tpu.memref_slice %arg8[%dma_start3A_247, %dma_start3A_248, %dma_start3A_249] : memref<2x128x128xf32, #tpu.memory_space<vmem>> -> memref<1x128x128xf32, #tpu.memory_space<vmem>>
          %dma_start3A_251 = tpu.memref_squeeze %dma_start3A_250 : memref<1x128x128xf32, #tpu.memory_space<vmem>> -> memref<128x128xf32, #tpu.memory_space<vmem>>
          %dma_start3A_252 = arith.constant 0 : i32
          %dma_start3A_253 = tpu.memref_slice %arg7[%add3A_246, %dma_start3A_252] : memref<40x128xi32, #tpu.memory_space<vmem>> -> memref<1x128xi32, #tpu.memory_space<vmem>>
          %dma_start3A_254 = tpu.memref_squeeze %dma_start3A_253 : memref<1x128xi32, #tpu.memory_space<vmem>> -> memref<128xi32, #tpu.memory_space<vmem>>
          %dma_start3A_255 = arith.constant 0 : i32
          %dma_start3A_256 = arith.constant 0 : i32
          %dma_start3A_257 = tpu.memref_slice %arg9[%dma_start3A_255, %dma_start3A_256] : memref<10112x128xf32, #tpu.memory_space<vmem_shared>> -> memref<10112x128xf32, #tpu.memory_space<vmem_shared>>
          tpu.enqueue_indirect_dma source(%dma_start3A_251 : memref<128x128xf32, #tpu.memory_space<vmem>>) target(%dma_start3A_257 : memref<10112x128xf32, #tpu.memory_space<vmem_shared>>) offsets(%dma_start3A_254 : memref<128xi32, #tpu.memory_space<vmem>>) semaphore(%arg11 : memref<!tpu.dma_semaphore, #tpu.memory_space<semaphore_mem>>) {add = true}
        }
        %scan3A_106 = arith.constant 19 : i32
        %dma_wait3A_107 = arith.constant 0 : i32
        %dma_wait3A_108 = arith.constant 0 : i32
        %dma_wait3A_109 = arith.constant 0 : i32
        %dma_wait3A_110 = arith.constant 0 : i32
        %dma_wait3A_111 = tpu.memref_slice %arg8[%dma_wait3A_108, %dma_wait3A_109, %dma_wait3A_110] : memref<2x128x128xf32, #tpu.memory_space<vmem>> -> memref<1x128x128xf32, #tpu.memory_space<vmem>>
        %dma_wait3A_112 = tpu.memref_squeeze %dma_wait3A_111 : memref<1x128x128xf32, #tpu.memory_space<vmem>> -> memref<128x128xf32, #tpu.memory_space<vmem>>
        %dma_wait3A_113 = arith.constant 0 : i32
        %dma_wait3A_114 = tpu.memref_slice %arg6[%dma_wait3A_107, %dma_wait3A_113] : memref<40x128xi32, #tpu.memory_space<vmem>> -> memref<1x128xi32, #tpu.memory_space<vmem>>
        %dma_wait3A_115 = tpu.memref_squeeze %dma_wait3A_114 : memref<1x128xi32, #tpu.memory_space<vmem>> -> memref<128xi32, #tpu.memory_space<vmem>>
        %dma_wait3A_116 = arith.constant 0 : i32
        %dma_wait3A_117 = arith.constant 0 : i32
        %dma_wait3A_118 = tpu.memref_slice %arg2[%dma_wait3A_116, %dma_wait3A_117] : memref<10000x128xf32, #tpu.memory_space<hbm>> -> memref<10000x128xf32, #tpu.memory_space<hbm>>
        tpu.wait_indirect_dma semaphore(%arg10 : memref<!tpu.dma_semaphore, #tpu.memory_space<semaphore_mem>>) src(%dma_wait3A_118 : memref<10000x128xf32, #tpu.memory_space<hbm>>) dst(%dma_wait3A_112 : memref<128x128xf32, #tpu.memory_space<vmem>>)
        %dma_wait3A_119 = arith.constant 0 : i32
        %dma_wait3A_120 = arith.constant 0 : i32
        %dma_wait3A_121 = arith.constant 0 : i32
        %dma_wait3A_122 = arith.constant 0 : i32
        %dma_wait3A_123 = tpu.memref_slice %arg8[%dma_wait3A_119, %dma_wait3A_121, %dma_wait3A_122] : memref<2x128x128xf32, #tpu.memory_space<vmem>> -> memref<1x128x128xf32, #tpu.memory_space<vmem>>
        %dma_wait3A_124 = tpu.memref_squeeze %dma_wait3A_123 : memref<1x128x128xf32, #tpu.memory_space<vmem>> -> memref<128x128xf32, #tpu.memory_space<vmem>>
        %dma_wait3A_125 = arith.constant 0 : i32
        %dma_wait3A_126 = tpu.memref_slice %arg7[%dma_wait3A_120, %dma_wait3A_125] : memref<40x128xi32, #tpu.memory_space<vmem>> -> memref<1x128xi32, #tpu.memory_space<vmem>>
        %dma_wait3A_127 = tpu.memref_squeeze %dma_wait3A_126 : memref<1x128xi32, #tpu.memory_space<vmem>> -> memref<128xi32, #tpu.memory_space<vmem>>
        %dma_wait3A_128 = arith.constant 0 : i32
        %dma_wait3A_129 = arith.constant 0 : i32
        %dma_wait3A_130 = tpu.memref_slice %arg9[%dma_wait3A_128, %dma_wait3A_129] : memref<10112x128xf32, #tpu.memory_space<vmem_shared>> -> memref<10112x128xf32, #tpu.memory_space<vmem_shared>>
        tpu.wait_indirect_dma semaphore(%arg11 : memref<!tpu.dma_semaphore, #tpu.memory_space<semaphore_mem>>) src(%dma_wait3A_124 : memref<128x128xf32, #tpu.memory_space<vmem>>) dst(%dma_wait3A_130 : memref<10112x128xf32, #tpu.memory_space<vmem_shared>>)
        %dma_start3A_131 = arith.constant 1 : i32
        %dma_start3A_132 = arith.constant 39 : i32
        %dma_start3A_133 = arith.constant 0 : i32
        %dma_start3A_134 = arith.constant 0 : i32
        %dma_start3A_135 = tpu.memref_slice %arg8[%dma_start3A_131, %dma_start3A_133, %dma_start3A_134] : memref<2x128x128xf32, #tpu.memory_space<vmem>> -> memref<1x128x128xf32, #tpu.memory_space<vmem>>
        %dma_start3A_136 = tpu.memref_squeeze %dma_start3A_135 : memref<1x128x128xf32, #tpu.memory_space<vmem>> -> memref<128x128xf32, #tpu.memory_space<vmem>>
        %dma_start3A_137 = arith.constant 0 : i32
        %dma_start3A_138 = tpu.memref_slice %arg7[%dma_start3A_132, %dma_start3A_137] : memref<40x128xi32, #tpu.memory_space<vmem>> -> memref<1x128xi32, #tpu.memory_space<vmem>>
        %dma_start3A_139 = tpu.memref_squeeze %dma_start3A_138 : memref<1x128xi32, #tpu.memory_space<vmem>> -> memref<128xi32, #tpu.memory_space<vmem>>
        %dma_start3A_140 = arith.constant 0 : i32
        %dma_start3A_141 = arith.constant 0 : i32
        %dma_start3A_142 = tpu.memref_slice %arg9[%dma_start3A_140, %dma_start3A_141] : memref<10112x128xf32, #tpu.memory_space<vmem_shared>> -> memref<10112x128xf32, #tpu.memory_space<vmem_shared>>
        tpu.enqueue_indirect_dma source(%dma_start3A_136 : memref<128x128xf32, #tpu.memory_space<vmem>>) target(%dma_start3A_142 : memref<10112x128xf32, #tpu.memory_space<vmem_shared>>) offsets(%dma_start3A_139 : memref<128xi32, #tpu.memory_space<vmem>>) semaphore(%arg11 : memref<!tpu.dma_semaphore, #tpu.memory_space<semaphore_mem>>) {add = true}
        %dma_wait3A_143 = arith.constant 0 : i32
        %dma_wait3A_144 = arith.constant 0 : i32
        %dma_wait3A_145 = arith.constant 0 : i32
        %dma_wait3A_146 = arith.constant 0 : i32
        %dma_wait3A_147 = tpu.memref_slice %arg8[%dma_wait3A_143, %dma_wait3A_145, %dma_wait3A_146] : memref<2x128x128xf32, #tpu.memory_space<vmem>> -> memref<1x128x128xf32, #tpu.memory_space<vmem>>
        %dma_wait3A_148 = tpu.memref_squeeze %dma_wait3A_147 : memref<1x128x128xf32, #tpu.memory_space<vmem>> -> memref<128x128xf32, #tpu.memory_space<vmem>>
        %dma_wait3A_149 = arith.constant 0 : i32
        %dma_wait3A_150 = tpu.memref_slice %arg7[%dma_wait3A_144, %dma_wait3A_149] : memref<40x128xi32, #tpu.memory_space<vmem>> -> memref<1x128xi32, #tpu.memory_space<vmem>>
        %dma_wait3A_151 = tpu.memref_squeeze %dma_wait3A_150 : memref<1x128xi32, #tpu.memory_space<vmem>> -> memref<128xi32, #tpu.memory_space<vmem>>
        %dma_wait3A_152 = arith.constant 0 : i32
        %dma_wait3A_153 = arith.constant 0 : i32
        %dma_wait3A_154 = tpu.memref_slice %arg9[%dma_wait3A_152, %dma_wait3A_153] : memref<10112x128xf32, #tpu.memory_space<vmem_shared>> -> memref<10112x128xf32, #tpu.memory_space<vmem_shared>>
        tpu.wait_indirect_dma semaphore(%arg11 : memref<!tpu.dma_semaphore, #tpu.memory_space<semaphore_mem>>) src(%dma_wait3A_148 : memref<128x128xf32, #tpu.memory_space<vmem>>) dst(%dma_wait3A_154 : memref<10112x128xf32, #tpu.memory_space<vmem_shared>>)
      } else {
      }
      %eq3A = arith.constant 2480 : i32
      %eq3A_51 = arith.cmpi eq, %add3A_44, %eq3A : i32
      %convert_element_type3A_52 = arith.extui %eq3A_51 : i1 to i32
      %cond3A_53 = arith.constant 0 : i32
      %cond3A_54 = arith.cmpi ne, %convert_element_type3A_52, %cond3A_53 : i32
      scf.if %cond3A_54 {
        "tpu.region"() ({
          %run_scoped3A_155 = tpu.sem_alloc : memref<!tpu.dma_semaphore, #tpu.memory_space<semaphore_mem>>
          %dma_start3A_156 = arith.constant 0 : i32
          %dma_start3A_157 = arith.constant 0 : i32
          %dma_start3A_158 = tpu.memref_slice %arg6[%dma_start3A_156, %dma_start3A_157] : memref<40x128xi32, #tpu.memory_space<vmem>> -> memref<24x128xi32, #tpu.memory_space<vmem>>
          %dma_start3A_159 = arith.constant 0 : i32
          %dma_start3A_160 = tpu.memref_slice %arg3[%add3A_44, %dma_start3A_159] : memref<2504x128xi32, #tpu.memory_space<hbm>> -> memref<24x128xi32, #tpu.memory_space<hbm>>
          %dma_start3A_161 = arith.constant 0 : i32
          %dma_start3A_162 = arith.constant 0 : i32
          %dma_start3A_163 = tpu.memref_slice %arg6[%dma_start3A_161, %dma_start3A_162] : memref<40x128xi32, #tpu.memory_space<vmem>> -> memref<24x128xi32, #tpu.memory_space<vmem>>
          %dma_start3A_164 = arith.constant 0 : i32
          %dma_start3A_165 = tpu.memref_slice %arg3[%add3A_44, %dma_start3A_164] : memref<2504x128xi32, #tpu.memory_space<hbm>> -> memref<24x128xi32, #tpu.memory_space<hbm>>
          tpu.enqueue_dma source(%dma_start3A_165 : memref<24x128xi32, #tpu.memory_space<hbm>>) target(%dma_start3A_163 : memref<24x128xi32, #tpu.memory_space<vmem>>) target_semaphore(%run_scoped3A_155 : memref<!tpu.dma_semaphore, #tpu.memory_space<semaphore_mem>>)
          %dma_wait3A_166 = arith.constant 0 : i32
          %dma_wait3A_167 = arith.constant 0 : i32
          %dma_wait3A_168 = tpu.memref_slice %arg6[%dma_wait3A_166, %dma_wait3A_167] : memref<40x128xi32, #tpu.memory_space<vmem>> -> memref<24x128xi32, #tpu.memory_space<vmem>>
          %dma_wait3A_169 = arith.constant 0 : i32
          %dma_wait3A_170 = tpu.memref_slice %arg3[%add3A_44, %dma_wait3A_169] : memref<2504x128xi32, #tpu.memory_space<hbm>> -> memref<24x128xi32, #tpu.memory_space<hbm>>
          %dma_wait3A_171 = arith.constant 0 : i32
          %dma_wait3A_172 = arith.constant 0 : i32
          %dma_wait3A_173 = tpu.memref_slice %arg6[%dma_wait3A_171, %dma_wait3A_172] : memref<40x128xi32, #tpu.memory_space<vmem>> -> memref<24x128xi32, #tpu.memory_space<vmem>>
          %dma_wait3A_174 = arith.constant 0 : i32
          %dma_wait3A_175 = tpu.memref_slice %arg3[%add3A_44, %dma_wait3A_174] : memref<2504x128xi32, #tpu.memory_space<hbm>> -> memref<24x128xi32, #tpu.memory_space<hbm>>
          tpu.wait_dma2 semaphore(%run_scoped3A_155 : memref<!tpu.dma_semaphore, #tpu.memory_space<semaphore_mem>>) src(%dma_wait3A_175 : memref<24x128xi32, #tpu.memory_space<hbm>>) dst(%dma_wait3A_173 : memref<24x128xi32, #tpu.memory_space<vmem>>)
          tpu.yield
        }) : () -> ()
        "tpu.region"() ({
          %run_scoped3A_155 = tpu.sem_alloc : memref<!tpu.dma_semaphore, #tpu.memory_space<semaphore_mem>>
          %dma_start3A_156 = arith.constant 0 : i32
          %dma_start3A_157 = arith.constant 0 : i32
          %dma_start3A_158 = tpu.memref_slice %arg7[%dma_start3A_156, %dma_start3A_157] : memref<40x128xi32, #tpu.memory_space<vmem>> -> memref<24x128xi32, #tpu.memory_space<vmem>>
          %dma_start3A_159 = arith.constant 0 : i32
          %dma_start3A_160 = tpu.memref_slice %arg4[%add3A_44, %dma_start3A_159] : memref<2504x128xi32, #tpu.memory_space<hbm>> -> memref<24x128xi32, #tpu.memory_space<hbm>>
          %dma_start3A_161 = arith.constant 0 : i32
          %dma_start3A_162 = arith.constant 0 : i32
          %dma_start3A_163 = tpu.memref_slice %arg7[%dma_start3A_161, %dma_start3A_162] : memref<40x128xi32, #tpu.memory_space<vmem>> -> memref<24x128xi32, #tpu.memory_space<vmem>>
          %dma_start3A_164 = arith.constant 0 : i32
          %dma_start3A_165 = tpu.memref_slice %arg4[%add3A_44, %dma_start3A_164] : memref<2504x128xi32, #tpu.memory_space<hbm>> -> memref<24x128xi32, #tpu.memory_space<hbm>>
          tpu.enqueue_dma source(%dma_start3A_165 : memref<24x128xi32, #tpu.memory_space<hbm>>) target(%dma_start3A_163 : memref<24x128xi32, #tpu.memory_space<vmem>>) target_semaphore(%run_scoped3A_155 : memref<!tpu.dma_semaphore, #tpu.memory_space<semaphore_mem>>)
          %dma_wait3A_166 = arith.constant 0 : i32
          %dma_wait3A_167 = arith.constant 0 : i32
          %dma_wait3A_168 = tpu.memref_slice %arg7[%dma_wait3A_166, %dma_wait3A_167] : memref<40x128xi32, #tpu.memory_space<vmem>> -> memref<24x128xi32, #tpu.memory_space<vmem>>
          %dma_wait3A_169 = arith.constant 0 : i32
          %dma_wait3A_170 = tpu.memref_slice %arg4[%add3A_44, %dma_wait3A_169] : memref<2504x128xi32, #tpu.memory_space<hbm>> -> memref<24x128xi32, #tpu.memory_space<hbm>>
          %dma_wait3A_171 = arith.constant 0 : i32
          %dma_wait3A_172 = arith.constant 0 : i32
          %dma_wait3A_173 = tpu.memref_slice %arg7[%dma_wait3A_171, %dma_wait3A_172] : memref<40x128xi32, #tpu.memory_space<vmem>> -> memref<24x128xi32, #tpu.memory_space<vmem>>
          %dma_wait3A_174 = arith.constant 0 : i32
          %dma_wait3A_175 = tpu.memref_slice %arg4[%add3A_44, %dma_wait3A_174] : memref<2504x128xi32, #tpu.memory_space<hbm>> -> memref<24x128xi32, #tpu.memory_space<hbm>>
          tpu.wait_dma2 semaphore(%run_scoped3A_155 : memref<!tpu.dma_semaphore, #tpu.memory_space<semaphore_mem>>) src(%dma_wait3A_175 : memref<24x128xi32, #tpu.memory_space<hbm>>) dst(%dma_wait3A_173 : memref<24x128xi32, #tpu.memory_space<vmem>>)
          tpu.yield
        }) : () -> ()
        %dma_start3A = arith.constant 0 : i32
        %dma_start3A_55 = arith.constant 0 : i32
        %dma_start3A_56 = arith.constant 0 : i32
        %dma_start3A_57 = arith.constant 0 : i32
        %dma_start3A_58 = tpu.memref_slice %arg8[%dma_start3A_55, %dma_start3A_56, %dma_start3A_57] : memref<2x128x128xf32, #tpu.memory_space<vmem>> -> memref<1x128x128xf32, #tpu.memory_space<vmem>>
        %dma_start3A_59 = tpu.memref_squeeze %dma_start3A_58 : memref<1x128x128xf32, #tpu.memory_space<vmem>> -> memref<128x128xf32, #tpu.memory_space<vmem>>
        %dma_start3A_60 = arith.constant 0 : i32
        %dma_start3A_61 = tpu.memref_slice %arg6[%dma_start3A, %dma_start3A_60] : memref<40x128xi32, #tpu.memory_space<vmem>> -> memref<1x128xi32, #tpu.memory_space<vmem>>
        %dma_start3A_62 = tpu.memref_squeeze %dma_start3A_61 : memref<1x128xi32, #tpu.memory_space<vmem>> -> memref<128xi32, #tpu.memory_space<vmem>>
        %dma_start3A_63 = arith.constant 0 : i32
        %dma_start3A_64 = arith.constant 0 : i32
        %dma_start3A_65 = tpu.memref_slice %arg2[%dma_start3A_63, %dma_start3A_64] : memref<10000x128xf32, #tpu.memory_space<hbm>> -> memref<10000x128xf32, #tpu.memory_space<hbm>>
        tpu.enqueue_indirect_dma source(%dma_start3A_65 : memref<10000x128xf32, #tpu.memory_space<hbm>>) target(%dma_start3A_59 : memref<128x128xf32, #tpu.memory_space<vmem>>) offsets(%dma_start3A_62 : memref<128xi32, #tpu.memory_space<vmem>>) semaphore(%arg10 : memref<!tpu.dma_semaphore, #tpu.memory_space<semaphore_mem>>)
        %dma_wait3A = arith.constant 0 : i32
        %dma_wait3A_66 = arith.constant 0 : i32
        %dma_wait3A_67 = arith.constant 0 : i32
        %dma_wait3A_68 = arith.constant 0 : i32
        %dma_wait3A_69 = tpu.memref_slice %arg8[%dma_wait3A_66, %dma_wait3A_67, %dma_wait3A_68] : memref<2x128x128xf32, #tpu.memory_space<vmem>> -> memref<1x128x128xf32, #tpu.memory_space<vmem>>
        %dma_wait3A_70 = tpu.memref_squeeze %dma_wait3A_69 : memref<1x128x128xf32, #tpu.memory_space<vmem>> -> memref<128x128xf32, #tpu.memory_space<vmem>>
        %dma_wait3A_71 = arith.constant 0 : i32
        %dma_wait3A_72 = tpu.memref_slice %arg6[%dma_wait3A, %dma_wait3A_71] : memref<40x128xi32, #tpu.memory_space<vmem>> -> memref<1x128xi32, #tpu.memory_space<vmem>>
        %dma_wait3A_73 = tpu.memref_squeeze %dma_wait3A_72 : memref<1x128xi32, #tpu.memory_space<vmem>> -> memref<128xi32, #tpu.memory_space<vmem>>
        %dma_wait3A_74 = arith.constant 0 : i32
        %dma_wait3A_75 = arith.constant 0 : i32
        %dma_wait3A_76 = tpu.memref_slice %arg2[%dma_wait3A_74, %dma_wait3A_75] : memref<10000x128xf32, #tpu.memory_space<hbm>> -> memref<10000x128xf32, #tpu.memory_space<hbm>>
        tpu.wait_indirect_dma semaphore(%arg10 : memref<!tpu.dma_semaphore, #tpu.memory_space<semaphore_mem>>) src(%dma_wait3A_76 : memref<10000x128xf32, #tpu.memory_space<hbm>>) dst(%dma_wait3A_70 : memref<128x128xf32, #tpu.memory_space<vmem>>)
        %dma_start3A_77 = arith.constant 1 : i32
        %dma_start3A_78 = arith.constant 1 : i32
        %dma_start3A_79 = arith.constant 0 : i32
        %dma_start3A_80 = arith.constant 0 : i32
        %dma_start3A_81 = tpu.memref_slice %arg8[%dma_start3A_78, %dma_start3A_79, %dma_start3A_80] : memref<2x128x128xf32, #tpu.memory_space<vmem>> -> memref<1x128x128xf32, #tpu.memory_space<vmem>>
        %dma_start3A_82 = tpu.memref_squeeze %dma_start3A_81 : memref<1x128x128xf32, #tpu.memory_space<vmem>> -> memref<128x128xf32, #tpu.memory_space<vmem>>
        %dma_start3A_83 = arith.constant 0 : i32
        %dma_start3A_84 = tpu.memref_slice %arg6[%dma_start3A_77, %dma_start3A_83] : memref<40x128xi32, #tpu.memory_space<vmem>> -> memref<1x128xi32, #tpu.memory_space<vmem>>
        %dma_start3A_85 = tpu.memref_squeeze %dma_start3A_84 : memref<1x128xi32, #tpu.memory_space<vmem>> -> memref<128xi32, #tpu.memory_space<vmem>>
        %dma_start3A_86 = arith.constant 0 : i32
        %dma_start3A_87 = arith.constant 0 : i32
        %dma_start3A_88 = tpu.memref_slice %arg2[%dma_start3A_86, %dma_start3A_87] : memref<10000x128xf32, #tpu.memory_space<hbm>> -> memref<10000x128xf32, #tpu.memory_space<hbm>>
        tpu.enqueue_indirect_dma source(%dma_start3A_88 : memref<10000x128xf32, #tpu.memory_space<hbm>>) target(%dma_start3A_82 : memref<128x128xf32, #tpu.memory_space<vmem>>) offsets(%dma_start3A_85 : memref<128xi32, #tpu.memory_space<vmem>>) semaphore(%arg10 : memref<!tpu.dma_semaphore, #tpu.memory_space<semaphore_mem>>)
        %dma_start3A_89 = arith.constant 0 : i32
        %dma_start3A_90 = arith.constant 0 : i32
        %dma_start3A_91 = arith.constant 0 : i32
        %dma_start3A_92 = arith.constant 0 : i32
        %dma_start3A_93 = tpu.memref_slice %arg8[%dma_start3A_89, %dma_start3A_91, %dma_start3A_92] : memref<2x128x128xf32, #tpu.memory_space<vmem>> -> memref<1x128x128xf32, #tpu.memory_space<vmem>>
        %dma_start3A_94 = tpu.memref_squeeze %dma_start3A_93 : memref<1x128x128xf32, #tpu.memory_space<vmem>> -> memref<128x128xf32, #tpu.memory_space<vmem>>
        %dma_start3A_95 = arith.constant 0 : i32
        %dma_start3A_96 = tpu.memref_slice %arg7[%dma_start3A_90, %dma_start3A_95] : memref<40x128xi32, #tpu.memory_space<vmem>> -> memref<1x128xi32, #tpu.memory_space<vmem>>
        %dma_start3A_97 = tpu.memref_squeeze %dma_start3A_96 : memref<1x128xi32, #tpu.memory_space<vmem>> -> memref<128xi32, #tpu.memory_space<vmem>>
        %dma_start3A_98 = arith.constant 0 : i32
        %dma_start3A_99 = arith.constant 0 : i32
        %dma_start3A_100 = tpu.memref_slice %arg9[%dma_start3A_98, %dma_start3A_99] : memref<10112x128xf32, #tpu.memory_space<vmem_shared>> -> memref<10112x128xf32, #tpu.memory_space<vmem_shared>>
        tpu.enqueue_indirect_dma source(%dma_start3A_94 : memref<128x128xf32, #tpu.memory_space<vmem>>) target(%dma_start3A_100 : memref<10112x128xf32, #tpu.memory_space<vmem_shared>>) offsets(%dma_start3A_97 : memref<128xi32, #tpu.memory_space<vmem>>) semaphore(%arg11 : memref<!tpu.dma_semaphore, #tpu.memory_space<semaphore_mem>>) {add = true}
        %scan3A_101 = arith.constant 0 : i32
        %scan3A_102 = arith.constant 0 : i32
        %scan3A_103 = arith.constant 11 : i32
        %scan3A_104 = arith.addi %scan3A_102, %scan3A_103 : i32
        %scan3A_105 = arith.constant 1 : i32
        scf.for %scan3A_155 = %scan3A_102 to %scan3A_104 step %scan3A_105  : i32 {
          %mul3A_156 = arith.constant 2 : i32
          %mul3A_157 = arith.muli %mul3A_156, %scan3A_155 : i32
          %add3A_158 = arith.constant 1 : i32
          %add3A_159 = arith.addi %mul3A_157, %add3A_158 : i32
          %dma_wait3A_160 = arith.constant 0 : i32
          %dma_wait3A_161 = arith.constant 0 : i32
          %dma_wait3A_162 = arith.constant 0 : i32
          %dma_wait3A_163 = arith.constant 0 : i32
          %dma_wait3A_164 = tpu.memref_slice %arg8[%dma_wait3A_161, %dma_wait3A_162, %dma_wait3A_163] : memref<2x128x128xf32, #tpu.memory_space<vmem>> -> memref<1x128x128xf32, #tpu.memory_space<vmem>>
          %dma_wait3A_165 = tpu.memref_squeeze %dma_wait3A_164 : memref<1x128x128xf32, #tpu.memory_space<vmem>> -> memref<128x128xf32, #tpu.memory_space<vmem>>
          %dma_wait3A_166 = arith.constant 0 : i32
          %dma_wait3A_167 = tpu.memref_slice %arg6[%dma_wait3A_160, %dma_wait3A_166] : memref<40x128xi32, #tpu.memory_space<vmem>> -> memref<1x128xi32, #tpu.memory_space<vmem>>
          %dma_wait3A_168 = tpu.memref_squeeze %dma_wait3A_167 : memref<1x128xi32, #tpu.memory_space<vmem>> -> memref<128xi32, #tpu.memory_space<vmem>>
          %dma_wait3A_169 = arith.constant 0 : i32
          %dma_wait3A_170 = arith.constant 0 : i32
          %dma_wait3A_171 = tpu.memref_slice %arg2[%dma_wait3A_169, %dma_wait3A_170] : memref<10000x128xf32, #tpu.memory_space<hbm>> -> memref<10000x128xf32, #tpu.memory_space<hbm>>
          tpu.wait_indirect_dma semaphore(%arg10 : memref<!tpu.dma_semaphore, #tpu.memory_space<semaphore_mem>>) src(%dma_wait3A_171 : memref<10000x128xf32, #tpu.memory_space<hbm>>) dst(%dma_wait3A_165 : memref<128x128xf32, #tpu.memory_space<vmem>>)
          %dma_wait3A_172 = arith.constant 0 : i32
          %dma_wait3A_173 = arith.constant 0 : i32
          %dma_wait3A_174 = arith.constant 0 : i32
          %dma_wait3A_175 = arith.constant 0 : i32
          %dma_wait3A_176 = tpu.memref_slice %arg8[%dma_wait3A_172, %dma_wait3A_174, %dma_wait3A_175] : memref<2x128x128xf32, #tpu.memory_space<vmem>> -> memref<1x128x128xf32, #tpu.memory_space<vmem>>
          %dma_wait3A_177 = tpu.memref_squeeze %dma_wait3A_176 : memref<1x128x128xf32, #tpu.memory_space<vmem>> -> memref<128x128xf32, #tpu.memory_space<vmem>>
          %dma_wait3A_178 = arith.constant 0 : i32
          %dma_wait3A_179 = tpu.memref_slice %arg7[%dma_wait3A_173, %dma_wait3A_178] : memref<40x128xi32, #tpu.memory_space<vmem>> -> memref<1x128xi32, #tpu.memory_space<vmem>>
          %dma_wait3A_180 = tpu.memref_squeeze %dma_wait3A_179 : memref<1x128xi32, #tpu.memory_space<vmem>> -> memref<128xi32, #tpu.memory_space<vmem>>
          %dma_wait3A_181 = arith.constant 0 : i32
          %dma_wait3A_182 = arith.constant 0 : i32
          %dma_wait3A_183 = tpu.memref_slice %arg9[%dma_wait3A_181, %dma_wait3A_182] : memref<10112x128xf32, #tpu.memory_space<vmem_shared>> -> memref<10112x128xf32, #tpu.memory_space<vmem_shared>>
          tpu.wait_indirect_dma semaphore(%arg11 : memref<!tpu.dma_semaphore, #tpu.memory_space<semaphore_mem>>) src(%dma_wait3A_177 : memref<128x128xf32, #tpu.memory_space<vmem>>) dst(%dma_wait3A_183 : memref<10112x128xf32, #tpu.memory_space<vmem_shared>>)
          %add3A_184 = arith.constant 1 : i32
          %add3A_185 = arith.addi %add3A_159, %add3A_184 : i32
          %dma_start3A_186 = arith.constant 0 : i32
          %dma_start3A_187 = arith.constant 0 : i32
          %dma_start3A_188 = arith.constant 0 : i32
          %dma_start3A_189 = tpu.memref_slice %arg8[%dma_start3A_186, %dma_start3A_187, %dma_start3A_188] : memref<2x128x128xf32, #tpu.memory_space<vmem>> -> memref<1x128x128xf32, #tpu.memory_space<vmem>>
          %dma_start3A_190 = tpu.memref_squeeze %dma_start3A_189 : memref<1x128x128xf32, #tpu.memory_space<vmem>> -> memref<128x128xf32, #tpu.memory_space<vmem>>
          %dma_start3A_191 = arith.constant 0 : i32
          %dma_start3A_192 = tpu.memref_slice %arg6[%add3A_185, %dma_start3A_191] : memref<40x128xi32, #tpu.memory_space<vmem>> -> memref<1x128xi32, #tpu.memory_space<vmem>>
          %dma_start3A_193 = tpu.memref_squeeze %dma_start3A_192 : memref<1x128xi32, #tpu.memory_space<vmem>> -> memref<128xi32, #tpu.memory_space<vmem>>
          %dma_start3A_194 = arith.constant 0 : i32
          %dma_start3A_195 = arith.constant 0 : i32
          %dma_start3A_196 = tpu.memref_slice %arg2[%dma_start3A_194, %dma_start3A_195] : memref<10000x128xf32, #tpu.memory_space<hbm>> -> memref<10000x128xf32, #tpu.memory_space<hbm>>
          tpu.enqueue_indirect_dma source(%dma_start3A_196 : memref<10000x128xf32, #tpu.memory_space<hbm>>) target(%dma_start3A_190 : memref<128x128xf32, #tpu.memory_space<vmem>>) offsets(%dma_start3A_193 : memref<128xi32, #tpu.memory_space<vmem>>) semaphore(%arg10 : memref<!tpu.dma_semaphore, #tpu.memory_space<semaphore_mem>>)
          %dma_start3A_197 = arith.constant 1 : i32
          %dma_start3A_198 = arith.constant 0 : i32
          %dma_start3A_199 = arith.constant 0 : i32
          %dma_start3A_200 = tpu.memref_slice %arg8[%dma_start3A_197, %dma_start3A_198, %dma_start3A_199] : memref<2x128x128xf32, #tpu.memory_space<vmem>> -> memref<1x128x128xf32, #tpu.memory_space<vmem>>
          %dma_start3A_201 = tpu.memref_squeeze %dma_start3A_200 : memref<1x128x128xf32, #tpu.memory_space<vmem>> -> memref<128x128xf32, #tpu.memory_space<vmem>>
          %dma_start3A_202 = arith.constant 0 : i32
          %dma_start3A_203 = tpu.memref_slice %arg7[%add3A_159, %dma_start3A_202] : memref<40x128xi32, #tpu.memory_space<vmem>> -> memref<1x128xi32, #tpu.memory_space<vmem>>
          %dma_start3A_204 = tpu.memref_squeeze %dma_start3A_203 : memref<1x128xi32, #tpu.memory_space<vmem>> -> memref<128xi32, #tpu.memory_space<vmem>>
          %dma_start3A_205 = arith.constant 0 : i32
          %dma_start3A_206 = arith.constant 0 : i32
          %dma_start3A_207 = tpu.memref_slice %arg9[%dma_start3A_205, %dma_start3A_206] : memref<10112x128xf32, #tpu.memory_space<vmem_shared>> -> memref<10112x128xf32, #tpu.memory_space<vmem_shared>>
          tpu.enqueue_indirect_dma source(%dma_start3A_201 : memref<128x128xf32, #tpu.memory_space<vmem>>) target(%dma_start3A_207 : memref<10112x128xf32, #tpu.memory_space<vmem_shared>>) offsets(%dma_start3A_204 : memref<128xi32, #tpu.memory_space<vmem>>) semaphore(%arg11 : memref<!tpu.dma_semaphore, #tpu.memory_space<semaphore_mem>>) {add = true}
          %dma_wait3A_208 = arith.constant 0 : i32
          %dma_wait3A_209 = arith.constant 0 : i32
          %dma_wait3A_210 = arith.constant 0 : i32
          %dma_wait3A_211 = arith.constant 0 : i32
          %dma_wait3A_212 = tpu.memref_slice %arg8[%dma_wait3A_209, %dma_wait3A_210, %dma_wait3A_211] : memref<2x128x128xf32, #tpu.memory_space<vmem>> -> memref<1x128x128xf32, #tpu.memory_space<vmem>>
          %dma_wait3A_213 = tpu.memref_squeeze %dma_wait3A_212 : memref<1x128x128xf32, #tpu.memory_space<vmem>> -> memref<128x128xf32, #tpu.memory_space<vmem>>
          %dma_wait3A_214 = arith.constant 0 : i32
          %dma_wait3A_215 = tpu.memref_slice %arg6[%dma_wait3A_208, %dma_wait3A_214] : memref<40x128xi32, #tpu.memory_space<vmem>> -> memref<1x128xi32, #tpu.memory_space<vmem>>
          %dma_wait3A_216 = tpu.memref_squeeze %dma_wait3A_215 : memref<1x128xi32, #tpu.memory_space<vmem>> -> memref<128xi32, #tpu.memory_space<vmem>>
          %dma_wait3A_217 = arith.constant 0 : i32
          %dma_wait3A_218 = arith.constant 0 : i32
          %dma_wait3A_219 = tpu.memref_slice %arg2[%dma_wait3A_217, %dma_wait3A_218] : memref<10000x128xf32, #tpu.memory_space<hbm>> -> memref<10000x128xf32, #tpu.memory_space<hbm>>
          tpu.wait_indirect_dma semaphore(%arg10 : memref<!tpu.dma_semaphore, #tpu.memory_space<semaphore_mem>>) src(%dma_wait3A_219 : memref<10000x128xf32, #tpu.memory_space<hbm>>) dst(%dma_wait3A_213 : memref<128x128xf32, #tpu.memory_space<vmem>>)
          %dma_wait3A_220 = arith.constant 0 : i32
          %dma_wait3A_221 = arith.constant 0 : i32
          %dma_wait3A_222 = arith.constant 0 : i32
          %dma_wait3A_223 = arith.constant 0 : i32
          %dma_wait3A_224 = tpu.memref_slice %arg8[%dma_wait3A_220, %dma_wait3A_222, %dma_wait3A_223] : memref<2x128x128xf32, #tpu.memory_space<vmem>> -> memref<1x128x128xf32, #tpu.memory_space<vmem>>
          %dma_wait3A_225 = tpu.memref_squeeze %dma_wait3A_224 : memref<1x128x128xf32, #tpu.memory_space<vmem>> -> memref<128x128xf32, #tpu.memory_space<vmem>>
          %dma_wait3A_226 = arith.constant 0 : i32
          %dma_wait3A_227 = tpu.memref_slice %arg7[%dma_wait3A_221, %dma_wait3A_226] : memref<40x128xi32, #tpu.memory_space<vmem>> -> memref<1x128xi32, #tpu.memory_space<vmem>>
          %dma_wait3A_228 = tpu.memref_squeeze %dma_wait3A_227 : memref<1x128xi32, #tpu.memory_space<vmem>> -> memref<128xi32, #tpu.memory_space<vmem>>
          %dma_wait3A_229 = arith.constant 0 : i32
          %dma_wait3A_230 = arith.constant 0 : i32
          %dma_wait3A_231 = tpu.memref_slice %arg9[%dma_wait3A_229, %dma_wait3A_230] : memref<10112x128xf32, #tpu.memory_space<vmem_shared>> -> memref<10112x128xf32, #tpu.memory_space<vmem_shared>>
          tpu.wait_indirect_dma semaphore(%arg11 : memref<!tpu.dma_semaphore, #tpu.memory_space<semaphore_mem>>) src(%dma_wait3A_225 : memref<128x128xf32, #tpu.memory_space<vmem>>) dst(%dma_wait3A_231 : memref<10112x128xf32, #tpu.memory_space<vmem_shared>>)
          %add3A_232 = arith.constant 2 : i32
          %add3A_233 = arith.addi %add3A_159, %add3A_232 : i32
          %dma_start3A_234 = arith.constant 1 : i32
          %dma_start3A_235 = arith.constant 0 : i32
          %dma_start3A_236 = arith.constant 0 : i32
          %dma_start3A_237 = tpu.memref_slice %arg8[%dma_start3A_234, %dma_start3A_235, %dma_start3A_236] : memref<2x128x128xf32, #tpu.memory_space<vmem>> -> memref<1x128x128xf32, #tpu.memory_space<vmem>>
          %dma_start3A_238 = tpu.memref_squeeze %dma_start3A_237 : memref<1x128x128xf32, #tpu.memory_space<vmem>> -> memref<128x128xf32, #tpu.memory_space<vmem>>
          %dma_start3A_239 = arith.constant 0 : i32
          %dma_start3A_240 = tpu.memref_slice %arg6[%add3A_233, %dma_start3A_239] : memref<40x128xi32, #tpu.memory_space<vmem>> -> memref<1x128xi32, #tpu.memory_space<vmem>>
          %dma_start3A_241 = tpu.memref_squeeze %dma_start3A_240 : memref<1x128xi32, #tpu.memory_space<vmem>> -> memref<128xi32, #tpu.memory_space<vmem>>
          %dma_start3A_242 = arith.constant 0 : i32
          %dma_start3A_243 = arith.constant 0 : i32
          %dma_start3A_244 = tpu.memref_slice %arg2[%dma_start3A_242, %dma_start3A_243] : memref<10000x128xf32, #tpu.memory_space<hbm>> -> memref<10000x128xf32, #tpu.memory_space<hbm>>
          tpu.enqueue_indirect_dma source(%dma_start3A_244 : memref<10000x128xf32, #tpu.memory_space<hbm>>) target(%dma_start3A_238 : memref<128x128xf32, #tpu.memory_space<vmem>>) offsets(%dma_start3A_241 : memref<128xi32, #tpu.memory_space<vmem>>) semaphore(%arg10 : memref<!tpu.dma_semaphore, #tpu.memory_space<semaphore_mem>>)
          %add3A_245 = arith.constant 1 : i32
          %add3A_246 = arith.addi %add3A_159, %add3A_245 : i32
          %dma_start3A_247 = arith.constant 0 : i32
          %dma_start3A_248 = arith.constant 0 : i32
          %dma_start3A_249 = arith.constant 0 : i32
          %dma_start3A_250 = tpu.memref_slice %arg8[%dma_start3A_247, %dma_start3A_248, %dma_start3A_249] : memref<2x128x128xf32, #tpu.memory_space<vmem>> -> memref<1x128x128xf32, #tpu.memory_space<vmem>>
          %dma_start3A_251 = tpu.memref_squeeze %dma_start3A_250 : memref<1x128x128xf32, #tpu.memory_space<vmem>> -> memref<128x128xf32, #tpu.memory_space<vmem>>
          %dma_start3A_252 = arith.constant 0 : i32
          %dma_start3A_253 = tpu.memref_slice %arg7[%add3A_246, %dma_start3A_252] : memref<40x128xi32, #tpu.memory_space<vmem>> -> memref<1x128xi32, #tpu.memory_space<vmem>>
          %dma_start3A_254 = tpu.memref_squeeze %dma_start3A_253 : memref<1x128xi32, #tpu.memory_space<vmem>> -> memref<128xi32, #tpu.memory_space<vmem>>
          %dma_start3A_255 = arith.constant 0 : i32
          %dma_start3A_256 = arith.constant 0 : i32
          %dma_start3A_257 = tpu.memref_slice %arg9[%dma_start3A_255, %dma_start3A_256] : memref<10112x128xf32, #tpu.memory_space<vmem_shared>> -> memref<10112x128xf32, #tpu.memory_space<vmem_shared>>
          tpu.enqueue_indirect_dma source(%dma_start3A_251 : memref<128x128xf32, #tpu.memory_space<vmem>>) target(%dma_start3A_257 : memref<10112x128xf32, #tpu.memory_space<vmem_shared>>) offsets(%dma_start3A_254 : memref<128xi32, #tpu.memory_space<vmem>>) semaphore(%arg11 : memref<!tpu.dma_semaphore, #tpu.memory_space<semaphore_mem>>) {add = true}
        }
        %scan3A_106 = arith.constant 11 : i32
        %dma_wait3A_107 = arith.constant 0 : i32
        %dma_wait3A_108 = arith.constant 0 : i32
        %dma_wait3A_109 = arith.constant 0 : i32
        %dma_wait3A_110 = arith.constant 0 : i32
        %dma_wait3A_111 = tpu.memref_slice %arg8[%dma_wait3A_108, %dma_wait3A_109, %dma_wait3A_110] : memref<2x128x128xf32, #tpu.memory_space<vmem>> -> memref<1x128x128xf32, #tpu.memory_space<vmem>>
        %dma_wait3A_112 = tpu.memref_squeeze %dma_wait3A_111 : memref<1x128x128xf32, #tpu.memory_space<vmem>> -> memref<128x128xf32, #tpu.memory_space<vmem>>
        %dma_wait3A_113 = arith.constant 0 : i32
        %dma_wait3A_114 = tpu.memref_slice %arg6[%dma_wait3A_107, %dma_wait3A_113] : memref<40x128xi32, #tpu.memory_space<vmem>> -> memref<1x128xi32, #tpu.memory_space<vmem>>
        %dma_wait3A_115 = tpu.memref_squeeze %dma_wait3A_114 : memref<1x128xi32, #tpu.memory_space<vmem>> -> memref<128xi32, #tpu.memory_space<vmem>>
        %dma_wait3A_116 = arith.constant 0 : i32
        %dma_wait3A_117 = arith.constant 0 : i32
        %dma_wait3A_118 = tpu.memref_slice %arg2[%dma_wait3A_116, %dma_wait3A_117] : memref<10000x128xf32, #tpu.memory_space<hbm>> -> memref<10000x128xf32, #tpu.memory_space<hbm>>
        tpu.wait_indirect_dma semaphore(%arg10 : memref<!tpu.dma_semaphore, #tpu.memory_space<semaphore_mem>>) src(%dma_wait3A_118 : memref<10000x128xf32, #tpu.memory_space<hbm>>) dst(%dma_wait3A_112 : memref<128x128xf32, #tpu.memory_space<vmem>>)
        %dma_wait3A_119 = arith.constant 0 : i32
        %dma_wait3A_120 = arith.constant 0 : i32
        %dma_wait3A_121 = arith.constant 0 : i32
        %dma_wait3A_122 = arith.constant 0 : i32
        %dma_wait3A_123 = tpu.memref_slice %arg8[%dma_wait3A_119, %dma_wait3A_121, %dma_wait3A_122] : memref<2x128x128xf32, #tpu.memory_space<vmem>> -> memref<1x128x128xf32, #tpu.memory_space<vmem>>
        %dma_wait3A_124 = tpu.memref_squeeze %dma_wait3A_123 : memref<1x128x128xf32, #tpu.memory_space<vmem>> -> memref<128x128xf32, #tpu.memory_space<vmem>>
        %dma_wait3A_125 = arith.constant 0 : i32
        %dma_wait3A_126 = tpu.memref_slice %arg7[%dma_wait3A_120, %dma_wait3A_125] : memref<40x128xi32, #tpu.memory_space<vmem>> -> memref<1x128xi32, #tpu.memory_space<vmem>>
        %dma_wait3A_127 = tpu.memref_squeeze %dma_wait3A_126 : memref<1x128xi32, #tpu.memory_space<vmem>> -> memref<128xi32, #tpu.memory_space<vmem>>
        %dma_wait3A_128 = arith.constant 0 : i32
        %dma_wait3A_129 = arith.constant 0 : i32
        %dma_wait3A_130 = tpu.memref_slice %arg9[%dma_wait3A_128, %dma_wait3A_129] : memref<10112x128xf32, #tpu.memory_space<vmem_shared>> -> memref<10112x128xf32, #tpu.memory_space<vmem_shared>>
        tpu.wait_indirect_dma semaphore(%arg11 : memref<!tpu.dma_semaphore, #tpu.memory_space<semaphore_mem>>) src(%dma_wait3A_124 : memref<128x128xf32, #tpu.memory_space<vmem>>) dst(%dma_wait3A_130 : memref<10112x128xf32, #tpu.memory_space<vmem_shared>>)
        %dma_start3A_131 = arith.constant 1 : i32
        %dma_start3A_132 = arith.constant 23 : i32
        %dma_start3A_133 = arith.constant 0 : i32
        %dma_start3A_134 = arith.constant 0 : i32
        %dma_start3A_135 = tpu.memref_slice %arg8[%dma_start3A_131, %dma_start3A_133, %dma_start3A_134] : memref<2x128x128xf32, #tpu.memory_space<vmem>> -> memref<1x128x128xf32, #tpu.memory_space<vmem>>
        %dma_start3A_136 = tpu.memref_squeeze %dma_start3A_135 : memref<1x128x128xf32, #tpu.memory_space<vmem>> -> memref<128x128xf32, #tpu.memory_space<vmem>>
        %dma_start3A_137 = arith.constant 0 : i32
        %dma_start3A_138 = tpu.memref_slice %arg7[%dma_start3A_132, %dma_start3A_137] : memref<40x128xi32, #tpu.memory_space<vmem>> -> memref<1x128xi32, #tpu.memory_space<vmem>>
        %dma_start3A_139 = tpu.memref_squeeze %dma_start3A_138 : memref<1x128xi32, #tpu.memory_space<vmem>> -> memref<128xi32, #tpu.memory_space<vmem>>
        %dma_start3A_140 = arith.constant 0 : i32
        %dma_start3A_141 = arith.constant 0 : i32
        %dma_start3A_142 = tpu.memref_slice %arg9[%dma_start3A_140, %dma_start3A_141] : memref<10112x128xf32, #tpu.memory_space<vmem_shared>> -> memref<10112x128xf32, #tpu.memory_space<vmem_shared>>
        tpu.enqueue_indirect_dma source(%dma_start3A_136 : memref<128x128xf32, #tpu.memory_space<vmem>>) target(%dma_start3A_142 : memref<10112x128xf32, #tpu.memory_space<vmem_shared>>) offsets(%dma_start3A_139 : memref<128xi32, #tpu.memory_space<vmem>>) semaphore(%arg11 : memref<!tpu.dma_semaphore, #tpu.memory_space<semaphore_mem>>) {add = true}
        %dma_wait3A_143 = arith.constant 0 : i32
        %dma_wait3A_144 = arith.constant 0 : i32
        %dma_wait3A_145 = arith.constant 0 : i32
        %dma_wait3A_146 = arith.constant 0 : i32
        %dma_wait3A_147 = tpu.memref_slice %arg8[%dma_wait3A_143, %dma_wait3A_145, %dma_wait3A_146] : memref<2x128x128xf32, #tpu.memory_space<vmem>> -> memref<1x128x128xf32, #tpu.memory_space<vmem>>
        %dma_wait3A_148 = tpu.memref_squeeze %dma_wait3A_147 : memref<1x128x128xf32, #tpu.memory_space<vmem>> -> memref<128x128xf32, #tpu.memory_space<vmem>>
        %dma_wait3A_149 = arith.constant 0 : i32
        %dma_wait3A_150 = tpu.memref_slice %arg7[%dma_wait3A_144, %dma_wait3A_149] : memref<40x128xi32, #tpu.memory_space<vmem>> -> memref<1x128xi32, #tpu.memory_space<vmem>>
        %dma_wait3A_151 = tpu.memref_squeeze %dma_wait3A_150 : memref<1x128xi32, #tpu.memory_space<vmem>> -> memref<128xi32, #tpu.memory_space<vmem>>
        %dma_wait3A_152 = arith.constant 0 : i32
        %dma_wait3A_153 = arith.constant 0 : i32
        %dma_wait3A_154 = tpu.memref_slice %arg9[%dma_wait3A_152, %dma_wait3A_153] : memref<10112x128xf32, #tpu.memory_space<vmem_shared>> -> memref<10112x128xf32, #tpu.memory_space<vmem_shared>>
        tpu.wait_indirect_dma semaphore(%arg11 : memref<!tpu.dma_semaphore, #tpu.memory_space<semaphore_mem>>) src(%dma_wait3A_148 : memref<128x128xf32, #tpu.memory_space<vmem>>) dst(%dma_wait3A_154 : memref<10112x128xf32, #tpu.memory_space<vmem_shared>>)
      } else {
      }
    }
    %scan3A_37 = arith.constant 2 : i32
    %barrier3A_38 = arith.constant 0 : index
    tpu.barrier barrier_id(%barrier3A_38)
    %lt3A = arith.constant 10 : i32
    %lt3A_39 = arith.cmpi slt, %arg1, %lt3A : i32
    %convert_element_type3A = arith.extui %lt3A_39 : i1 to i32
    %cond3A = arith.constant 0 : i32
    %cond3A_40 = arith.cmpi ne, %convert_element_type3A, %cond3A : i32
    scf.if %cond3A_40 {
      %mul3A_41 = arith.constant 1000 : i32
      %mul3A_42 = arith.muli %arg1, %mul3A_41 : i32
      %mul3A_43 = arith.constant 1000 : i32
      %mul3A_44 = arith.muli %arg1, %mul3A_43 : i32
      "tpu.region"() ({
        %run_scoped3A_45 = tpu.sem_alloc : memref<!tpu.dma_semaphore, #tpu.memory_space<semaphore_mem>>
        %dma_start3A = arith.constant 0 : i32
        %dma_start3A_46 = tpu.memref_slice %arg5[%arg0, %mul3A_44, %dma_start3A] : memref<2x10000x128xf32, #tpu.memory_space<hbm>> -> memref<1x1000x128xf32, #tpu.memory_space<hbm>>
        %dma_start3A_47 = tpu.memref_squeeze %dma_start3A_46 : memref<1x1000x128xf32, #tpu.memory_space<hbm>> -> memref<1000x128xf32, #tpu.memory_space<hbm>>
        %dma_start3A_48 = arith.constant 0 : i32
        %dma_start3A_49 = tpu.memref_slice %arg9[%mul3A_42, %dma_start3A_48] : memref<10112x128xf32, #tpu.memory_space<vmem_shared>> -> memref<1000x128xf32, #tpu.memory_space<vmem_shared>>
        tpu.enqueue_dma source(%dma_start3A_49 : memref<1000x128xf32, #tpu.memory_space<vmem_shared>>) target(%dma_start3A_47 : memref<1000x128xf32, #tpu.memory_space<hbm>>) target_semaphore(%run_scoped3A_45 : memref<!tpu.dma_semaphore, #tpu.memory_space<semaphore_mem>>)
        %dma_wait3A = arith.constant 0 : i32
        %dma_wait3A_50 = tpu.memref_slice %arg5[%arg0, %mul3A_44, %dma_wait3A] : memref<2x10000x128xf32, #tpu.memory_space<hbm>> -> memref<1x1000x128xf32, #tpu.memory_space<hbm>>
        %dma_wait3A_51 = tpu.memref_squeeze %dma_wait3A_50 : memref<1x1000x128xf32, #tpu.memory_space<hbm>> -> memref<1000x128xf32, #tpu.memory_space<hbm>>
        %dma_wait3A_52 = arith.constant 0 : i32
        %dma_wait3A_53 = tpu.memref_slice %arg9[%mul3A_42, %dma_wait3A_52] : memref<10112x128xf32, #tpu.memory_space<vmem_shared>> -> memref<1000x128xf32, #tpu.memory_space<vmem_shared>>
        tpu.wait_dma2 semaphore(%run_scoped3A_45 : memref<!tpu.dma_semaphore, #tpu.memory_space<semaphore_mem>>) src(%dma_wait3A_53 : memref<1000x128xf32, #tpu.memory_space<vmem_shared>>) dst(%dma_wait3A_51 : memref<1000x128xf32, #tpu.memory_space<hbm>>)
        tpu.yield
      }) : () -> ()
    } else {
    }
    return
  }
}

#map = affine_map<(d0, d1) -> (0, 0)>
#map1 = affine_map<(d0, d1) -> (0)>
module attributes {stable_mosaic.version = 14 : i64} {
  func.func @k(%arg0: i32, %arg1: i32, %arg2: memref<2504x128xi32, #tpu.memory_space<hbm>>, %arg3: memref<10112xf32, #tpu.memory_space<hbm>>, %arg4: memref<10112xf32, #tpu.memory_space<hbm>>, %arg5: memref<80x128xi32, #tpu.memory_space<vmem>>, %arg6: memref<128xf32, #tpu.memory_space<vmem>>, %arg7: memref<10112xf32, #tpu.memory_space<vmem>>, %arg8: memref<10112xf32, #tpu.memory_space<vmem_shared>>, %arg9: memref<!tpu.dma_semaphore, #tpu.memory_space<semaphore_mem>>) attributes {dimension_semantics = [#tpu.dimension_semantics<core_parallel>, #tpu.dimension_semantics<subcore_parallel>], iteration_bounds = array<i64: 2, 16>, scalar_prefetch = 0 : i64, scratch_operands = 5 : i64, tpu.core_type = #tpu.core_type<sc_vector_subcore>, window_params = [{transform_indices = #map}, {transform_indices = #map1}, {transform_indices = #map1}]} {
    %broadcast_in_dim3A = arith.constant 1.000000e+00 : f32
    %broadcast_in_dim3A_0 = vector.broadcast %broadcast_in_dim3A : f32 to vector<16xf32>
    %swap3A = arith.constant 0 : index
    %swap3A_1 = tpu.vector_load %arg6[%swap3A] {strides = array<i32>} : memref<128xf32, #tpu.memory_space<vmem>>, vector<16xf32>,
    %swap3A_2 = vector.shape_cast %swap3A_1 : vector<16xf32> to vector<16xf32>
    %swap3A_3 = vector.shape_cast %broadcast_in_dim3A_0 : vector<16xf32> to vector<16xf32>
    tpu.vector_store %arg6[%swap3A], %swap3A_3 {strides = array<i32>} : memref<128xf32, #tpu.memory_space<vmem>>, vector<16xf32>,
    %broadcast_in_dim3A_4 = arith.constant 1.000000e+00 : f32
    %broadcast_in_dim3A_5 = vector.broadcast %broadcast_in_dim3A_4 : f32 to vector<16xf32>
    %swap3A_6 = arith.constant 16 : index
    %swap3A_7 = tpu.vector_load %arg6[%swap3A_6] {strides = array<i32>} : memref<128xf32, #tpu.memory_space<vmem>>, vector<16xf32>,
    %swap3A_8 = vector.shape_cast %swap3A_7 : vector<16xf32> to vector<16xf32>
    %swap3A_9 = vector.shape_cast %broadcast_in_dim3A_5 : vector<16xf32> to vector<16xf32>
    tpu.vector_store %arg6[%swap3A_6], %swap3A_9 {strides = array<i32>} : memref<128xf32, #tpu.memory_space<vmem>>, vector<16xf32>,
    %broadcast_in_dim3A_10 = arith.constant 1.000000e+00 : f32
    %broadcast_in_dim3A_11 = vector.broadcast %broadcast_in_dim3A_10 : f32 to vector<16xf32>
    %swap3A_12 = arith.constant 32 : index
    %swap3A_13 = tpu.vector_load %arg6[%swap3A_12] {strides = array<i32>} : memref<128xf32, #tpu.memory_space<vmem>>, vector<16xf32>,
    %swap3A_14 = vector.shape_cast %swap3A_13 : vector<16xf32> to vector<16xf32>
    %swap3A_15 = vector.shape_cast %broadcast_in_dim3A_11 : vector<16xf32> to vector<16xf32>
    tpu.vector_store %arg6[%swap3A_12], %swap3A_15 {strides = array<i32>} : memref<128xf32, #tpu.memory_space<vmem>>, vector<16xf32>,
    %broadcast_in_dim3A_16 = arith.constant 1.000000e+00 : f32
    %broadcast_in_dim3A_17 = vector.broadcast %broadcast_in_dim3A_16 : f32 to vector<16xf32>
    %swap3A_18 = arith.constant 48 : index
    %swap3A_19 = tpu.vector_load %arg6[%swap3A_18] {strides = array<i32>} : memref<128xf32, #tpu.memory_space<vmem>>, vector<16xf32>,
    %swap3A_20 = vector.shape_cast %swap3A_19 : vector<16xf32> to vector<16xf32>
    %swap3A_21 = vector.shape_cast %broadcast_in_dim3A_17 : vector<16xf32> to vector<16xf32>
    tpu.vector_store %arg6[%swap3A_18], %swap3A_21 {strides = array<i32>} : memref<128xf32, #tpu.memory_space<vmem>>, vector<16xf32>,
    %broadcast_in_dim3A_22 = arith.constant 1.000000e+00 : f32
    %broadcast_in_dim3A_23 = vector.broadcast %broadcast_in_dim3A_22 : f32 to vector<16xf32>
    %swap3A_24 = arith.constant 64 : index
    %swap3A_25 = tpu.vector_load %arg6[%swap3A_24] {strides = array<i32>} : memref<128xf32, #tpu.memory_space<vmem>>, vector<16xf32>,
    %swap3A_26 = vector.shape_cast %swap3A_25 : vector<16xf32> to vector<16xf32>
    %swap3A_27 = vector.shape_cast %broadcast_in_dim3A_23 : vector<16xf32> to vector<16xf32>
    tpu.vector_store %arg6[%swap3A_24], %swap3A_27 {strides = array<i32>} : memref<128xf32, #tpu.memory_space<vmem>>, vector<16xf32>,
    %broadcast_in_dim3A_28 = arith.constant 1.000000e+00 : f32
    %broadcast_in_dim3A_29 = vector.broadcast %broadcast_in_dim3A_28 : f32 to vector<16xf32>
    %swap3A_30 = arith.constant 80 : index
    %swap3A_31 = tpu.vector_load %arg6[%swap3A_30] {strides = array<i32>} : memref<128xf32, #tpu.memory_space<vmem>>, vector<16xf32>,
    %swap3A_32 = vector.shape_cast %swap3A_31 : vector<16xf32> to vector<16xf32>
    %swap3A_33 = vector.shape_cast %broadcast_in_dim3A_29 : vector<16xf32> to vector<16xf32>
    tpu.vector_store %arg6[%swap3A_30], %swap3A_33 {strides = array<i32>} : memref<128xf32, #tpu.memory_space<vmem>>, vector<16xf32>,
    %broadcast_in_dim3A_34 = arith.constant 1.000000e+00 : f32
    %broadcast_in_dim3A_35 = vector.broadcast %broadcast_in_dim3A_34 : f32 to vector<16xf32>
    %swap3A_36 = arith.constant 96 : index
    %swap3A_37 = tpu.vector_load %arg6[%swap3A_36] {strides = array<i32>} : memref<128xf32, #tpu.memory_space<vmem>>, vector<16xf32>,
    %swap3A_38 = vector.shape_cast %swap3A_37 : vector<16xf32> to vector<16xf32>
    %swap3A_39 = vector.shape_cast %broadcast_in_dim3A_35 : vector<16xf32> to vector<16xf32>
    tpu.vector_store %arg6[%swap3A_36], %swap3A_39 {strides = array<i32>} : memref<128xf32, #tpu.memory_space<vmem>>, vector<16xf32>,
    %broadcast_in_dim3A_40 = arith.constant 1.000000e+00 : f32
    %broadcast_in_dim3A_41 = vector.broadcast %broadcast_in_dim3A_40 : f32 to vector<16xf32>
    %swap3A_42 = arith.constant 112 : index
    %swap3A_43 = tpu.vector_load %arg6[%swap3A_42] {strides = array<i32>} : memref<128xf32, #tpu.memory_space<vmem>>, vector<16xf32>,
    %swap3A_44 = vector.shape_cast %swap3A_43 : vector<16xf32> to vector<16xf32>
    %swap3A_45 = vector.shape_cast %broadcast_in_dim3A_41 : vector<16xf32> to vector<16xf32>
    tpu.vector_store %arg6[%swap3A_42], %swap3A_45 {strides = array<i32>} : memref<128xf32, #tpu.memory_space<vmem>>, vector<16xf32>,
    %eq3A = arith.constant 0 : i32
    %eq3A_46 = arith.cmpi eq, %arg1, %eq3A : i32
    %convert_element_type3A = arith.extui %eq3A_46 : i1 to i32
    %cond3A = arith.constant 0 : i32
    %cond3A_47 = arith.cmpi ne, %convert_element_type3A, %cond3A : i32
    scf.if %cond3A_47 {
      %scan3A = arith.constant 0 : i32
      %scan3A_68 = arith.constant 0 : i32
      %scan3A_69 = arith.constant 632 : i32
      %scan3A_70 = arith.addi %scan3A_68, %scan3A_69 : i32
      %scan3A_71 = arith.constant 1 : i32
      scf.for %scan3A_73 = %scan3A_68 to %scan3A_70 step %scan3A_71  : i32 {
        %broadcast_in_dim3A_74 = arith.constant 0.000000e+00 : f32
        %broadcast_in_dim3A_75 = vector.broadcast %broadcast_in_dim3A_74 : f32 to vector<16xf32>
        %mul3A_76 = arith.constant 16 : i32
        %mul3A_77 = arith.muli %scan3A_73, %mul3A_76 : i32
        %multiple_of3A = tpu.assume_multiple %mul3A_77, 16 : i32
        %swap3A_78 = arith.index_cast %multiple_of3A : i32 to index
        %swap3A_79 = tpu.vector_load %arg7[%swap3A_78] {strides = array<i32>} : memref<10112xf32, #tpu.memory_space<vmem>>, vector<16xf32>,
        %swap3A_80 = vector.shape_cast %swap3A_79 : vector<16xf32> to vector<16xf32>
        %swap3A_81 = vector.shape_cast %broadcast_in_dim3A_75 : vector<16xf32> to vector<16xf32>
        tpu.vector_store %arg7[%swap3A_78], %swap3A_81 {strides = array<i32>} : memref<10112xf32, #tpu.memory_space<vmem>>, vector<16xf32>,
      }
      %scan3A_72 = arith.constant 632 : i32
      "tpu.region"() ({
        %run_scoped3A = tpu.sem_alloc : memref<!tpu.dma_semaphore, #tpu.memory_space<semaphore_mem>>
        tpu.enqueue_dma source(%arg7 : memref<10112xf32, #tpu.memory_space<vmem>>) target(%arg8 : memref<10112xf32, #tpu.memory_space<vmem_shared>>) target_semaphore(%run_scoped3A : memref<!tpu.dma_semaphore, #tpu.memory_space<semaphore_mem>>)
        tpu.wait_dma2 semaphore(%run_scoped3A : memref<!tpu.dma_semaphore, #tpu.memory_space<semaphore_mem>>) src(%arg7 : memref<10112xf32, #tpu.memory_space<vmem>>) dst(%arg8 : memref<10112xf32, #tpu.memory_space<vmem_shared>>)
        tpu.yield
      }) : () -> ()
    } else {
    }
    %mul3A = arith.constant 16 : i32
    %mul3A_48 = arith.muli %arg0, %mul3A : i32
    %add3A = arith.addi %mul3A_48, %arg1 : i32
    %mul3A_49 = arith.constant 80 : i32
    %mul3A_50 = arith.muli %add3A, %mul3A_49 : i32
    %barrier3A = arith.constant 0 : index
    tpu.barrier barrier_id(%barrier3A)
    %add3A_51 = arith.constant 80 : i32
    %add3A_52 = arith.addi %mul3A_50, %add3A_51 : i32
    %le3A = arith.constant 2504 : i32
    %le3A_53 = arith.cmpi sle, %add3A_52, %le3A : i32
    %convert_element_type3A_54 = arith.extui %le3A_53 : i1 to i32
    %cond3A_55 = arith.constant 0 : i32
    %cond3A_56 = arith.cmpi ne, %convert_element_type3A_54, %cond3A_55 : i32
    scf.if %cond3A_56 {
      "tpu.region"() ({
        %run_scoped3A = tpu.sem_alloc : memref<!tpu.dma_semaphore, #tpu.memory_space<semaphore_mem>>
        %dma_start3A = arith.constant 0 : i32
        %dma_start3A_79 = tpu.memref_slice %arg2[%mul3A_50, %dma_start3A] : memref<2504x128xi32, #tpu.memory_space<hbm>> -> memref<80x128xi32, #tpu.memory_space<hbm>>
        %dma_start3A_80 = arith.constant 0 : i32
        %dma_start3A_81 = tpu.memref_slice %arg2[%mul3A_50, %dma_start3A_80] : memref<2504x128xi32, #tpu.memory_space<hbm>> -> memref<80x128xi32, #tpu.memory_space<hbm>>
        tpu.enqueue_dma source(%dma_start3A_81 : memref<80x128xi32, #tpu.memory_space<hbm>>) target(%arg5 : memref<80x128xi32, #tpu.memory_space<vmem>>) target_semaphore(%run_scoped3A : memref<!tpu.dma_semaphore, #tpu.memory_space<semaphore_mem>>)
        %dma_wait3A = arith.constant 0 : i32
        %dma_wait3A_82 = tpu.memref_slice %arg2[%mul3A_50, %dma_wait3A] : memref<2504x128xi32, #tpu.memory_space<hbm>> -> memref<80x128xi32, #tpu.memory_space<hbm>>
        %dma_wait3A_83 = arith.constant 0 : i32
        %dma_wait3A_84 = tpu.memref_slice %arg2[%mul3A_50, %dma_wait3A_83] : memref<2504x128xi32, #tpu.memory_space<hbm>> -> memref<80x128xi32, #tpu.memory_space<hbm>>
        tpu.wait_dma2 semaphore(%run_scoped3A : memref<!tpu.dma_semaphore, #tpu.memory_space<semaphore_mem>>) src(%dma_wait3A_84 : memref<80x128xi32, #tpu.memory_space<hbm>>) dst(%arg5 : memref<80x128xi32, #tpu.memory_space<vmem>>)
        tpu.yield
      }) : () -> ()
      %scan3A = arith.constant 0 : i32
      %scan3A_68 = arith.constant 0 : i32
      %scan3A_69 = arith.constant 80 : i32
      %scan3A_70 = arith.addi %scan3A_68, %scan3A_69 : i32
      %scan3A_71 = arith.constant 1 : i32
      scf.for %scan3A_79 = %scan3A_68 to %scan3A_70 step %scan3A_71  : i32 {
        %dma_start3A = arith.constant 0 : i32
        %dma_start3A_80 = tpu.memref_slice %arg5[%scan3A_79, %dma_start3A] : memref<80x128xi32, #tpu.memory_space<vmem>> -> memref<1x128xi32, #tpu.memory_space<vmem>>
        %dma_start3A_81 = tpu.memref_squeeze %dma_start3A_80 : memref<1x128xi32, #tpu.memory_space<vmem>> -> memref<128xi32, #tpu.memory_space<vmem>>
        %dma_start3A_82 = arith.constant 0 : i32
        %dma_start3A_83 = tpu.memref_slice %arg8[%dma_start3A_82] : memref<10112xf32, #tpu.memory_space<vmem_shared>> -> memref<10112xf32, #tpu.memory_space<vmem_shared>>
        tpu.enqueue_indirect_dma source(%arg6 : memref<128xf32, #tpu.memory_space<vmem>>) target(%dma_start3A_83 : memref<10112xf32, #tpu.memory_space<vmem_shared>>) offsets(%dma_start3A_81 : memref<128xi32, #tpu.memory_space<vmem>>) semaphore(%arg9 : memref<!tpu.dma_semaphore, #tpu.memory_space<semaphore_mem>>) {add = true}
      }
      %scan3A_72 = arith.constant 80 : i32
      %scan3A_73 = arith.constant 0 : i32
      %scan3A_74 = arith.constant 0 : i32
      %scan3A_75 = arith.constant 80 : i32
      %scan3A_76 = arith.addi %scan3A_74, %scan3A_75 : i32
      %scan3A_77 = arith.constant 1 : i32
      scf.for %scan3A_79 = %scan3A_74 to %scan3A_76 step %scan3A_77  : i32 {
        %dma_wait3A = arith.constant 0 : i32
        %dma_wait3A_80 = arith.constant 0 : i32
        %dma_wait3A_81 = tpu.memref_slice %arg5[%dma_wait3A, %dma_wait3A_80] : memref<80x128xi32, #tpu.memory_space<vmem>> -> memref<1x128xi32, #tpu.memory_space<vmem>>
        %dma_wait3A_82 = tpu.memref_squeeze %dma_wait3A_81 : memref<1x128xi32, #tpu.memory_space<vmem>> -> memref<128xi32, #tpu.memory_space<vmem>>
        %dma_wait3A_83 = arith.constant 0 : i32
        %dma_wait3A_84 = tpu.memref_slice %arg8[%dma_wait3A_83] : memref<10112xf32, #tpu.memory_space<vmem_shared>> -> memref<10112xf32, #tpu.memory_space<vmem_shared>>
        tpu.wait_indirect_dma semaphore(%arg9 : memref<!tpu.dma_semaphore, #tpu.memory_space<semaphore_mem>>) src(%arg6 : memref<128xf32, #tpu.memory_space<vmem>>) dst(%dma_wait3A_84 : memref<10112xf32, #tpu.memory_space<vmem_shared>>)
      }
      %scan3A_78 = arith.constant 80 : i32
    } else {
    }
    %eq3A_57 = arith.constant 2480 : i32
    %eq3A_58 = arith.cmpi eq, %mul3A_50, %eq3A_57 : i32
    %convert_element_type3A_59 = arith.extui %eq3A_58 : i1 to i32
    %cond3A_60 = arith.constant 0 : i32
    %cond3A_61 = arith.cmpi ne, %convert_element_type3A_59, %cond3A_60 : i32
    scf.if %cond3A_61 {
      "tpu.region"() ({
        %run_scoped3A = tpu.sem_alloc : memref<!tpu.dma_semaphore, #tpu.memory_space<semaphore_mem>>
        %dma_start3A = arith.constant 0 : i32
        %dma_start3A_79 = arith.constant 0 : i32
        %dma_start3A_80 = tpu.memref_slice %arg5[%dma_start3A, %dma_start3A_79] : memref<80x128xi32, #tpu.memory_space<vmem>> -> memref<24x128xi32, #tpu.memory_space<vmem>>
        %dma_start3A_81 = arith.constant 0 : i32
        %dma_start3A_82 = tpu.memref_slice %arg2[%mul3A_50, %dma_start3A_81] : memref<2504x128xi32, #tpu.memory_space<hbm>> -> memref<24x128xi32, #tpu.memory_space<hbm>>
        %dma_start3A_83 = arith.constant 0 : i32
        %dma_start3A_84 = arith.constant 0 : i32
        %dma_start3A_85 = tpu.memref_slice %arg5[%dma_start3A_83, %dma_start3A_84] : memref<80x128xi32, #tpu.memory_space<vmem>> -> memref<24x128xi32, #tpu.memory_space<vmem>>
        %dma_start3A_86 = arith.constant 0 : i32
        %dma_start3A_87 = tpu.memref_slice %arg2[%mul3A_50, %dma_start3A_86] : memref<2504x128xi32, #tpu.memory_space<hbm>> -> memref<24x128xi32, #tpu.memory_space<hbm>>
        tpu.enqueue_dma source(%dma_start3A_87 : memref<24x128xi32, #tpu.memory_space<hbm>>) target(%dma_start3A_85 : memref<24x128xi32, #tpu.memory_space<vmem>>) target_semaphore(%run_scoped3A : memref<!tpu.dma_semaphore, #tpu.memory_space<semaphore_mem>>)
        %dma_wait3A = arith.constant 0 : i32
        %dma_wait3A_88 = arith.constant 0 : i32
        %dma_wait3A_89 = tpu.memref_slice %arg5[%dma_wait3A, %dma_wait3A_88] : memref<80x128xi32, #tpu.memory_space<vmem>> -> memref<24x128xi32, #tpu.memory_space<vmem>>
        %dma_wait3A_90 = arith.constant 0 : i32
        %dma_wait3A_91 = tpu.memref_slice %arg2[%mul3A_50, %dma_wait3A_90] : memref<2504x128xi32, #tpu.memory_space<hbm>> -> memref<24x128xi32, #tpu.memory_space<hbm>>
        %dma_wait3A_92 = arith.constant 0 : i32
        %dma_wait3A_93 = arith.constant 0 : i32
        %dma_wait3A_94 = tpu.memref_slice %arg5[%dma_wait3A_92, %dma_wait3A_93] : memref<80x128xi32, #tpu.memory_space<vmem>> -> memref<24x128xi32, #tpu.memory_space<vmem>>
        %dma_wait3A_95 = arith.constant 0 : i32
        %dma_wait3A_96 = tpu.memref_slice %arg2[%mul3A_50, %dma_wait3A_95] : memref<2504x128xi32, #tpu.memory_space<hbm>> -> memref<24x128xi32, #tpu.memory_space<hbm>>
        tpu.wait_dma2 semaphore(%run_scoped3A : memref<!tpu.dma_semaphore, #tpu.memory_space<semaphore_mem>>) src(%dma_wait3A_96 : memref<24x128xi32, #tpu.memory_space<hbm>>) dst(%dma_wait3A_94 : memref<24x128xi32, #tpu.memory_space<vmem>>)
        tpu.yield
      }) : () -> ()
      %scan3A = arith.constant 0 : i32
      %scan3A_68 = arith.constant 0 : i32
      %scan3A_69 = arith.constant 24 : i32
      %scan3A_70 = arith.addi %scan3A_68, %scan3A_69 : i32
      %scan3A_71 = arith.constant 1 : i32
      scf.for %scan3A_79 = %scan3A_68 to %scan3A_70 step %scan3A_71  : i32 {
        %dma_start3A = arith.constant 0 : i32
        %dma_start3A_80 = tpu.memref_slice %arg5[%scan3A_79, %dma_start3A] : memref<80x128xi32, #tpu.memory_space<vmem>> -> memref<1x128xi32, #tpu.memory_space<vmem>>
        %dma_start3A_81 = tpu.memref_squeeze %dma_start3A_80 : memref<1x128xi32, #tpu.memory_space<vmem>> -> memref<128xi32, #tpu.memory_space<vmem>>
        %dma_start3A_82 = arith.constant 0 : i32
        %dma_start3A_83 = tpu.memref_slice %arg8[%dma_start3A_82] : memref<10112xf32, #tpu.memory_space<vmem_shared>> -> memref<10112xf32, #tpu.memory_space<vmem_shared>>
        tpu.enqueue_indirect_dma source(%arg6 : memref<128xf32, #tpu.memory_space<vmem>>) target(%dma_start3A_83 : memref<10112xf32, #tpu.memory_space<vmem_shared>>) offsets(%dma_start3A_81 : memref<128xi32, #tpu.memory_space<vmem>>) semaphore(%arg9 : memref<!tpu.dma_semaphore, #tpu.memory_space<semaphore_mem>>) {add = true}
      }
      %scan3A_72 = arith.constant 24 : i32
      %scan3A_73 = arith.constant 0 : i32
      %scan3A_74 = arith.constant 0 : i32
      %scan3A_75 = arith.constant 24 : i32
      %scan3A_76 = arith.addi %scan3A_74, %scan3A_75 : i32
      %scan3A_77 = arith.constant 1 : i32
      scf.for %scan3A_79 = %scan3A_74 to %scan3A_76 step %scan3A_77  : i32 {
        %dma_wait3A = arith.constant 0 : i32
        %dma_wait3A_80 = arith.constant 0 : i32
        %dma_wait3A_81 = tpu.memref_slice %arg5[%dma_wait3A, %dma_wait3A_80] : memref<80x128xi32, #tpu.memory_space<vmem>> -> memref<1x128xi32, #tpu.memory_space<vmem>>
        %dma_wait3A_82 = tpu.memref_squeeze %dma_wait3A_81 : memref<1x128xi32, #tpu.memory_space<vmem>> -> memref<128xi32, #tpu.memory_space<vmem>>
        %dma_wait3A_83 = arith.constant 0 : i32
        %dma_wait3A_84 = tpu.memref_slice %arg8[%dma_wait3A_83] : memref<10112xf32, #tpu.memory_space<vmem_shared>> -> memref<10112xf32, #tpu.memory_space<vmem_shared>>
        tpu.wait_indirect_dma semaphore(%arg9 : memref<!tpu.dma_semaphore, #tpu.memory_space<semaphore_mem>>) src(%arg6 : memref<128xf32, #tpu.memory_space<vmem>>) dst(%dma_wait3A_84 : memref<10112xf32, #tpu.memory_space<vmem_shared>>)
      }
      %scan3A_78 = arith.constant 24 : i32
    } else {
    }
    %barrier3A_62 = arith.constant 0 : index
    tpu.barrier barrier_id(%barrier3A_62)
    %eq3A_63 = arith.constant 0 : i32
    %eq3A_64 = arith.cmpi eq, %arg1, %eq3A_63 : i32
    %convert_element_type3A_65 = arith.extui %eq3A_64 : i1 to i32
    %cond3A_66 = arith.constant 0 : i32
    %cond3A_67 = arith.cmpi ne, %convert_element_type3A_65, %cond3A_66 : i32
    scf.if %cond3A_67 {
      "tpu.region"() ({
        %run_scoped3A = tpu.sem_alloc : memref<!tpu.dma_semaphore, #tpu.memory_space<semaphore_mem>>
        tpu.enqueue_dma source(%arg8 : memref<10112xf32, #tpu.memory_space<vmem_shared>>) target(%arg7 : memref<10112xf32, #tpu.memory_space<vmem>>) target_semaphore(%run_scoped3A : memref<!tpu.dma_semaphore, #tpu.memory_space<semaphore_mem>>)
        tpu.wait_dma2 semaphore(%run_scoped3A : memref<!tpu.dma_semaphore, #tpu.memory_space<semaphore_mem>>) src(%arg8 : memref<10112xf32, #tpu.memory_space<vmem_shared>>) dst(%arg7 : memref<10112xf32, #tpu.memory_space<vmem>>)
        tpu.yield
      }) : () -> ()
      %eq3A_68 = arith.constant 0 : i32
      %eq3A_69 = arith.cmpi eq, %arg0, %eq3A_68 : i32
      %convert_element_type3A_70 = arith.extui %eq3A_69 : i1 to i32
      %cond3A_71 = arith.constant 0 : i32
      %cond3A_72 = arith.cmpi ne, %convert_element_type3A_70, %cond3A_71 : i32
      scf.if %cond3A_72 {
        "tpu.region"() ({
          %run_scoped3A = tpu.sem_alloc : memref<!tpu.dma_semaphore, #tpu.memory_space<semaphore_mem>>
          tpu.enqueue_dma source(%arg7 : memref<10112xf32, #tpu.memory_space<vmem>>) target(%arg3 : memref<10112xf32, #tpu.memory_space<hbm>>) target_semaphore(%run_scoped3A : memref<!tpu.dma_semaphore, #tpu.memory_space<semaphore_mem>>)
          tpu.wait_dma2 semaphore(%run_scoped3A : memref<!tpu.dma_semaphore, #tpu.memory_space<semaphore_mem>>) src(%arg7 : memref<10112xf32, #tpu.memory_space<vmem>>) dst(%arg3 : memref<10112xf32, #tpu.memory_space<hbm>>)
          tpu.yield
        }) : () -> ()
      } else {
      }
      %eq3A_73 = arith.constant 1 : i32
      %eq3A_74 = arith.cmpi eq, %arg0, %eq3A_73 : i32
      %convert_element_type3A_75 = arith.extui %eq3A_74 : i1 to i32
      %cond3A_76 = arith.constant 0 : i32
      %cond3A_77 = arith.cmpi ne, %convert_element_type3A_75, %cond3A_76 : i32
      scf.if %cond3A_77 {
        "tpu.region"() ({
          %run_scoped3A = tpu.sem_alloc : memref<!tpu.dma_semaphore, #tpu.memory_space<semaphore_mem>>
          tpu.enqueue_dma source(%arg7 : memref<10112xf32, #tpu.memory_space<vmem>>) target(%arg4 : memref<10112xf32, #tpu.memory_space<hbm>>) target_semaphore(%run_scoped3A : memref<!tpu.dma_semaphore, #tpu.memory_space<semaphore_mem>>)
          tpu.wait_dma2 semaphore(%run_scoped3A : memref<!tpu.dma_semaphore, #tpu.memory_space<semaphore_mem>>) src(%arg7 : memref<10112xf32, #tpu.memory_space<vmem>>) dst(%arg4 : memref<10112xf32, #tpu.memory_space<hbm>>)
          tpu.yield
        }) : () -> ()
      } else {
      }
    } else {
    }
    return
  }
}

#map = affine_map<(d0, d1) -> (0, 0)>
#map1 = affine_map<(d0, d1) -> (0, 0, 0)>
module attributes {stable_mosaic.version = 14 : i64} {
  func.func @k(%arg0: i32, %arg1: i32, %arg2: memref<10000x128xf32, #tpu.memory_space<hbm>>, %arg3: memref<2504x128xi32, #tpu.memory_space<hbm>>, %arg4: memref<2504x128xi32, #tpu.memory_space<hbm>>, %arg5: memref<2x10000x128xf32, #tpu.memory_space<hbm>>, %arg6: memref<40x128xi32, #tpu.memory_space<vmem>>, %arg7: memref<40x128xi32, #tpu.memory_space<vmem>>, %arg8: memref<2x128x128xf32, #tpu.memory_space<vmem>>, %arg9: memref<10112x128xf32, #tpu.memory_space<vmem_shared>>, %arg10: memref<!tpu.dma_semaphore, #tpu.memory_space<semaphore_mem>>, %arg11: memref<!tpu.dma_semaphore, #tpu.memory_space<semaphore_mem>>) attributes {dimension_semantics = [#tpu.dimension_semantics<core_parallel>, #tpu.dimension_semantics<subcore_parallel>], iteration_bounds = array<i64: 2, 16>, scalar_prefetch = 0 : i64, scratch_operands = 6 : i64, tpu.core_type = #tpu.core_type<sc_vector_subcore>, window_params = [{transform_indices = #map}, {transform_indices = #map}, {transform_indices = #map}, {transform_indices = #map1}]} {
    %scan3A = arith.constant 0 : i32
    %scan3A_0 = arith.constant 0 : i32
    %scan3A_1 = arith.constant 128 : i32
    %scan3A_2 = arith.addi %scan3A_0, %scan3A_1 : i32
    %scan3A_3 = arith.constant 1 : i32
    scf.for %scan3A_41 = %scan3A_0 to %scan3A_2 step %scan3A_3  : i32 {
      %broadcast_in_dim3A = arith.constant 0.000000e+00 : f32
      %broadcast_in_dim3A_42 = vector.broadcast %broadcast_in_dim3A : f32 to vector<16xf32>
      %swap3A = arith.constant 0 : i32
      %swap3A_43 = arith.index_cast %swap3A : i32 to index
      %swap3A_44 = arith.index_cast %scan3A_41 : i32 to index
      %swap3A_45 = arith.constant 0 : index
      %swap3A_46 = tpu.vector_load %arg8[%swap3A_43, %swap3A_44, %swap3A_45] {strides = array<i32>} : memref<2x128x128xf32, #tpu.memory_space<vmem>>, vector<1x1x16xf32>,
      %swap3A_47 = vector.shape_cast %swap3A_46 : vector<1x1x16xf32> to vector<16xf32>
      %swap3A_48 = vector.shape_cast %broadcast_in_dim3A_42 : vector<16xf32> to vector<1x1x16xf32>
      tpu.vector_store %arg8[%swap3A_43, %swap3A_44, %swap3A_45], %swap3A_48 {strides = array<i32>} : memref<2x128x128xf32, #tpu.memory_space<vmem>>, vector<1x1x16xf32>,
      %broadcast_in_dim3A_49 = arith.constant 0.000000e+00 : f32
      %broadcast_in_dim3A_50 = vector.broadcast %broadcast_in_dim3A_49 : f32 to vector<16xf32>
      %swap3A_51 = arith.constant 0 : i32
      %swap3A_52 = arith.index_cast %swap3A_51 : i32 to index
      %swap3A_53 = arith.index_cast %scan3A_41 : i32 to index
      %swap3A_54 = arith.constant 16 : index
      %swap3A_55 = tpu.vector_load %arg8[%swap3A_52, %swap3A_53, %swap3A_54] {strides = array<i32>} : memref<2x128x128xf32, #tpu.memory_space<vmem>>, vector<1x1x16xf32>,
      %swap3A_56 = vector.shape_cast %swap3A_55 : vector<1x1x16xf32> to vector<16xf32>
      %swap3A_57 = vector.shape_cast %broadcast_in_dim3A_50 : vector<16xf32> to vector<1x1x16xf32>
      tpu.vector_store %arg8[%swap3A_52, %swap3A_53, %swap3A_54], %swap3A_57 {strides = array<i32>} : memref<2x128x128xf32, #tpu.memory_space<vmem>>, vector<1x1x16xf32>,
      %broadcast_in_dim3A_58 = arith.constant 0.000000e+00 : f32
      %broadcast_in_dim3A_59 = vector.broadcast %broadcast_in_dim3A_58 : f32 to vector<16xf32>
      %swap3A_60 = arith.constant 0 : i32
      %swap3A_61 = arith.index_cast %swap3A_60 : i32 to index
      %swap3A_62 = arith.index_cast %scan3A_41 : i32 to index
      %swap3A_63 = arith.constant 32 : index
      %swap3A_64 = tpu.vector_load %arg8[%swap3A_61, %swap3A_62, %swap3A_63] {strides = array<i32>} : memref<2x128x128xf32, #tpu.memory_space<vmem>>, vector<1x1x16xf32>,
      %swap3A_65 = vector.shape_cast %swap3A_64 : vector<1x1x16xf32> to vector<16xf32>
      %swap3A_66 = vector.shape_cast %broadcast_in_dim3A_59 : vector<16xf32> to vector<1x1x16xf32>
      tpu.vector_store %arg8[%swap3A_61, %swap3A_62, %swap3A_63], %swap3A_66 {strides = array<i32>} : memref<2x128x128xf32, #tpu.memory_space<vmem>>, vector<1x1x16xf32>,
      %broadcast_in_dim3A_67 = arith.constant 0.000000e+00 : f32
      %broadcast_in_dim3A_68 = vector.broadcast %broadcast_in_dim3A_67 : f32 to vector<16xf32>
      %swap3A_69 = arith.constant 0 : i32
      %swap3A_70 = arith.index_cast %swap3A_69 : i32 to index
      %swap3A_71 = arith.index_cast %scan3A_41 : i32 to index
      %swap3A_72 = arith.constant 48 : index
      %swap3A_73 = tpu.vector_load %arg8[%swap3A_70, %swap3A_71, %swap3A_72] {strides = array<i32>} : memref<2x128x128xf32, #tpu.memory_space<vmem>>, vector<1x1x16xf32>,
      %swap3A_74 = vector.shape_cast %swap3A_73 : vector<1x1x16xf32> to vector<16xf32>
      %swap3A_75 = vector.shape_cast %broadcast_in_dim3A_68 : vector<16xf32> to vector<1x1x16xf32>
      tpu.vector_store %arg8[%swap3A_70, %swap3A_71, %swap3A_72], %swap3A_75 {strides = array<i32>} : memref<2x128x128xf32, #tpu.memory_space<vmem>>, vector<1x1x16xf32>,
      %broadcast_in_dim3A_76 = arith.constant 0.000000e+00 : f32
      %broadcast_in_dim3A_77 = vector.broadcast %broadcast_in_dim3A_76 : f32 to vector<16xf32>
      %swap3A_78 = arith.constant 0 : i32
      %swap3A_79 = arith.index_cast %swap3A_78 : i32 to index
      %swap3A_80 = arith.index_cast %scan3A_41 : i32 to index
      %swap3A_81 = arith.constant 64 : index
      %swap3A_82 = tpu.vector_load %arg8[%swap3A_79, %swap3A_80, %swap3A_81] {strides = array<i32>} : memref<2x128x128xf32, #tpu.memory_space<vmem>>, vector<1x1x16xf32>,
      %swap3A_83 = vector.shape_cast %swap3A_82 : vector<1x1x16xf32> to vector<16xf32>
      %swap3A_84 = vector.shape_cast %broadcast_in_dim3A_77 : vector<16xf32> to vector<1x1x16xf32>
      tpu.vector_store %arg8[%swap3A_79, %swap3A_80, %swap3A_81], %swap3A_84 {strides = array<i32>} : memref<2x128x128xf32, #tpu.memory_space<vmem>>, vector<1x1x16xf32>,
      %broadcast_in_dim3A_85 = arith.constant 0.000000e+00 : f32
      %broadcast_in_dim3A_86 = vector.broadcast %broadcast_in_dim3A_85 : f32 to vector<16xf32>
      %swap3A_87 = arith.constant 0 : i32
      %swap3A_88 = arith.index_cast %swap3A_87 : i32 to index
      %swap3A_89 = arith.index_cast %scan3A_41 : i32 to index
      %swap3A_90 = arith.constant 80 : index
      %swap3A_91 = tpu.vector_load %arg8[%swap3A_88, %swap3A_89, %swap3A_90] {strides = array<i32>} : memref<2x128x128xf32, #tpu.memory_space<vmem>>, vector<1x1x16xf32>,
      %swap3A_92 = vector.shape_cast %swap3A_91 : vector<1x1x16xf32> to vector<16xf32>
      %swap3A_93 = vector.shape_cast %broadcast_in_dim3A_86 : vector<16xf32> to vector<1x1x16xf32>
      tpu.vector_store %arg8[%swap3A_88, %swap3A_89, %swap3A_90], %swap3A_93 {strides = array<i32>} : memref<2x128x128xf32, #tpu.memory_space<vmem>>, vector<1x1x16xf32>,
      %broadcast_in_dim3A_94 = arith.constant 0.000000e+00 : f32
      %broadcast_in_dim3A_95 = vector.broadcast %broadcast_in_dim3A_94 : f32 to vector<16xf32>
      %swap3A_96 = arith.constant 0 : i32
      %swap3A_97 = arith.index_cast %swap3A_96 : i32 to index
      %swap3A_98 = arith.index_cast %scan3A_41 : i32 to index
      %swap3A_99 = arith.constant 96 : index
      %swap3A_100 = tpu.vector_load %arg8[%swap3A_97, %swap3A_98, %swap3A_99] {strides = array<i32>} : memref<2x128x128xf32, #tpu.memory_space<vmem>>, vector<1x1x16xf32>,
      %swap3A_101 = vector.shape_cast %swap3A_100 : vector<1x1x16xf32> to vector<16xf32>
      %swap3A_102 = vector.shape_cast %broadcast_in_dim3A_95 : vector<16xf32> to vector<1x1x16xf32>
      tpu.vector_store %arg8[%swap3A_97, %swap3A_98, %swap3A_99], %swap3A_102 {strides = array<i32>} : memref<2x128x128xf32, #tpu.memory_space<vmem>>, vector<1x1x16xf32>,
      %broadcast_in_dim3A_103 = arith.constant 0.000000e+00 : f32
      %broadcast_in_dim3A_104 = vector.broadcast %broadcast_in_dim3A_103 : f32 to vector<16xf32>
      %swap3A_105 = arith.constant 0 : i32
      %swap3A_106 = arith.index_cast %swap3A_105 : i32 to index
      %swap3A_107 = arith.index_cast %scan3A_41 : i32 to index
      %swap3A_108 = arith.constant 112 : index
      %swap3A_109 = tpu.vector_load %arg8[%swap3A_106, %swap3A_107, %swap3A_108] {strides = array<i32>} : memref<2x128x128xf32, #tpu.memory_space<vmem>>, vector<1x1x16xf32>,
      %swap3A_110 = vector.shape_cast %swap3A_109 : vector<1x1x16xf32> to vector<16xf32>
      %swap3A_111 = vector.shape_cast %broadcast_in_dim3A_104 : vector<16xf32> to vector<1x1x16xf32>
      tpu.vector_store %arg8[%swap3A_106, %swap3A_107, %swap3A_108], %swap3A_111 {strides = array<i32>} : memref<2x128x128xf32, #tpu.memory_space<vmem>>, vector<1x1x16xf32>,
    }
    %scan3A_4 = arith.constant 128 : i32
    %mul3A = arith.constant 632 : i32
    %mul3A_5 = arith.muli %arg1, %mul3A : i32
    %add3A = arith.constant 0 : i32
    %add3A_6 = arith.addi %mul3A_5, %add3A : i32
    %run_scoped3A = arith.constant 0 : i32
    "tpu.region"() ({
      %run_scoped3A_41 = tpu.sem_alloc : memref<!tpu.dma_semaphore, #tpu.memory_space<semaphore_mem>>
      %dma_start3A = arith.constant 0 : i32
      %dma_start3A_42 = arith.constant 0 : i32
      %dma_start3A_43 = tpu.memref_slice %arg8[%run_scoped3A, %dma_start3A, %dma_start3A_42] : memref<2x128x128xf32, #tpu.memory_space<vmem>> -> memref<1x128x128xf32, #tpu.memory_space<vmem>>
      %dma_start3A_44 = tpu.memref_squeeze %dma_start3A_43 : memref<1x128x128xf32, #tpu.memory_space<vmem>> -> memref<128x128xf32, #tpu.memory_space<vmem>>
      %dma_start3A_45 = arith.constant 0 : i32
      %dma_start3A_46 = tpu.memref_slice %arg9[%add3A_6, %dma_start3A_45] : memref<10112x128xf32, #tpu.memory_space<vmem_shared>> -> memref<128x128xf32, #tpu.memory_space<vmem_shared>>
      %dma_start3A_47 = arith.constant 0 : i32
      %dma_start3A_48 = tpu.memref_slice %arg9[%add3A_6, %dma_start3A_47] : memref<10112x128xf32, #tpu.memory_space<vmem_shared>> -> memref<128x128xf32, #tpu.memory_space<vmem_shared>>
      %dma_start3A_49 = arith.constant 0 : i32
      %dma_start3A_50 = arith.constant 0 : i32
      %dma_start3A_51 = tpu.memref_slice %arg8[%run_scoped3A, %dma_start3A_49, %dma_start3A_50] : memref<2x128x128xf32, #tpu.memory_space<vmem>> -> memref<1x128x128xf32, #tpu.memory_space<vmem>>
      %dma_start3A_52 = tpu.memref_squeeze %dma_start3A_51 : memref<1x128x128xf32, #tpu.memory_space<vmem>> -> memref<128x128xf32, #tpu.memory_space<vmem>>
      tpu.enqueue_dma source(%dma_start3A_52 : memref<128x128xf32, #tpu.memory_space<vmem>>) target(%dma_start3A_48 : memref<128x128xf32, #tpu.memory_space<vmem_shared>>) target_semaphore(%run_scoped3A_41 : memref<!tpu.dma_semaphore, #tpu.memory_space<semaphore_mem>>)
      %dma_wait3A = arith.constant 0 : i32
      %dma_wait3A_53 = arith.constant 0 : i32
      %dma_wait3A_54 = tpu.memref_slice %arg8[%run_scoped3A, %dma_wait3A, %dma_wait3A_53] : memref<2x128x128xf32, #tpu.memory_space<vmem>> -> memref<1x128x128xf32, #tpu.memory_space<vmem>>
      %dma_wait3A_55 = tpu.memref_squeeze %dma_wait3A_54 : memref<1x128x128xf32, #tpu.memory_space<vmem>> -> memref<128x128xf32, #tpu.memory_space<vmem>>
      %dma_wait3A_56 = arith.constant 0 : i32
      %dma_wait3A_57 = tpu.memref_slice %arg9[%add3A_6, %dma_wait3A_56] : memref<10112x128xf32, #tpu.memory_space<vmem_shared>> -> memref<128x128xf32, #tpu.memory_space<vmem_shared>>
      %dma_wait3A_58 = arith.constant 0 : i32
      %dma_wait3A_59 = tpu.memref_slice %arg9[%add3A_6, %dma_wait3A_58] : memref<10112x128xf32, #tpu.memory_space<vmem_shared>> -> memref<128x128xf32, #tpu.memory_space<vmem_shared>>
      %dma_wait3A_60 = arith.constant 0 : i32
      %dma_wait3A_61 = arith.constant 0 : i32
      %dma_wait3A_62 = tpu.memref_slice %arg8[%run_scoped3A, %dma_wait3A_60, %dma_wait3A_61] : memref<2x128x128xf32, #tpu.memory_space<vmem>> -> memref<1x128x128xf32, #tpu.memory_space<vmem>>
      %dma_wait3A_63 = tpu.memref_squeeze %dma_wait3A_62 : memref<1x128x128xf32, #tpu.memory_space<vmem>> -> memref<128x128xf32, #tpu.memory_space<vmem>>
      tpu.wait_dma2 semaphore(%run_scoped3A_41 : memref<!tpu.dma_semaphore, #tpu.memory_space<semaphore_mem>>) src(%dma_wait3A_63 : memref<128x128xf32, #tpu.memory_space<vmem>>) dst(%dma_wait3A_59 : memref<128x128xf32, #tpu.memory_space<vmem_shared>>)
      tpu.yield
    }) : () -> ()
    %mul3A_7 = arith.constant 632 : i32
    %mul3A_8 = arith.muli %arg1, %mul3A_7 : i32
    %add3A_9 = arith.constant 128 : i32
    %add3A_10 = arith.addi %mul3A_8, %add3A_9 : i32
    %run_scoped3A_11 = arith.constant 0 : i32
    "tpu.region"() ({
      %run_scoped3A_41 = tpu.sem_alloc : memref<!tpu.dma_semaphore, #tpu.memory_space<semaphore_mem>>
      %dma_start3A = arith.constant 0 : i32
      %dma_start3A_42 = arith.constant 0 : i32
      %dma_start3A_43 = tpu.memref_slice %arg8[%run_scoped3A_11, %dma_start3A, %dma_start3A_42] : memref<2x128x128xf32, #tpu.memory_space<vmem>> -> memref<1x128x128xf32, #tpu.memory_space<vmem>>
      %dma_start3A_44 = tpu.memref_squeeze %dma_start3A_43 : memref<1x128x128xf32, #tpu.memory_space<vmem>> -> memref<128x128xf32, #tpu.memory_space<vmem>>
      %dma_start3A_45 = arith.constant 0 : i32
      %dma_start3A_46 = tpu.memref_slice %arg9[%add3A_10, %dma_start3A_45] : memref<10112x128xf32, #tpu.memory_space<vmem_shared>> -> memref<128x128xf32, #tpu.memory_space<vmem_shared>>
      %dma_start3A_47 = arith.constant 0 : i32
      %dma_start3A_48 = tpu.memref_slice %arg9[%add3A_10, %dma_start3A_47] : memref<10112x128xf32, #tpu.memory_space<vmem_shared>> -> memref<128x128xf32, #tpu.memory_space<vmem_shared>>
      %dma_start3A_49 = arith.constant 0 : i32
      %dma_start3A_50 = arith.constant 0 : i32
      %dma_start3A_51 = tpu.memref_slice %arg8[%run_scoped3A_11, %dma_start3A_49, %dma_start3A_50] : memref<2x128x128xf32, #tpu.memory_space<vmem>> -> memref<1x128x128xf32, #tpu.memory_space<vmem>>
      %dma_start3A_52 = tpu.memref_squeeze %dma_start3A_51 : memref<1x128x128xf32, #tpu.memory_space<vmem>> -> memref<128x128xf32, #tpu.memory_space<vmem>>
      tpu.enqueue_dma source(%dma_start3A_52 : memref<128x128xf32, #tpu.memory_space<vmem>>) target(%dma_start3A_48 : memref<128x128xf32, #tpu.memory_space<vmem_shared>>) target_semaphore(%run_scoped3A_41 : memref<!tpu.dma_semaphore, #tpu.memory_space<semaphore_mem>>)
      %dma_wait3A = arith.constant 0 : i32
      %dma_wait3A_53 = arith.constant 0 : i32
      %dma_wait3A_54 = tpu.memref_slice %arg8[%run_scoped3A_11, %dma_wait3A, %dma_wait3A_53] : memref<2x128x128xf32, #tpu.memory_space<vmem>> -> memref<1x128x128xf32, #tpu.memory_space<vmem>>
      %dma_wait3A_55 = tpu.memref_squeeze %dma_wait3A_54 : memref<1x128x128xf32, #tpu.memory_space<vmem>> -> memref<128x128xf32, #tpu.memory_space<vmem>>
      %dma_wait3A_56 = arith.constant 0 : i32
      %dma_wait3A_57 = tpu.memref_slice %arg9[%add3A_10, %dma_wait3A_56] : memref<10112x128xf32, #tpu.memory_space<vmem_shared>> -> memref<128x128xf32, #tpu.memory_space<vmem_shared>>
      %dma_wait3A_58 = arith.constant 0 : i32
      %dma_wait3A_59 = tpu.memref_slice %arg9[%add3A_10, %dma_wait3A_58] : memref<10112x128xf32, #tpu.memory_space<vmem_shared>> -> memref<128x128xf32, #tpu.memory_space<vmem_shared>>
      %dma_wait3A_60 = arith.constant 0 : i32
      %dma_wait3A_61 = arith.constant 0 : i32
      %dma_wait3A_62 = tpu.memref_slice %arg8[%run_scoped3A_11, %dma_wait3A_60, %dma_wait3A_61] : memref<2x128x128xf32, #tpu.memory_space<vmem>> -> memref<1x128x128xf32, #tpu.memory_space<vmem>>
      %dma_wait3A_63 = tpu.memref_squeeze %dma_wait3A_62 : memref<1x128x128xf32, #tpu.memory_space<vmem>> -> memref<128x128xf32, #tpu.memory_space<vmem>>
      tpu.wait_dma2 semaphore(%run_scoped3A_41 : memref<!tpu.dma_semaphore, #tpu.memory_space<semaphore_mem>>) src(%dma_wait3A_63 : memref<128x128xf32, #tpu.memory_space<vmem>>) dst(%dma_wait3A_59 : memref<128x128xf32, #tpu.memory_space<vmem_shared>>)
      tpu.yield
    }) : () -> ()
    %mul3A_12 = arith.constant 632 : i32
    %mul3A_13 = arith.muli %arg1, %mul3A_12 : i32
    %add3A_14 = arith.constant 256 : i32
    %add3A_15 = arith.addi %mul3A_13, %add3A_14 : i32
    %run_scoped3A_16 = arith.constant 0 : i32
    "tpu.region"() ({
      %run_scoped3A_41 = tpu.sem_alloc : memref<!tpu.dma_semaphore, #tpu.memory_space<semaphore_mem>>
      %dma_start3A = arith.constant 0 : i32
      %dma_start3A_42 = arith.constant 0 : i32
      %dma_start3A_43 = tpu.memref_slice %arg8[%run_scoped3A_16, %dma_start3A, %dma_start3A_42] : memref<2x128x128xf32, #tpu.memory_space<vmem>> -> memref<1x128x128xf32, #tpu.memory_space<vmem>>
      %dma_start3A_44 = tpu.memref_squeeze %dma_start3A_43 : memref<1x128x128xf32, #tpu.memory_space<vmem>> -> memref<128x128xf32, #tpu.memory_space<vmem>>
      %dma_start3A_45 = arith.constant 0 : i32
      %dma_start3A_46 = tpu.memref_slice %arg9[%add3A_15, %dma_start3A_45] : memref<10112x128xf32, #tpu.memory_space<vmem_shared>> -> memref<128x128xf32, #tpu.memory_space<vmem_shared>>
      %dma_start3A_47 = arith.constant 0 : i32
      %dma_start3A_48 = tpu.memref_slice %arg9[%add3A_15, %dma_start3A_47] : memref<10112x128xf32, #tpu.memory_space<vmem_shared>> -> memref<128x128xf32, #tpu.memory_space<vmem_shared>>
      %dma_start3A_49 = arith.constant 0 : i32
      %dma_start3A_50 = arith.constant 0 : i32
      %dma_start3A_51 = tpu.memref_slice %arg8[%run_scoped3A_16, %dma_start3A_49, %dma_start3A_50] : memref<2x128x128xf32, #tpu.memory_space<vmem>> -> memref<1x128x128xf32, #tpu.memory_space<vmem>>
      %dma_start3A_52 = tpu.memref_squeeze %dma_start3A_51 : memref<1x128x128xf32, #tpu.memory_space<vmem>> -> memref<128x128xf32, #tpu.memory_space<vmem>>
      tpu.enqueue_dma source(%dma_start3A_52 : memref<128x128xf32, #tpu.memory_space<vmem>>) target(%dma_start3A_48 : memref<128x128xf32, #tpu.memory_space<vmem_shared>>) target_semaphore(%run_scoped3A_41 : memref<!tpu.dma_semaphore, #tpu.memory_space<semaphore_mem>>)
      %dma_wait3A = arith.constant 0 : i32
      %dma_wait3A_53 = arith.constant 0 : i32
      %dma_wait3A_54 = tpu.memref_slice %arg8[%run_scoped3A_16, %dma_wait3A, %dma_wait3A_53] : memref<2x128x128xf32, #tpu.memory_space<vmem>> -> memref<1x128x128xf32, #tpu.memory_space<vmem>>
      %dma_wait3A_55 = tpu.memref_squeeze %dma_wait3A_54 : memref<1x128x128xf32, #tpu.memory_space<vmem>> -> memref<128x128xf32, #tpu.memory_space<vmem>>
      %dma_wait3A_56 = arith.constant 0 : i32
      %dma_wait3A_57 = tpu.memref_slice %arg9[%add3A_15, %dma_wait3A_56] : memref<10112x128xf32, #tpu.memory_space<vmem_shared>> -> memref<128x128xf32, #tpu.memory_space<vmem_shared>>
      %dma_wait3A_58 = arith.constant 0 : i32
      %dma_wait3A_59 = tpu.memref_slice %arg9[%add3A_15, %dma_wait3A_58] : memref<10112x128xf32, #tpu.memory_space<vmem_shared>> -> memref<128x128xf32, #tpu.memory_space<vmem_shared>>
      %dma_wait3A_60 = arith.constant 0 : i32
      %dma_wait3A_61 = arith.constant 0 : i32
      %dma_wait3A_62 = tpu.memref_slice %arg8[%run_scoped3A_16, %dma_wait3A_60, %dma_wait3A_61] : memref<2x128x128xf32, #tpu.memory_space<vmem>> -> memref<1x128x128xf32, #tpu.memory_space<vmem>>
      %dma_wait3A_63 = tpu.memref_squeeze %dma_wait3A_62 : memref<1x128x128xf32, #tpu.memory_space<vmem>> -> memref<128x128xf32, #tpu.memory_space<vmem>>
      tpu.wait_dma2 semaphore(%run_scoped3A_41 : memref<!tpu.dma_semaphore, #tpu.memory_space<semaphore_mem>>) src(%dma_wait3A_63 : memref<128x128xf32, #tpu.memory_space<vmem>>) dst(%dma_wait3A_59 : memref<128x128xf32, #tpu.memory_space<vmem_shared>>)
      tpu.yield
    }) : () -> ()
    %mul3A_17 = arith.constant 632 : i32
    %mul3A_18 = arith.muli %arg1, %mul3A_17 : i32
    %add3A_19 = arith.constant 384 : i32
    %add3A_20 = arith.addi %mul3A_18, %add3A_19 : i32
    %run_scoped3A_21 = arith.constant 0 : i32
    "tpu.region"() ({
      %run_scoped3A_41 = tpu.sem_alloc : memref<!tpu.dma_semaphore, #tpu.memory_space<semaphore_mem>>
      %dma_start3A = arith.constant 0 : i32
      %dma_start3A_42 = arith.constant 0 : i32
      %dma_start3A_43 = tpu.memref_slice %arg8[%run_scoped3A_21, %dma_start3A, %dma_start3A_42] : memref<2x128x128xf32, #tpu.memory_space<vmem>> -> memref<1x128x128xf32, #tpu.memory_space<vmem>>
      %dma_start3A_44 = tpu.memref_squeeze %dma_start3A_43 : memref<1x128x128xf32, #tpu.memory_space<vmem>> -> memref<128x128xf32, #tpu.memory_space<vmem>>
      %dma_start3A_45 = arith.constant 0 : i32
      %dma_start3A_46 = tpu.memref_slice %arg9[%add3A_20, %dma_start3A_45] : memref<10112x128xf32, #tpu.memory_space<vmem_shared>> -> memref<128x128xf32, #tpu.memory_space<vmem_shared>>
      %dma_start3A_47 = arith.constant 0 : i32
      %dma_start3A_48 = tpu.memref_slice %arg9[%add3A_20, %dma_start3A_47] : memref<10112x128xf32, #tpu.memory_space<vmem_shared>> -> memref<128x128xf32, #tpu.memory_space<vmem_shared>>
      %dma_start3A_49 = arith.constant 0 : i32
      %dma_start3A_50 = arith.constant 0 : i32
      %dma_start3A_51 = tpu.memref_slice %arg8[%run_scoped3A_21, %dma_start3A_49, %dma_start3A_50] : memref<2x128x128xf32, #tpu.memory_space<vmem>> -> memref<1x128x128xf32, #tpu.memory_space<vmem>>
      %dma_start3A_52 = tpu.memref_squeeze %dma_start3A_51 : memref<1x128x128xf32, #tpu.memory_space<vmem>> -> memref<128x128xf32, #tpu.memory_space<vmem>>
      tpu.enqueue_dma source(%dma_start3A_52 : memref<128x128xf32, #tpu.memory_space<vmem>>) target(%dma_start3A_48 : memref<128x128xf32, #tpu.memory_space<vmem_shared>>) target_semaphore(%run_scoped3A_41 : memref<!tpu.dma_semaphore, #tpu.memory_space<semaphore_mem>>)
      %dma_wait3A = arith.constant 0 : i32
      %dma_wait3A_53 = arith.constant 0 : i32
      %dma_wait3A_54 = tpu.memref_slice %arg8[%run_scoped3A_21, %dma_wait3A, %dma_wait3A_53] : memref<2x128x128xf32, #tpu.memory_space<vmem>> -> memref<1x128x128xf32, #tpu.memory_space<vmem>>
      %dma_wait3A_55 = tpu.memref_squeeze %dma_wait3A_54 : memref<1x128x128xf32, #tpu.memory_space<vmem>> -> memref<128x128xf32, #tpu.memory_space<vmem>>
      %dma_wait3A_56 = arith.constant 0 : i32
      %dma_wait3A_57 = tpu.memref_slice %arg9[%add3A_20, %dma_wait3A_56] : memref<10112x128xf32, #tpu.memory_space<vmem_shared>> -> memref<128x128xf32, #tpu.memory_space<vmem_shared>>
      %dma_wait3A_58 = arith.constant 0 : i32
      %dma_wait3A_59 = tpu.memref_slice %arg9[%add3A_20, %dma_wait3A_58] : memref<10112x128xf32, #tpu.memory_space<vmem_shared>> -> memref<128x128xf32, #tpu.memory_space<vmem_shared>>
      %dma_wait3A_60 = arith.constant 0 : i32
      %dma_wait3A_61 = arith.constant 0 : i32
      %dma_wait3A_62 = tpu.memref_slice %arg8[%run_scoped3A_21, %dma_wait3A_60, %dma_wait3A_61] : memref<2x128x128xf32, #tpu.memory_space<vmem>> -> memref<1x128x128xf32, #tpu.memory_space<vmem>>
      %dma_wait3A_63 = tpu.memref_squeeze %dma_wait3A_62 : memref<1x128x128xf32, #tpu.memory_space<vmem>> -> memref<128x128xf32, #tpu.memory_space<vmem>>
      tpu.wait_dma2 semaphore(%run_scoped3A_41 : memref<!tpu.dma_semaphore, #tpu.memory_space<semaphore_mem>>) src(%dma_wait3A_63 : memref<128x128xf32, #tpu.memory_space<vmem>>) dst(%dma_wait3A_59 : memref<128x128xf32, #tpu.memory_space<vmem_shared>>)
      tpu.yield
    }) : () -> ()
    %mul3A_22 = arith.constant 632 : i32
    %mul3A_23 = arith.muli %arg1, %mul3A_22 : i32
    %add3A_24 = arith.constant 512 : i32
    %add3A_25 = arith.addi %mul3A_23, %add3A_24 : i32
    %run_scoped3A_26 = arith.constant 0 : i32
    "tpu.region"() ({
      %run_scoped3A_41 = tpu.sem_alloc : memref<!tpu.dma_semaphore, #tpu.memory_space<semaphore_mem>>
      %dma_start3A = arith.constant 0 : i32
      %dma_start3A_42 = arith.constant 0 : i32
      %dma_start3A_43 = tpu.memref_slice %arg8[%run_scoped3A_26, %dma_start3A, %dma_start3A_42] : memref<2x128x128xf32, #tpu.memory_space<vmem>> -> memref<1x120x128xf32, #tpu.memory_space<vmem>>
      %dma_start3A_44 = tpu.memref_squeeze %dma_start3A_43 : memref<1x120x128xf32, #tpu.memory_space<vmem>> -> memref<120x128xf32, #tpu.memory_space<vmem>>
      %dma_start3A_45 = arith.constant 0 : i32
      %dma_start3A_46 = tpu.memref_slice %arg9[%add3A_25, %dma_start3A_45] : memref<10112x128xf32, #tpu.memory_space<vmem_shared>> -> memref<120x128xf32, #tpu.memory_space<vmem_shared>>
      %dma_start3A_47 = arith.constant 0 : i32
      %dma_start3A_48 = tpu.memref_slice %arg9[%add3A_25, %dma_start3A_47] : memref<10112x128xf32, #tpu.memory_space<vmem_shared>> -> memref<120x128xf32, #tpu.memory_space<vmem_shared>>
      %dma_start3A_49 = arith.constant 0 : i32
      %dma_start3A_50 = arith.constant 0 : i32
      %dma_start3A_51 = tpu.memref_slice %arg8[%run_scoped3A_26, %dma_start3A_49, %dma_start3A_50] : memref<2x128x128xf32, #tpu.memory_space<vmem>> -> memref<1x120x128xf32, #tpu.memory_space<vmem>>
      %dma_start3A_52 = tpu.memref_squeeze %dma_start3A_51 : memref<1x120x128xf32, #tpu.memory_space<vmem>> -> memref<120x128xf32, #tpu.memory_space<vmem>>
      tpu.enqueue_dma source(%dma_start3A_52 : memref<120x128xf32, #tpu.memory_space<vmem>>) target(%dma_start3A_48 : memref<120x128xf32, #tpu.memory_space<vmem_shared>>) target_semaphore(%run_scoped3A_41 : memref<!tpu.dma_semaphore, #tpu.memory_space<semaphore_mem>>)
      %dma_wait3A = arith.constant 0 : i32
      %dma_wait3A_53 = arith.constant 0 : i32
      %dma_wait3A_54 = tpu.memref_slice %arg8[%run_scoped3A_26, %dma_wait3A, %dma_wait3A_53] : memref<2x128x128xf32, #tpu.memory_space<vmem>> -> memref<1x120x128xf32, #tpu.memory_space<vmem>>
      %dma_wait3A_55 = tpu.memref_squeeze %dma_wait3A_54 : memref<1x120x128xf32, #tpu.memory_space<vmem>> -> memref<120x128xf32, #tpu.memory_space<vmem>>
      %dma_wait3A_56 = arith.constant 0 : i32
      %dma_wait3A_57 = tpu.memref_slice %arg9[%add3A_25, %dma_wait3A_56] : memref<10112x128xf32, #tpu.memory_space<vmem_shared>> -> memref<120x128xf32, #tpu.memory_space<vmem_shared>>
      %dma_wait3A_58 = arith.constant 0 : i32
      %dma_wait3A_59 = tpu.memref_slice %arg9[%add3A_25, %dma_wait3A_58] : memref<10112x128xf32, #tpu.memory_space<vmem_shared>> -> memref<120x128xf32, #tpu.memory_space<vmem_shared>>
      %dma_wait3A_60 = arith.constant 0 : i32
      %dma_wait3A_61 = arith.constant 0 : i32
      %dma_wait3A_62 = tpu.memref_slice %arg8[%run_scoped3A_26, %dma_wait3A_60, %dma_wait3A_61] : memref<2x128x128xf32, #tpu.memory_space<vmem>> -> memref<1x120x128xf32, #tpu.memory_space<vmem>>
      %dma_wait3A_63 = tpu.memref_squeeze %dma_wait3A_62 : memref<1x120x128xf32, #tpu.memory_space<vmem>> -> memref<120x128xf32, #tpu.memory_space<vmem>>
      tpu.wait_dma2 semaphore(%run_scoped3A_41 : memref<!tpu.dma_semaphore, #tpu.memory_space<semaphore_mem>>) src(%dma_wait3A_63 : memref<120x128xf32, #tpu.memory_space<vmem>>) dst(%dma_wait3A_59 : memref<120x128xf32, #tpu.memory_space<vmem_shared>>)
      tpu.yield
    }) : () -> ()
    %mul3A_27 = arith.constant 16 : i32
    %mul3A_28 = arith.muli %arg0, %mul3A_27 : i32
    %add3A_29 = arith.addi %mul3A_28, %arg1 : i32
    %mul3A_30 = arith.constant 80 : i32
    %mul3A_31 = arith.muli %add3A_29, %mul3A_30 : i32
    %barrier3A = arith.constant 0 : index
    tpu.barrier barrier_id(%barrier3A)
    %scan3A_32 = arith.constant 0 : i32
    %scan3A_33 = arith.constant 0 : i32
    %scan3A_34 = arith.constant 2 : i32
    %scan3A_35 = arith.addi %scan3A_33, %scan3A_34 : i32
    %scan3A_36 = arith.constant 1 : i32
    scf.for %scan3A_41 = %scan3A_33 to %scan3A_35 step %scan3A_36  : i32 {
      %mul3A_42 = arith.constant 40 : i32
      %mul3A_43 = arith.muli %scan3A_41, %mul3A_42 : i32
      %add3A_44 = arith.addi %mul3A_31, %mul3A_43 : i32
      %add3A_45 = arith.constant 40 : i32
      %add3A_46 = arith.addi %add3A_44, %add3A_45 : i32
      %le3A = arith.constant 2504 : i32
      %le3A_47 = arith.cmpi sle, %add3A_46, %le3A : i32
      %convert_element_type3A_48 = arith.extui %le3A_47 : i1 to i32
      %cond3A_49 = arith.constant 0 : i32
      %cond3A_50 = arith.cmpi ne, %convert_element_type3A_48, %cond3A_49 : i32
      scf.if %cond3A_50 {
        "tpu.region"() ({
          %run_scoped3A_155 = tpu.sem_alloc : memref<!tpu.dma_semaphore, #tpu.memory_space<semaphore_mem>>
          %dma_start3A_156 = arith.constant 0 : i32
          %dma_start3A_157 = tpu.memref_slice %arg3[%add3A_44, %dma_start3A_156] : memref<2504x128xi32, #tpu.memory_space<hbm>> -> memref<40x128xi32, #tpu.memory_space<hbm>>
          %dma_start3A_158 = arith.constant 0 : i32
          %dma_start3A_159 = tpu.memref_slice %arg3[%add3A_44, %dma_start3A_158] : memref<2504x128xi32, #tpu.memory_space<hbm>> -> memref<40x128xi32, #tpu.memory_space<hbm>>
          tpu.enqueue_dma source(%dma_start3A_159 : memref<40x128xi32, #tpu.memory_space<hbm>>) target(%arg6 : memref<40x128xi32, #tpu.memory_space<vmem>>) target_semaphore(%run_scoped3A_155 : memref<!tpu.dma_semaphore, #tpu.memory_space<semaphore_mem>>)
          %dma_wait3A_160 = arith.constant 0 : i32
          %dma_wait3A_161 = tpu.memref_slice %arg3[%add3A_44, %dma_wait3A_160] : memref<2504x128xi32, #tpu.memory_space<hbm>> -> memref<40x128xi32, #tpu.memory_space<hbm>>
          %dma_wait3A_162 = arith.constant 0 : i32
          %dma_wait3A_163 = tpu.memref_slice %arg3[%add3A_44, %dma_wait3A_162] : memref<2504x128xi32, #tpu.memory_space<hbm>> -> memref<40x128xi32, #tpu.memory_space<hbm>>
          tpu.wait_dma2 semaphore(%run_scoped3A_155 : memref<!tpu.dma_semaphore, #tpu.memory_space<semaphore_mem>>) src(%dma_wait3A_163 : memref<40x128xi32, #tpu.memory_space<hbm>>) dst(%arg6 : memref<40x128xi32, #tpu.memory_space<vmem>>)
          tpu.yield
        }) : () -> ()
        "tpu.region"() ({
          %run_scoped3A_155 = tpu.sem_alloc : memref<!tpu.dma_semaphore, #tpu.memory_space<semaphore_mem>>
          %dma_start3A_156 = arith.constant 0 : i32
          %dma_start3A_157 = tpu.memref_slice %arg4[%add3A_44, %dma_start3A_156] : memref<2504x128xi32, #tpu.memory_space<hbm>> -> memref<40x128xi32, #tpu.memory_space<hbm>>
          %dma_start3A_158 = arith.constant 0 : i32
          %dma_start3A_159 = tpu.memref_slice %arg4[%add3A_44, %dma_start3A_158] : memref<2504x128xi32, #tpu.memory_space<hbm>> -> memref<40x128xi32, #tpu.memory_space<hbm>>
          tpu.enqueue_dma source(%dma_start3A_159 : memref<40x128xi32, #tpu.memory_space<hbm>>) target(%arg7 : memref<40x128xi32, #tpu.memory_space<vmem>>) target_semaphore(%run_scoped3A_155 : memref<!tpu.dma_semaphore, #tpu.memory_space<semaphore_mem>>)
          %dma_wait3A_160 = arith.constant 0 : i32
          %dma_wait3A_161 = tpu.memref_slice %arg4[%add3A_44, %dma_wait3A_160] : memref<2504x128xi32, #tpu.memory_space<hbm>> -> memref<40x128xi32, #tpu.memory_space<hbm>>
          %dma_wait3A_162 = arith.constant 0 : i32
          %dma_wait3A_163 = tpu.memref_slice %arg4[%add3A_44, %dma_wait3A_162] : memref<2504x128xi32, #tpu.memory_space<hbm>> -> memref<40x128xi32, #tpu.memory_space<hbm>>
          tpu.wait_dma2 semaphore(%run_scoped3A_155 : memref<!tpu.dma_semaphore, #tpu.memory_space<semaphore_mem>>) src(%dma_wait3A_163 : memref<40x128xi32, #tpu.memory_space<hbm>>) dst(%arg7 : memref<40x128xi32, #tpu.memory_space<vmem>>)
          tpu.yield
        }) : () -> ()
        %dma_start3A = arith.constant 0 : i32
        %dma_start3A_55 = arith.constant 0 : i32
        %dma_start3A_56 = arith.constant 0 : i32
        %dma_start3A_57 = arith.constant 0 : i32
        %dma_start3A_58 = tpu.memref_slice %arg8[%dma_start3A_55, %dma_start3A_56, %dma_start3A_57] : memref<2x128x128xf32, #tpu.memory_space<vmem>> -> memref<1x128x128xf32, #tpu.memory_space<vmem>>
        %dma_start3A_59 = tpu.memref_squeeze %dma_start3A_58 : memref<1x128x128xf32, #tpu.memory_space<vmem>> -> memref<128x128xf32, #tpu.memory_space<vmem>>
        %dma_start3A_60 = arith.constant 0 : i32
        %dma_start3A_61 = tpu.memref_slice %arg6[%dma_start3A, %dma_start3A_60] : memref<40x128xi32, #tpu.memory_space<vmem>> -> memref<1x128xi32, #tpu.memory_space<vmem>>
        %dma_start3A_62 = tpu.memref_squeeze %dma_start3A_61 : memref<1x128xi32, #tpu.memory_space<vmem>> -> memref<128xi32, #tpu.memory_space<vmem>>
        %dma_start3A_63 = arith.constant 0 : i32
        %dma_start3A_64 = arith.constant 0 : i32
        %dma_start3A_65 = tpu.memref_slice %arg2[%dma_start3A_63, %dma_start3A_64] : memref<10000x128xf32, #tpu.memory_space<hbm>> -> memref<10000x128xf32, #tpu.memory_space<hbm>>
        tpu.enqueue_indirect_dma source(%dma_start3A_65 : memref<10000x128xf32, #tpu.memory_space<hbm>>) target(%dma_start3A_59 : memref<128x128xf32, #tpu.memory_space<vmem>>) offsets(%dma_start3A_62 : memref<128xi32, #tpu.memory_space<vmem>>) semaphore(%arg10 : memref<!tpu.dma_semaphore, #tpu.memory_space<semaphore_mem>>)
        %dma_wait3A = arith.constant 0 : i32
        %dma_wait3A_66 = arith.constant 0 : i32
        %dma_wait3A_67 = arith.constant 0 : i32
        %dma_wait3A_68 = arith.constant 0 : i32
        %dma_wait3A_69 = tpu.memref_slice %arg8[%dma_wait3A_66, %dma_wait3A_67, %dma_wait3A_68] : memref<2x128x128xf32, #tpu.memory_space<vmem>> -> memref<1x128x128xf32, #tpu.memory_space<vmem>>
        %dma_wait3A_70 = tpu.memref_squeeze %dma_wait3A_69 : memref<1x128x128xf32, #tpu.memory_space<vmem>> -> memref<128x128xf32, #tpu.memory_space<vmem>>
        %dma_wait3A_71 = arith.constant 0 : i32
        %dma_wait3A_72 = tpu.memref_slice %arg6[%dma_wait3A, %dma_wait3A_71] : memref<40x128xi32, #tpu.memory_space<vmem>> -> memref<1x128xi32, #tpu.memory_space<vmem>>
        %dma_wait3A_73 = tpu.memref_squeeze %dma_wait3A_72 : memref<1x128xi32, #tpu.memory_space<vmem>> -> memref<128xi32, #tpu.memory_space<vmem>>
        %dma_wait3A_74 = arith.constant 0 : i32
        %dma_wait3A_75 = arith.constant 0 : i32
        %dma_wait3A_76 = tpu.memref_slice %arg2[%dma_wait3A_74, %dma_wait3A_75] : memref<10000x128xf32, #tpu.memory_space<hbm>> -> memref<10000x128xf32, #tpu.memory_space<hbm>>
        tpu.wait_indirect_dma semaphore(%arg10 : memref<!tpu.dma_semaphore, #tpu.memory_space<semaphore_mem>>) src(%dma_wait3A_76 : memref<10000x128xf32, #tpu.memory_space<hbm>>) dst(%dma_wait3A_70 : memref<128x128xf32, #tpu.memory_space<vmem>>)
        %dma_start3A_77 = arith.constant 1 : i32
        %dma_start3A_78 = arith.constant 1 : i32
        %dma_start3A_79 = arith.constant 0 : i32
        %dma_start3A_80 = arith.constant 0 : i32
        %dma_start3A_81 = tpu.memref_slice %arg8[%dma_start3A_78, %dma_start3A_79, %dma_start3A_80] : memref<2x128x128xf32, #tpu.memory_space<vmem>> -> memref<1x128x128xf32, #tpu.memory_space<vmem>>
        %dma_start3A_82 = tpu.memref_squeeze %dma_start3A_81 : memref<1x128x128xf32, #tpu.memory_space<vmem>> -> memref<128x128xf32, #tpu.memory_space<vmem>>
        %dma_start3A_83 = arith.constant 0 : i32
        %dma_start3A_84 = tpu.memref_slice %arg6[%dma_start3A_77, %dma_start3A_83] : memref<40x128xi32, #tpu.memory_space<vmem>> -> memref<1x128xi32, #tpu.memory_space<vmem>>
        %dma_start3A_85 = tpu.memref_squeeze %dma_start3A_84 : memref<1x128xi32, #tpu.memory_space<vmem>> -> memref<128xi32, #tpu.memory_space<vmem>>
        %dma_start3A_86 = arith.constant 0 : i32
        %dma_start3A_87 = arith.constant 0 : i32
        %dma_start3A_88 = tpu.memref_slice %arg2[%dma_start3A_86, %dma_start3A_87] : memref<10000x128xf32, #tpu.memory_space<hbm>> -> memref<10000x128xf32, #tpu.memory_space<hbm>>
        tpu.enqueue_indirect_dma source(%dma_start3A_88 : memref<10000x128xf32, #tpu.memory_space<hbm>>) target(%dma_start3A_82 : memref<128x128xf32, #tpu.memory_space<vmem>>) offsets(%dma_start3A_85 : memref<128xi32, #tpu.memory_space<vmem>>) semaphore(%arg10 : memref<!tpu.dma_semaphore, #tpu.memory_space<semaphore_mem>>)
        %dma_start3A_89 = arith.constant 0 : i32
        %dma_start3A_90 = arith.constant 0 : i32
        %dma_start3A_91 = arith.constant 0 : i32
        %dma_start3A_92 = arith.constant 0 : i32
        %dma_start3A_93 = tpu.memref_slice %arg8[%dma_start3A_89, %dma_start3A_91, %dma_start3A_92] : memref<2x128x128xf32, #tpu.memory_space<vmem>> -> memref<1x128x128xf32, #tpu.memory_space<vmem>>
        %dma_start3A_94 = tpu.memref_squeeze %dma_start3A_93 : memref<1x128x128xf32, #tpu.memory_space<vmem>> -> memref<128x128xf32, #tpu.memory_space<vmem>>
        %dma_start3A_95 = arith.constant 0 : i32
        %dma_start3A_96 = tpu.memref_slice %arg7[%dma_start3A_90, %dma_start3A_95] : memref<40x128xi32, #tpu.memory_space<vmem>> -> memref<1x128xi32, #tpu.memory_space<vmem>>
        %dma_start3A_97 = tpu.memref_squeeze %dma_start3A_96 : memref<1x128xi32, #tpu.memory_space<vmem>> -> memref<128xi32, #tpu.memory_space<vmem>>
        %dma_start3A_98 = arith.constant 0 : i32
        %dma_start3A_99 = arith.constant 0 : i32
        %dma_start3A_100 = tpu.memref_slice %arg9[%dma_start3A_98, %dma_start3A_99] : memref<10112x128xf32, #tpu.memory_space<vmem_shared>> -> memref<10112x128xf32, #tpu.memory_space<vmem_shared>>
        tpu.enqueue_indirect_dma source(%dma_start3A_94 : memref<128x128xf32, #tpu.memory_space<vmem>>) target(%dma_start3A_100 : memref<10112x128xf32, #tpu.memory_space<vmem_shared>>) offsets(%dma_start3A_97 : memref<128xi32, #tpu.memory_space<vmem>>) semaphore(%arg11 : memref<!tpu.dma_semaphore, #tpu.memory_space<semaphore_mem>>) {add = true}
        %scan3A_101 = arith.constant 0 : i32
        %scan3A_102 = arith.constant 0 : i32
        %scan3A_103 = arith.constant 19 : i32
        %scan3A_104 = arith.addi %scan3A_102, %scan3A_103 : i32
        %scan3A_105 = arith.constant 1 : i32
        scf.for %scan3A_155 = %scan3A_102 to %scan3A_104 step %scan3A_105  : i32 {
          %mul3A_156 = arith.constant 2 : i32
          %mul3A_157 = arith.muli %mul3A_156, %scan3A_155 : i32
          %add3A_158 = arith.constant 1 : i32
          %add3A_159 = arith.addi %mul3A_157, %add3A_158 : i32
          %dma_wait3A_160 = arith.constant 0 : i32
          %dma_wait3A_161 = arith.constant 0 : i32
          %dma_wait3A_162 = arith.constant 0 : i32
          %dma_wait3A_163 = arith.constant 0 : i32
          %dma_wait3A_164 = tpu.memref_slice %arg8[%dma_wait3A_161, %dma_wait3A_162, %dma_wait3A_163] : memref<2x128x128xf32, #tpu.memory_space<vmem>> -> memref<1x128x128xf32, #tpu.memory_space<vmem>>
          %dma_wait3A_165 = tpu.memref_squeeze %dma_wait3A_164 : memref<1x128x128xf32, #tpu.memory_space<vmem>> -> memref<128x128xf32, #tpu.memory_space<vmem>>
          %dma_wait3A_166 = arith.constant 0 : i32
          %dma_wait3A_167 = tpu.memref_slice %arg6[%dma_wait3A_160, %dma_wait3A_166] : memref<40x128xi32, #tpu.memory_space<vmem>> -> memref<1x128xi32, #tpu.memory_space<vmem>>
          %dma_wait3A_168 = tpu.memref_squeeze %dma_wait3A_167 : memref<1x128xi32, #tpu.memory_space<vmem>> -> memref<128xi32, #tpu.memory_space<vmem>>
          %dma_wait3A_169 = arith.constant 0 : i32
          %dma_wait3A_170 = arith.constant 0 : i32
          %dma_wait3A_171 = tpu.memref_slice %arg2[%dma_wait3A_169, %dma_wait3A_170] : memref<10000x128xf32, #tpu.memory_space<hbm>> -> memref<10000x128xf32, #tpu.memory_space<hbm>>
          tpu.wait_indirect_dma semaphore(%arg10 : memref<!tpu.dma_semaphore, #tpu.memory_space<semaphore_mem>>) src(%dma_wait3A_171 : memref<10000x128xf32, #tpu.memory_space<hbm>>) dst(%dma_wait3A_165 : memref<128x128xf32, #tpu.memory_space<vmem>>)
          %dma_wait3A_172 = arith.constant 0 : i32
          %dma_wait3A_173 = arith.constant 0 : i32
          %dma_wait3A_174 = arith.constant 0 : i32
          %dma_wait3A_175 = arith.constant 0 : i32
          %dma_wait3A_176 = tpu.memref_slice %arg8[%dma_wait3A_172, %dma_wait3A_174, %dma_wait3A_175] : memref<2x128x128xf32, #tpu.memory_space<vmem>> -> memref<1x128x128xf32, #tpu.memory_space<vmem>>
          %dma_wait3A_177 = tpu.memref_squeeze %dma_wait3A_176 : memref<1x128x128xf32, #tpu.memory_space<vmem>> -> memref<128x128xf32, #tpu.memory_space<vmem>>
          %dma_wait3A_178 = arith.constant 0 : i32
          %dma_wait3A_179 = tpu.memref_slice %arg7[%dma_wait3A_173, %dma_wait3A_178] : memref<40x128xi32, #tpu.memory_space<vmem>> -> memref<1x128xi32, #tpu.memory_space<vmem>>
          %dma_wait3A_180 = tpu.memref_squeeze %dma_wait3A_179 : memref<1x128xi32, #tpu.memory_space<vmem>> -> memref<128xi32, #tpu.memory_space<vmem>>
          %dma_wait3A_181 = arith.constant 0 : i32
          %dma_wait3A_182 = arith.constant 0 : i32
          %dma_wait3A_183 = tpu.memref_slice %arg9[%dma_wait3A_181, %dma_wait3A_182] : memref<10112x128xf32, #tpu.memory_space<vmem_shared>> -> memref<10112x128xf32, #tpu.memory_space<vmem_shared>>
          tpu.wait_indirect_dma semaphore(%arg11 : memref<!tpu.dma_semaphore, #tpu.memory_space<semaphore_mem>>) src(%dma_wait3A_177 : memref<128x128xf32, #tpu.memory_space<vmem>>) dst(%dma_wait3A_183 : memref<10112x128xf32, #tpu.memory_space<vmem_shared>>)
          %add3A_184 = arith.constant 1 : i32
          %add3A_185 = arith.addi %add3A_159, %add3A_184 : i32
          %dma_start3A_186 = arith.constant 0 : i32
          %dma_start3A_187 = arith.constant 0 : i32
          %dma_start3A_188 = arith.constant 0 : i32
          %dma_start3A_189 = tpu.memref_slice %arg8[%dma_start3A_186, %dma_start3A_187, %dma_start3A_188] : memref<2x128x128xf32, #tpu.memory_space<vmem>> -> memref<1x128x128xf32, #tpu.memory_space<vmem>>
          %dma_start3A_190 = tpu.memref_squeeze %dma_start3A_189 : memref<1x128x128xf32, #tpu.memory_space<vmem>> -> memref<128x128xf32, #tpu.memory_space<vmem>>
          %dma_start3A_191 = arith.constant 0 : i32
          %dma_start3A_192 = tpu.memref_slice %arg6[%add3A_185, %dma_start3A_191] : memref<40x128xi32, #tpu.memory_space<vmem>> -> memref<1x128xi32, #tpu.memory_space<vmem>>
          %dma_start3A_193 = tpu.memref_squeeze %dma_start3A_192 : memref<1x128xi32, #tpu.memory_space<vmem>> -> memref<128xi32, #tpu.memory_space<vmem>>
          %dma_start3A_194 = arith.constant 0 : i32
          %dma_start3A_195 = arith.constant 0 : i32
          %dma_start3A_196 = tpu.memref_slice %arg2[%dma_start3A_194, %dma_start3A_195] : memref<10000x128xf32, #tpu.memory_space<hbm>> -> memref<10000x128xf32, #tpu.memory_space<hbm>>
          tpu.enqueue_indirect_dma source(%dma_start3A_196 : memref<10000x128xf32, #tpu.memory_space<hbm>>) target(%dma_start3A_190 : memref<128x128xf32, #tpu.memory_space<vmem>>) offsets(%dma_start3A_193 : memref<128xi32, #tpu.memory_space<vmem>>) semaphore(%arg10 : memref<!tpu.dma_semaphore, #tpu.memory_space<semaphore_mem>>)
          %dma_start3A_197 = arith.constant 1 : i32
          %dma_start3A_198 = arith.constant 0 : i32
          %dma_start3A_199 = arith.constant 0 : i32
          %dma_start3A_200 = tpu.memref_slice %arg8[%dma_start3A_197, %dma_start3A_198, %dma_start3A_199] : memref<2x128x128xf32, #tpu.memory_space<vmem>> -> memref<1x128x128xf32, #tpu.memory_space<vmem>>
          %dma_start3A_201 = tpu.memref_squeeze %dma_start3A_200 : memref<1x128x128xf32, #tpu.memory_space<vmem>> -> memref<128x128xf32, #tpu.memory_space<vmem>>
          %dma_start3A_202 = arith.constant 0 : i32
          %dma_start3A_203 = tpu.memref_slice %arg7[%add3A_159, %dma_start3A_202] : memref<40x128xi32, #tpu.memory_space<vmem>> -> memref<1x128xi32, #tpu.memory_space<vmem>>
          %dma_start3A_204 = tpu.memref_squeeze %dma_start3A_203 : memref<1x128xi32, #tpu.memory_space<vmem>> -> memref<128xi32, #tpu.memory_space<vmem>>
          %dma_start3A_205 = arith.constant 0 : i32
          %dma_start3A_206 = arith.constant 0 : i32
          %dma_start3A_207 = tpu.memref_slice %arg9[%dma_start3A_205, %dma_start3A_206] : memref<10112x128xf32, #tpu.memory_space<vmem_shared>> -> memref<10112x128xf32, #tpu.memory_space<vmem_shared>>
          tpu.enqueue_indirect_dma source(%dma_start3A_201 : memref<128x128xf32, #tpu.memory_space<vmem>>) target(%dma_start3A_207 : memref<10112x128xf32, #tpu.memory_space<vmem_shared>>) offsets(%dma_start3A_204 : memref<128xi32, #tpu.memory_space<vmem>>) semaphore(%arg11 : memref<!tpu.dma_semaphore, #tpu.memory_space<semaphore_mem>>) {add = true}
          %dma_wait3A_208 = arith.constant 0 : i32
          %dma_wait3A_209 = arith.constant 0 : i32
          %dma_wait3A_210 = arith.constant 0 : i32
          %dma_wait3A_211 = arith.constant 0 : i32
          %dma_wait3A_212 = tpu.memref_slice %arg8[%dma_wait3A_209, %dma_wait3A_210, %dma_wait3A_211] : memref<2x128x128xf32, #tpu.memory_space<vmem>> -> memref<1x128x128xf32, #tpu.memory_space<vmem>>
          %dma_wait3A_213 = tpu.memref_squeeze %dma_wait3A_212 : memref<1x128x128xf32, #tpu.memory_space<vmem>> -> memref<128x128xf32, #tpu.memory_space<vmem>>
          %dma_wait3A_214 = arith.constant 0 : i32
          %dma_wait3A_215 = tpu.memref_slice %arg6[%dma_wait3A_208, %dma_wait3A_214] : memref<40x128xi32, #tpu.memory_space<vmem>> -> memref<1x128xi32, #tpu.memory_space<vmem>>
          %dma_wait3A_216 = tpu.memref_squeeze %dma_wait3A_215 : memref<1x128xi32, #tpu.memory_space<vmem>> -> memref<128xi32, #tpu.memory_space<vmem>>
          %dma_wait3A_217 = arith.constant 0 : i32
          %dma_wait3A_218 = arith.constant 0 : i32
          %dma_wait3A_219 = tpu.memref_slice %arg2[%dma_wait3A_217, %dma_wait3A_218] : memref<10000x128xf32, #tpu.memory_space<hbm>> -> memref<10000x128xf32, #tpu.memory_space<hbm>>
          tpu.wait_indirect_dma semaphore(%arg10 : memref<!tpu.dma_semaphore, #tpu.memory_space<semaphore_mem>>) src(%dma_wait3A_219 : memref<10000x128xf32, #tpu.memory_space<hbm>>) dst(%dma_wait3A_213 : memref<128x128xf32, #tpu.memory_space<vmem>>)
          %dma_wait3A_220 = arith.constant 0 : i32
          %dma_wait3A_221 = arith.constant 0 : i32
          %dma_wait3A_222 = arith.constant 0 : i32
          %dma_wait3A_223 = arith.constant 0 : i32
          %dma_wait3A_224 = tpu.memref_slice %arg8[%dma_wait3A_220, %dma_wait3A_222, %dma_wait3A_223] : memref<2x128x128xf32, #tpu.memory_space<vmem>> -> memref<1x128x128xf32, #tpu.memory_space<vmem>>
          %dma_wait3A_225 = tpu.memref_squeeze %dma_wait3A_224 : memref<1x128x128xf32, #tpu.memory_space<vmem>> -> memref<128x128xf32, #tpu.memory_space<vmem>>
          %dma_wait3A_226 = arith.constant 0 : i32
          %dma_wait3A_227 = tpu.memref_slice %arg7[%dma_wait3A_221, %dma_wait3A_226] : memref<40x128xi32, #tpu.memory_space<vmem>> -> memref<1x128xi32, #tpu.memory_space<vmem>>
          %dma_wait3A_228 = tpu.memref_squeeze %dma_wait3A_227 : memref<1x128xi32, #tpu.memory_space<vmem>> -> memref<128xi32, #tpu.memory_space<vmem>>
          %dma_wait3A_229 = arith.constant 0 : i32
          %dma_wait3A_230 = arith.constant 0 : i32
          %dma_wait3A_231 = tpu.memref_slice %arg9[%dma_wait3A_229, %dma_wait3A_230] : memref<10112x128xf32, #tpu.memory_space<vmem_shared>> -> memref<10112x128xf32, #tpu.memory_space<vmem_shared>>
          tpu.wait_indirect_dma semaphore(%arg11 : memref<!tpu.dma_semaphore, #tpu.memory_space<semaphore_mem>>) src(%dma_wait3A_225 : memref<128x128xf32, #tpu.memory_space<vmem>>) dst(%dma_wait3A_231 : memref<10112x128xf32, #tpu.memory_space<vmem_shared>>)
          %add3A_232 = arith.constant 2 : i32
          %add3A_233 = arith.addi %add3A_159, %add3A_232 : i32
          %dma_start3A_234 = arith.constant 1 : i32
          %dma_start3A_235 = arith.constant 0 : i32
          %dma_start3A_236 = arith.constant 0 : i32
          %dma_start3A_237 = tpu.memref_slice %arg8[%dma_start3A_234, %dma_start3A_235, %dma_start3A_236] : memref<2x128x128xf32, #tpu.memory_space<vmem>> -> memref<1x128x128xf32, #tpu.memory_space<vmem>>
          %dma_start3A_238 = tpu.memref_squeeze %dma_start3A_237 : memref<1x128x128xf32, #tpu.memory_space<vmem>> -> memref<128x128xf32, #tpu.memory_space<vmem>>
          %dma_start3A_239 = arith.constant 0 : i32
          %dma_start3A_240 = tpu.memref_slice %arg6[%add3A_233, %dma_start3A_239] : memref<40x128xi32, #tpu.memory_space<vmem>> -> memref<1x128xi32, #tpu.memory_space<vmem>>
          %dma_start3A_241 = tpu.memref_squeeze %dma_start3A_240 : memref<1x128xi32, #tpu.memory_space<vmem>> -> memref<128xi32, #tpu.memory_space<vmem>>
          %dma_start3A_242 = arith.constant 0 : i32
          %dma_start3A_243 = arith.constant 0 : i32
          %dma_start3A_244 = tpu.memref_slice %arg2[%dma_start3A_242, %dma_start3A_243] : memref<10000x128xf32, #tpu.memory_space<hbm>> -> memref<10000x128xf32, #tpu.memory_space<hbm>>
          tpu.enqueue_indirect_dma source(%dma_start3A_244 : memref<10000x128xf32, #tpu.memory_space<hbm>>) target(%dma_start3A_238 : memref<128x128xf32, #tpu.memory_space<vmem>>) offsets(%dma_start3A_241 : memref<128xi32, #tpu.memory_space<vmem>>) semaphore(%arg10 : memref<!tpu.dma_semaphore, #tpu.memory_space<semaphore_mem>>)
          %add3A_245 = arith.constant 1 : i32
          %add3A_246 = arith.addi %add3A_159, %add3A_245 : i32
          %dma_start3A_247 = arith.constant 0 : i32
          %dma_start3A_248 = arith.constant 0 : i32
          %dma_start3A_249 = arith.constant 0 : i32
          %dma_start3A_250 = tpu.memref_slice %arg8[%dma_start3A_247, %dma_start3A_248, %dma_start3A_249] : memref<2x128x128xf32, #tpu.memory_space<vmem>> -> memref<1x128x128xf32, #tpu.memory_space<vmem>>
          %dma_start3A_251 = tpu.memref_squeeze %dma_start3A_250 : memref<1x128x128xf32, #tpu.memory_space<vmem>> -> memref<128x128xf32, #tpu.memory_space<vmem>>
          %dma_start3A_252 = arith.constant 0 : i32
          %dma_start3A_253 = tpu.memref_slice %arg7[%add3A_246, %dma_start3A_252] : memref<40x128xi32, #tpu.memory_space<vmem>> -> memref<1x128xi32, #tpu.memory_space<vmem>>
          %dma_start3A_254 = tpu.memref_squeeze %dma_start3A_253 : memref<1x128xi32, #tpu.memory_space<vmem>> -> memref<128xi32, #tpu.memory_space<vmem>>
          %dma_start3A_255 = arith.constant 0 : i32
          %dma_start3A_256 = arith.constant 0 : i32
          %dma_start3A_257 = tpu.memref_slice %arg9[%dma_start3A_255, %dma_start3A_256] : memref<10112x128xf32, #tpu.memory_space<vmem_shared>> -> memref<10112x128xf32, #tpu.memory_space<vmem_shared>>
          tpu.enqueue_indirect_dma source(%dma_start3A_251 : memref<128x128xf32, #tpu.memory_space<vmem>>) target(%dma_start3A_257 : memref<10112x128xf32, #tpu.memory_space<vmem_shared>>) offsets(%dma_start3A_254 : memref<128xi32, #tpu.memory_space<vmem>>) semaphore(%arg11 : memref<!tpu.dma_semaphore, #tpu.memory_space<semaphore_mem>>) {add = true}
        }
        %scan3A_106 = arith.constant 19 : i32
        %dma_wait3A_107 = arith.constant 0 : i32
        %dma_wait3A_108 = arith.constant 0 : i32
        %dma_wait3A_109 = arith.constant 0 : i32
        %dma_wait3A_110 = arith.constant 0 : i32
        %dma_wait3A_111 = tpu.memref_slice %arg8[%dma_wait3A_108, %dma_wait3A_109, %dma_wait3A_110] : memref<2x128x128xf32, #tpu.memory_space<vmem>> -> memref<1x128x128xf32, #tpu.memory_space<vmem>>
        %dma_wait3A_112 = tpu.memref_squeeze %dma_wait3A_111 : memref<1x128x128xf32, #tpu.memory_space<vmem>> -> memref<128x128xf32, #tpu.memory_space<vmem>>
        %dma_wait3A_113 = arith.constant 0 : i32
        %dma_wait3A_114 = tpu.memref_slice %arg6[%dma_wait3A_107, %dma_wait3A_113] : memref<40x128xi32, #tpu.memory_space<vmem>> -> memref<1x128xi32, #tpu.memory_space<vmem>>
        %dma_wait3A_115 = tpu.memref_squeeze %dma_wait3A_114 : memref<1x128xi32, #tpu.memory_space<vmem>> -> memref<128xi32, #tpu.memory_space<vmem>>
        %dma_wait3A_116 = arith.constant 0 : i32
        %dma_wait3A_117 = arith.constant 0 : i32
        %dma_wait3A_118 = tpu.memref_slice %arg2[%dma_wait3A_116, %dma_wait3A_117] : memref<10000x128xf32, #tpu.memory_space<hbm>> -> memref<10000x128xf32, #tpu.memory_space<hbm>>
        tpu.wait_indirect_dma semaphore(%arg10 : memref<!tpu.dma_semaphore, #tpu.memory_space<semaphore_mem>>) src(%dma_wait3A_118 : memref<10000x128xf32, #tpu.memory_space<hbm>>) dst(%dma_wait3A_112 : memref<128x128xf32, #tpu.memory_space<vmem>>)
        %dma_wait3A_119 = arith.constant 0 : i32
        %dma_wait3A_120 = arith.constant 0 : i32
        %dma_wait3A_121 = arith.constant 0 : i32
        %dma_wait3A_122 = arith.constant 0 : i32
        %dma_wait3A_123 = tpu.memref_slice %arg8[%dma_wait3A_119, %dma_wait3A_121, %dma_wait3A_122] : memref<2x128x128xf32, #tpu.memory_space<vmem>> -> memref<1x128x128xf32, #tpu.memory_space<vmem>>
        %dma_wait3A_124 = tpu.memref_squeeze %dma_wait3A_123 : memref<1x128x128xf32, #tpu.memory_space<vmem>> -> memref<128x128xf32, #tpu.memory_space<vmem>>
        %dma_wait3A_125 = arith.constant 0 : i32
        %dma_wait3A_126 = tpu.memref_slice %arg7[%dma_wait3A_120, %dma_wait3A_125] : memref<40x128xi32, #tpu.memory_space<vmem>> -> memref<1x128xi32, #tpu.memory_space<vmem>>
        %dma_wait3A_127 = tpu.memref_squeeze %dma_wait3A_126 : memref<1x128xi32, #tpu.memory_space<vmem>> -> memref<128xi32, #tpu.memory_space<vmem>>
        %dma_wait3A_128 = arith.constant 0 : i32
        %dma_wait3A_129 = arith.constant 0 : i32
        %dma_wait3A_130 = tpu.memref_slice %arg9[%dma_wait3A_128, %dma_wait3A_129] : memref<10112x128xf32, #tpu.memory_space<vmem_shared>> -> memref<10112x128xf32, #tpu.memory_space<vmem_shared>>
        tpu.wait_indirect_dma semaphore(%arg11 : memref<!tpu.dma_semaphore, #tpu.memory_space<semaphore_mem>>) src(%dma_wait3A_124 : memref<128x128xf32, #tpu.memory_space<vmem>>) dst(%dma_wait3A_130 : memref<10112x128xf32, #tpu.memory_space<vmem_shared>>)
        %dma_start3A_131 = arith.constant 1 : i32
        %dma_start3A_132 = arith.constant 39 : i32
        %dma_start3A_133 = arith.constant 0 : i32
        %dma_start3A_134 = arith.constant 0 : i32
        %dma_start3A_135 = tpu.memref_slice %arg8[%dma_start3A_131, %dma_start3A_133, %dma_start3A_134] : memref<2x128x128xf32, #tpu.memory_space<vmem>> -> memref<1x128x128xf32, #tpu.memory_space<vmem>>
        %dma_start3A_136 = tpu.memref_squeeze %dma_start3A_135 : memref<1x128x128xf32, #tpu.memory_space<vmem>> -> memref<128x128xf32, #tpu.memory_space<vmem>>
        %dma_start3A_137 = arith.constant 0 : i32
        %dma_start3A_138 = tpu.memref_slice %arg7[%dma_start3A_132, %dma_start3A_137] : memref<40x128xi32, #tpu.memory_space<vmem>> -> memref<1x128xi32, #tpu.memory_space<vmem>>
        %dma_start3A_139 = tpu.memref_squeeze %dma_start3A_138 : memref<1x128xi32, #tpu.memory_space<vmem>> -> memref<128xi32, #tpu.memory_space<vmem>>
        %dma_start3A_140 = arith.constant 0 : i32
        %dma_start3A_141 = arith.constant 0 : i32
        %dma_start3A_142 = tpu.memref_slice %arg9[%dma_start3A_140, %dma_start3A_141] : memref<10112x128xf32, #tpu.memory_space<vmem_shared>> -> memref<10112x128xf32, #tpu.memory_space<vmem_shared>>
        tpu.enqueue_indirect_dma source(%dma_start3A_136 : memref<128x128xf32, #tpu.memory_space<vmem>>) target(%dma_start3A_142 : memref<10112x128xf32, #tpu.memory_space<vmem_shared>>) offsets(%dma_start3A_139 : memref<128xi32, #tpu.memory_space<vmem>>) semaphore(%arg11 : memref<!tpu.dma_semaphore, #tpu.memory_space<semaphore_mem>>) {add = true}
        %dma_wait3A_143 = arith.constant 0 : i32
        %dma_wait3A_144 = arith.constant 0 : i32
        %dma_wait3A_145 = arith.constant 0 : i32
        %dma_wait3A_146 = arith.constant 0 : i32
        %dma_wait3A_147 = tpu.memref_slice %arg8[%dma_wait3A_143, %dma_wait3A_145, %dma_wait3A_146] : memref<2x128x128xf32, #tpu.memory_space<vmem>> -> memref<1x128x128xf32, #tpu.memory_space<vmem>>
        %dma_wait3A_148 = tpu.memref_squeeze %dma_wait3A_147 : memref<1x128x128xf32, #tpu.memory_space<vmem>> -> memref<128x128xf32, #tpu.memory_space<vmem>>
        %dma_wait3A_149 = arith.constant 0 : i32
        %dma_wait3A_150 = tpu.memref_slice %arg7[%dma_wait3A_144, %dma_wait3A_149] : memref<40x128xi32, #tpu.memory_space<vmem>> -> memref<1x128xi32, #tpu.memory_space<vmem>>
        %dma_wait3A_151 = tpu.memref_squeeze %dma_wait3A_150 : memref<1x128xi32, #tpu.memory_space<vmem>> -> memref<128xi32, #tpu.memory_space<vmem>>
        %dma_wait3A_152 = arith.constant 0 : i32
        %dma_wait3A_153 = arith.constant 0 : i32
        %dma_wait3A_154 = tpu.memref_slice %arg9[%dma_wait3A_152, %dma_wait3A_153] : memref<10112x128xf32, #tpu.memory_space<vmem_shared>> -> memref<10112x128xf32, #tpu.memory_space<vmem_shared>>
        tpu.wait_indirect_dma semaphore(%arg11 : memref<!tpu.dma_semaphore, #tpu.memory_space<semaphore_mem>>) src(%dma_wait3A_148 : memref<128x128xf32, #tpu.memory_space<vmem>>) dst(%dma_wait3A_154 : memref<10112x128xf32, #tpu.memory_space<vmem_shared>>)
      } else {
      }
      %eq3A = arith.constant 2480 : i32
      %eq3A_51 = arith.cmpi eq, %add3A_44, %eq3A : i32
      %convert_element_type3A_52 = arith.extui %eq3A_51 : i1 to i32
      %cond3A_53 = arith.constant 0 : i32
      %cond3A_54 = arith.cmpi ne, %convert_element_type3A_52, %cond3A_53 : i32
      scf.if %cond3A_54 {
        "tpu.region"() ({
          %run_scoped3A_155 = tpu.sem_alloc : memref<!tpu.dma_semaphore, #tpu.memory_space<semaphore_mem>>
          %dma_start3A_156 = arith.constant 0 : i32
          %dma_start3A_157 = arith.constant 0 : i32
          %dma_start3A_158 = tpu.memref_slice %arg6[%dma_start3A_156, %dma_start3A_157] : memref<40x128xi32, #tpu.memory_space<vmem>> -> memref<24x128xi32, #tpu.memory_space<vmem>>
          %dma_start3A_159 = arith.constant 0 : i32
          %dma_start3A_160 = tpu.memref_slice %arg3[%add3A_44, %dma_start3A_159] : memref<2504x128xi32, #tpu.memory_space<hbm>> -> memref<24x128xi32, #tpu.memory_space<hbm>>
          %dma_start3A_161 = arith.constant 0 : i32
          %dma_start3A_162 = arith.constant 0 : i32
          %dma_start3A_163 = tpu.memref_slice %arg6[%dma_start3A_161, %dma_start3A_162] : memref<40x128xi32, #tpu.memory_space<vmem>> -> memref<24x128xi32, #tpu.memory_space<vmem>>
          %dma_start3A_164 = arith.constant 0 : i32
          %dma_start3A_165 = tpu.memref_slice %arg3[%add3A_44, %dma_start3A_164] : memref<2504x128xi32, #tpu.memory_space<hbm>> -> memref<24x128xi32, #tpu.memory_space<hbm>>
          tpu.enqueue_dma source(%dma_start3A_165 : memref<24x128xi32, #tpu.memory_space<hbm>>) target(%dma_start3A_163 : memref<24x128xi32, #tpu.memory_space<vmem>>) target_semaphore(%run_scoped3A_155 : memref<!tpu.dma_semaphore, #tpu.memory_space<semaphore_mem>>)
          %dma_wait3A_166 = arith.constant 0 : i32
          %dma_wait3A_167 = arith.constant 0 : i32
          %dma_wait3A_168 = tpu.memref_slice %arg6[%dma_wait3A_166, %dma_wait3A_167] : memref<40x128xi32, #tpu.memory_space<vmem>> -> memref<24x128xi32, #tpu.memory_space<vmem>>
          %dma_wait3A_169 = arith.constant 0 : i32
          %dma_wait3A_170 = tpu.memref_slice %arg3[%add3A_44, %dma_wait3A_169] : memref<2504x128xi32, #tpu.memory_space<hbm>> -> memref<24x128xi32, #tpu.memory_space<hbm>>
          %dma_wait3A_171 = arith.constant 0 : i32
          %dma_wait3A_172 = arith.constant 0 : i32
          %dma_wait3A_173 = tpu.memref_slice %arg6[%dma_wait3A_171, %dma_wait3A_172] : memref<40x128xi32, #tpu.memory_space<vmem>> -> memref<24x128xi32, #tpu.memory_space<vmem>>
          %dma_wait3A_174 = arith.constant 0 : i32
          %dma_wait3A_175 = tpu.memref_slice %arg3[%add3A_44, %dma_wait3A_174] : memref<2504x128xi32, #tpu.memory_space<hbm>> -> memref<24x128xi32, #tpu.memory_space<hbm>>
          tpu.wait_dma2 semaphore(%run_scoped3A_155 : memref<!tpu.dma_semaphore, #tpu.memory_space<semaphore_mem>>) src(%dma_wait3A_175 : memref<24x128xi32, #tpu.memory_space<hbm>>) dst(%dma_wait3A_173 : memref<24x128xi32, #tpu.memory_space<vmem>>)
          tpu.yield
        }) : () -> ()
        "tpu.region"() ({
          %run_scoped3A_155 = tpu.sem_alloc : memref<!tpu.dma_semaphore, #tpu.memory_space<semaphore_mem>>
          %dma_start3A_156 = arith.constant 0 : i32
          %dma_start3A_157 = arith.constant 0 : i32
          %dma_start3A_158 = tpu.memref_slice %arg7[%dma_start3A_156, %dma_start3A_157] : memref<40x128xi32, #tpu.memory_space<vmem>> -> memref<24x128xi32, #tpu.memory_space<vmem>>
          %dma_start3A_159 = arith.constant 0 : i32
          %dma_start3A_160 = tpu.memref_slice %arg4[%add3A_44, %dma_start3A_159] : memref<2504x128xi32, #tpu.memory_space<hbm>> -> memref<24x128xi32, #tpu.memory_space<hbm>>
          %dma_start3A_161 = arith.constant 0 : i32
          %dma_start3A_162 = arith.constant 0 : i32
          %dma_start3A_163 = tpu.memref_slice %arg7[%dma_start3A_161, %dma_start3A_162] : memref<40x128xi32, #tpu.memory_space<vmem>> -> memref<24x128xi32, #tpu.memory_space<vmem>>
          %dma_start3A_164 = arith.constant 0 : i32
          %dma_start3A_165 = tpu.memref_slice %arg4[%add3A_44, %dma_start3A_164] : memref<2504x128xi32, #tpu.memory_space<hbm>> -> memref<24x128xi32, #tpu.memory_space<hbm>>
          tpu.enqueue_dma source(%dma_start3A_165 : memref<24x128xi32, #tpu.memory_space<hbm>>) target(%dma_start3A_163 : memref<24x128xi32, #tpu.memory_space<vmem>>) target_semaphore(%run_scoped3A_155 : memref<!tpu.dma_semaphore, #tpu.memory_space<semaphore_mem>>)
          %dma_wait3A_166 = arith.constant 0 : i32
          %dma_wait3A_167 = arith.constant 0 : i32
          %dma_wait3A_168 = tpu.memref_slice %arg7[%dma_wait3A_166, %dma_wait3A_167] : memref<40x128xi32, #tpu.memory_space<vmem>> -> memref<24x128xi32, #tpu.memory_space<vmem>>
          %dma_wait3A_169 = arith.constant 0 : i32
          %dma_wait3A_170 = tpu.memref_slice %arg4[%add3A_44, %dma_wait3A_169] : memref<2504x128xi32, #tpu.memory_space<hbm>> -> memref<24x128xi32, #tpu.memory_space<hbm>>
          %dma_wait3A_171 = arith.constant 0 : i32
          %dma_wait3A_172 = arith.constant 0 : i32
          %dma_wait3A_173 = tpu.memref_slice %arg7[%dma_wait3A_171, %dma_wait3A_172] : memref<40x128xi32, #tpu.memory_space<vmem>> -> memref<24x128xi32, #tpu.memory_space<vmem>>
          %dma_wait3A_174 = arith.constant 0 : i32
          %dma_wait3A_175 = tpu.memref_slice %arg4[%add3A_44, %dma_wait3A_174] : memref<2504x128xi32, #tpu.memory_space<hbm>> -> memref<24x128xi32, #tpu.memory_space<hbm>>
          tpu.wait_dma2 semaphore(%run_scoped3A_155 : memref<!tpu.dma_semaphore, #tpu.memory_space<semaphore_mem>>) src(%dma_wait3A_175 : memref<24x128xi32, #tpu.memory_space<hbm>>) dst(%dma_wait3A_173 : memref<24x128xi32, #tpu.memory_space<vmem>>)
          tpu.yield
        }) : () -> ()
        %dma_start3A = arith.constant 0 : i32
        %dma_start3A_55 = arith.constant 0 : i32
        %dma_start3A_56 = arith.constant 0 : i32
        %dma_start3A_57 = arith.constant 0 : i32
        %dma_start3A_58 = tpu.memref_slice %arg8[%dma_start3A_55, %dma_start3A_56, %dma_start3A_57] : memref<2x128x128xf32, #tpu.memory_space<vmem>> -> memref<1x128x128xf32, #tpu.memory_space<vmem>>
        %dma_start3A_59 = tpu.memref_squeeze %dma_start3A_58 : memref<1x128x128xf32, #tpu.memory_space<vmem>> -> memref<128x128xf32, #tpu.memory_space<vmem>>
        %dma_start3A_60 = arith.constant 0 : i32
        %dma_start3A_61 = tpu.memref_slice %arg6[%dma_start3A, %dma_start3A_60] : memref<40x128xi32, #tpu.memory_space<vmem>> -> memref<1x128xi32, #tpu.memory_space<vmem>>
        %dma_start3A_62 = tpu.memref_squeeze %dma_start3A_61 : memref<1x128xi32, #tpu.memory_space<vmem>> -> memref<128xi32, #tpu.memory_space<vmem>>
        %dma_start3A_63 = arith.constant 0 : i32
        %dma_start3A_64 = arith.constant 0 : i32
        %dma_start3A_65 = tpu.memref_slice %arg2[%dma_start3A_63, %dma_start3A_64] : memref<10000x128xf32, #tpu.memory_space<hbm>> -> memref<10000x128xf32, #tpu.memory_space<hbm>>
        tpu.enqueue_indirect_dma source(%dma_start3A_65 : memref<10000x128xf32, #tpu.memory_space<hbm>>) target(%dma_start3A_59 : memref<128x128xf32, #tpu.memory_space<vmem>>) offsets(%dma_start3A_62 : memref<128xi32, #tpu.memory_space<vmem>>) semaphore(%arg10 : memref<!tpu.dma_semaphore, #tpu.memory_space<semaphore_mem>>)
        %dma_wait3A = arith.constant 0 : i32
        %dma_wait3A_66 = arith.constant 0 : i32
        %dma_wait3A_67 = arith.constant 0 : i32
        %dma_wait3A_68 = arith.constant 0 : i32
        %dma_wait3A_69 = tpu.memref_slice %arg8[%dma_wait3A_66, %dma_wait3A_67, %dma_wait3A_68] : memref<2x128x128xf32, #tpu.memory_space<vmem>> -> memref<1x128x128xf32, #tpu.memory_space<vmem>>
        %dma_wait3A_70 = tpu.memref_squeeze %dma_wait3A_69 : memref<1x128x128xf32, #tpu.memory_space<vmem>> -> memref<128x128xf32, #tpu.memory_space<vmem>>
        %dma_wait3A_71 = arith.constant 0 : i32
        %dma_wait3A_72 = tpu.memref_slice %arg6[%dma_wait3A, %dma_wait3A_71] : memref<40x128xi32, #tpu.memory_space<vmem>> -> memref<1x128xi32, #tpu.memory_space<vmem>>
        %dma_wait3A_73 = tpu.memref_squeeze %dma_wait3A_72 : memref<1x128xi32, #tpu.memory_space<vmem>> -> memref<128xi32, #tpu.memory_space<vmem>>
        %dma_wait3A_74 = arith.constant 0 : i32
        %dma_wait3A_75 = arith.constant 0 : i32
        %dma_wait3A_76 = tpu.memref_slice %arg2[%dma_wait3A_74, %dma_wait3A_75] : memref<10000x128xf32, #tpu.memory_space<hbm>> -> memref<10000x128xf32, #tpu.memory_space<hbm>>
        tpu.wait_indirect_dma semaphore(%arg10 : memref<!tpu.dma_semaphore, #tpu.memory_space<semaphore_mem>>) src(%dma_wait3A_76 : memref<10000x128xf32, #tpu.memory_space<hbm>>) dst(%dma_wait3A_70 : memref<128x128xf32, #tpu.memory_space<vmem>>)
        %dma_start3A_77 = arith.constant 1 : i32
        %dma_start3A_78 = arith.constant 1 : i32
        %dma_start3A_79 = arith.constant 0 : i32
        %dma_start3A_80 = arith.constant 0 : i32
        %dma_start3A_81 = tpu.memref_slice %arg8[%dma_start3A_78, %dma_start3A_79, %dma_start3A_80] : memref<2x128x128xf32, #tpu.memory_space<vmem>> -> memref<1x128x128xf32, #tpu.memory_space<vmem>>
        %dma_start3A_82 = tpu.memref_squeeze %dma_start3A_81 : memref<1x128x128xf32, #tpu.memory_space<vmem>> -> memref<128x128xf32, #tpu.memory_space<vmem>>
        %dma_start3A_83 = arith.constant 0 : i32
        %dma_start3A_84 = tpu.memref_slice %arg6[%dma_start3A_77, %dma_start3A_83] : memref<40x128xi32, #tpu.memory_space<vmem>> -> memref<1x128xi32, #tpu.memory_space<vmem>>
        %dma_start3A_85 = tpu.memref_squeeze %dma_start3A_84 : memref<1x128xi32, #tpu.memory_space<vmem>> -> memref<128xi32, #tpu.memory_space<vmem>>
        %dma_start3A_86 = arith.constant 0 : i32
        %dma_start3A_87 = arith.constant 0 : i32
        %dma_start3A_88 = tpu.memref_slice %arg2[%dma_start3A_86, %dma_start3A_87] : memref<10000x128xf32, #tpu.memory_space<hbm>> -> memref<10000x128xf32, #tpu.memory_space<hbm>>
        tpu.enqueue_indirect_dma source(%dma_start3A_88 : memref<10000x128xf32, #tpu.memory_space<hbm>>) target(%dma_start3A_82 : memref<128x128xf32, #tpu.memory_space<vmem>>) offsets(%dma_start3A_85 : memref<128xi32, #tpu.memory_space<vmem>>) semaphore(%arg10 : memref<!tpu.dma_semaphore, #tpu.memory_space<semaphore_mem>>)
        %dma_start3A_89 = arith.constant 0 : i32
        %dma_start3A_90 = arith.constant 0 : i32
        %dma_start3A_91 = arith.constant 0 : i32
        %dma_start3A_92 = arith.constant 0 : i32
        %dma_start3A_93 = tpu.memref_slice %arg8[%dma_start3A_89, %dma_start3A_91, %dma_start3A_92] : memref<2x128x128xf32, #tpu.memory_space<vmem>> -> memref<1x128x128xf32, #tpu.memory_space<vmem>>
        %dma_start3A_94 = tpu.memref_squeeze %dma_start3A_93 : memref<1x128x128xf32, #tpu.memory_space<vmem>> -> memref<128x128xf32, #tpu.memory_space<vmem>>
        %dma_start3A_95 = arith.constant 0 : i32
        %dma_start3A_96 = tpu.memref_slice %arg7[%dma_start3A_90, %dma_start3A_95] : memref<40x128xi32, #tpu.memory_space<vmem>> -> memref<1x128xi32, #tpu.memory_space<vmem>>
        %dma_start3A_97 = tpu.memref_squeeze %dma_start3A_96 : memref<1x128xi32, #tpu.memory_space<vmem>> -> memref<128xi32, #tpu.memory_space<vmem>>
        %dma_start3A_98 = arith.constant 0 : i32
        %dma_start3A_99 = arith.constant 0 : i32
        %dma_start3A_100 = tpu.memref_slice %arg9[%dma_start3A_98, %dma_start3A_99] : memref<10112x128xf32, #tpu.memory_space<vmem_shared>> -> memref<10112x128xf32, #tpu.memory_space<vmem_shared>>
        tpu.enqueue_indirect_dma source(%dma_start3A_94 : memref<128x128xf32, #tpu.memory_space<vmem>>) target(%dma_start3A_100 : memref<10112x128xf32, #tpu.memory_space<vmem_shared>>) offsets(%dma_start3A_97 : memref<128xi32, #tpu.memory_space<vmem>>) semaphore(%arg11 : memref<!tpu.dma_semaphore, #tpu.memory_space<semaphore_mem>>) {add = true}
        %scan3A_101 = arith.constant 0 : i32
        %scan3A_102 = arith.constant 0 : i32
        %scan3A_103 = arith.constant 11 : i32
        %scan3A_104 = arith.addi %scan3A_102, %scan3A_103 : i32
        %scan3A_105 = arith.constant 1 : i32
        scf.for %scan3A_155 = %scan3A_102 to %scan3A_104 step %scan3A_105  : i32 {
          %mul3A_156 = arith.constant 2 : i32
          %mul3A_157 = arith.muli %mul3A_156, %scan3A_155 : i32
          %add3A_158 = arith.constant 1 : i32
          %add3A_159 = arith.addi %mul3A_157, %add3A_158 : i32
          %dma_wait3A_160 = arith.constant 0 : i32
          %dma_wait3A_161 = arith.constant 0 : i32
          %dma_wait3A_162 = arith.constant 0 : i32
          %dma_wait3A_163 = arith.constant 0 : i32
          %dma_wait3A_164 = tpu.memref_slice %arg8[%dma_wait3A_161, %dma_wait3A_162, %dma_wait3A_163] : memref<2x128x128xf32, #tpu.memory_space<vmem>> -> memref<1x128x128xf32, #tpu.memory_space<vmem>>
          %dma_wait3A_165 = tpu.memref_squeeze %dma_wait3A_164 : memref<1x128x128xf32, #tpu.memory_space<vmem>> -> memref<128x128xf32, #tpu.memory_space<vmem>>
          %dma_wait3A_166 = arith.constant 0 : i32
          %dma_wait3A_167 = tpu.memref_slice %arg6[%dma_wait3A_160, %dma_wait3A_166] : memref<40x128xi32, #tpu.memory_space<vmem>> -> memref<1x128xi32, #tpu.memory_space<vmem>>
          %dma_wait3A_168 = tpu.memref_squeeze %dma_wait3A_167 : memref<1x128xi32, #tpu.memory_space<vmem>> -> memref<128xi32, #tpu.memory_space<vmem>>
          %dma_wait3A_169 = arith.constant 0 : i32
          %dma_wait3A_170 = arith.constant 0 : i32
          %dma_wait3A_171 = tpu.memref_slice %arg2[%dma_wait3A_169, %dma_wait3A_170] : memref<10000x128xf32, #tpu.memory_space<hbm>> -> memref<10000x128xf32, #tpu.memory_space<hbm>>
          tpu.wait_indirect_dma semaphore(%arg10 : memref<!tpu.dma_semaphore, #tpu.memory_space<semaphore_mem>>) src(%dma_wait3A_171 : memref<10000x128xf32, #tpu.memory_space<hbm>>) dst(%dma_wait3A_165 : memref<128x128xf32, #tpu.memory_space<vmem>>)
          %dma_wait3A_172 = arith.constant 0 : i32
          %dma_wait3A_173 = arith.constant 0 : i32
          %dma_wait3A_174 = arith.constant 0 : i32
          %dma_wait3A_175 = arith.constant 0 : i32
          %dma_wait3A_176 = tpu.memref_slice %arg8[%dma_wait3A_172, %dma_wait3A_174, %dma_wait3A_175] : memref<2x128x128xf32, #tpu.memory_space<vmem>> -> memref<1x128x128xf32, #tpu.memory_space<vmem>>
          %dma_wait3A_177 = tpu.memref_squeeze %dma_wait3A_176 : memref<1x128x128xf32, #tpu.memory_space<vmem>> -> memref<128x128xf32, #tpu.memory_space<vmem>>
          %dma_wait3A_178 = arith.constant 0 : i32
          %dma_wait3A_179 = tpu.memref_slice %arg7[%dma_wait3A_173, %dma_wait3A_178] : memref<40x128xi32, #tpu.memory_space<vmem>> -> memref<1x128xi32, #tpu.memory_space<vmem>>
          %dma_wait3A_180 = tpu.memref_squeeze %dma_wait3A_179 : memref<1x128xi32, #tpu.memory_space<vmem>> -> memref<128xi32, #tpu.memory_space<vmem>>
          %dma_wait3A_181 = arith.constant 0 : i32
          %dma_wait3A_182 = arith.constant 0 : i32
          %dma_wait3A_183 = tpu.memref_slice %arg9[%dma_wait3A_181, %dma_wait3A_182] : memref<10112x128xf32, #tpu.memory_space<vmem_shared>> -> memref<10112x128xf32, #tpu.memory_space<vmem_shared>>
          tpu.wait_indirect_dma semaphore(%arg11 : memref<!tpu.dma_semaphore, #tpu.memory_space<semaphore_mem>>) src(%dma_wait3A_177 : memref<128x128xf32, #tpu.memory_space<vmem>>) dst(%dma_wait3A_183 : memref<10112x128xf32, #tpu.memory_space<vmem_shared>>)
          %add3A_184 = arith.constant 1 : i32
          %add3A_185 = arith.addi %add3A_159, %add3A_184 : i32
          %dma_start3A_186 = arith.constant 0 : i32
          %dma_start3A_187 = arith.constant 0 : i32
          %dma_start3A_188 = arith.constant 0 : i32
          %dma_start3A_189 = tpu.memref_slice %arg8[%dma_start3A_186, %dma_start3A_187, %dma_start3A_188] : memref<2x128x128xf32, #tpu.memory_space<vmem>> -> memref<1x128x128xf32, #tpu.memory_space<vmem>>
          %dma_start3A_190 = tpu.memref_squeeze %dma_start3A_189 : memref<1x128x128xf32, #tpu.memory_space<vmem>> -> memref<128x128xf32, #tpu.memory_space<vmem>>
          %dma_start3A_191 = arith.constant 0 : i32
          %dma_start3A_192 = tpu.memref_slice %arg6[%add3A_185, %dma_start3A_191] : memref<40x128xi32, #tpu.memory_space<vmem>> -> memref<1x128xi32, #tpu.memory_space<vmem>>
          %dma_start3A_193 = tpu.memref_squeeze %dma_start3A_192 : memref<1x128xi32, #tpu.memory_space<vmem>> -> memref<128xi32, #tpu.memory_space<vmem>>
          %dma_start3A_194 = arith.constant 0 : i32
          %dma_start3A_195 = arith.constant 0 : i32
          %dma_start3A_196 = tpu.memref_slice %arg2[%dma_start3A_194, %dma_start3A_195] : memref<10000x128xf32, #tpu.memory_space<hbm>> -> memref<10000x128xf32, #tpu.memory_space<hbm>>
          tpu.enqueue_indirect_dma source(%dma_start3A_196 : memref<10000x128xf32, #tpu.memory_space<hbm>>) target(%dma_start3A_190 : memref<128x128xf32, #tpu.memory_space<vmem>>) offsets(%dma_start3A_193 : memref<128xi32, #tpu.memory_space<vmem>>) semaphore(%arg10 : memref<!tpu.dma_semaphore, #tpu.memory_space<semaphore_mem>>)
          %dma_start3A_197 = arith.constant 1 : i32
          %dma_start3A_198 = arith.constant 0 : i32
          %dma_start3A_199 = arith.constant 0 : i32
          %dma_start3A_200 = tpu.memref_slice %arg8[%dma_start3A_197, %dma_start3A_198, %dma_start3A_199] : memref<2x128x128xf32, #tpu.memory_space<vmem>> -> memref<1x128x128xf32, #tpu.memory_space<vmem>>
          %dma_start3A_201 = tpu.memref_squeeze %dma_start3A_200 : memref<1x128x128xf32, #tpu.memory_space<vmem>> -> memref<128x128xf32, #tpu.memory_space<vmem>>
          %dma_start3A_202 = arith.constant 0 : i32
          %dma_start3A_203 = tpu.memref_slice %arg7[%add3A_159, %dma_start3A_202] : memref<40x128xi32, #tpu.memory_space<vmem>> -> memref<1x128xi32, #tpu.memory_space<vmem>>
          %dma_start3A_204 = tpu.memref_squeeze %dma_start3A_203 : memref<1x128xi32, #tpu.memory_space<vmem>> -> memref<128xi32, #tpu.memory_space<vmem>>
          %dma_start3A_205 = arith.constant 0 : i32
          %dma_start3A_206 = arith.constant 0 : i32
          %dma_start3A_207 = tpu.memref_slice %arg9[%dma_start3A_205, %dma_start3A_206] : memref<10112x128xf32, #tpu.memory_space<vmem_shared>> -> memref<10112x128xf32, #tpu.memory_space<vmem_shared>>
          tpu.enqueue_indirect_dma source(%dma_start3A_201 : memref<128x128xf32, #tpu.memory_space<vmem>>) target(%dma_start3A_207 : memref<10112x128xf32, #tpu.memory_space<vmem_shared>>) offsets(%dma_start3A_204 : memref<128xi32, #tpu.memory_space<vmem>>) semaphore(%arg11 : memref<!tpu.dma_semaphore, #tpu.memory_space<semaphore_mem>>) {add = true}
          %dma_wait3A_208 = arith.constant 0 : i32
          %dma_wait3A_209 = arith.constant 0 : i32
          %dma_wait3A_210 = arith.constant 0 : i32
          %dma_wait3A_211 = arith.constant 0 : i32
          %dma_wait3A_212 = tpu.memref_slice %arg8[%dma_wait3A_209, %dma_wait3A_210, %dma_wait3A_211] : memref<2x128x128xf32, #tpu.memory_space<vmem>> -> memref<1x128x128xf32, #tpu.memory_space<vmem>>
          %dma_wait3A_213 = tpu.memref_squeeze %dma_wait3A_212 : memref<1x128x128xf32, #tpu.memory_space<vmem>> -> memref<128x128xf32, #tpu.memory_space<vmem>>
          %dma_wait3A_214 = arith.constant 0 : i32
          %dma_wait3A_215 = tpu.memref_slice %arg6[%dma_wait3A_208, %dma_wait3A_214] : memref<40x128xi32, #tpu.memory_space<vmem>> -> memref<1x128xi32, #tpu.memory_space<vmem>>
          %dma_wait3A_216 = tpu.memref_squeeze %dma_wait3A_215 : memref<1x128xi32, #tpu.memory_space<vmem>> -> memref<128xi32, #tpu.memory_space<vmem>>
          %dma_wait3A_217 = arith.constant 0 : i32
          %dma_wait3A_218 = arith.constant 0 : i32
          %dma_wait3A_219 = tpu.memref_slice %arg2[%dma_wait3A_217, %dma_wait3A_218] : memref<10000x128xf32, #tpu.memory_space<hbm>> -> memref<10000x128xf32, #tpu.memory_space<hbm>>
          tpu.wait_indirect_dma semaphore(%arg10 : memref<!tpu.dma_semaphore, #tpu.memory_space<semaphore_mem>>) src(%dma_wait3A_219 : memref<10000x128xf32, #tpu.memory_space<hbm>>) dst(%dma_wait3A_213 : memref<128x128xf32, #tpu.memory_space<vmem>>)
          %dma_wait3A_220 = arith.constant 0 : i32
          %dma_wait3A_221 = arith.constant 0 : i32
          %dma_wait3A_222 = arith.constant 0 : i32
          %dma_wait3A_223 = arith.constant 0 : i32
          %dma_wait3A_224 = tpu.memref_slice %arg8[%dma_wait3A_220, %dma_wait3A_222, %dma_wait3A_223] : memref<2x128x128xf32, #tpu.memory_space<vmem>> -> memref<1x128x128xf32, #tpu.memory_space<vmem>>
          %dma_wait3A_225 = tpu.memref_squeeze %dma_wait3A_224 : memref<1x128x128xf32, #tpu.memory_space<vmem>> -> memref<128x128xf32, #tpu.memory_space<vmem>>
          %dma_wait3A_226 = arith.constant 0 : i32
          %dma_wait3A_227 = tpu.memref_slice %arg7[%dma_wait3A_221, %dma_wait3A_226] : memref<40x128xi32, #tpu.memory_space<vmem>> -> memref<1x128xi32, #tpu.memory_space<vmem>>
          %dma_wait3A_228 = tpu.memref_squeeze %dma_wait3A_227 : memref<1x128xi32, #tpu.memory_space<vmem>> -> memref<128xi32, #tpu.memory_space<vmem>>
          %dma_wait3A_229 = arith.constant 0 : i32
          %dma_wait3A_230 = arith.constant 0 : i32
          %dma_wait3A_231 = tpu.memref_slice %arg9[%dma_wait3A_229, %dma_wait3A_230] : memref<10112x128xf32, #tpu.memory_space<vmem_shared>> -> memref<10112x128xf32, #tpu.memory_space<vmem_shared>>
          tpu.wait_indirect_dma semaphore(%arg11 : memref<!tpu.dma_semaphore, #tpu.memory_space<semaphore_mem>>) src(%dma_wait3A_225 : memref<128x128xf32, #tpu.memory_space<vmem>>) dst(%dma_wait3A_231 : memref<10112x128xf32, #tpu.memory_space<vmem_shared>>)
          %add3A_232 = arith.constant 2 : i32
          %add3A_233 = arith.addi %add3A_159, %add3A_232 : i32
          %dma_start3A_234 = arith.constant 1 : i32
          %dma_start3A_235 = arith.constant 0 : i32
          %dma_start3A_236 = arith.constant 0 : i32
          %dma_start3A_237 = tpu.memref_slice %arg8[%dma_start3A_234, %dma_start3A_235, %dma_start3A_236] : memref<2x128x128xf32, #tpu.memory_space<vmem>> -> memref<1x128x128xf32, #tpu.memory_space<vmem>>
          %dma_start3A_238 = tpu.memref_squeeze %dma_start3A_237 : memref<1x128x128xf32, #tpu.memory_space<vmem>> -> memref<128x128xf32, #tpu.memory_space<vmem>>
          %dma_start3A_239 = arith.constant 0 : i32
          %dma_start3A_240 = tpu.memref_slice %arg6[%add3A_233, %dma_start3A_239] : memref<40x128xi32, #tpu.memory_space<vmem>> -> memref<1x128xi32, #tpu.memory_space<vmem>>
          %dma_start3A_241 = tpu.memref_squeeze %dma_start3A_240 : memref<1x128xi32, #tpu.memory_space<vmem>> -> memref<128xi32, #tpu.memory_space<vmem>>
          %dma_start3A_242 = arith.constant 0 : i32
          %dma_start3A_243 = arith.constant 0 : i32
          %dma_start3A_244 = tpu.memref_slice %arg2[%dma_start3A_242, %dma_start3A_243] : memref<10000x128xf32, #tpu.memory_space<hbm>> -> memref<10000x128xf32, #tpu.memory_space<hbm>>
          tpu.enqueue_indirect_dma source(%dma_start3A_244 : memref<10000x128xf32, #tpu.memory_space<hbm>>) target(%dma_start3A_238 : memref<128x128xf32, #tpu.memory_space<vmem>>) offsets(%dma_start3A_241 : memref<128xi32, #tpu.memory_space<vmem>>) semaphore(%arg10 : memref<!tpu.dma_semaphore, #tpu.memory_space<semaphore_mem>>)
          %add3A_245 = arith.constant 1 : i32
          %add3A_246 = arith.addi %add3A_159, %add3A_245 : i32
          %dma_start3A_247 = arith.constant 0 : i32
          %dma_start3A_248 = arith.constant 0 : i32
          %dma_start3A_249 = arith.constant 0 : i32
          %dma_start3A_250 = tpu.memref_slice %arg8[%dma_start3A_247, %dma_start3A_248, %dma_start3A_249] : memref<2x128x128xf32, #tpu.memory_space<vmem>> -> memref<1x128x128xf32, #tpu.memory_space<vmem>>
          %dma_start3A_251 = tpu.memref_squeeze %dma_start3A_250 : memref<1x128x128xf32, #tpu.memory_space<vmem>> -> memref<128x128xf32, #tpu.memory_space<vmem>>
          %dma_start3A_252 = arith.constant 0 : i32
          %dma_start3A_253 = tpu.memref_slice %arg7[%add3A_246, %dma_start3A_252] : memref<40x128xi32, #tpu.memory_space<vmem>> -> memref<1x128xi32, #tpu.memory_space<vmem>>
          %dma_start3A_254 = tpu.memref_squeeze %dma_start3A_253 : memref<1x128xi32, #tpu.memory_space<vmem>> -> memref<128xi32, #tpu.memory_space<vmem>>
          %dma_start3A_255 = arith.constant 0 : i32
          %dma_start3A_256 = arith.constant 0 : i32
          %dma_start3A_257 = tpu.memref_slice %arg9[%dma_start3A_255, %dma_start3A_256] : memref<10112x128xf32, #tpu.memory_space<vmem_shared>> -> memref<10112x128xf32, #tpu.memory_space<vmem_shared>>
          tpu.enqueue_indirect_dma source(%dma_start3A_251 : memref<128x128xf32, #tpu.memory_space<vmem>>) target(%dma_start3A_257 : memref<10112x128xf32, #tpu.memory_space<vmem_shared>>) offsets(%dma_start3A_254 : memref<128xi32, #tpu.memory_space<vmem>>) semaphore(%arg11 : memref<!tpu.dma_semaphore, #tpu.memory_space<semaphore_mem>>) {add = true}
        }
        %scan3A_106 = arith.constant 11 : i32
        %dma_wait3A_107 = arith.constant 0 : i32
        %dma_wait3A_108 = arith.constant 0 : i32
        %dma_wait3A_109 = arith.constant 0 : i32
        %dma_wait3A_110 = arith.constant 0 : i32
        %dma_wait3A_111 = tpu.memref_slice %arg8[%dma_wait3A_108, %dma_wait3A_109, %dma_wait3A_110] : memref<2x128x128xf32, #tpu.memory_space<vmem>> -> memref<1x128x128xf32, #tpu.memory_space<vmem>>
        %dma_wait3A_112 = tpu.memref_squeeze %dma_wait3A_111 : memref<1x128x128xf32, #tpu.memory_space<vmem>> -> memref<128x128xf32, #tpu.memory_space<vmem>>
        %dma_wait3A_113 = arith.constant 0 : i32
        %dma_wait3A_114 = tpu.memref_slice %arg6[%dma_wait3A_107, %dma_wait3A_113] : memref<40x128xi32, #tpu.memory_space<vmem>> -> memref<1x128xi32, #tpu.memory_space<vmem>>
        %dma_wait3A_115 = tpu.memref_squeeze %dma_wait3A_114 : memref<1x128xi32, #tpu.memory_space<vmem>> -> memref<128xi32, #tpu.memory_space<vmem>>
        %dma_wait3A_116 = arith.constant 0 : i32
        %dma_wait3A_117 = arith.constant 0 : i32
        %dma_wait3A_118 = tpu.memref_slice %arg2[%dma_wait3A_116, %dma_wait3A_117] : memref<10000x128xf32, #tpu.memory_space<hbm>> -> memref<10000x128xf32, #tpu.memory_space<hbm>>
        tpu.wait_indirect_dma semaphore(%arg10 : memref<!tpu.dma_semaphore, #tpu.memory_space<semaphore_mem>>) src(%dma_wait3A_118 : memref<10000x128xf32, #tpu.memory_space<hbm>>) dst(%dma_wait3A_112 : memref<128x128xf32, #tpu.memory_space<vmem>>)
        %dma_wait3A_119 = arith.constant 0 : i32
        %dma_wait3A_120 = arith.constant 0 : i32
        %dma_wait3A_121 = arith.constant 0 : i32
        %dma_wait3A_122 = arith.constant 0 : i32
        %dma_wait3A_123 = tpu.memref_slice %arg8[%dma_wait3A_119, %dma_wait3A_121, %dma_wait3A_122] : memref<2x128x128xf32, #tpu.memory_space<vmem>> -> memref<1x128x128xf32, #tpu.memory_space<vmem>>
        %dma_wait3A_124 = tpu.memref_squeeze %dma_wait3A_123 : memref<1x128x128xf32, #tpu.memory_space<vmem>> -> memref<128x128xf32, #tpu.memory_space<vmem>>
        %dma_wait3A_125 = arith.constant 0 : i32
        %dma_wait3A_126 = tpu.memref_slice %arg7[%dma_wait3A_120, %dma_wait3A_125] : memref<40x128xi32, #tpu.memory_space<vmem>> -> memref<1x128xi32, #tpu.memory_space<vmem>>
        %dma_wait3A_127 = tpu.memref_squeeze %dma_wait3A_126 : memref<1x128xi32, #tpu.memory_space<vmem>> -> memref<128xi32, #tpu.memory_space<vmem>>
        %dma_wait3A_128 = arith.constant 0 : i32
        %dma_wait3A_129 = arith.constant 0 : i32
        %dma_wait3A_130 = tpu.memref_slice %arg9[%dma_wait3A_128, %dma_wait3A_129] : memref<10112x128xf32, #tpu.memory_space<vmem_shared>> -> memref<10112x128xf32, #tpu.memory_space<vmem_shared>>
        tpu.wait_indirect_dma semaphore(%arg11 : memref<!tpu.dma_semaphore, #tpu.memory_space<semaphore_mem>>) src(%dma_wait3A_124 : memref<128x128xf32, #tpu.memory_space<vmem>>) dst(%dma_wait3A_130 : memref<10112x128xf32, #tpu.memory_space<vmem_shared>>)
        %dma_start3A_131 = arith.constant 1 : i32
        %dma_start3A_132 = arith.constant 23 : i32
        %dma_start3A_133 = arith.constant 0 : i32
        %dma_start3A_134 = arith.constant 0 : i32
        %dma_start3A_135 = tpu.memref_slice %arg8[%dma_start3A_131, %dma_start3A_133, %dma_start3A_134] : memref<2x128x128xf32, #tpu.memory_space<vmem>> -> memref<1x128x128xf32, #tpu.memory_space<vmem>>
        %dma_start3A_136 = tpu.memref_squeeze %dma_start3A_135 : memref<1x128x128xf32, #tpu.memory_space<vmem>> -> memref<128x128xf32, #tpu.memory_space<vmem>>
        %dma_start3A_137 = arith.constant 0 : i32
        %dma_start3A_138 = tpu.memref_slice %arg7[%dma_start3A_132, %dma_start3A_137] : memref<40x128xi32, #tpu.memory_space<vmem>> -> memref<1x128xi32, #tpu.memory_space<vmem>>
        %dma_start3A_139 = tpu.memref_squeeze %dma_start3A_138 : memref<1x128xi32, #tpu.memory_space<vmem>> -> memref<128xi32, #tpu.memory_space<vmem>>
        %dma_start3A_140 = arith.constant 0 : i32
        %dma_start3A_141 = arith.constant 0 : i32
        %dma_start3A_142 = tpu.memref_slice %arg9[%dma_start3A_140, %dma_start3A_141] : memref<10112x128xf32, #tpu.memory_space<vmem_shared>> -> memref<10112x128xf32, #tpu.memory_space<vmem_shared>>
        tpu.enqueue_indirect_dma source(%dma_start3A_136 : memref<128x128xf32, #tpu.memory_space<vmem>>) target(%dma_start3A_142 : memref<10112x128xf32, #tpu.memory_space<vmem_shared>>) offsets(%dma_start3A_139 : memref<128xi32, #tpu.memory_space<vmem>>) semaphore(%arg11 : memref<!tpu.dma_semaphore, #tpu.memory_space<semaphore_mem>>) {add = true}
        %dma_wait3A_143 = arith.constant 0 : i32
        %dma_wait3A_144 = arith.constant 0 : i32
        %dma_wait3A_145 = arith.constant 0 : i32
        %dma_wait3A_146 = arith.constant 0 : i32
        %dma_wait3A_147 = tpu.memref_slice %arg8[%dma_wait3A_143, %dma_wait3A_145, %dma_wait3A_146] : memref<2x128x128xf32, #tpu.memory_space<vmem>> -> memref<1x128x128xf32, #tpu.memory_space<vmem>>
        %dma_wait3A_148 = tpu.memref_squeeze %dma_wait3A_147 : memref<1x128x128xf32, #tpu.memory_space<vmem>> -> memref<128x128xf32, #tpu.memory_space<vmem>>
        %dma_wait3A_149 = arith.constant 0 : i32
        %dma_wait3A_150 = tpu.memref_slice %arg7[%dma_wait3A_144, %dma_wait3A_149] : memref<40x128xi32, #tpu.memory_space<vmem>> -> memref<1x128xi32, #tpu.memory_space<vmem>>
        %dma_wait3A_151 = tpu.memref_squeeze %dma_wait3A_150 : memref<1x128xi32, #tpu.memory_space<vmem>> -> memref<128xi32, #tpu.memory_space<vmem>>
        %dma_wait3A_152 = arith.constant 0 : i32
        %dma_wait3A_153 = arith.constant 0 : i32
        %dma_wait3A_154 = tpu.memref_slice %arg9[%dma_wait3A_152, %dma_wait3A_153] : memref<10112x128xf32, #tpu.memory_space<vmem_shared>> -> memref<10112x128xf32, #tpu.memory_space<vmem_shared>>
        tpu.wait_indirect_dma semaphore(%arg11 : memref<!tpu.dma_semaphore, #tpu.memory_space<semaphore_mem>>) src(%dma_wait3A_148 : memref<128x128xf32, #tpu.memory_space<vmem>>) dst(%dma_wait3A_154 : memref<10112x128xf32, #tpu.memory_space<vmem_shared>>)
      } else {
      }
    }
    %scan3A_37 = arith.constant 2 : i32
    %barrier3A_38 = arith.constant 0 : index
    tpu.barrier barrier_id(%barrier3A_38)
    %lt3A = arith.constant 10 : i32
    %lt3A_39 = arith.cmpi slt, %arg1, %lt3A : i32
    %convert_element_type3A = arith.extui %lt3A_39 : i1 to i32
    %cond3A = arith.constant 0 : i32
    %cond3A_40 = arith.cmpi ne, %convert_element_type3A, %cond3A : i32
    scf.if %cond3A_40 {
      %mul3A_41 = arith.constant 1000 : i32
      %mul3A_42 = arith.muli %arg1, %mul3A_41 : i32
      %mul3A_43 = arith.constant 1000 : i32
      %mul3A_44 = arith.muli %arg1, %mul3A_43 : i32
      "tpu.region"() ({
        %run_scoped3A_45 = tpu.sem_alloc : memref<!tpu.dma_semaphore, #tpu.memory_space<semaphore_mem>>
        %dma_start3A = arith.constant 0 : i32
        %dma_start3A_46 = tpu.memref_slice %arg5[%arg0, %mul3A_44, %dma_start3A] : memref<2x10000x128xf32, #tpu.memory_space<hbm>> -> memref<1x1000x128xf32, #tpu.memory_space<hbm>>
        %dma_start3A_47 = tpu.memref_squeeze %dma_start3A_46 : memref<1x1000x128xf32, #tpu.memory_space<hbm>> -> memref<1000x128xf32, #tpu.memory_space<hbm>>
        %dma_start3A_48 = arith.constant 0 : i32
        %dma_start3A_49 = tpu.memref_slice %arg9[%mul3A_42, %dma_start3A_48] : memref<10112x128xf32, #tpu.memory_space<vmem_shared>> -> memref<1000x128xf32, #tpu.memory_space<vmem_shared>>
        tpu.enqueue_dma source(%dma_start3A_49 : memref<1000x128xf32, #tpu.memory_space<vmem_shared>>) target(%dma_start3A_47 : memref<1000x128xf32, #tpu.memory_space<hbm>>) target_semaphore(%run_scoped3A_45 : memref<!tpu.dma_semaphore, #tpu.memory_space<semaphore_mem>>)
        %dma_wait3A = arith.constant 0 : i32
        %dma_wait3A_50 = tpu.memref_slice %arg5[%arg0, %mul3A_44, %dma_wait3A] : memref<2x10000x128xf32, #tpu.memory_space<hbm>> -> memref<1x1000x128xf32, #tpu.memory_space<hbm>>
        %dma_wait3A_51 = tpu.memref_squeeze %dma_wait3A_50 : memref<1x1000x128xf32, #tpu.memory_space<hbm>> -> memref<1000x128xf32, #tpu.memory_space<hbm>>
        %dma_wait3A_52 = arith.constant 0 : i32
        %dma_wait3A_53 = tpu.memref_slice %arg9[%mul3A_42, %dma_wait3A_52] : memref<10112x128xf32, #tpu.memory_space<vmem_shared>> -> memref<1000x128xf32, #tpu.memory_space<vmem_shared>>
        tpu.wait_dma2 semaphore(%run_scoped3A_45 : memref<!tpu.dma_semaphore, #tpu.memory_space<semaphore_mem>>) src(%dma_wait3A_53 : memref<1000x128xf32, #tpu.memory_space<vmem_shared>>) dst(%dma_wait3A_51 : memref<1000x128xf32, #tpu.memory_space<hbm>>)
        tpu.yield
      }) : () -> ()
    } else {
    }
    return
  }
}

#map = affine_map<(d0, d1) -> (0, 0)>
#map1 = affine_map<(d0, d1) -> (0, 0, 0)>
module attributes {stable_mosaic.version = 14 : i64} {
  func.func @k(%arg0: i32, %arg1: i32, %arg2: memref<10000x128xf32, #tpu.memory_space<hbm>>, %arg3: memref<2504x128xi32, #tpu.memory_space<hbm>>, %arg4: memref<2504x128xi32, #tpu.memory_space<hbm>>, %arg5: memref<2x10000x128xf32, #tpu.memory_space<hbm>>, %arg6: memref<40x128xi32, #tpu.memory_space<vmem>>, %arg7: memref<40x128xi32, #tpu.memory_space<vmem>>, %arg8: memref<2x128x128xf32, #tpu.memory_space<vmem>>, %arg9: memref<10112x128xf32, #tpu.memory_space<vmem_shared>>, %arg10: memref<!tpu.dma_semaphore, #tpu.memory_space<semaphore_mem>>, %arg11: memref<!tpu.dma_semaphore, #tpu.memory_space<semaphore_mem>>) attributes {dimension_semantics = [#tpu.dimension_semantics<core_parallel>, #tpu.dimension_semantics<subcore_parallel>], iteration_bounds = array<i64: 2, 16>, scalar_prefetch = 0 : i64, scratch_operands = 6 : i64, tpu.core_type = #tpu.core_type<sc_vector_subcore>, window_params = [{transform_indices = #map}, {transform_indices = #map}, {transform_indices = #map}, {transform_indices = #map1}]} {
    %scan3A = arith.constant 0 : i32
    %scan3A_0 = arith.constant 0 : i32
    %scan3A_1 = arith.constant 128 : i32
    %scan3A_2 = arith.addi %scan3A_0, %scan3A_1 : i32
    %scan3A_3 = arith.constant 1 : i32
    scf.for %scan3A_41 = %scan3A_0 to %scan3A_2 step %scan3A_3  : i32 {
      %broadcast_in_dim3A = arith.constant 0.000000e+00 : f32
      %broadcast_in_dim3A_42 = vector.broadcast %broadcast_in_dim3A : f32 to vector<16xf32>
      %swap3A = arith.constant 0 : i32
      %swap3A_43 = arith.index_cast %swap3A : i32 to index
      %swap3A_44 = arith.index_cast %scan3A_41 : i32 to index
      %swap3A_45 = arith.constant 0 : index
      %swap3A_46 = tpu.vector_load %arg8[%swap3A_43, %swap3A_44, %swap3A_45] {strides = array<i32>} : memref<2x128x128xf32, #tpu.memory_space<vmem>>, vector<1x1x16xf32>,
      %swap3A_47 = vector.shape_cast %swap3A_46 : vector<1x1x16xf32> to vector<16xf32>
      %swap3A_48 = vector.shape_cast %broadcast_in_dim3A_42 : vector<16xf32> to vector<1x1x16xf32>
      tpu.vector_store %arg8[%swap3A_43, %swap3A_44, %swap3A_45], %swap3A_48 {strides = array<i32>} : memref<2x128x128xf32, #tpu.memory_space<vmem>>, vector<1x1x16xf32>,
      %broadcast_in_dim3A_49 = arith.constant 0.000000e+00 : f32
      %broadcast_in_dim3A_50 = vector.broadcast %broadcast_in_dim3A_49 : f32 to vector<16xf32>
      %swap3A_51 = arith.constant 0 : i32
      %swap3A_52 = arith.index_cast %swap3A_51 : i32 to index
      %swap3A_53 = arith.index_cast %scan3A_41 : i32 to index
      %swap3A_54 = arith.constant 16 : index
      %swap3A_55 = tpu.vector_load %arg8[%swap3A_52, %swap3A_53, %swap3A_54] {strides = array<i32>} : memref<2x128x128xf32, #tpu.memory_space<vmem>>, vector<1x1x16xf32>,
      %swap3A_56 = vector.shape_cast %swap3A_55 : vector<1x1x16xf32> to vector<16xf32>
      %swap3A_57 = vector.shape_cast %broadcast_in_dim3A_50 : vector<16xf32> to vector<1x1x16xf32>
      tpu.vector_store %arg8[%swap3A_52, %swap3A_53, %swap3A_54], %swap3A_57 {strides = array<i32>} : memref<2x128x128xf32, #tpu.memory_space<vmem>>, vector<1x1x16xf32>,
      %broadcast_in_dim3A_58 = arith.constant 0.000000e+00 : f32
      %broadcast_in_dim3A_59 = vector.broadcast %broadcast_in_dim3A_58 : f32 to vector<16xf32>
      %swap3A_60 = arith.constant 0 : i32
      %swap3A_61 = arith.index_cast %swap3A_60 : i32 to index
      %swap3A_62 = arith.index_cast %scan3A_41 : i32 to index
      %swap3A_63 = arith.constant 32 : index
      %swap3A_64 = tpu.vector_load %arg8[%swap3A_61, %swap3A_62, %swap3A_63] {strides = array<i32>} : memref<2x128x128xf32, #tpu.memory_space<vmem>>, vector<1x1x16xf32>,
      %swap3A_65 = vector.shape_cast %swap3A_64 : vector<1x1x16xf32> to vector<16xf32>
      %swap3A_66 = vector.shape_cast %broadcast_in_dim3A_59 : vector<16xf32> to vector<1x1x16xf32>
      tpu.vector_store %arg8[%swap3A_61, %swap3A_62, %swap3A_63], %swap3A_66 {strides = array<i32>} : memref<2x128x128xf32, #tpu.memory_space<vmem>>, vector<1x1x16xf32>,
      %broadcast_in_dim3A_67 = arith.constant 0.000000e+00 : f32
      %broadcast_in_dim3A_68 = vector.broadcast %broadcast_in_dim3A_67 : f32 to vector<16xf32>
      %swap3A_69 = arith.constant 0 : i32
      %swap3A_70 = arith.index_cast %swap3A_69 : i32 to index
      %swap3A_71 = arith.index_cast %scan3A_41 : i32 to index
      %swap3A_72 = arith.constant 48 : index
      %swap3A_73 = tpu.vector_load %arg8[%swap3A_70, %swap3A_71, %swap3A_72] {strides = array<i32>} : memref<2x128x128xf32, #tpu.memory_space<vmem>>, vector<1x1x16xf32>,
      %swap3A_74 = vector.shape_cast %swap3A_73 : vector<1x1x16xf32> to vector<16xf32>
      %swap3A_75 = vector.shape_cast %broadcast_in_dim3A_68 : vector<16xf32> to vector<1x1x16xf32>
      tpu.vector_store %arg8[%swap3A_70, %swap3A_71, %swap3A_72], %swap3A_75 {strides = array<i32>} : memref<2x128x128xf32, #tpu.memory_space<vmem>>, vector<1x1x16xf32>,
      %broadcast_in_dim3A_76 = arith.constant 0.000000e+00 : f32
      %broadcast_in_dim3A_77 = vector.broadcast %broadcast_in_dim3A_76 : f32 to vector<16xf32>
      %swap3A_78 = arith.constant 0 : i32
      %swap3A_79 = arith.index_cast %swap3A_78 : i32 to index
      %swap3A_80 = arith.index_cast %scan3A_41 : i32 to index
      %swap3A_81 = arith.constant 64 : index
      %swap3A_82 = tpu.vector_load %arg8[%swap3A_79, %swap3A_80, %swap3A_81] {strides = array<i32>} : memref<2x128x128xf32, #tpu.memory_space<vmem>>, vector<1x1x16xf32>,
      %swap3A_83 = vector.shape_cast %swap3A_82 : vector<1x1x16xf32> to vector<16xf32>
      %swap3A_84 = vector.shape_cast %broadcast_in_dim3A_77 : vector<16xf32> to vector<1x1x16xf32>
      tpu.vector_store %arg8[%swap3A_79, %swap3A_80, %swap3A_81], %swap3A_84 {strides = array<i32>} : memref<2x128x128xf32, #tpu.memory_space<vmem>>, vector<1x1x16xf32>,
      %broadcast_in_dim3A_85 = arith.constant 0.000000e+00 : f32
      %broadcast_in_dim3A_86 = vector.broadcast %broadcast_in_dim3A_85 : f32 to vector<16xf32>
      %swap3A_87 = arith.constant 0 : i32
      %swap3A_88 = arith.index_cast %swap3A_87 : i32 to index
      %swap3A_89 = arith.index_cast %scan3A_41 : i32 to index
      %swap3A_90 = arith.constant 80 : index
      %swap3A_91 = tpu.vector_load %arg8[%swap3A_88, %swap3A_89, %swap3A_90] {strides = array<i32>} : memref<2x128x128xf32, #tpu.memory_space<vmem>>, vector<1x1x16xf32>,
      %swap3A_92 = vector.shape_cast %swap3A_91 : vector<1x1x16xf32> to vector<16xf32>
      %swap3A_93 = vector.shape_cast %broadcast_in_dim3A_86 : vector<16xf32> to vector<1x1x16xf32>
      tpu.vector_store %arg8[%swap3A_88, %swap3A_89, %swap3A_90], %swap3A_93 {strides = array<i32>} : memref<2x128x128xf32, #tpu.memory_space<vmem>>, vector<1x1x16xf32>,
      %broadcast_in_dim3A_94 = arith.constant 0.000000e+00 : f32
      %broadcast_in_dim3A_95 = vector.broadcast %broadcast_in_dim3A_94 : f32 to vector<16xf32>
      %swap3A_96 = arith.constant 0 : i32
      %swap3A_97 = arith.index_cast %swap3A_96 : i32 to index
      %swap3A_98 = arith.index_cast %scan3A_41 : i32 to index
      %swap3A_99 = arith.constant 96 : index
      %swap3A_100 = tpu.vector_load %arg8[%swap3A_97, %swap3A_98, %swap3A_99] {strides = array<i32>} : memref<2x128x128xf32, #tpu.memory_space<vmem>>, vector<1x1x16xf32>,
      %swap3A_101 = vector.shape_cast %swap3A_100 : vector<1x1x16xf32> to vector<16xf32>
      %swap3A_102 = vector.shape_cast %broadcast_in_dim3A_95 : vector<16xf32> to vector<1x1x16xf32>
      tpu.vector_store %arg8[%swap3A_97, %swap3A_98, %swap3A_99], %swap3A_102 {strides = array<i32>} : memref<2x128x128xf32, #tpu.memory_space<vmem>>, vector<1x1x16xf32>,
      %broadcast_in_dim3A_103 = arith.constant 0.000000e+00 : f32
      %broadcast_in_dim3A_104 = vector.broadcast %broadcast_in_dim3A_103 : f32 to vector<16xf32>
      %swap3A_105 = arith.constant 0 : i32
      %swap3A_106 = arith.index_cast %swap3A_105 : i32 to index
      %swap3A_107 = arith.index_cast %scan3A_41 : i32 to index
      %swap3A_108 = arith.constant 112 : index
      %swap3A_109 = tpu.vector_load %arg8[%swap3A_106, %swap3A_107, %swap3A_108] {strides = array<i32>} : memref<2x128x128xf32, #tpu.memory_space<vmem>>, vector<1x1x16xf32>,
      %swap3A_110 = vector.shape_cast %swap3A_109 : vector<1x1x16xf32> to vector<16xf32>
      %swap3A_111 = vector.shape_cast %broadcast_in_dim3A_104 : vector<16xf32> to vector<1x1x16xf32>
      tpu.vector_store %arg8[%swap3A_106, %swap3A_107, %swap3A_108], %swap3A_111 {strides = array<i32>} : memref<2x128x128xf32, #tpu.memory_space<vmem>>, vector<1x1x16xf32>,
    }
    %scan3A_4 = arith.constant 128 : i32
    %mul3A = arith.constant 632 : i32
    %mul3A_5 = arith.muli %arg1, %mul3A : i32
    %add3A = arith.constant 0 : i32
    %add3A_6 = arith.addi %mul3A_5, %add3A : i32
    %run_scoped3A = arith.constant 0 : i32
    "tpu.region"() ({
      %run_scoped3A_41 = tpu.sem_alloc : memref<!tpu.dma_semaphore, #tpu.memory_space<semaphore_mem>>
      %dma_start3A = arith.constant 0 : i32
      %dma_start3A_42 = arith.constant 0 : i32
      %dma_start3A_43 = tpu.memref_slice %arg8[%run_scoped3A, %dma_start3A, %dma_start3A_42] : memref<2x128x128xf32, #tpu.memory_space<vmem>> -> memref<1x128x128xf32, #tpu.memory_space<vmem>>
      %dma_start3A_44 = tpu.memref_squeeze %dma_start3A_43 : memref<1x128x128xf32, #tpu.memory_space<vmem>> -> memref<128x128xf32, #tpu.memory_space<vmem>>
      %dma_start3A_45 = arith.constant 0 : i32
      %dma_start3A_46 = tpu.memref_slice %arg9[%add3A_6, %dma_start3A_45] : memref<10112x128xf32, #tpu.memory_space<vmem_shared>> -> memref<128x128xf32, #tpu.memory_space<vmem_shared>>
      %dma_start3A_47 = arith.constant 0 : i32
      %dma_start3A_48 = tpu.memref_slice %arg9[%add3A_6, %dma_start3A_47] : memref<10112x128xf32, #tpu.memory_space<vmem_shared>> -> memref<128x128xf32, #tpu.memory_space<vmem_shared>>
      %dma_start3A_49 = arith.constant 0 : i32
      %dma_start3A_50 = arith.constant 0 : i32
      %dma_start3A_51 = tpu.memref_slice %arg8[%run_scoped3A, %dma_start3A_49, %dma_start3A_50] : memref<2x128x128xf32, #tpu.memory_space<vmem>> -> memref<1x128x128xf32, #tpu.memory_space<vmem>>
      %dma_start3A_52 = tpu.memref_squeeze %dma_start3A_51 : memref<1x128x128xf32, #tpu.memory_space<vmem>> -> memref<128x128xf32, #tpu.memory_space<vmem>>
      tpu.enqueue_dma source(%dma_start3A_52 : memref<128x128xf32, #tpu.memory_space<vmem>>) target(%dma_start3A_48 : memref<128x128xf32, #tpu.memory_space<vmem_shared>>) target_semaphore(%run_scoped3A_41 : memref<!tpu.dma_semaphore, #tpu.memory_space<semaphore_mem>>)
      %dma_wait3A = arith.constant 0 : i32
      %dma_wait3A_53 = arith.constant 0 : i32
      %dma_wait3A_54 = tpu.memref_slice %arg8[%run_scoped3A, %dma_wait3A, %dma_wait3A_53] : memref<2x128x128xf32, #tpu.memory_space<vmem>> -> memref<1x128x128xf32, #tpu.memory_space<vmem>>
      %dma_wait3A_55 = tpu.memref_squeeze %dma_wait3A_54 : memref<1x128x128xf32, #tpu.memory_space<vmem>> -> memref<128x128xf32, #tpu.memory_space<vmem>>
      %dma_wait3A_56 = arith.constant 0 : i32
      %dma_wait3A_57 = tpu.memref_slice %arg9[%add3A_6, %dma_wait3A_56] : memref<10112x128xf32, #tpu.memory_space<vmem_shared>> -> memref<128x128xf32, #tpu.memory_space<vmem_shared>>
      %dma_wait3A_58 = arith.constant 0 : i32
      %dma_wait3A_59 = tpu.memref_slice %arg9[%add3A_6, %dma_wait3A_58] : memref<10112x128xf32, #tpu.memory_space<vmem_shared>> -> memref<128x128xf32, #tpu.memory_space<vmem_shared>>
      %dma_wait3A_60 = arith.constant 0 : i32
      %dma_wait3A_61 = arith.constant 0 : i32
      %dma_wait3A_62 = tpu.memref_slice %arg8[%run_scoped3A, %dma_wait3A_60, %dma_wait3A_61] : memref<2x128x128xf32, #tpu.memory_space<vmem>> -> memref<1x128x128xf32, #tpu.memory_space<vmem>>
      %dma_wait3A_63 = tpu.memref_squeeze %dma_wait3A_62 : memref<1x128x128xf32, #tpu.memory_space<vmem>> -> memref<128x128xf32, #tpu.memory_space<vmem>>
      tpu.wait_dma2 semaphore(%run_scoped3A_41 : memref<!tpu.dma_semaphore, #tpu.memory_space<semaphore_mem>>) src(%dma_wait3A_63 : memref<128x128xf32, #tpu.memory_space<vmem>>) dst(%dma_wait3A_59 : memref<128x128xf32, #tpu.memory_space<vmem_shared>>)
      tpu.yield
    }) : () -> ()
    %mul3A_7 = arith.constant 632 : i32
    %mul3A_8 = arith.muli %arg1, %mul3A_7 : i32
    %add3A_9 = arith.constant 128 : i32
    %add3A_10 = arith.addi %mul3A_8, %add3A_9 : i32
    %run_scoped3A_11 = arith.constant 0 : i32
    "tpu.region"() ({
      %run_scoped3A_41 = tpu.sem_alloc : memref<!tpu.dma_semaphore, #tpu.memory_space<semaphore_mem>>
      %dma_start3A = arith.constant 0 : i32
      %dma_start3A_42 = arith.constant 0 : i32
      %dma_start3A_43 = tpu.memref_slice %arg8[%run_scoped3A_11, %dma_start3A, %dma_start3A_42] : memref<2x128x128xf32, #tpu.memory_space<vmem>> -> memref<1x128x128xf32, #tpu.memory_space<vmem>>
      %dma_start3A_44 = tpu.memref_squeeze %dma_start3A_43 : memref<1x128x128xf32, #tpu.memory_space<vmem>> -> memref<128x128xf32, #tpu.memory_space<vmem>>
      %dma_start3A_45 = arith.constant 0 : i32
      %dma_start3A_46 = tpu.memref_slice %arg9[%add3A_10, %dma_start3A_45] : memref<10112x128xf32, #tpu.memory_space<vmem_shared>> -> memref<128x128xf32, #tpu.memory_space<vmem_shared>>
      %dma_start3A_47 = arith.constant 0 : i32
      %dma_start3A_48 = tpu.memref_slice %arg9[%add3A_10, %dma_start3A_47] : memref<10112x128xf32, #tpu.memory_space<vmem_shared>> -> memref<128x128xf32, #tpu.memory_space<vmem_shared>>
      %dma_start3A_49 = arith.constant 0 : i32
      %dma_start3A_50 = arith.constant 0 : i32
      %dma_start3A_51 = tpu.memref_slice %arg8[%run_scoped3A_11, %dma_start3A_49, %dma_start3A_50] : memref<2x128x128xf32, #tpu.memory_space<vmem>> -> memref<1x128x128xf32, #tpu.memory_space<vmem>>
      %dma_start3A_52 = tpu.memref_squeeze %dma_start3A_51 : memref<1x128x128xf32, #tpu.memory_space<vmem>> -> memref<128x128xf32, #tpu.memory_space<vmem>>
      tpu.enqueue_dma source(%dma_start3A_52 : memref<128x128xf32, #tpu.memory_space<vmem>>) target(%dma_start3A_48 : memref<128x128xf32, #tpu.memory_space<vmem_shared>>) target_semaphore(%run_scoped3A_41 : memref<!tpu.dma_semaphore, #tpu.memory_space<semaphore_mem>>)
      %dma_wait3A = arith.constant 0 : i32
      %dma_wait3A_53 = arith.constant 0 : i32
      %dma_wait3A_54 = tpu.memref_slice %arg8[%run_scoped3A_11, %dma_wait3A, %dma_wait3A_53] : memref<2x128x128xf32, #tpu.memory_space<vmem>> -> memref<1x128x128xf32, #tpu.memory_space<vmem>>
      %dma_wait3A_55 = tpu.memref_squeeze %dma_wait3A_54 : memref<1x128x128xf32, #tpu.memory_space<vmem>> -> memref<128x128xf32, #tpu.memory_space<vmem>>
      %dma_wait3A_56 = arith.constant 0 : i32
      %dma_wait3A_57 = tpu.memref_slice %arg9[%add3A_10, %dma_wait3A_56] : memref<10112x128xf32, #tpu.memory_space<vmem_shared>> -> memref<128x128xf32, #tpu.memory_space<vmem_shared>>
      %dma_wait3A_58 = arith.constant 0 : i32
      %dma_wait3A_59 = tpu.memref_slice %arg9[%add3A_10, %dma_wait3A_58] : memref<10112x128xf32, #tpu.memory_space<vmem_shared>> -> memref<128x128xf32, #tpu.memory_space<vmem_shared>>
      %dma_wait3A_60 = arith.constant 0 : i32
      %dma_wait3A_61 = arith.constant 0 : i32
      %dma_wait3A_62 = tpu.memref_slice %arg8[%run_scoped3A_11, %dma_wait3A_60, %dma_wait3A_61] : memref<2x128x128xf32, #tpu.memory_space<vmem>> -> memref<1x128x128xf32, #tpu.memory_space<vmem>>
      %dma_wait3A_63 = tpu.memref_squeeze %dma_wait3A_62 : memref<1x128x128xf32, #tpu.memory_space<vmem>> -> memref<128x128xf32, #tpu.memory_space<vmem>>
      tpu.wait_dma2 semaphore(%run_scoped3A_41 : memref<!tpu.dma_semaphore, #tpu.memory_space<semaphore_mem>>) src(%dma_wait3A_63 : memref<128x128xf32, #tpu.memory_space<vmem>>) dst(%dma_wait3A_59 : memref<128x128xf32, #tpu.memory_space<vmem_shared>>)
      tpu.yield
    }) : () -> ()
    %mul3A_12 = arith.constant 632 : i32
    %mul3A_13 = arith.muli %arg1, %mul3A_12 : i32
    %add3A_14 = arith.constant 256 : i32
    %add3A_15 = arith.addi %mul3A_13, %add3A_14 : i32
    %run_scoped3A_16 = arith.constant 0 : i32
    "tpu.region"() ({
      %run_scoped3A_41 = tpu.sem_alloc : memref<!tpu.dma_semaphore, #tpu.memory_space<semaphore_mem>>
      %dma_start3A = arith.constant 0 : i32
      %dma_start3A_42 = arith.constant 0 : i32
      %dma_start3A_43 = tpu.memref_slice %arg8[%run_scoped3A_16, %dma_start3A, %dma_start3A_42] : memref<2x128x128xf32, #tpu.memory_space<vmem>> -> memref<1x128x128xf32, #tpu.memory_space<vmem>>
      %dma_start3A_44 = tpu.memref_squeeze %dma_start3A_43 : memref<1x128x128xf32, #tpu.memory_space<vmem>> -> memref<128x128xf32, #tpu.memory_space<vmem>>
      %dma_start3A_45 = arith.constant 0 : i32
      %dma_start3A_46 = tpu.memref_slice %arg9[%add3A_15, %dma_start3A_45] : memref<10112x128xf32, #tpu.memory_space<vmem_shared>> -> memref<128x128xf32, #tpu.memory_space<vmem_shared>>
      %dma_start3A_47 = arith.constant 0 : i32
      %dma_start3A_48 = tpu.memref_slice %arg9[%add3A_15, %dma_start3A_47] : memref<10112x128xf32, #tpu.memory_space<vmem_shared>> -> memref<128x128xf32, #tpu.memory_space<vmem_shared>>
      %dma_start3A_49 = arith.constant 0 : i32
      %dma_start3A_50 = arith.constant 0 : i32
      %dma_start3A_51 = tpu.memref_slice %arg8[%run_scoped3A_16, %dma_start3A_49, %dma_start3A_50] : memref<2x128x128xf32, #tpu.memory_space<vmem>> -> memref<1x128x128xf32, #tpu.memory_space<vmem>>
      %dma_start3A_52 = tpu.memref_squeeze %dma_start3A_51 : memref<1x128x128xf32, #tpu.memory_space<vmem>> -> memref<128x128xf32, #tpu.memory_space<vmem>>
      tpu.enqueue_dma source(%dma_start3A_52 : memref<128x128xf32, #tpu.memory_space<vmem>>) target(%dma_start3A_48 : memref<128x128xf32, #tpu.memory_space<vmem_shared>>) target_semaphore(%run_scoped3A_41 : memref<!tpu.dma_semaphore, #tpu.memory_space<semaphore_mem>>)
      %dma_wait3A = arith.constant 0 : i32
      %dma_wait3A_53 = arith.constant 0 : i32
      %dma_wait3A_54 = tpu.memref_slice %arg8[%run_scoped3A_16, %dma_wait3A, %dma_wait3A_53] : memref<2x128x128xf32, #tpu.memory_space<vmem>> -> memref<1x128x128xf32, #tpu.memory_space<vmem>>
      %dma_wait3A_55 = tpu.memref_squeeze %dma_wait3A_54 : memref<1x128x128xf32, #tpu.memory_space<vmem>> -> memref<128x128xf32, #tpu.memory_space<vmem>>
      %dma_wait3A_56 = arith.constant 0 : i32
      %dma_wait3A_57 = tpu.memref_slice %arg9[%add3A_15, %dma_wait3A_56] : memref<10112x128xf32, #tpu.memory_space<vmem_shared>> -> memref<128x128xf32, #tpu.memory_space<vmem_shared>>
      %dma_wait3A_58 = arith.constant 0 : i32
      %dma_wait3A_59 = tpu.memref_slice %arg9[%add3A_15, %dma_wait3A_58] : memref<10112x128xf32, #tpu.memory_space<vmem_shared>> -> memref<128x128xf32, #tpu.memory_space<vmem_shared>>
      %dma_wait3A_60 = arith.constant 0 : i32
      %dma_wait3A_61 = arith.constant 0 : i32
      %dma_wait3A_62 = tpu.memref_slice %arg8[%run_scoped3A_16, %dma_wait3A_60, %dma_wait3A_61] : memref<2x128x128xf32, #tpu.memory_space<vmem>> -> memref<1x128x128xf32, #tpu.memory_space<vmem>>
      %dma_wait3A_63 = tpu.memref_squeeze %dma_wait3A_62 : memref<1x128x128xf32, #tpu.memory_space<vmem>> -> memref<128x128xf32, #tpu.memory_space<vmem>>
      tpu.wait_dma2 semaphore(%run_scoped3A_41 : memref<!tpu.dma_semaphore, #tpu.memory_space<semaphore_mem>>) src(%dma_wait3A_63 : memref<128x128xf32, #tpu.memory_space<vmem>>) dst(%dma_wait3A_59 : memref<128x128xf32, #tpu.memory_space<vmem_shared>>)
      tpu.yield
    }) : () -> ()
    %mul3A_17 = arith.constant 632 : i32
    %mul3A_18 = arith.muli %arg1, %mul3A_17 : i32
    %add3A_19 = arith.constant 384 : i32
    %add3A_20 = arith.addi %mul3A_18, %add3A_19 : i32
    %run_scoped3A_21 = arith.constant 0 : i32
    "tpu.region"() ({
      %run_scoped3A_41 = tpu.sem_alloc : memref<!tpu.dma_semaphore, #tpu.memory_space<semaphore_mem>>
      %dma_start3A = arith.constant 0 : i32
      %dma_start3A_42 = arith.constant 0 : i32
      %dma_start3A_43 = tpu.memref_slice %arg8[%run_scoped3A_21, %dma_start3A, %dma_start3A_42] : memref<2x128x128xf32, #tpu.memory_space<vmem>> -> memref<1x128x128xf32, #tpu.memory_space<vmem>>
      %dma_start3A_44 = tpu.memref_squeeze %dma_start3A_43 : memref<1x128x128xf32, #tpu.memory_space<vmem>> -> memref<128x128xf32, #tpu.memory_space<vmem>>
      %dma_start3A_45 = arith.constant 0 : i32
      %dma_start3A_46 = tpu.memref_slice %arg9[%add3A_20, %dma_start3A_45] : memref<10112x128xf32, #tpu.memory_space<vmem_shared>> -> memref<128x128xf32, #tpu.memory_space<vmem_shared>>
      %dma_start3A_47 = arith.constant 0 : i32
      %dma_start3A_48 = tpu.memref_slice %arg9[%add3A_20, %dma_start3A_47] : memref<10112x128xf32, #tpu.memory_space<vmem_shared>> -> memref<128x128xf32, #tpu.memory_space<vmem_shared>>
      %dma_start3A_49 = arith.constant 0 : i32
      %dma_start3A_50 = arith.constant 0 : i32
      %dma_start3A_51 = tpu.memref_slice %arg8[%run_scoped3A_21, %dma_start3A_49, %dma_start3A_50] : memref<2x128x128xf32, #tpu.memory_space<vmem>> -> memref<1x128x128xf32, #tpu.memory_space<vmem>>
      %dma_start3A_52 = tpu.memref_squeeze %dma_start3A_51 : memref<1x128x128xf32, #tpu.memory_space<vmem>> -> memref<128x128xf32, #tpu.memory_space<vmem>>
      tpu.enqueue_dma source(%dma_start3A_52 : memref<128x128xf32, #tpu.memory_space<vmem>>) target(%dma_start3A_48 : memref<128x128xf32, #tpu.memory_space<vmem_shared>>) target_semaphore(%run_scoped3A_41 : memref<!tpu.dma_semaphore, #tpu.memory_space<semaphore_mem>>)
      %dma_wait3A = arith.constant 0 : i32
      %dma_wait3A_53 = arith.constant 0 : i32
      %dma_wait3A_54 = tpu.memref_slice %arg8[%run_scoped3A_21, %dma_wait3A, %dma_wait3A_53] : memref<2x128x128xf32, #tpu.memory_space<vmem>> -> memref<1x128x128xf32, #tpu.memory_space<vmem>>
      %dma_wait3A_55 = tpu.memref_squeeze %dma_wait3A_54 : memref<1x128x128xf32, #tpu.memory_space<vmem>> -> memref<128x128xf32, #tpu.memory_space<vmem>>
      %dma_wait3A_56 = arith.constant 0 : i32
      %dma_wait3A_57 = tpu.memref_slice %arg9[%add3A_20, %dma_wait3A_56] : memref<10112x128xf32, #tpu.memory_space<vmem_shared>> -> memref<128x128xf32, #tpu.memory_space<vmem_shared>>
      %dma_wait3A_58 = arith.constant 0 : i32
      %dma_wait3A_59 = tpu.memref_slice %arg9[%add3A_20, %dma_wait3A_58] : memref<10112x128xf32, #tpu.memory_space<vmem_shared>> -> memref<128x128xf32, #tpu.memory_space<vmem_shared>>
      %dma_wait3A_60 = arith.constant 0 : i32
      %dma_wait3A_61 = arith.constant 0 : i32
      %dma_wait3A_62 = tpu.memref_slice %arg8[%run_scoped3A_21, %dma_wait3A_60, %dma_wait3A_61] : memref<2x128x128xf32, #tpu.memory_space<vmem>> -> memref<1x128x128xf32, #tpu.memory_space<vmem>>
      %dma_wait3A_63 = tpu.memref_squeeze %dma_wait3A_62 : memref<1x128x128xf32, #tpu.memory_space<vmem>> -> memref<128x128xf32, #tpu.memory_space<vmem>>
      tpu.wait_dma2 semaphore(%run_scoped3A_41 : memref<!tpu.dma_semaphore, #tpu.memory_space<semaphore_mem>>) src(%dma_wait3A_63 : memref<128x128xf32, #tpu.memory_space<vmem>>) dst(%dma_wait3A_59 : memref<128x128xf32, #tpu.memory_space<vmem_shared>>)
      tpu.yield
    }) : () -> ()
    %mul3A_22 = arith.constant 632 : i32
    %mul3A_23 = arith.muli %arg1, %mul3A_22 : i32
    %add3A_24 = arith.constant 512 : i32
    %add3A_25 = arith.addi %mul3A_23, %add3A_24 : i32
    %run_scoped3A_26 = arith.constant 0 : i32
    "tpu.region"() ({
      %run_scoped3A_41 = tpu.sem_alloc : memref<!tpu.dma_semaphore, #tpu.memory_space<semaphore_mem>>
      %dma_start3A = arith.constant 0 : i32
      %dma_start3A_42 = arith.constant 0 : i32
      %dma_start3A_43 = tpu.memref_slice %arg8[%run_scoped3A_26, %dma_start3A, %dma_start3A_42] : memref<2x128x128xf32, #tpu.memory_space<vmem>> -> memref<1x120x128xf32, #tpu.memory_space<vmem>>
      %dma_start3A_44 = tpu.memref_squeeze %dma_start3A_43 : memref<1x120x128xf32, #tpu.memory_space<vmem>> -> memref<120x128xf32, #tpu.memory_space<vmem>>
      %dma_start3A_45 = arith.constant 0 : i32
      %dma_start3A_46 = tpu.memref_slice %arg9[%add3A_25, %dma_start3A_45] : memref<10112x128xf32, #tpu.memory_space<vmem_shared>> -> memref<120x128xf32, #tpu.memory_space<vmem_shared>>
      %dma_start3A_47 = arith.constant 0 : i32
      %dma_start3A_48 = tpu.memref_slice %arg9[%add3A_25, %dma_start3A_47] : memref<10112x128xf32, #tpu.memory_space<vmem_shared>> -> memref<120x128xf32, #tpu.memory_space<vmem_shared>>
      %dma_start3A_49 = arith.constant 0 : i32
      %dma_start3A_50 = arith.constant 0 : i32
      %dma_start3A_51 = tpu.memref_slice %arg8[%run_scoped3A_26, %dma_start3A_49, %dma_start3A_50] : memref<2x128x128xf32, #tpu.memory_space<vmem>> -> memref<1x120x128xf32, #tpu.memory_space<vmem>>
      %dma_start3A_52 = tpu.memref_squeeze %dma_start3A_51 : memref<1x120x128xf32, #tpu.memory_space<vmem>> -> memref<120x128xf32, #tpu.memory_space<vmem>>
      tpu.enqueue_dma source(%dma_start3A_52 : memref<120x128xf32, #tpu.memory_space<vmem>>) target(%dma_start3A_48 : memref<120x128xf32, #tpu.memory_space<vmem_shared>>) target_semaphore(%run_scoped3A_41 : memref<!tpu.dma_semaphore, #tpu.memory_space<semaphore_mem>>)
      %dma_wait3A = arith.constant 0 : i32
      %dma_wait3A_53 = arith.constant 0 : i32
      %dma_wait3A_54 = tpu.memref_slice %arg8[%run_scoped3A_26, %dma_wait3A, %dma_wait3A_53] : memref<2x128x128xf32, #tpu.memory_space<vmem>> -> memref<1x120x128xf32, #tpu.memory_space<vmem>>
      %dma_wait3A_55 = tpu.memref_squeeze %dma_wait3A_54 : memref<1x120x128xf32, #tpu.memory_space<vmem>> -> memref<120x128xf32, #tpu.memory_space<vmem>>
      %dma_wait3A_56 = arith.constant 0 : i32
      %dma_wait3A_57 = tpu.memref_slice %arg9[%add3A_25, %dma_wait3A_56] : memref<10112x128xf32, #tpu.memory_space<vmem_shared>> -> memref<120x128xf32, #tpu.memory_space<vmem_shared>>
      %dma_wait3A_58 = arith.constant 0 : i32
      %dma_wait3A_59 = tpu.memref_slice %arg9[%add3A_25, %dma_wait3A_58] : memref<10112x128xf32, #tpu.memory_space<vmem_shared>> -> memref<120x128xf32, #tpu.memory_space<vmem_shared>>
      %dma_wait3A_60 = arith.constant 0 : i32
      %dma_wait3A_61 = arith.constant 0 : i32
      %dma_wait3A_62 = tpu.memref_slice %arg8[%run_scoped3A_26, %dma_wait3A_60, %dma_wait3A_61] : memref<2x128x128xf32, #tpu.memory_space<vmem>> -> memref<1x120x128xf32, #tpu.memory_space<vmem>>
      %dma_wait3A_63 = tpu.memref_squeeze %dma_wait3A_62 : memref<1x120x128xf32, #tpu.memory_space<vmem>> -> memref<120x128xf32, #tpu.memory_space<vmem>>
      tpu.wait_dma2 semaphore(%run_scoped3A_41 : memref<!tpu.dma_semaphore, #tpu.memory_space<semaphore_mem>>) src(%dma_wait3A_63 : memref<120x128xf32, #tpu.memory_space<vmem>>) dst(%dma_wait3A_59 : memref<120x128xf32, #tpu.memory_space<vmem_shared>>)
      tpu.yield
    }) : () -> ()
    %mul3A_27 = arith.constant 16 : i32
    %mul3A_28 = arith.muli %arg0, %mul3A_27 : i32
    %add3A_29 = arith.addi %mul3A_28, %arg1 : i32
    %mul3A_30 = arith.constant 80 : i32
    %mul3A_31 = arith.muli %add3A_29, %mul3A_30 : i32
    %barrier3A = arith.constant 0 : index
    tpu.barrier barrier_id(%barrier3A)
    %scan3A_32 = arith.constant 0 : i32
    %scan3A_33 = arith.constant 0 : i32
    %scan3A_34 = arith.constant 2 : i32
    %scan3A_35 = arith.addi %scan3A_33, %scan3A_34 : i32
    %scan3A_36 = arith.constant 1 : i32
    scf.for %scan3A_41 = %scan3A_33 to %scan3A_35 step %scan3A_36  : i32 {
      %mul3A_42 = arith.constant 40 : i32
      %mul3A_43 = arith.muli %scan3A_41, %mul3A_42 : i32
      %add3A_44 = arith.addi %mul3A_31, %mul3A_43 : i32
      %add3A_45 = arith.constant 40 : i32
      %add3A_46 = arith.addi %add3A_44, %add3A_45 : i32
      %le3A = arith.constant 2504 : i32
      %le3A_47 = arith.cmpi sle, %add3A_46, %le3A : i32
      %convert_element_type3A_48 = arith.extui %le3A_47 : i1 to i32
      %cond3A_49 = arith.constant 0 : i32
      %cond3A_50 = arith.cmpi ne, %convert_element_type3A_48, %cond3A_49 : i32
      scf.if %cond3A_50 {
        "tpu.region"() ({
          %run_scoped3A_155 = tpu.sem_alloc : memref<!tpu.dma_semaphore, #tpu.memory_space<semaphore_mem>>
          %dma_start3A_156 = arith.constant 0 : i32
          %dma_start3A_157 = tpu.memref_slice %arg3[%add3A_44, %dma_start3A_156] : memref<2504x128xi32, #tpu.memory_space<hbm>> -> memref<40x128xi32, #tpu.memory_space<hbm>>
          %dma_start3A_158 = arith.constant 0 : i32
          %dma_start3A_159 = tpu.memref_slice %arg3[%add3A_44, %dma_start3A_158] : memref<2504x128xi32, #tpu.memory_space<hbm>> -> memref<40x128xi32, #tpu.memory_space<hbm>>
          tpu.enqueue_dma source(%dma_start3A_159 : memref<40x128xi32, #tpu.memory_space<hbm>>) target(%arg6 : memref<40x128xi32, #tpu.memory_space<vmem>>) target_semaphore(%run_scoped3A_155 : memref<!tpu.dma_semaphore, #tpu.memory_space<semaphore_mem>>)
          %dma_wait3A_160 = arith.constant 0 : i32
          %dma_wait3A_161 = tpu.memref_slice %arg3[%add3A_44, %dma_wait3A_160] : memref<2504x128xi32, #tpu.memory_space<hbm>> -> memref<40x128xi32, #tpu.memory_space<hbm>>
          %dma_wait3A_162 = arith.constant 0 : i32
          %dma_wait3A_163 = tpu.memref_slice %arg3[%add3A_44, %dma_wait3A_162] : memref<2504x128xi32, #tpu.memory_space<hbm>> -> memref<40x128xi32, #tpu.memory_space<hbm>>
          tpu.wait_dma2 semaphore(%run_scoped3A_155 : memref<!tpu.dma_semaphore, #tpu.memory_space<semaphore_mem>>) src(%dma_wait3A_163 : memref<40x128xi32, #tpu.memory_space<hbm>>) dst(%arg6 : memref<40x128xi32, #tpu.memory_space<vmem>>)
          tpu.yield
        }) : () -> ()
        "tpu.region"() ({
          %run_scoped3A_155 = tpu.sem_alloc : memref<!tpu.dma_semaphore, #tpu.memory_space<semaphore_mem>>
          %dma_start3A_156 = arith.constant 0 : i32
          %dma_start3A_157 = tpu.memref_slice %arg4[%add3A_44, %dma_start3A_156] : memref<2504x128xi32, #tpu.memory_space<hbm>> -> memref<40x128xi32, #tpu.memory_space<hbm>>
          %dma_start3A_158 = arith.constant 0 : i32
          %dma_start3A_159 = tpu.memref_slice %arg4[%add3A_44, %dma_start3A_158] : memref<2504x128xi32, #tpu.memory_space<hbm>> -> memref<40x128xi32, #tpu.memory_space<hbm>>
          tpu.enqueue_dma source(%dma_start3A_159 : memref<40x128xi32, #tpu.memory_space<hbm>>) target(%arg7 : memref<40x128xi32, #tpu.memory_space<vmem>>) target_semaphore(%run_scoped3A_155 : memref<!tpu.dma_semaphore, #tpu.memory_space<semaphore_mem>>)
          %dma_wait3A_160 = arith.constant 0 : i32
          %dma_wait3A_161 = tpu.memref_slice %arg4[%add3A_44, %dma_wait3A_160] : memref<2504x128xi32, #tpu.memory_space<hbm>> -> memref<40x128xi32, #tpu.memory_space<hbm>>
          %dma_wait3A_162 = arith.constant 0 : i32
          %dma_wait3A_163 = tpu.memref_slice %arg4[%add3A_44, %dma_wait3A_162] : memref<2504x128xi32, #tpu.memory_space<hbm>> -> memref<40x128xi32, #tpu.memory_space<hbm>>
          tpu.wait_dma2 semaphore(%run_scoped3A_155 : memref<!tpu.dma_semaphore, #tpu.memory_space<semaphore_mem>>) src(%dma_wait3A_163 : memref<40x128xi32, #tpu.memory_space<hbm>>) dst(%arg7 : memref<40x128xi32, #tpu.memory_space<vmem>>)
          tpu.yield
        }) : () -> ()
        %dma_start3A = arith.constant 0 : i32
        %dma_start3A_55 = arith.constant 0 : i32
        %dma_start3A_56 = arith.constant 0 : i32
        %dma_start3A_57 = arith.constant 0 : i32
        %dma_start3A_58 = tpu.memref_slice %arg8[%dma_start3A_55, %dma_start3A_56, %dma_start3A_57] : memref<2x128x128xf32, #tpu.memory_space<vmem>> -> memref<1x128x128xf32, #tpu.memory_space<vmem>>
        %dma_start3A_59 = tpu.memref_squeeze %dma_start3A_58 : memref<1x128x128xf32, #tpu.memory_space<vmem>> -> memref<128x128xf32, #tpu.memory_space<vmem>>
        %dma_start3A_60 = arith.constant 0 : i32
        %dma_start3A_61 = tpu.memref_slice %arg6[%dma_start3A, %dma_start3A_60] : memref<40x128xi32, #tpu.memory_space<vmem>> -> memref<1x128xi32, #tpu.memory_space<vmem>>
        %dma_start3A_62 = tpu.memref_squeeze %dma_start3A_61 : memref<1x128xi32, #tpu.memory_space<vmem>> -> memref<128xi32, #tpu.memory_space<vmem>>
        %dma_start3A_63 = arith.constant 0 : i32
        %dma_start3A_64 = arith.constant 0 : i32
        %dma_start3A_65 = tpu.memref_slice %arg2[%dma_start3A_63, %dma_start3A_64] : memref<10000x128xf32, #tpu.memory_space<hbm>> -> memref<10000x128xf32, #tpu.memory_space<hbm>>
        tpu.enqueue_indirect_dma source(%dma_start3A_65 : memref<10000x128xf32, #tpu.memory_space<hbm>>) target(%dma_start3A_59 : memref<128x128xf32, #tpu.memory_space<vmem>>) offsets(%dma_start3A_62 : memref<128xi32, #tpu.memory_space<vmem>>) semaphore(%arg10 : memref<!tpu.dma_semaphore, #tpu.memory_space<semaphore_mem>>)
        %dma_wait3A = arith.constant 0 : i32
        %dma_wait3A_66 = arith.constant 0 : i32
        %dma_wait3A_67 = arith.constant 0 : i32
        %dma_wait3A_68 = arith.constant 0 : i32
        %dma_wait3A_69 = tpu.memref_slice %arg8[%dma_wait3A_66, %dma_wait3A_67, %dma_wait3A_68] : memref<2x128x128xf32, #tpu.memory_space<vmem>> -> memref<1x128x128xf32, #tpu.memory_space<vmem>>
        %dma_wait3A_70 = tpu.memref_squeeze %dma_wait3A_69 : memref<1x128x128xf32, #tpu.memory_space<vmem>> -> memref<128x128xf32, #tpu.memory_space<vmem>>
        %dma_wait3A_71 = arith.constant 0 : i32
        %dma_wait3A_72 = tpu.memref_slice %arg6[%dma_wait3A, %dma_wait3A_71] : memref<40x128xi32, #tpu.memory_space<vmem>> -> memref<1x128xi32, #tpu.memory_space<vmem>>
        %dma_wait3A_73 = tpu.memref_squeeze %dma_wait3A_72 : memref<1x128xi32, #tpu.memory_space<vmem>> -> memref<128xi32, #tpu.memory_space<vmem>>
        %dma_wait3A_74 = arith.constant 0 : i32
        %dma_wait3A_75 = arith.constant 0 : i32
        %dma_wait3A_76 = tpu.memref_slice %arg2[%dma_wait3A_74, %dma_wait3A_75] : memref<10000x128xf32, #tpu.memory_space<hbm>> -> memref<10000x128xf32, #tpu.memory_space<hbm>>
        tpu.wait_indirect_dma semaphore(%arg10 : memref<!tpu.dma_semaphore, #tpu.memory_space<semaphore_mem>>) src(%dma_wait3A_76 : memref<10000x128xf32, #tpu.memory_space<hbm>>) dst(%dma_wait3A_70 : memref<128x128xf32, #tpu.memory_space<vmem>>)
        %dma_start3A_77 = arith.constant 1 : i32
        %dma_start3A_78 = arith.constant 1 : i32
        %dma_start3A_79 = arith.constant 0 : i32
        %dma_start3A_80 = arith.constant 0 : i32
        %dma_start3A_81 = tpu.memref_slice %arg8[%dma_start3A_78, %dma_start3A_79, %dma_start3A_80] : memref<2x128x128xf32, #tpu.memory_space<vmem>> -> memref<1x128x128xf32, #tpu.memory_space<vmem>>
        %dma_start3A_82 = tpu.memref_squeeze %dma_start3A_81 : memref<1x128x128xf32, #tpu.memory_space<vmem>> -> memref<128x128xf32, #tpu.memory_space<vmem>>
        %dma_start3A_83 = arith.constant 0 : i32
        %dma_start3A_84 = tpu.memref_slice %arg6[%dma_start3A_77, %dma_start3A_83] : memref<40x128xi32, #tpu.memory_space<vmem>> -> memref<1x128xi32, #tpu.memory_space<vmem>>
        %dma_start3A_85 = tpu.memref_squeeze %dma_start3A_84 : memref<1x128xi32, #tpu.memory_space<vmem>> -> memref<128xi32, #tpu.memory_space<vmem>>
        %dma_start3A_86 = arith.constant 0 : i32
        %dma_start3A_87 = arith.constant 0 : i32
        %dma_start3A_88 = tpu.memref_slice %arg2[%dma_start3A_86, %dma_start3A_87] : memref<10000x128xf32, #tpu.memory_space<hbm>> -> memref<10000x128xf32, #tpu.memory_space<hbm>>
        tpu.enqueue_indirect_dma source(%dma_start3A_88 : memref<10000x128xf32, #tpu.memory_space<hbm>>) target(%dma_start3A_82 : memref<128x128xf32, #tpu.memory_space<vmem>>) offsets(%dma_start3A_85 : memref<128xi32, #tpu.memory_space<vmem>>) semaphore(%arg10 : memref<!tpu.dma_semaphore, #tpu.memory_space<semaphore_mem>>)
        %dma_start3A_89 = arith.constant 0 : i32
        %dma_start3A_90 = arith.constant 0 : i32
        %dma_start3A_91 = arith.constant 0 : i32
        %dma_start3A_92 = arith.constant 0 : i32
        %dma_start3A_93 = tpu.memref_slice %arg8[%dma_start3A_89, %dma_start3A_91, %dma_start3A_92] : memref<2x128x128xf32, #tpu.memory_space<vmem>> -> memref<1x128x128xf32, #tpu.memory_space<vmem>>
        %dma_start3A_94 = tpu.memref_squeeze %dma_start3A_93 : memref<1x128x128xf32, #tpu.memory_space<vmem>> -> memref<128x128xf32, #tpu.memory_space<vmem>>
        %dma_start3A_95 = arith.constant 0 : i32
        %dma_start3A_96 = tpu.memref_slice %arg7[%dma_start3A_90, %dma_start3A_95] : memref<40x128xi32, #tpu.memory_space<vmem>> -> memref<1x128xi32, #tpu.memory_space<vmem>>
        %dma_start3A_97 = tpu.memref_squeeze %dma_start3A_96 : memref<1x128xi32, #tpu.memory_space<vmem>> -> memref<128xi32, #tpu.memory_space<vmem>>
        %dma_start3A_98 = arith.constant 0 : i32
        %dma_start3A_99 = arith.constant 0 : i32
        %dma_start3A_100 = tpu.memref_slice %arg9[%dma_start3A_98, %dma_start3A_99] : memref<10112x128xf32, #tpu.memory_space<vmem_shared>> -> memref<10112x128xf32, #tpu.memory_space<vmem_shared>>
        tpu.enqueue_indirect_dma source(%dma_start3A_94 : memref<128x128xf32, #tpu.memory_space<vmem>>) target(%dma_start3A_100 : memref<10112x128xf32, #tpu.memory_space<vmem_shared>>) offsets(%dma_start3A_97 : memref<128xi32, #tpu.memory_space<vmem>>) semaphore(%arg11 : memref<!tpu.dma_semaphore, #tpu.memory_space<semaphore_mem>>) {add = true}
        %scan3A_101 = arith.constant 0 : i32
        %scan3A_102 = arith.constant 0 : i32
        %scan3A_103 = arith.constant 19 : i32
        %scan3A_104 = arith.addi %scan3A_102, %scan3A_103 : i32
        %scan3A_105 = arith.constant 1 : i32
        scf.for %scan3A_155 = %scan3A_102 to %scan3A_104 step %scan3A_105  : i32 {
          %mul3A_156 = arith.constant 2 : i32
          %mul3A_157 = arith.muli %mul3A_156, %scan3A_155 : i32
          %add3A_158 = arith.constant 1 : i32
          %add3A_159 = arith.addi %mul3A_157, %add3A_158 : i32
          %dma_wait3A_160 = arith.constant 0 : i32
          %dma_wait3A_161 = arith.constant 0 : i32
          %dma_wait3A_162 = arith.constant 0 : i32
          %dma_wait3A_163 = arith.constant 0 : i32
          %dma_wait3A_164 = tpu.memref_slice %arg8[%dma_wait3A_161, %dma_wait3A_162, %dma_wait3A_163] : memref<2x128x128xf32, #tpu.memory_space<vmem>> -> memref<1x128x128xf32, #tpu.memory_space<vmem>>
          %dma_wait3A_165 = tpu.memref_squeeze %dma_wait3A_164 : memref<1x128x128xf32, #tpu.memory_space<vmem>> -> memref<128x128xf32, #tpu.memory_space<vmem>>
          %dma_wait3A_166 = arith.constant 0 : i32
          %dma_wait3A_167 = tpu.memref_slice %arg6[%dma_wait3A_160, %dma_wait3A_166] : memref<40x128xi32, #tpu.memory_space<vmem>> -> memref<1x128xi32, #tpu.memory_space<vmem>>
          %dma_wait3A_168 = tpu.memref_squeeze %dma_wait3A_167 : memref<1x128xi32, #tpu.memory_space<vmem>> -> memref<128xi32, #tpu.memory_space<vmem>>
          %dma_wait3A_169 = arith.constant 0 : i32
          %dma_wait3A_170 = arith.constant 0 : i32
          %dma_wait3A_171 = tpu.memref_slice %arg2[%dma_wait3A_169, %dma_wait3A_170] : memref<10000x128xf32, #tpu.memory_space<hbm>> -> memref<10000x128xf32, #tpu.memory_space<hbm>>
          tpu.wait_indirect_dma semaphore(%arg10 : memref<!tpu.dma_semaphore, #tpu.memory_space<semaphore_mem>>) src(%dma_wait3A_171 : memref<10000x128xf32, #tpu.memory_space<hbm>>) dst(%dma_wait3A_165 : memref<128x128xf32, #tpu.memory_space<vmem>>)
          %dma_wait3A_172 = arith.constant 0 : i32
          %dma_wait3A_173 = arith.constant 0 : i32
          %dma_wait3A_174 = arith.constant 0 : i32
          %dma_wait3A_175 = arith.constant 0 : i32
          %dma_wait3A_176 = tpu.memref_slice %arg8[%dma_wait3A_172, %dma_wait3A_174, %dma_wait3A_175] : memref<2x128x128xf32, #tpu.memory_space<vmem>> -> memref<1x128x128xf32, #tpu.memory_space<vmem>>
          %dma_wait3A_177 = tpu.memref_squeeze %dma_wait3A_176 : memref<1x128x128xf32, #tpu.memory_space<vmem>> -> memref<128x128xf32, #tpu.memory_space<vmem>>
          %dma_wait3A_178 = arith.constant 0 : i32
          %dma_wait3A_179 = tpu.memref_slice %arg7[%dma_wait3A_173, %dma_wait3A_178] : memref<40x128xi32, #tpu.memory_space<vmem>> -> memref<1x128xi32, #tpu.memory_space<vmem>>
          %dma_wait3A_180 = tpu.memref_squeeze %dma_wait3A_179 : memref<1x128xi32, #tpu.memory_space<vmem>> -> memref<128xi32, #tpu.memory_space<vmem>>
          %dma_wait3A_181 = arith.constant 0 : i32
          %dma_wait3A_182 = arith.constant 0 : i32
          %dma_wait3A_183 = tpu.memref_slice %arg9[%dma_wait3A_181, %dma_wait3A_182] : memref<10112x128xf32, #tpu.memory_space<vmem_shared>> -> memref<10112x128xf32, #tpu.memory_space<vmem_shared>>
          tpu.wait_indirect_dma semaphore(%arg11 : memref<!tpu.dma_semaphore, #tpu.memory_space<semaphore_mem>>) src(%dma_wait3A_177 : memref<128x128xf32, #tpu.memory_space<vmem>>) dst(%dma_wait3A_183 : memref<10112x128xf32, #tpu.memory_space<vmem_shared>>)
          %add3A_184 = arith.constant 1 : i32
          %add3A_185 = arith.addi %add3A_159, %add3A_184 : i32
          %dma_start3A_186 = arith.constant 0 : i32
          %dma_start3A_187 = arith.constant 0 : i32
          %dma_start3A_188 = arith.constant 0 : i32
          %dma_start3A_189 = tpu.memref_slice %arg8[%dma_start3A_186, %dma_start3A_187, %dma_start3A_188] : memref<2x128x128xf32, #tpu.memory_space<vmem>> -> memref<1x128x128xf32, #tpu.memory_space<vmem>>
          %dma_start3A_190 = tpu.memref_squeeze %dma_start3A_189 : memref<1x128x128xf32, #tpu.memory_space<vmem>> -> memref<128x128xf32, #tpu.memory_space<vmem>>
          %dma_start3A_191 = arith.constant 0 : i32
          %dma_start3A_192 = tpu.memref_slice %arg6[%add3A_185, %dma_start3A_191] : memref<40x128xi32, #tpu.memory_space<vmem>> -> memref<1x128xi32, #tpu.memory_space<vmem>>
          %dma_start3A_193 = tpu.memref_squeeze %dma_start3A_192 : memref<1x128xi32, #tpu.memory_space<vmem>> -> memref<128xi32, #tpu.memory_space<vmem>>
          %dma_start3A_194 = arith.constant 0 : i32
          %dma_start3A_195 = arith.constant 0 : i32
          %dma_start3A_196 = tpu.memref_slice %arg2[%dma_start3A_194, %dma_start3A_195] : memref<10000x128xf32, #tpu.memory_space<hbm>> -> memref<10000x128xf32, #tpu.memory_space<hbm>>
          tpu.enqueue_indirect_dma source(%dma_start3A_196 : memref<10000x128xf32, #tpu.memory_space<hbm>>) target(%dma_start3A_190 : memref<128x128xf32, #tpu.memory_space<vmem>>) offsets(%dma_start3A_193 : memref<128xi32, #tpu.memory_space<vmem>>) semaphore(%arg10 : memref<!tpu.dma_semaphore, #tpu.memory_space<semaphore_mem>>)
          %dma_start3A_197 = arith.constant 1 : i32
          %dma_start3A_198 = arith.constant 0 : i32
          %dma_start3A_199 = arith.constant 0 : i32
          %dma_start3A_200 = tpu.memref_slice %arg8[%dma_start3A_197, %dma_start3A_198, %dma_start3A_199] : memref<2x128x128xf32, #tpu.memory_space<vmem>> -> memref<1x128x128xf32, #tpu.memory_space<vmem>>
          %dma_start3A_201 = tpu.memref_squeeze %dma_start3A_200 : memref<1x128x128xf32, #tpu.memory_space<vmem>> -> memref<128x128xf32, #tpu.memory_space<vmem>>
          %dma_start3A_202 = arith.constant 0 : i32
          %dma_start3A_203 = tpu.memref_slice %arg7[%add3A_159, %dma_start3A_202] : memref<40x128xi32, #tpu.memory_space<vmem>> -> memref<1x128xi32, #tpu.memory_space<vmem>>
          %dma_start3A_204 = tpu.memref_squeeze %dma_start3A_203 : memref<1x128xi32, #tpu.memory_space<vmem>> -> memref<128xi32, #tpu.memory_space<vmem>>
          %dma_start3A_205 = arith.constant 0 : i32
          %dma_start3A_206 = arith.constant 0 : i32
          %dma_start3A_207 = tpu.memref_slice %arg9[%dma_start3A_205, %dma_start3A_206] : memref<10112x128xf32, #tpu.memory_space<vmem_shared>> -> memref<10112x128xf32, #tpu.memory_space<vmem_shared>>
          tpu.enqueue_indirect_dma source(%dma_start3A_201 : memref<128x128xf32, #tpu.memory_space<vmem>>) target(%dma_start3A_207 : memref<10112x128xf32, #tpu.memory_space<vmem_shared>>) offsets(%dma_start3A_204 : memref<128xi32, #tpu.memory_space<vmem>>) semaphore(%arg11 : memref<!tpu.dma_semaphore, #tpu.memory_space<semaphore_mem>>) {add = true}
          %dma_wait3A_208 = arith.constant 0 : i32
          %dma_wait3A_209 = arith.constant 0 : i32
          %dma_wait3A_210 = arith.constant 0 : i32
          %dma_wait3A_211 = arith.constant 0 : i32
          %dma_wait3A_212 = tpu.memref_slice %arg8[%dma_wait3A_209, %dma_wait3A_210, %dma_wait3A_211] : memref<2x128x128xf32, #tpu.memory_space<vmem>> -> memref<1x128x128xf32, #tpu.memory_space<vmem>>
          %dma_wait3A_213 = tpu.memref_squeeze %dma_wait3A_212 : memref<1x128x128xf32, #tpu.memory_space<vmem>> -> memref<128x128xf32, #tpu.memory_space<vmem>>
          %dma_wait3A_214 = arith.constant 0 : i32
          %dma_wait3A_215 = tpu.memref_slice %arg6[%dma_wait3A_208, %dma_wait3A_214] : memref<40x128xi32, #tpu.memory_space<vmem>> -> memref<1x128xi32, #tpu.memory_space<vmem>>
          %dma_wait3A_216 = tpu.memref_squeeze %dma_wait3A_215 : memref<1x128xi32, #tpu.memory_space<vmem>> -> memref<128xi32, #tpu.memory_space<vmem>>
          %dma_wait3A_217 = arith.constant 0 : i32
          %dma_wait3A_218 = arith.constant 0 : i32
          %dma_wait3A_219 = tpu.memref_slice %arg2[%dma_wait3A_217, %dma_wait3A_218] : memref<10000x128xf32, #tpu.memory_space<hbm>> -> memref<10000x128xf32, #tpu.memory_space<hbm>>
          tpu.wait_indirect_dma semaphore(%arg10 : memref<!tpu.dma_semaphore, #tpu.memory_space<semaphore_mem>>) src(%dma_wait3A_219 : memref<10000x128xf32, #tpu.memory_space<hbm>>) dst(%dma_wait3A_213 : memref<128x128xf32, #tpu.memory_space<vmem>>)
          %dma_wait3A_220 = arith.constant 0 : i32
          %dma_wait3A_221 = arith.constant 0 : i32
          %dma_wait3A_222 = arith.constant 0 : i32
          %dma_wait3A_223 = arith.constant 0 : i32
          %dma_wait3A_224 = tpu.memref_slice %arg8[%dma_wait3A_220, %dma_wait3A_222, %dma_wait3A_223] : memref<2x128x128xf32, #tpu.memory_space<vmem>> -> memref<1x128x128xf32, #tpu.memory_space<vmem>>
          %dma_wait3A_225 = tpu.memref_squeeze %dma_wait3A_224 : memref<1x128x128xf32, #tpu.memory_space<vmem>> -> memref<128x128xf32, #tpu.memory_space<vmem>>
          %dma_wait3A_226 = arith.constant 0 : i32
          %dma_wait3A_227 = tpu.memref_slice %arg7[%dma_wait3A_221, %dma_wait3A_226] : memref<40x128xi32, #tpu.memory_space<vmem>> -> memref<1x128xi32, #tpu.memory_space<vmem>>
          %dma_wait3A_228 = tpu.memref_squeeze %dma_wait3A_227 : memref<1x128xi32, #tpu.memory_space<vmem>> -> memref<128xi32, #tpu.memory_space<vmem>>
          %dma_wait3A_229 = arith.constant 0 : i32
          %dma_wait3A_230 = arith.constant 0 : i32
          %dma_wait3A_231 = tpu.memref_slice %arg9[%dma_wait3A_229, %dma_wait3A_230] : memref<10112x128xf32, #tpu.memory_space<vmem_shared>> -> memref<10112x128xf32, #tpu.memory_space<vmem_shared>>
          tpu.wait_indirect_dma semaphore(%arg11 : memref<!tpu.dma_semaphore, #tpu.memory_space<semaphore_mem>>) src(%dma_wait3A_225 : memref<128x128xf32, #tpu.memory_space<vmem>>) dst(%dma_wait3A_231 : memref<10112x128xf32, #tpu.memory_space<vmem_shared>>)
          %add3A_232 = arith.constant 2 : i32
          %add3A_233 = arith.addi %add3A_159, %add3A_232 : i32
          %dma_start3A_234 = arith.constant 1 : i32
          %dma_start3A_235 = arith.constant 0 : i32
          %dma_start3A_236 = arith.constant 0 : i32
          %dma_start3A_237 = tpu.memref_slice %arg8[%dma_start3A_234, %dma_start3A_235, %dma_start3A_236] : memref<2x128x128xf32, #tpu.memory_space<vmem>> -> memref<1x128x128xf32, #tpu.memory_space<vmem>>
          %dma_start3A_238 = tpu.memref_squeeze %dma_start3A_237 : memref<1x128x128xf32, #tpu.memory_space<vmem>> -> memref<128x128xf32, #tpu.memory_space<vmem>>
          %dma_start3A_239 = arith.constant 0 : i32
          %dma_start3A_240 = tpu.memref_slice %arg6[%add3A_233, %dma_start3A_239] : memref<40x128xi32, #tpu.memory_space<vmem>> -> memref<1x128xi32, #tpu.memory_space<vmem>>
          %dma_start3A_241 = tpu.memref_squeeze %dma_start3A_240 : memref<1x128xi32, #tpu.memory_space<vmem>> -> memref<128xi32, #tpu.memory_space<vmem>>
          %dma_start3A_242 = arith.constant 0 : i32
          %dma_start3A_243 = arith.constant 0 : i32
          %dma_start3A_244 = tpu.memref_slice %arg2[%dma_start3A_242, %dma_start3A_243] : memref<10000x128xf32, #tpu.memory_space<hbm>> -> memref<10000x128xf32, #tpu.memory_space<hbm>>
          tpu.enqueue_indirect_dma source(%dma_start3A_244 : memref<10000x128xf32, #tpu.memory_space<hbm>>) target(%dma_start3A_238 : memref<128x128xf32, #tpu.memory_space<vmem>>) offsets(%dma_start3A_241 : memref<128xi32, #tpu.memory_space<vmem>>) semaphore(%arg10 : memref<!tpu.dma_semaphore, #tpu.memory_space<semaphore_mem>>)
          %add3A_245 = arith.constant 1 : i32
          %add3A_246 = arith.addi %add3A_159, %add3A_245 : i32
          %dma_start3A_247 = arith.constant 0 : i32
          %dma_start3A_248 = arith.constant 0 : i32
          %dma_start3A_249 = arith.constant 0 : i32
          %dma_start3A_250 = tpu.memref_slice %arg8[%dma_start3A_247, %dma_start3A_248, %dma_start3A_249] : memref<2x128x128xf32, #tpu.memory_space<vmem>> -> memref<1x128x128xf32, #tpu.memory_space<vmem>>
          %dma_start3A_251 = tpu.memref_squeeze %dma_start3A_250 : memref<1x128x128xf32, #tpu.memory_space<vmem>> -> memref<128x128xf32, #tpu.memory_space<vmem>>
          %dma_start3A_252 = arith.constant 0 : i32
          %dma_start3A_253 = tpu.memref_slice %arg7[%add3A_246, %dma_start3A_252] : memref<40x128xi32, #tpu.memory_space<vmem>> -> memref<1x128xi32, #tpu.memory_space<vmem>>
          %dma_start3A_254 = tpu.memref_squeeze %dma_start3A_253 : memref<1x128xi32, #tpu.memory_space<vmem>> -> memref<128xi32, #tpu.memory_space<vmem>>
          %dma_start3A_255 = arith.constant 0 : i32
          %dma_start3A_256 = arith.constant 0 : i32
          %dma_start3A_257 = tpu.memref_slice %arg9[%dma_start3A_255, %dma_start3A_256] : memref<10112x128xf32, #tpu.memory_space<vmem_shared>> -> memref<10112x128xf32, #tpu.memory_space<vmem_shared>>
          tpu.enqueue_indirect_dma source(%dma_start3A_251 : memref<128x128xf32, #tpu.memory_space<vmem>>) target(%dma_start3A_257 : memref<10112x128xf32, #tpu.memory_space<vmem_shared>>) offsets(%dma_start3A_254 : memref<128xi32, #tpu.memory_space<vmem>>) semaphore(%arg11 : memref<!tpu.dma_semaphore, #tpu.memory_space<semaphore_mem>>) {add = true}
        }
        %scan3A_106 = arith.constant 19 : i32
        %dma_wait3A_107 = arith.constant 0 : i32
        %dma_wait3A_108 = arith.constant 0 : i32
        %dma_wait3A_109 = arith.constant 0 : i32
        %dma_wait3A_110 = arith.constant 0 : i32
        %dma_wait3A_111 = tpu.memref_slice %arg8[%dma_wait3A_108, %dma_wait3A_109, %dma_wait3A_110] : memref<2x128x128xf32, #tpu.memory_space<vmem>> -> memref<1x128x128xf32, #tpu.memory_space<vmem>>
        %dma_wait3A_112 = tpu.memref_squeeze %dma_wait3A_111 : memref<1x128x128xf32, #tpu.memory_space<vmem>> -> memref<128x128xf32, #tpu.memory_space<vmem>>
        %dma_wait3A_113 = arith.constant 0 : i32
        %dma_wait3A_114 = tpu.memref_slice %arg6[%dma_wait3A_107, %dma_wait3A_113] : memref<40x128xi32, #tpu.memory_space<vmem>> -> memref<1x128xi32, #tpu.memory_space<vmem>>
        %dma_wait3A_115 = tpu.memref_squeeze %dma_wait3A_114 : memref<1x128xi32, #tpu.memory_space<vmem>> -> memref<128xi32, #tpu.memory_space<vmem>>
        %dma_wait3A_116 = arith.constant 0 : i32
        %dma_wait3A_117 = arith.constant 0 : i32
        %dma_wait3A_118 = tpu.memref_slice %arg2[%dma_wait3A_116, %dma_wait3A_117] : memref<10000x128xf32, #tpu.memory_space<hbm>> -> memref<10000x128xf32, #tpu.memory_space<hbm>>
        tpu.wait_indirect_dma semaphore(%arg10 : memref<!tpu.dma_semaphore, #tpu.memory_space<semaphore_mem>>) src(%dma_wait3A_118 : memref<10000x128xf32, #tpu.memory_space<hbm>>) dst(%dma_wait3A_112 : memref<128x128xf32, #tpu.memory_space<vmem>>)
        %dma_wait3A_119 = arith.constant 0 : i32
        %dma_wait3A_120 = arith.constant 0 : i32
        %dma_wait3A_121 = arith.constant 0 : i32
        %dma_wait3A_122 = arith.constant 0 : i32
        %dma_wait3A_123 = tpu.memref_slice %arg8[%dma_wait3A_119, %dma_wait3A_121, %dma_wait3A_122] : memref<2x128x128xf32, #tpu.memory_space<vmem>> -> memref<1x128x128xf32, #tpu.memory_space<vmem>>
        %dma_wait3A_124 = tpu.memref_squeeze %dma_wait3A_123 : memref<1x128x128xf32, #tpu.memory_space<vmem>> -> memref<128x128xf32, #tpu.memory_space<vmem>>
        %dma_wait3A_125 = arith.constant 0 : i32
        %dma_wait3A_126 = tpu.memref_slice %arg7[%dma_wait3A_120, %dma_wait3A_125] : memref<40x128xi32, #tpu.memory_space<vmem>> -> memref<1x128xi32, #tpu.memory_space<vmem>>
        %dma_wait3A_127 = tpu.memref_squeeze %dma_wait3A_126 : memref<1x128xi32, #tpu.memory_space<vmem>> -> memref<128xi32, #tpu.memory_space<vmem>>
        %dma_wait3A_128 = arith.constant 0 : i32
        %dma_wait3A_129 = arith.constant 0 : i32
        %dma_wait3A_130 = tpu.memref_slice %arg9[%dma_wait3A_128, %dma_wait3A_129] : memref<10112x128xf32, #tpu.memory_space<vmem_shared>> -> memref<10112x128xf32, #tpu.memory_space<vmem_shared>>
        tpu.wait_indirect_dma semaphore(%arg11 : memref<!tpu.dma_semaphore, #tpu.memory_space<semaphore_mem>>) src(%dma_wait3A_124 : memref<128x128xf32, #tpu.memory_space<vmem>>) dst(%dma_wait3A_130 : memref<10112x128xf32, #tpu.memory_space<vmem_shared>>)
        %dma_start3A_131 = arith.constant 1 : i32
        %dma_start3A_132 = arith.constant 39 : i32
        %dma_start3A_133 = arith.constant 0 : i32
        %dma_start3A_134 = arith.constant 0 : i32
        %dma_start3A_135 = tpu.memref_slice %arg8[%dma_start3A_131, %dma_start3A_133, %dma_start3A_134] : memref<2x128x128xf32, #tpu.memory_space<vmem>> -> memref<1x128x128xf32, #tpu.memory_space<vmem>>
        %dma_start3A_136 = tpu.memref_squeeze %dma_start3A_135 : memref<1x128x128xf32, #tpu.memory_space<vmem>> -> memref<128x128xf32, #tpu.memory_space<vmem>>
        %dma_start3A_137 = arith.constant 0 : i32
        %dma_start3A_138 = tpu.memref_slice %arg7[%dma_start3A_132, %dma_start3A_137] : memref<40x128xi32, #tpu.memory_space<vmem>> -> memref<1x128xi32, #tpu.memory_space<vmem>>
        %dma_start3A_139 = tpu.memref_squeeze %dma_start3A_138 : memref<1x128xi32, #tpu.memory_space<vmem>> -> memref<128xi32, #tpu.memory_space<vmem>>
        %dma_start3A_140 = arith.constant 0 : i32
        %dma_start3A_141 = arith.constant 0 : i32
        %dma_start3A_142 = tpu.memref_slice %arg9[%dma_start3A_140, %dma_start3A_141] : memref<10112x128xf32, #tpu.memory_space<vmem_shared>> -> memref<10112x128xf32, #tpu.memory_space<vmem_shared>>
        tpu.enqueue_indirect_dma source(%dma_start3A_136 : memref<128x128xf32, #tpu.memory_space<vmem>>) target(%dma_start3A_142 : memref<10112x128xf32, #tpu.memory_space<vmem_shared>>) offsets(%dma_start3A_139 : memref<128xi32, #tpu.memory_space<vmem>>) semaphore(%arg11 : memref<!tpu.dma_semaphore, #tpu.memory_space<semaphore_mem>>) {add = true}
        %dma_wait3A_143 = arith.constant 0 : i32
        %dma_wait3A_144 = arith.constant 0 : i32
        %dma_wait3A_145 = arith.constant 0 : i32
        %dma_wait3A_146 = arith.constant 0 : i32
        %dma_wait3A_147 = tpu.memref_slice %arg8[%dma_wait3A_143, %dma_wait3A_145, %dma_wait3A_146] : memref<2x128x128xf32, #tpu.memory_space<vmem>> -> memref<1x128x128xf32, #tpu.memory_space<vmem>>
        %dma_wait3A_148 = tpu.memref_squeeze %dma_wait3A_147 : memref<1x128x128xf32, #tpu.memory_space<vmem>> -> memref<128x128xf32, #tpu.memory_space<vmem>>
        %dma_wait3A_149 = arith.constant 0 : i32
        %dma_wait3A_150 = tpu.memref_slice %arg7[%dma_wait3A_144, %dma_wait3A_149] : memref<40x128xi32, #tpu.memory_space<vmem>> -> memref<1x128xi32, #tpu.memory_space<vmem>>
        %dma_wait3A_151 = tpu.memref_squeeze %dma_wait3A_150 : memref<1x128xi32, #tpu.memory_space<vmem>> -> memref<128xi32, #tpu.memory_space<vmem>>
        %dma_wait3A_152 = arith.constant 0 : i32
        %dma_wait3A_153 = arith.constant 0 : i32
        %dma_wait3A_154 = tpu.memref_slice %arg9[%dma_wait3A_152, %dma_wait3A_153] : memref<10112x128xf32, #tpu.memory_space<vmem_shared>> -> memref<10112x128xf32, #tpu.memory_space<vmem_shared>>
        tpu.wait_indirect_dma semaphore(%arg11 : memref<!tpu.dma_semaphore, #tpu.memory_space<semaphore_mem>>) src(%dma_wait3A_148 : memref<128x128xf32, #tpu.memory_space<vmem>>) dst(%dma_wait3A_154 : memref<10112x128xf32, #tpu.memory_space<vmem_shared>>)
      } else {
      }
      %eq3A = arith.constant 2480 : i32
      %eq3A_51 = arith.cmpi eq, %add3A_44, %eq3A : i32
      %convert_element_type3A_52 = arith.extui %eq3A_51 : i1 to i32
      %cond3A_53 = arith.constant 0 : i32
      %cond3A_54 = arith.cmpi ne, %convert_element_type3A_52, %cond3A_53 : i32
      scf.if %cond3A_54 {
        "tpu.region"() ({
          %run_scoped3A_155 = tpu.sem_alloc : memref<!tpu.dma_semaphore, #tpu.memory_space<semaphore_mem>>
          %dma_start3A_156 = arith.constant 0 : i32
          %dma_start3A_157 = arith.constant 0 : i32
          %dma_start3A_158 = tpu.memref_slice %arg6[%dma_start3A_156, %dma_start3A_157] : memref<40x128xi32, #tpu.memory_space<vmem>> -> memref<24x128xi32, #tpu.memory_space<vmem>>
          %dma_start3A_159 = arith.constant 0 : i32
          %dma_start3A_160 = tpu.memref_slice %arg3[%add3A_44, %dma_start3A_159] : memref<2504x128xi32, #tpu.memory_space<hbm>> -> memref<24x128xi32, #tpu.memory_space<hbm>>
          %dma_start3A_161 = arith.constant 0 : i32
          %dma_start3A_162 = arith.constant 0 : i32
          %dma_start3A_163 = tpu.memref_slice %arg6[%dma_start3A_161, %dma_start3A_162] : memref<40x128xi32, #tpu.memory_space<vmem>> -> memref<24x128xi32, #tpu.memory_space<vmem>>
          %dma_start3A_164 = arith.constant 0 : i32
          %dma_start3A_165 = tpu.memref_slice %arg3[%add3A_44, %dma_start3A_164] : memref<2504x128xi32, #tpu.memory_space<hbm>> -> memref<24x128xi32, #tpu.memory_space<hbm>>
          tpu.enqueue_dma source(%dma_start3A_165 : memref<24x128xi32, #tpu.memory_space<hbm>>) target(%dma_start3A_163 : memref<24x128xi32, #tpu.memory_space<vmem>>) target_semaphore(%run_scoped3A_155 : memref<!tpu.dma_semaphore, #tpu.memory_space<semaphore_mem>>)
          %dma_wait3A_166 = arith.constant 0 : i32
          %dma_wait3A_167 = arith.constant 0 : i32
          %dma_wait3A_168 = tpu.memref_slice %arg6[%dma_wait3A_166, %dma_wait3A_167] : memref<40x128xi32, #tpu.memory_space<vmem>> -> memref<24x128xi32, #tpu.memory_space<vmem>>
          %dma_wait3A_169 = arith.constant 0 : i32
          %dma_wait3A_170 = tpu.memref_slice %arg3[%add3A_44, %dma_wait3A_169] : memref<2504x128xi32, #tpu.memory_space<hbm>> -> memref<24x128xi32, #tpu.memory_space<hbm>>
          %dma_wait3A_171 = arith.constant 0 : i32
          %dma_wait3A_172 = arith.constant 0 : i32
          %dma_wait3A_173 = tpu.memref_slice %arg6[%dma_wait3A_171, %dma_wait3A_172] : memref<40x128xi32, #tpu.memory_space<vmem>> -> memref<24x128xi32, #tpu.memory_space<vmem>>
          %dma_wait3A_174 = arith.constant 0 : i32
          %dma_wait3A_175 = tpu.memref_slice %arg3[%add3A_44, %dma_wait3A_174] : memref<2504x128xi32, #tpu.memory_space<hbm>> -> memref<24x128xi32, #tpu.memory_space<hbm>>
          tpu.wait_dma2 semaphore(%run_scoped3A_155 : memref<!tpu.dma_semaphore, #tpu.memory_space<semaphore_mem>>) src(%dma_wait3A_175 : memref<24x128xi32, #tpu.memory_space<hbm>>) dst(%dma_wait3A_173 : memref<24x128xi32, #tpu.memory_space<vmem>>)
          tpu.yield
        }) : () -> ()
        "tpu.region"() ({
          %run_scoped3A_155 = tpu.sem_alloc : memref<!tpu.dma_semaphore, #tpu.memory_space<semaphore_mem>>
          %dma_start3A_156 = arith.constant 0 : i32
          %dma_start3A_157 = arith.constant 0 : i32
          %dma_start3A_158 = tpu.memref_slice %arg7[%dma_start3A_156, %dma_start3A_157] : memref<40x128xi32, #tpu.memory_space<vmem>> -> memref<24x128xi32, #tpu.memory_space<vmem>>
          %dma_start3A_159 = arith.constant 0 : i32
          %dma_start3A_160 = tpu.memref_slice %arg4[%add3A_44, %dma_start3A_159] : memref<2504x128xi32, #tpu.memory_space<hbm>> -> memref<24x128xi32, #tpu.memory_space<hbm>>
          %dma_start3A_161 = arith.constant 0 : i32
          %dma_start3A_162 = arith.constant 0 : i32
          %dma_start3A_163 = tpu.memref_slice %arg7[%dma_start3A_161, %dma_start3A_162] : memref<40x128xi32, #tpu.memory_space<vmem>> -> memref<24x128xi32, #tpu.memory_space<vmem>>
          %dma_start3A_164 = arith.constant 0 : i32
          %dma_start3A_165 = tpu.memref_slice %arg4[%add3A_44, %dma_start3A_164] : memref<2504x128xi32, #tpu.memory_space<hbm>> -> memref<24x128xi32, #tpu.memory_space<hbm>>
          tpu.enqueue_dma source(%dma_start3A_165 : memref<24x128xi32, #tpu.memory_space<hbm>>) target(%dma_start3A_163 : memref<24x128xi32, #tpu.memory_space<vmem>>) target_semaphore(%run_scoped3A_155 : memref<!tpu.dma_semaphore, #tpu.memory_space<semaphore_mem>>)
          %dma_wait3A_166 = arith.constant 0 : i32
          %dma_wait3A_167 = arith.constant 0 : i32
          %dma_wait3A_168 = tpu.memref_slice %arg7[%dma_wait3A_166, %dma_wait3A_167] : memref<40x128xi32, #tpu.memory_space<vmem>> -> memref<24x128xi32, #tpu.memory_space<vmem>>
          %dma_wait3A_169 = arith.constant 0 : i32
          %dma_wait3A_170 = tpu.memref_slice %arg4[%add3A_44, %dma_wait3A_169] : memref<2504x128xi32, #tpu.memory_space<hbm>> -> memref<24x128xi32, #tpu.memory_space<hbm>>
          %dma_wait3A_171 = arith.constant 0 : i32
          %dma_wait3A_172 = arith.constant 0 : i32
          %dma_wait3A_173 = tpu.memref_slice %arg7[%dma_wait3A_171, %dma_wait3A_172] : memref<40x128xi32, #tpu.memory_space<vmem>> -> memref<24x128xi32, #tpu.memory_space<vmem>>
          %dma_wait3A_174 = arith.constant 0 : i32
          %dma_wait3A_175 = tpu.memref_slice %arg4[%add3A_44, %dma_wait3A_174] : memref<2504x128xi32, #tpu.memory_space<hbm>> -> memref<24x128xi32, #tpu.memory_space<hbm>>
          tpu.wait_dma2 semaphore(%run_scoped3A_155 : memref<!tpu.dma_semaphore, #tpu.memory_space<semaphore_mem>>) src(%dma_wait3A_175 : memref<24x128xi32, #tpu.memory_space<hbm>>) dst(%dma_wait3A_173 : memref<24x128xi32, #tpu.memory_space<vmem>>)
          tpu.yield
        }) : () -> ()
        %dma_start3A = arith.constant 0 : i32
        %dma_start3A_55 = arith.constant 0 : i32
        %dma_start3A_56 = arith.constant 0 : i32
        %dma_start3A_57 = arith.constant 0 : i32
        %dma_start3A_58 = tpu.memref_slice %arg8[%dma_start3A_55, %dma_start3A_56, %dma_start3A_57] : memref<2x128x128xf32, #tpu.memory_space<vmem>> -> memref<1x128x128xf32, #tpu.memory_space<vmem>>
        %dma_start3A_59 = tpu.memref_squeeze %dma_start3A_58 : memref<1x128x128xf32, #tpu.memory_space<vmem>> -> memref<128x128xf32, #tpu.memory_space<vmem>>
        %dma_start3A_60 = arith.constant 0 : i32
        %dma_start3A_61 = tpu.memref_slice %arg6[%dma_start3A, %dma_start3A_60] : memref<40x128xi32, #tpu.memory_space<vmem>> -> memref<1x128xi32, #tpu.memory_space<vmem>>
        %dma_start3A_62 = tpu.memref_squeeze %dma_start3A_61 : memref<1x128xi32, #tpu.memory_space<vmem>> -> memref<128xi32, #tpu.memory_space<vmem>>
        %dma_start3A_63 = arith.constant 0 : i32
        %dma_start3A_64 = arith.constant 0 : i32
        %dma_start3A_65 = tpu.memref_slice %arg2[%dma_start3A_63, %dma_start3A_64] : memref<10000x128xf32, #tpu.memory_space<hbm>> -> memref<10000x128xf32, #tpu.memory_space<hbm>>
        tpu.enqueue_indirect_dma source(%dma_start3A_65 : memref<10000x128xf32, #tpu.memory_space<hbm>>) target(%dma_start3A_59 : memref<128x128xf32, #tpu.memory_space<vmem>>) offsets(%dma_start3A_62 : memref<128xi32, #tpu.memory_space<vmem>>) semaphore(%arg10 : memref<!tpu.dma_semaphore, #tpu.memory_space<semaphore_mem>>)
        %dma_wait3A = arith.constant 0 : i32
        %dma_wait3A_66 = arith.constant 0 : i32
        %dma_wait3A_67 = arith.constant 0 : i32
        %dma_wait3A_68 = arith.constant 0 : i32
        %dma_wait3A_69 = tpu.memref_slice %arg8[%dma_wait3A_66, %dma_wait3A_67, %dma_wait3A_68] : memref<2x128x128xf32, #tpu.memory_space<vmem>> -> memref<1x128x128xf32, #tpu.memory_space<vmem>>
        %dma_wait3A_70 = tpu.memref_squeeze %dma_wait3A_69 : memref<1x128x128xf32, #tpu.memory_space<vmem>> -> memref<128x128xf32, #tpu.memory_space<vmem>>
        %dma_wait3A_71 = arith.constant 0 : i32
        %dma_wait3A_72 = tpu.memref_slice %arg6[%dma_wait3A, %dma_wait3A_71] : memref<40x128xi32, #tpu.memory_space<vmem>> -> memref<1x128xi32, #tpu.memory_space<vmem>>
        %dma_wait3A_73 = tpu.memref_squeeze %dma_wait3A_72 : memref<1x128xi32, #tpu.memory_space<vmem>> -> memref<128xi32, #tpu.memory_space<vmem>>
        %dma_wait3A_74 = arith.constant 0 : i32
        %dma_wait3A_75 = arith.constant 0 : i32
        %dma_wait3A_76 = tpu.memref_slice %arg2[%dma_wait3A_74, %dma_wait3A_75] : memref<10000x128xf32, #tpu.memory_space<hbm>> -> memref<10000x128xf32, #tpu.memory_space<hbm>>
        tpu.wait_indirect_dma semaphore(%arg10 : memref<!tpu.dma_semaphore, #tpu.memory_space<semaphore_mem>>) src(%dma_wait3A_76 : memref<10000x128xf32, #tpu.memory_space<hbm>>) dst(%dma_wait3A_70 : memref<128x128xf32, #tpu.memory_space<vmem>>)
        %dma_start3A_77 = arith.constant 1 : i32
        %dma_start3A_78 = arith.constant 1 : i32
        %dma_start3A_79 = arith.constant 0 : i32
        %dma_start3A_80 = arith.constant 0 : i32
        %dma_start3A_81 = tpu.memref_slice %arg8[%dma_start3A_78, %dma_start3A_79, %dma_start3A_80] : memref<2x128x128xf32, #tpu.memory_space<vmem>> -> memref<1x128x128xf32, #tpu.memory_space<vmem>>
        %dma_start3A_82 = tpu.memref_squeeze %dma_start3A_81 : memref<1x128x128xf32, #tpu.memory_space<vmem>> -> memref<128x128xf32, #tpu.memory_space<vmem>>
        %dma_start3A_83 = arith.constant 0 : i32
        %dma_start3A_84 = tpu.memref_slice %arg6[%dma_start3A_77, %dma_start3A_83] : memref<40x128xi32, #tpu.memory_space<vmem>> -> memref<1x128xi32, #tpu.memory_space<vmem>>
        %dma_start3A_85 = tpu.memref_squeeze %dma_start3A_84 : memref<1x128xi32, #tpu.memory_space<vmem>> -> memref<128xi32, #tpu.memory_space<vmem>>
        %dma_start3A_86 = arith.constant 0 : i32
        %dma_start3A_87 = arith.constant 0 : i32
        %dma_start3A_88 = tpu.memref_slice %arg2[%dma_start3A_86, %dma_start3A_87] : memref<10000x128xf32, #tpu.memory_space<hbm>> -> memref<10000x128xf32, #tpu.memory_space<hbm>>
        tpu.enqueue_indirect_dma source(%dma_start3A_88 : memref<10000x128xf32, #tpu.memory_space<hbm>>) target(%dma_start3A_82 : memref<128x128xf32, #tpu.memory_space<vmem>>) offsets(%dma_start3A_85 : memref<128xi32, #tpu.memory_space<vmem>>) semaphore(%arg10 : memref<!tpu.dma_semaphore, #tpu.memory_space<semaphore_mem>>)
        %dma_start3A_89 = arith.constant 0 : i32
        %dma_start3A_90 = arith.constant 0 : i32
        %dma_start3A_91 = arith.constant 0 : i32
        %dma_start3A_92 = arith.constant 0 : i32
        %dma_start3A_93 = tpu.memref_slice %arg8[%dma_start3A_89, %dma_start3A_91, %dma_start3A_92] : memref<2x128x128xf32, #tpu.memory_space<vmem>> -> memref<1x128x128xf32, #tpu.memory_space<vmem>>
        %dma_start3A_94 = tpu.memref_squeeze %dma_start3A_93 : memref<1x128x128xf32, #tpu.memory_space<vmem>> -> memref<128x128xf32, #tpu.memory_space<vmem>>
        %dma_start3A_95 = arith.constant 0 : i32
        %dma_start3A_96 = tpu.memref_slice %arg7[%dma_start3A_90, %dma_start3A_95] : memref<40x128xi32, #tpu.memory_space<vmem>> -> memref<1x128xi32, #tpu.memory_space<vmem>>
        %dma_start3A_97 = tpu.memref_squeeze %dma_start3A_96 : memref<1x128xi32, #tpu.memory_space<vmem>> -> memref<128xi32, #tpu.memory_space<vmem>>
        %dma_start3A_98 = arith.constant 0 : i32
        %dma_start3A_99 = arith.constant 0 : i32
        %dma_start3A_100 = tpu.memref_slice %arg9[%dma_start3A_98, %dma_start3A_99] : memref<10112x128xf32, #tpu.memory_space<vmem_shared>> -> memref<10112x128xf32, #tpu.memory_space<vmem_shared>>
        tpu.enqueue_indirect_dma source(%dma_start3A_94 : memref<128x128xf32, #tpu.memory_space<vmem>>) target(%dma_start3A_100 : memref<10112x128xf32, #tpu.memory_space<vmem_shared>>) offsets(%dma_start3A_97 : memref<128xi32, #tpu.memory_space<vmem>>) semaphore(%arg11 : memref<!tpu.dma_semaphore, #tpu.memory_space<semaphore_mem>>) {add = true}
        %scan3A_101 = arith.constant 0 : i32
        %scan3A_102 = arith.constant 0 : i32
        %scan3A_103 = arith.constant 11 : i32
        %scan3A_104 = arith.addi %scan3A_102, %scan3A_103 : i32
        %scan3A_105 = arith.constant 1 : i32
        scf.for %scan3A_155 = %scan3A_102 to %scan3A_104 step %scan3A_105  : i32 {
          %mul3A_156 = arith.constant 2 : i32
          %mul3A_157 = arith.muli %mul3A_156, %scan3A_155 : i32
          %add3A_158 = arith.constant 1 : i32
          %add3A_159 = arith.addi %mul3A_157, %add3A_158 : i32
          %dma_wait3A_160 = arith.constant 0 : i32
          %dma_wait3A_161 = arith.constant 0 : i32
          %dma_wait3A_162 = arith.constant 0 : i32
          %dma_wait3A_163 = arith.constant 0 : i32
          %dma_wait3A_164 = tpu.memref_slice %arg8[%dma_wait3A_161, %dma_wait3A_162, %dma_wait3A_163] : memref<2x128x128xf32, #tpu.memory_space<vmem>> -> memref<1x128x128xf32, #tpu.memory_space<vmem>>
          %dma_wait3A_165 = tpu.memref_squeeze %dma_wait3A_164 : memref<1x128x128xf32, #tpu.memory_space<vmem>> -> memref<128x128xf32, #tpu.memory_space<vmem>>
          %dma_wait3A_166 = arith.constant 0 : i32
          %dma_wait3A_167 = tpu.memref_slice %arg6[%dma_wait3A_160, %dma_wait3A_166] : memref<40x128xi32, #tpu.memory_space<vmem>> -> memref<1x128xi32, #tpu.memory_space<vmem>>
          %dma_wait3A_168 = tpu.memref_squeeze %dma_wait3A_167 : memref<1x128xi32, #tpu.memory_space<vmem>> -> memref<128xi32, #tpu.memory_space<vmem>>
          %dma_wait3A_169 = arith.constant 0 : i32
          %dma_wait3A_170 = arith.constant 0 : i32
          %dma_wait3A_171 = tpu.memref_slice %arg2[%dma_wait3A_169, %dma_wait3A_170] : memref<10000x128xf32, #tpu.memory_space<hbm>> -> memref<10000x128xf32, #tpu.memory_space<hbm>>
          tpu.wait_indirect_dma semaphore(%arg10 : memref<!tpu.dma_semaphore, #tpu.memory_space<semaphore_mem>>) src(%dma_wait3A_171 : memref<10000x128xf32, #tpu.memory_space<hbm>>) dst(%dma_wait3A_165 : memref<128x128xf32, #tpu.memory_space<vmem>>)
          %dma_wait3A_172 = arith.constant 0 : i32
          %dma_wait3A_173 = arith.constant 0 : i32
          %dma_wait3A_174 = arith.constant 0 : i32
          %dma_wait3A_175 = arith.constant 0 : i32
          %dma_wait3A_176 = tpu.memref_slice %arg8[%dma_wait3A_172, %dma_wait3A_174, %dma_wait3A_175] : memref<2x128x128xf32, #tpu.memory_space<vmem>> -> memref<1x128x128xf32, #tpu.memory_space<vmem>>
          %dma_wait3A_177 = tpu.memref_squeeze %dma_wait3A_176 : memref<1x128x128xf32, #tpu.memory_space<vmem>> -> memref<128x128xf32, #tpu.memory_space<vmem>>
          %dma_wait3A_178 = arith.constant 0 : i32
          %dma_wait3A_179 = tpu.memref_slice %arg7[%dma_wait3A_173, %dma_wait3A_178] : memref<40x128xi32, #tpu.memory_space<vmem>> -> memref<1x128xi32, #tpu.memory_space<vmem>>
          %dma_wait3A_180 = tpu.memref_squeeze %dma_wait3A_179 : memref<1x128xi32, #tpu.memory_space<vmem>> -> memref<128xi32, #tpu.memory_space<vmem>>
          %dma_wait3A_181 = arith.constant 0 : i32
          %dma_wait3A_182 = arith.constant 0 : i32
          %dma_wait3A_183 = tpu.memref_slice %arg9[%dma_wait3A_181, %dma_wait3A_182] : memref<10112x128xf32, #tpu.memory_space<vmem_shared>> -> memref<10112x128xf32, #tpu.memory_space<vmem_shared>>
          tpu.wait_indirect_dma semaphore(%arg11 : memref<!tpu.dma_semaphore, #tpu.memory_space<semaphore_mem>>) src(%dma_wait3A_177 : memref<128x128xf32, #tpu.memory_space<vmem>>) dst(%dma_wait3A_183 : memref<10112x128xf32, #tpu.memory_space<vmem_shared>>)
          %add3A_184 = arith.constant 1 : i32
          %add3A_185 = arith.addi %add3A_159, %add3A_184 : i32
          %dma_start3A_186 = arith.constant 0 : i32
          %dma_start3A_187 = arith.constant 0 : i32
          %dma_start3A_188 = arith.constant 0 : i32
          %dma_start3A_189 = tpu.memref_slice %arg8[%dma_start3A_186, %dma_start3A_187, %dma_start3A_188] : memref<2x128x128xf32, #tpu.memory_space<vmem>> -> memref<1x128x128xf32, #tpu.memory_space<vmem>>
          %dma_start3A_190 = tpu.memref_squeeze %dma_start3A_189 : memref<1x128x128xf32, #tpu.memory_space<vmem>> -> memref<128x128xf32, #tpu.memory_space<vmem>>
          %dma_start3A_191 = arith.constant 0 : i32
          %dma_start3A_192 = tpu.memref_slice %arg6[%add3A_185, %dma_start3A_191] : memref<40x128xi32, #tpu.memory_space<vmem>> -> memref<1x128xi32, #tpu.memory_space<vmem>>
          %dma_start3A_193 = tpu.memref_squeeze %dma_start3A_192 : memref<1x128xi32, #tpu.memory_space<vmem>> -> memref<128xi32, #tpu.memory_space<vmem>>
          %dma_start3A_194 = arith.constant 0 : i32
          %dma_start3A_195 = arith.constant 0 : i32
          %dma_start3A_196 = tpu.memref_slice %arg2[%dma_start3A_194, %dma_start3A_195] : memref<10000x128xf32, #tpu.memory_space<hbm>> -> memref<10000x128xf32, #tpu.memory_space<hbm>>
          tpu.enqueue_indirect_dma source(%dma_start3A_196 : memref<10000x128xf32, #tpu.memory_space<hbm>>) target(%dma_start3A_190 : memref<128x128xf32, #tpu.memory_space<vmem>>) offsets(%dma_start3A_193 : memref<128xi32, #tpu.memory_space<vmem>>) semaphore(%arg10 : memref<!tpu.dma_semaphore, #tpu.memory_space<semaphore_mem>>)
          %dma_start3A_197 = arith.constant 1 : i32
          %dma_start3A_198 = arith.constant 0 : i32
          %dma_start3A_199 = arith.constant 0 : i32
          %dma_start3A_200 = tpu.memref_slice %arg8[%dma_start3A_197, %dma_start3A_198, %dma_start3A_199] : memref<2x128x128xf32, #tpu.memory_space<vmem>> -> memref<1x128x128xf32, #tpu.memory_space<vmem>>
          %dma_start3A_201 = tpu.memref_squeeze %dma_start3A_200 : memref<1x128x128xf32, #tpu.memory_space<vmem>> -> memref<128x128xf32, #tpu.memory_space<vmem>>
          %dma_start3A_202 = arith.constant 0 : i32
          %dma_start3A_203 = tpu.memref_slice %arg7[%add3A_159, %dma_start3A_202] : memref<40x128xi32, #tpu.memory_space<vmem>> -> memref<1x128xi32, #tpu.memory_space<vmem>>
          %dma_start3A_204 = tpu.memref_squeeze %dma_start3A_203 : memref<1x128xi32, #tpu.memory_space<vmem>> -> memref<128xi32, #tpu.memory_space<vmem>>
          %dma_start3A_205 = arith.constant 0 : i32
          %dma_start3A_206 = arith.constant 0 : i32
          %dma_start3A_207 = tpu.memref_slice %arg9[%dma_start3A_205, %dma_start3A_206] : memref<10112x128xf32, #tpu.memory_space<vmem_shared>> -> memref<10112x128xf32, #tpu.memory_space<vmem_shared>>
          tpu.enqueue_indirect_dma source(%dma_start3A_201 : memref<128x128xf32, #tpu.memory_space<vmem>>) target(%dma_start3A_207 : memref<10112x128xf32, #tpu.memory_space<vmem_shared>>) offsets(%dma_start3A_204 : memref<128xi32, #tpu.memory_space<vmem>>) semaphore(%arg11 : memref<!tpu.dma_semaphore, #tpu.memory_space<semaphore_mem>>) {add = true}
          %dma_wait3A_208 = arith.constant 0 : i32
          %dma_wait3A_209 = arith.constant 0 : i32
          %dma_wait3A_210 = arith.constant 0 : i32
          %dma_wait3A_211 = arith.constant 0 : i32
          %dma_wait3A_212 = tpu.memref_slice %arg8[%dma_wait3A_209, %dma_wait3A_210, %dma_wait3A_211] : memref<2x128x128xf32, #tpu.memory_space<vmem>> -> memref<1x128x128xf32, #tpu.memory_space<vmem>>
          %dma_wait3A_213 = tpu.memref_squeeze %dma_wait3A_212 : memref<1x128x128xf32, #tpu.memory_space<vmem>> -> memref<128x128xf32, #tpu.memory_space<vmem>>
          %dma_wait3A_214 = arith.constant 0 : i32
          %dma_wait3A_215 = tpu.memref_slice %arg6[%dma_wait3A_208, %dma_wait3A_214] : memref<40x128xi32, #tpu.memory_space<vmem>> -> memref<1x128xi32, #tpu.memory_space<vmem>>
          %dma_wait3A_216 = tpu.memref_squeeze %dma_wait3A_215 : memref<1x128xi32, #tpu.memory_space<vmem>> -> memref<128xi32, #tpu.memory_space<vmem>>
          %dma_wait3A_217 = arith.constant 0 : i32
          %dma_wait3A_218 = arith.constant 0 : i32
          %dma_wait3A_219 = tpu.memref_slice %arg2[%dma_wait3A_217, %dma_wait3A_218] : memref<10000x128xf32, #tpu.memory_space<hbm>> -> memref<10000x128xf32, #tpu.memory_space<hbm>>
          tpu.wait_indirect_dma semaphore(%arg10 : memref<!tpu.dma_semaphore, #tpu.memory_space<semaphore_mem>>) src(%dma_wait3A_219 : memref<10000x128xf32, #tpu.memory_space<hbm>>) dst(%dma_wait3A_213 : memref<128x128xf32, #tpu.memory_space<vmem>>)
          %dma_wait3A_220 = arith.constant 0 : i32
          %dma_wait3A_221 = arith.constant 0 : i32
          %dma_wait3A_222 = arith.constant 0 : i32
          %dma_wait3A_223 = arith.constant 0 : i32
          %dma_wait3A_224 = tpu.memref_slice %arg8[%dma_wait3A_220, %dma_wait3A_222, %dma_wait3A_223] : memref<2x128x128xf32, #tpu.memory_space<vmem>> -> memref<1x128x128xf32, #tpu.memory_space<vmem>>
          %dma_wait3A_225 = tpu.memref_squeeze %dma_wait3A_224 : memref<1x128x128xf32, #tpu.memory_space<vmem>> -> memref<128x128xf32, #tpu.memory_space<vmem>>
          %dma_wait3A_226 = arith.constant 0 : i32
          %dma_wait3A_227 = tpu.memref_slice %arg7[%dma_wait3A_221, %dma_wait3A_226] : memref<40x128xi32, #tpu.memory_space<vmem>> -> memref<1x128xi32, #tpu.memory_space<vmem>>
          %dma_wait3A_228 = tpu.memref_squeeze %dma_wait3A_227 : memref<1x128xi32, #tpu.memory_space<vmem>> -> memref<128xi32, #tpu.memory_space<vmem>>
          %dma_wait3A_229 = arith.constant 0 : i32
          %dma_wait3A_230 = arith.constant 0 : i32
          %dma_wait3A_231 = tpu.memref_slice %arg9[%dma_wait3A_229, %dma_wait3A_230] : memref<10112x128xf32, #tpu.memory_space<vmem_shared>> -> memref<10112x128xf32, #tpu.memory_space<vmem_shared>>
          tpu.wait_indirect_dma semaphore(%arg11 : memref<!tpu.dma_semaphore, #tpu.memory_space<semaphore_mem>>) src(%dma_wait3A_225 : memref<128x128xf32, #tpu.memory_space<vmem>>) dst(%dma_wait3A_231 : memref<10112x128xf32, #tpu.memory_space<vmem_shared>>)
          %add3A_232 = arith.constant 2 : i32
          %add3A_233 = arith.addi %add3A_159, %add3A_232 : i32
          %dma_start3A_234 = arith.constant 1 : i32
          %dma_start3A_235 = arith.constant 0 : i32
          %dma_start3A_236 = arith.constant 0 : i32
          %dma_start3A_237 = tpu.memref_slice %arg8[%dma_start3A_234, %dma_start3A_235, %dma_start3A_236] : memref<2x128x128xf32, #tpu.memory_space<vmem>> -> memref<1x128x128xf32, #tpu.memory_space<vmem>>
          %dma_start3A_238 = tpu.memref_squeeze %dma_start3A_237 : memref<1x128x128xf32, #tpu.memory_space<vmem>> -> memref<128x128xf32, #tpu.memory_space<vmem>>
          %dma_start3A_239 = arith.constant 0 : i32
          %dma_start3A_240 = tpu.memref_slice %arg6[%add3A_233, %dma_start3A_239] : memref<40x128xi32, #tpu.memory_space<vmem>> -> memref<1x128xi32, #tpu.memory_space<vmem>>
          %dma_start3A_241 = tpu.memref_squeeze %dma_start3A_240 : memref<1x128xi32, #tpu.memory_space<vmem>> -> memref<128xi32, #tpu.memory_space<vmem>>
          %dma_start3A_242 = arith.constant 0 : i32
          %dma_start3A_243 = arith.constant 0 : i32
          %dma_start3A_244 = tpu.memref_slice %arg2[%dma_start3A_242, %dma_start3A_243] : memref<10000x128xf32, #tpu.memory_space<hbm>> -> memref<10000x128xf32, #tpu.memory_space<hbm>>
          tpu.enqueue_indirect_dma source(%dma_start3A_244 : memref<10000x128xf32, #tpu.memory_space<hbm>>) target(%dma_start3A_238 : memref<128x128xf32, #tpu.memory_space<vmem>>) offsets(%dma_start3A_241 : memref<128xi32, #tpu.memory_space<vmem>>) semaphore(%arg10 : memref<!tpu.dma_semaphore, #tpu.memory_space<semaphore_mem>>)
          %add3A_245 = arith.constant 1 : i32
          %add3A_246 = arith.addi %add3A_159, %add3A_245 : i32
          %dma_start3A_247 = arith.constant 0 : i32
          %dma_start3A_248 = arith.constant 0 : i32
          %dma_start3A_249 = arith.constant 0 : i32
          %dma_start3A_250 = tpu.memref_slice %arg8[%dma_start3A_247, %dma_start3A_248, %dma_start3A_249] : memref<2x128x128xf32, #tpu.memory_space<vmem>> -> memref<1x128x128xf32, #tpu.memory_space<vmem>>
          %dma_start3A_251 = tpu.memref_squeeze %dma_start3A_250 : memref<1x128x128xf32, #tpu.memory_space<vmem>> -> memref<128x128xf32, #tpu.memory_space<vmem>>
          %dma_start3A_252 = arith.constant 0 : i32
          %dma_start3A_253 = tpu.memref_slice %arg7[%add3A_246, %dma_start3A_252] : memref<40x128xi32, #tpu.memory_space<vmem>> -> memref<1x128xi32, #tpu.memory_space<vmem>>
          %dma_start3A_254 = tpu.memref_squeeze %dma_start3A_253 : memref<1x128xi32, #tpu.memory_space<vmem>> -> memref<128xi32, #tpu.memory_space<vmem>>
          %dma_start3A_255 = arith.constant 0 : i32
          %dma_start3A_256 = arith.constant 0 : i32
          %dma_start3A_257 = tpu.memref_slice %arg9[%dma_start3A_255, %dma_start3A_256] : memref<10112x128xf32, #tpu.memory_space<vmem_shared>> -> memref<10112x128xf32, #tpu.memory_space<vmem_shared>>
          tpu.enqueue_indirect_dma source(%dma_start3A_251 : memref<128x128xf32, #tpu.memory_space<vmem>>) target(%dma_start3A_257 : memref<10112x128xf32, #tpu.memory_space<vmem_shared>>) offsets(%dma_start3A_254 : memref<128xi32, #tpu.memory_space<vmem>>) semaphore(%arg11 : memref<!tpu.dma_semaphore, #tpu.memory_space<semaphore_mem>>) {add = true}
        }
        %scan3A_106 = arith.constant 11 : i32
        %dma_wait3A_107 = arith.constant 0 : i32
        %dma_wait3A_108 = arith.constant 0 : i32
        %dma_wait3A_109 = arith.constant 0 : i32
        %dma_wait3A_110 = arith.constant 0 : i32
        %dma_wait3A_111 = tpu.memref_slice %arg8[%dma_wait3A_108, %dma_wait3A_109, %dma_wait3A_110] : memref<2x128x128xf32, #tpu.memory_space<vmem>> -> memref<1x128x128xf32, #tpu.memory_space<vmem>>
        %dma_wait3A_112 = tpu.memref_squeeze %dma_wait3A_111 : memref<1x128x128xf32, #tpu.memory_space<vmem>> -> memref<128x128xf32, #tpu.memory_space<vmem>>
        %dma_wait3A_113 = arith.constant 0 : i32
        %dma_wait3A_114 = tpu.memref_slice %arg6[%dma_wait3A_107, %dma_wait3A_113] : memref<40x128xi32, #tpu.memory_space<vmem>> -> memref<1x128xi32, #tpu.memory_space<vmem>>
        %dma_wait3A_115 = tpu.memref_squeeze %dma_wait3A_114 : memref<1x128xi32, #tpu.memory_space<vmem>> -> memref<128xi32, #tpu.memory_space<vmem>>
        %dma_wait3A_116 = arith.constant 0 : i32
        %dma_wait3A_117 = arith.constant 0 : i32
        %dma_wait3A_118 = tpu.memref_slice %arg2[%dma_wait3A_116, %dma_wait3A_117] : memref<10000x128xf32, #tpu.memory_space<hbm>> -> memref<10000x128xf32, #tpu.memory_space<hbm>>
        tpu.wait_indirect_dma semaphore(%arg10 : memref<!tpu.dma_semaphore, #tpu.memory_space<semaphore_mem>>) src(%dma_wait3A_118 : memref<10000x128xf32, #tpu.memory_space<hbm>>) dst(%dma_wait3A_112 : memref<128x128xf32, #tpu.memory_space<vmem>>)
        %dma_wait3A_119 = arith.constant 0 : i32
        %dma_wait3A_120 = arith.constant 0 : i32
        %dma_wait3A_121 = arith.constant 0 : i32
        %dma_wait3A_122 = arith.constant 0 : i32
        %dma_wait3A_123 = tpu.memref_slice %arg8[%dma_wait3A_119, %dma_wait3A_121, %dma_wait3A_122] : memref<2x128x128xf32, #tpu.memory_space<vmem>> -> memref<1x128x128xf32, #tpu.memory_space<vmem>>
        %dma_wait3A_124 = tpu.memref_squeeze %dma_wait3A_123 : memref<1x128x128xf32, #tpu.memory_space<vmem>> -> memref<128x128xf32, #tpu.memory_space<vmem>>
        %dma_wait3A_125 = arith.constant 0 : i32
        %dma_wait3A_126 = tpu.memref_slice %arg7[%dma_wait3A_120, %dma_wait3A_125] : memref<40x128xi32, #tpu.memory_space<vmem>> -> memref<1x128xi32, #tpu.memory_space<vmem>>
        %dma_wait3A_127 = tpu.memref_squeeze %dma_wait3A_126 : memref<1x128xi32, #tpu.memory_space<vmem>> -> memref<128xi32, #tpu.memory_space<vmem>>
        %dma_wait3A_128 = arith.constant 0 : i32
        %dma_wait3A_129 = arith.constant 0 : i32
        %dma_wait3A_130 = tpu.memref_slice %arg9[%dma_wait3A_128, %dma_wait3A_129] : memref<10112x128xf32, #tpu.memory_space<vmem_shared>> -> memref<10112x128xf32, #tpu.memory_space<vmem_shared>>
        tpu.wait_indirect_dma semaphore(%arg11 : memref<!tpu.dma_semaphore, #tpu.memory_space<semaphore_mem>>) src(%dma_wait3A_124 : memref<128x128xf32, #tpu.memory_space<vmem>>) dst(%dma_wait3A_130 : memref<10112x128xf32, #tpu.memory_space<vmem_shared>>)
        %dma_start3A_131 = arith.constant 1 : i32
        %dma_start3A_132 = arith.constant 23 : i32
        %dma_start3A_133 = arith.constant 0 : i32
        %dma_start3A_134 = arith.constant 0 : i32
        %dma_start3A_135 = tpu.memref_slice %arg8[%dma_start3A_131, %dma_start3A_133, %dma_start3A_134] : memref<2x128x128xf32, #tpu.memory_space<vmem>> -> memref<1x128x128xf32, #tpu.memory_space<vmem>>
        %dma_start3A_136 = tpu.memref_squeeze %dma_start3A_135 : memref<1x128x128xf32, #tpu.memory_space<vmem>> -> memref<128x128xf32, #tpu.memory_space<vmem>>
        %dma_start3A_137 = arith.constant 0 : i32
        %dma_start3A_138 = tpu.memref_slice %arg7[%dma_start3A_132, %dma_start3A_137] : memref<40x128xi32, #tpu.memory_space<vmem>> -> memref<1x128xi32, #tpu.memory_space<vmem>>
        %dma_start3A_139 = tpu.memref_squeeze %dma_start3A_138 : memref<1x128xi32, #tpu.memory_space<vmem>> -> memref<128xi32, #tpu.memory_space<vmem>>
        %dma_start3A_140 = arith.constant 0 : i32
        %dma_start3A_141 = arith.constant 0 : i32
        %dma_start3A_142 = tpu.memref_slice %arg9[%dma_start3A_140, %dma_start3A_141] : memref<10112x128xf32, #tpu.memory_space<vmem_shared>> -> memref<10112x128xf32, #tpu.memory_space<vmem_shared>>
        tpu.enqueue_indirect_dma source(%dma_start3A_136 : memref<128x128xf32, #tpu.memory_space<vmem>>) target(%dma_start3A_142 : memref<10112x128xf32, #tpu.memory_space<vmem_shared>>) offsets(%dma_start3A_139 : memref<128xi32, #tpu.memory_space<vmem>>) semaphore(%arg11 : memref<!tpu.dma_semaphore, #tpu.memory_space<semaphore_mem>>) {add = true}
        %dma_wait3A_143 = arith.constant 0 : i32
        %dma_wait3A_144 = arith.constant 0 : i32
        %dma_wait3A_145 = arith.constant 0 : i32
        %dma_wait3A_146 = arith.constant 0 : i32
        %dma_wait3A_147 = tpu.memref_slice %arg8[%dma_wait3A_143, %dma_wait3A_145, %dma_wait3A_146] : memref<2x128x128xf32, #tpu.memory_space<vmem>> -> memref<1x128x128xf32, #tpu.memory_space<vmem>>
        %dma_wait3A_148 = tpu.memref_squeeze %dma_wait3A_147 : memref<1x128x128xf32, #tpu.memory_space<vmem>> -> memref<128x128xf32, #tpu.memory_space<vmem>>
        %dma_wait3A_149 = arith.constant 0 : i32
        %dma_wait3A_150 = tpu.memref_slice %arg7[%dma_wait3A_144, %dma_wait3A_149] : memref<40x128xi32, #tpu.memory_space<vmem>> -> memref<1x128xi32, #tpu.memory_space<vmem>>
        %dma_wait3A_151 = tpu.memref_squeeze %dma_wait3A_150 : memref<1x128xi32, #tpu.memory_space<vmem>> -> memref<128xi32, #tpu.memory_space<vmem>>
        %dma_wait3A_152 = arith.constant 0 : i32
        %dma_wait3A_153 = arith.constant 0 : i32
        %dma_wait3A_154 = tpu.memref_slice %arg9[%dma_wait3A_152, %dma_wait3A_153] : memref<10112x128xf32, #tpu.memory_space<vmem_shared>> -> memref<10112x128xf32, #tpu.memory_space<vmem_shared>>
        tpu.wait_indirect_dma semaphore(%arg11 : memref<!tpu.dma_semaphore, #tpu.memory_space<semaphore_mem>>) src(%dma_wait3A_148 : memref<128x128xf32, #tpu.memory_space<vmem>>) dst(%dma_wait3A_154 : memref<10112x128xf32, #tpu.memory_space<vmem_shared>>)
      } else {
      }
    }
    %scan3A_37 = arith.constant 2 : i32
    %barrier3A_38 = arith.constant 0 : index
    tpu.barrier barrier_id(%barrier3A_38)
    %lt3A = arith.constant 10 : i32
    %lt3A_39 = arith.cmpi slt, %arg1, %lt3A : i32
    %convert_element_type3A = arith.extui %lt3A_39 : i1 to i32
    %cond3A = arith.constant 0 : i32
    %cond3A_40 = arith.cmpi ne, %convert_element_type3A, %cond3A : i32
    scf.if %cond3A_40 {
      %mul3A_41 = arith.constant 1000 : i32
      %mul3A_42 = arith.muli %arg1, %mul3A_41 : i32
      %mul3A_43 = arith.constant 1000 : i32
      %mul3A_44 = arith.muli %arg1, %mul3A_43 : i32
      "tpu.region"() ({
        %run_scoped3A_45 = tpu.sem_alloc : memref<!tpu.dma_semaphore, #tpu.memory_space<semaphore_mem>>
        %dma_start3A = arith.constant 0 : i32
        %dma_start3A_46 = tpu.memref_slice %arg5[%arg0, %mul3A_44, %dma_start3A] : memref<2x10000x128xf32, #tpu.memory_space<hbm>> -> memref<1x1000x128xf32, #tpu.memory_space<hbm>>
        %dma_start3A_47 = tpu.memref_squeeze %dma_start3A_46 : memref<1x1000x128xf32, #tpu.memory_space<hbm>> -> memref<1000x128xf32, #tpu.memory_space<hbm>>
        %dma_start3A_48 = arith.constant 0 : i32
        %dma_start3A_49 = tpu.memref_slice %arg9[%mul3A_42, %dma_start3A_48] : memref<10112x128xf32, #tpu.memory_space<vmem_shared>> -> memref<1000x128xf32, #tpu.memory_space<vmem_shared>>
        tpu.enqueue_dma source(%dma_start3A_49 : memref<1000x128xf32, #tpu.memory_space<vmem_shared>>) target(%dma_start3A_47 : memref<1000x128xf32, #tpu.memory_space<hbm>>) target_semaphore(%run_scoped3A_45 : memref<!tpu.dma_semaphore, #tpu.memory_space<semaphore_mem>>)
        %dma_wait3A = arith.constant 0 : i32
        %dma_wait3A_50 = tpu.memref_slice %arg5[%arg0, %mul3A_44, %dma_wait3A] : memref<2x10000x128xf32, #tpu.memory_space<hbm>> -> memref<1x1000x128xf32, #tpu.memory_space<hbm>>
        %dma_wait3A_51 = tpu.memref_squeeze %dma_wait3A_50 : memref<1x1000x128xf32, #tpu.memory_space<hbm>> -> memref<1000x128xf32, #tpu.memory_space<hbm>>
        %dma_wait3A_52 = arith.constant 0 : i32
        %dma_wait3A_53 = tpu.memref_slice %arg9[%mul3A_42, %dma_wait3A_52] : memref<10112x128xf32, #tpu.memory_space<vmem_shared>> -> memref<1000x128xf32, #tpu.memory_space<vmem_shared>>
        tpu.wait_dma2 semaphore(%run_scoped3A_45 : memref<!tpu.dma_semaphore, #tpu.memory_space<semaphore_mem>>) src(%dma_wait3A_53 : memref<1000x128xf32, #tpu.memory_space<vmem_shared>>) dst(%dma_wait3A_51 : memref<1000x128xf32, #tpu.memory_space<hbm>>)
        tpu.yield
      }) : () -> ()
    } else {
    }
    return
  }
}

module attributes {stable_mosaic.version = 14 : i64} {
  func.func @body(%arg0: i32, %arg1: memref<1000x128xf32, #tpu.memory_space<vmem>>, %arg2: memref<128x128xf32, #tpu.memory_space<vmem>>, %arg3: memref<1000x128xf32, #tpu.memory_space<vmem>>) attributes {dimension_semantics = [#tpu.dimension_semantics<arbitrary>], iteration_bounds = array<i64: 10>, scalar_prefetch = 0 : i64, scratch_operands = 0 : i64, tpu.core_type = #tpu.core_type<tc>, window_params = [{transform_indices = @transform_0, window_bounds = array<i64: 1000, 128>}, {pipeline_mode = #tpu.pipeline_mode<synchronous>, transform_indices = @transform_1, window_bounds = array<i64: 128, 128>}, {transform_indices = @transform_2, window_bounds = array<i64: 1000, 128>}]} {
    %get3A = arith.constant 0 : index
    %get3A_0 = arith.constant 0 : index
    %get3A_1 = vector.load %arg1[%get3A, %get3A_0] : memref<1000x128xf32, #tpu.memory_space<vmem>>, vector<1000x128xf32>
    %get3A_2 = arith.constant 0 : index
    %get3A_3 = arith.constant 0 : index
    %get3A_4 = vector.load %arg2[%get3A_2, %get3A_3] : memref<128x128xf32, #tpu.memory_space<vmem>>, vector<128x128xf32>
    %dot_general3A = arith.constant dense<0.000000e+00> : vector<1000x128xf32>
    %dot_general3A_5 = tpu.matmul %get3A_1, %get3A_4, %dot_general3A {dimension_numbers = #tpu.dot_dimension_numbers<[1], [0], [0], [1], [0, 0, 1, 1], [], []>, transpose_lhs_hint = false} : vector<1000x128xf32>, vector<128x128xf32>, vector<1000x128xf32> -> vector<1000x128xf32>
    %swap3A = arith.constant 0 : index
    %swap3A_6 = arith.constant 0 : index
    %swap3A_7 = vector.load %arg3[%swap3A, %swap3A_6] : memref<1000x128xf32, #tpu.memory_space<vmem>>, vector<1000x128xf32>
    tpu.vector_store %arg3[%swap3A, %swap3A_6], %dot_general3A_5 {strides = array<i32>} : memref<1000x128xf32, #tpu.memory_space<vmem>>, vector<1000x128xf32>,
    return
  }
  func.func @transform_0(%arg0: i32) -> (i32, i32) {
    %c0_i32 = arith.constant 0 : i32
    %c0_i32_0 = arith.constant 0 : i32
    return %arg0, %c0_i32 : i32, i32
  }
  func.func @transform_1(%arg0: i32) -> (i32, i32) {
    %c0_i32 = arith.constant 0 : i32
    %c0_i32_0 = arith.constant 0 : i32
    %c0_i32_1 = arith.constant 0 : i32
    return %c0_i32, %c0_i32_0 : i32, i32
  }
  func.func @transform_2(%arg0: i32) -> (i32, i32) {
    %c0_i32 = arith.constant 0 : i32
    %c0_i32_0 = arith.constant 0 : i32
    return %arg0, %c0_i32 : i32, i32
  }
}

module attributes {stable_mosaic.version = 14 : i64} {
  func.func @body(%arg0: i32, %arg1: memref<1000x2xf32, #tpu.memory_space<vmem>>, %arg2: memref<1000x128xf32, #tpu.memory_space<vmem>>, %arg3: memref<1000x128xf32, #tpu.memory_space<vmem>>) attributes {dimension_semantics = [#tpu.dimension_semantics<arbitrary>], iteration_bounds = array<i64: 10>, scalar_prefetch = 0 : i64, scratch_operands = 0 : i64, tpu.core_type = #tpu.core_type<tc>, window_params = [{transform_indices = @transform_0, window_bounds = array<i64: 1000, 2>}, {transform_indices = @transform_1, window_bounds = array<i64: 1000, 128>}, {transform_indices = @transform_2, window_bounds = array<i64: 1000, 128>}]} {
    %get3A = arith.constant 0 : index
    %get3A_0 = arith.constant 0 : index
    %get3A_1 = vector.load %arg1[%get3A, %get3A_0] : memref<1000x2xf32, #tpu.memory_space<vmem>>, vector<1000x2xf32>
    %slice3A = vector.extract_strided_slice %get3A_1 {offsets = [0, 0], sizes = [1000, 1], strides = [1, 1]} : vector<1000x2xf32> to vector<1000x1xf32>
    %add3A = arith.constant 1.000000e+00 : f32
    %add3A_2 = vector.broadcast %add3A : f32 to vector<1000x1xf32>
    %add3A_3 = arith.addf %add3A_2, %slice3A : vector<1000x1xf32>
    %slice3A_4 = vector.extract_strided_slice %get3A_1 {offsets = [0, 1], sizes = [1000, 1], strides = [1, 1]} : vector<1000x2xf32> to vector<1000x1xf32>
    %add3A_5 = arith.addf %add3A_3, %slice3A_4 : vector<1000x1xf32>
    %rsqrt3A = math.rsqrt %add3A_5 : vector<1000x1xf32>
    %get3A_6 = arith.constant 0 : index
    %get3A_7 = arith.constant 0 : index
    %get3A_8 = vector.load %arg2[%get3A_6, %get3A_7] : memref<1000x128xf32, #tpu.memory_space<vmem>>, vector<1000x128xf32>
    %mul3A = vector.broadcast %rsqrt3A : vector<1000x1xf32> to vector<1000x128xf32>
    %mul3A_9 = arith.mulf %mul3A, %get3A_8 : vector<1000x128xf32>
    %swap3A = arith.constant 0 : index
    %swap3A_10 = arith.constant 0 : index
    %swap3A_11 = vector.load %arg3[%swap3A, %swap3A_10] : memref<1000x128xf32, #tpu.memory_space<vmem>>, vector<1000x128xf32>
    tpu.vector_store %arg3[%swap3A, %swap3A_10], %mul3A_9 {strides = array<i32>} : memref<1000x128xf32, #tpu.memory_space<vmem>>, vector<1000x128xf32>,
    return
  }
  func.func @transform_0(%arg0: i32) -> (i32, i32) {
    %c0_i32 = arith.constant 0 : i32
    %c0_i32_0 = arith.constant 0 : i32
    return %arg0, %c0_i32 : i32, i32
  }
  func.func @transform_1(%arg0: i32) -> (i32, i32) {
    %c0_i32 = arith.constant 0 : i32
    %c0_i32_0 = arith.constant 0 : i32
    return %arg0, %c0_i32 : i32, i32
  }
  func.func @transform_2(%arg0: i32) -> (i32, i32) {
    %c0_i32 = arith.constant 0 : i32
    %c0_i32_0 = arith.constant 0 : i32
    return %arg0, %c0_i32 : i32, i32
  }
}

module attributes {stable_mosaic.version = 14 : i64} {
  func.func @body(%arg0: i32, %arg1: memref<2x1000x128xf32, #tpu.memory_space<vmem>>, %arg2: memref<1000x128xf32, #tpu.memory_space<vmem>>, %arg3: memref<1000x2xf32, #tpu.memory_space<vmem>>, %arg4: memref<1000x128xf32, #tpu.memory_space<vmem>>, %arg5: memref<128x128xf32, #tpu.memory_space<vmem>>, %arg6: memref<1x128xf32, #tpu.memory_space<vmem>>, %arg7: memref<1x128xf32, #tpu.memory_space<vmem>>, %arg8: memref<1x128xf32, #tpu.memory_space<vmem>>, %arg9: memref<1000x128xf32, #tpu.memory_space<vmem>>, %arg10: memref<1000x128xf32, #tpu.memory_space<vmem>>) attributes {dimension_semantics = [#tpu.dimension_semantics<arbitrary>], iteration_bounds = array<i64: 10>, scalar_prefetch = 0 : i64, scratch_operands = 0 : i64, tpu.core_type = #tpu.core_type<tc>, window_params = [{transform_indices = @transform_0, window_bounds = array<i64: 2, 1000, 128>}, {transform_indices = @transform_1, window_bounds = array<i64: 1000, 128>}, {transform_indices = @transform_2, window_bounds = array<i64: 1000, 2>}, {transform_indices = @transform_3, window_bounds = array<i64: 1000, 128>}, {pipeline_mode = #tpu.pipeline_mode<synchronous>, transform_indices = @transform_4, window_bounds = array<i64: 128, 128>}, {pipeline_mode = #tpu.pipeline_mode<synchronous>, transform_indices = @transform_5, window_bounds = array<i64: 1, 128>}, {pipeline_mode = #tpu.pipeline_mode<synchronous>, transform_indices = @transform_6, window_bounds = array<i64: 1, 128>}, {pipeline_mode = #tpu.pipeline_mode<synchronous>, transform_indices = @transform_7, window_bounds = array<i64: 1, 128>}, {transform_indices = @transform_8, window_bounds = array<i64: 1000, 128>}, {transform_indices = @transform_9, window_bounds = array<i64: 1000, 128>}]} {
    %get3A = arith.constant 0 : index
    %get3A_0 = arith.constant 0 : index
    %get3A_1 = vector.load %arg3[%get3A, %get3A_0] : memref<1000x2xf32, #tpu.memory_space<vmem>>, vector<1000x2xf32>
    %slice3A = vector.extract_strided_slice %get3A_1 {offsets = [0, 0], sizes = [1000, 1], strides = [1, 1]} : vector<1000x2xf32> to vector<1000x1xf32>
    %add3A = arith.constant 1.000000e+00 : f32
    %add3A_2 = vector.broadcast %add3A : f32 to vector<1000x1xf32>
    %add3A_3 = arith.addf %add3A_2, %slice3A : vector<1000x1xf32>
    %slice3A_4 = vector.extract_strided_slice %get3A_1 {offsets = [0, 1], sizes = [1000, 1], strides = [1, 1]} : vector<1000x2xf32> to vector<1000x1xf32>
    %add3A_5 = arith.addf %add3A_3, %slice3A_4 : vector<1000x1xf32>
    %rsqrt3A = math.rsqrt %add3A_5 : vector<1000x1xf32>
    %get3A_6 = arith.constant 0 : index
    %get3A_7 = arith.constant 0 : index
    %get3A_8 = arith.constant 0 : index
    %get3A_9 = vector.load %arg1[%get3A_6, %get3A_7, %get3A_8] : memref<2x1000x128xf32, #tpu.memory_space<vmem>>, vector<1x1000x128xf32>
    %get3A_10 = vector.shape_cast %get3A_9 : vector<1x1000x128xf32> to vector<1000x128xf32>
    %get3A_11 = arith.constant 1 : index
    %get3A_12 = arith.constant 0 : index
    %get3A_13 = arith.constant 0 : index
    %get3A_14 = vector.load %arg1[%get3A_11, %get3A_12, %get3A_13] : memref<2x1000x128xf32, #tpu.memory_space<vmem>>, vector<1x1000x128xf32>
    %get3A_15 = vector.shape_cast %get3A_14 : vector<1x1000x128xf32> to vector<1000x128xf32>
    %add3A_16 = arith.addf %get3A_10, %get3A_15 : vector<1000x128xf32>
    %get3A_17 = arith.constant 0 : index
    %get3A_18 = arith.constant 0 : index
    %get3A_19 = vector.load %arg2[%get3A_17, %get3A_18] : memref<1000x128xf32, #tpu.memory_space<vmem>>, vector<1000x128xf32>
    %add3A_20 = arith.addf %add3A_16, %get3A_19 : vector<1000x128xf32>
    %mul3A = vector.broadcast %rsqrt3A : vector<1000x1xf32> to vector<1000x128xf32>
    %mul3A_21 = arith.mulf %mul3A, %add3A_20 : vector<1000x128xf32>
    %get3A_22 = arith.constant 0 : index
    %get3A_23 = arith.constant 0 : index
    %get3A_24 = vector.load %arg6[%get3A_22, %get3A_23] : memref<1x128xf32, #tpu.memory_space<vmem>>, vector<1x128xf32>
    %add3A_25 = vector.broadcast %get3A_24 : vector<1x128xf32> to vector<1000x128xf32>
    %add3A_26 = arith.addf %mul3A_21, %add3A_25 : vector<1000x128xf32>
    %get3A_27 = arith.constant 0 : index
    %get3A_28 = arith.constant 0 : index
    %get3A_29 = vector.load %arg7[%get3A_27, %get3A_28] : memref<1x128xf32, #tpu.memory_space<vmem>>, vector<1x128xf32>
    %mul3A_30 = arith.constant 0.999994993 : f32
    %mul3A_31 = vector.broadcast %mul3A_30 : f32 to vector<1x128xf32>
    %mul3A_32 = arith.mulf %get3A_29, %mul3A_31 : vector<1x128xf32>
    %mul3A_33 = vector.broadcast %mul3A_32 : vector<1x128xf32> to vector<1000x128xf32>
    %mul3A_34 = arith.mulf %add3A_26, %mul3A_33 : vector<1000x128xf32>
    %get3A_35 = arith.constant 0 : index
    %get3A_36 = arith.constant 0 : index
    %get3A_37 = vector.load %arg8[%get3A_35, %get3A_36] : memref<1x128xf32, #tpu.memory_space<vmem>>, vector<1x128xf32>
    %add3A_38 = vector.broadcast %get3A_37 : vector<1x128xf32> to vector<1000x128xf32>
    %add3A_39 = arith.addf %mul3A_34, %add3A_38 : vector<1000x128xf32>
    %ge3A = arith.constant 0.000000e+00 : f32
    %ge3A_40 = vector.broadcast %ge3A : f32 to vector<1000x128xf32>
    %ge3A_41 = arith.cmpf oge, %add3A_39, %ge3A_40 : vector<1000x128xf32>
    %mul3A_42 = arith.constant 0.00999999977 : f32
    %mul3A_43 = vector.broadcast %mul3A_42 : f32 to vector<1000x128xf32>
    %mul3A_44 = arith.mulf %mul3A_43, %add3A_39 : vector<1000x128xf32>
    %select_n3A = arith.select %ge3A_41, %add3A_39, %mul3A_44 : vector<1000x128xi1>, vector<1000x128xf32>
    %get3A_45 = arith.constant 0 : index
    %get3A_46 = arith.constant 0 : index
    %get3A_47 = vector.load %arg4[%get3A_45, %get3A_46] : memref<1000x128xf32, #tpu.memory_space<vmem>>, vector<1000x128xf32>
    %add3A_48 = arith.addf %select_n3A, %get3A_47 : vector<1000x128xf32>
    %swap3A = arith.constant 0 : index
    %swap3A_49 = arith.constant 0 : index
    %swap3A_50 = vector.load %arg9[%swap3A, %swap3A_49] : memref<1000x128xf32, #tpu.memory_space<vmem>>, vector<1000x128xf32>
    tpu.vector_store %arg9[%swap3A, %swap3A_49], %add3A_48 {strides = array<i32>} : memref<1000x128xf32, #tpu.memory_space<vmem>>, vector<1000x128xf32>,
    %get3A_51 = arith.constant 0 : index
    %get3A_52 = arith.constant 0 : index
    %get3A_53 = vector.load %arg5[%get3A_51, %get3A_52] : memref<128x128xf32, #tpu.memory_space<vmem>>, vector<128x128xf32>
    %dot_general3A = arith.constant dense<0.000000e+00> : vector<1000x128xf32>
    %dot_general3A_54 = tpu.matmul %add3A_48, %get3A_53, %dot_general3A {dimension_numbers = #tpu.dot_dimension_numbers<[1], [0], [0], [1], [0, 0, 1, 1], [], []>, transpose_lhs_hint = false} : vector<1000x128xf32>, vector<128x128xf32>, vector<1000x128xf32> -> vector<1000x128xf32>
    %mul3A_55 = vector.broadcast %rsqrt3A : vector<1000x1xf32> to vector<1000x128xf32>
    %mul3A_56 = arith.mulf %mul3A_55, %dot_general3A_54 : vector<1000x128xf32>
    %swap3A_57 = arith.constant 0 : index
    %swap3A_58 = arith.constant 0 : index
    %swap3A_59 = vector.load %arg10[%swap3A_57, %swap3A_58] : memref<1000x128xf32, #tpu.memory_space<vmem>>, vector<1000x128xf32>
    tpu.vector_store %arg10[%swap3A_57, %swap3A_58], %mul3A_56 {strides = array<i32>} : memref<1000x128xf32, #tpu.memory_space<vmem>>, vector<1000x128xf32>,
    return
  }
  func.func @transform_0(%arg0: i32) -> (i32, i32, i32) {
    %c0_i32 = arith.constant 0 : i32
    %c0_i32_0 = arith.constant 0 : i32
    %c0_i32_1 = arith.constant 0 : i32
    return %c0_i32, %arg0, %c0_i32_0 : i32, i32, i32
  }
  func.func @transform_1(%arg0: i32) -> (i32, i32) {
    %c0_i32 = arith.constant 0 : i32
    %c0_i32_0 = arith.constant 0 : i32
    return %arg0, %c0_i32 : i32, i32
  }
  func.func @transform_2(%arg0: i32) -> (i32, i32) {
    %c0_i32 = arith.constant 0 : i32
    %c0_i32_0 = arith.constant 0 : i32
    return %arg0, %c0_i32 : i32, i32
  }
  func.func @transform_3(%arg0: i32) -> (i32, i32) {
    %c0_i32 = arith.constant 0 : i32
    %c0_i32_0 = arith.constant 0 : i32
    return %arg0, %c0_i32 : i32, i32
  }
  func.func @transform_4(%arg0: i32) -> (i32, i32) {
    %c0_i32 = arith.constant 0 : i32
    %c0_i32_0 = arith.constant 0 : i32
    %c0_i32_1 = arith.constant 0 : i32
    return %c0_i32, %c0_i32_0 : i32, i32
  }
  func.func @transform_5(%arg0: i32) -> (i32, i32) {
    %c0_i32 = arith.constant 0 : i32
    %c0_i32_0 = arith.constant 0 : i32
    %c0_i32_1 = arith.constant 0 : i32
    return %c0_i32, %c0_i32_0 : i32, i32
  }
  func.func @transform_6(%arg0: i32) -> (i32, i32) {
    %c0_i32 = arith.constant 0 : i32
    %c0_i32_0 = arith.constant 0 : i32
    %c0_i32_1 = arith.constant 0 : i32
    return %c0_i32, %c0_i32_0 : i32, i32
  }
  func.func @transform_7(%arg0: i32) -> (i32, i32) {
    %c0_i32 = arith.constant 0 : i32
    %c0_i32_0 = arith.constant 0 : i32
    %c0_i32_1 = arith.constant 0 : i32
    return %c0_i32, %c0_i32_0 : i32, i32
  }
  func.func @transform_8(%arg0: i32) -> (i32, i32) {
    %c0_i32 = arith.constant 0 : i32
    %c0_i32_0 = arith.constant 0 : i32
    return %arg0, %c0_i32 : i32, i32
  }
  func.func @transform_9(%arg0: i32) -> (i32, i32) {
    %c0_i32 = arith.constant 0 : i32
    %c0_i32_0 = arith.constant 0 : i32
    return %arg0, %c0_i32 : i32, i32
  }
}

module attributes {stable_mosaic.version = 14 : i64} {
  func.func @body(%arg0: i32, %arg1: memref<2x1000x128xf32, #tpu.memory_space<vmem>>, %arg2: memref<1000x128xf32, #tpu.memory_space<vmem>>, %arg3: memref<1000x2xf32, #tpu.memory_space<vmem>>, %arg4: memref<1000x128xf32, #tpu.memory_space<vmem>>, %arg5: memref<128x128xf32, #tpu.memory_space<vmem>>, %arg6: memref<1x128xf32, #tpu.memory_space<vmem>>, %arg7: memref<1x128xf32, #tpu.memory_space<vmem>>, %arg8: memref<1x128xf32, #tpu.memory_space<vmem>>, %arg9: memref<1000x128xf32, #tpu.memory_space<vmem>>, %arg10: memref<1000x128xf32, #tpu.memory_space<vmem>>) attributes {dimension_semantics = [#tpu.dimension_semantics<arbitrary>], iteration_bounds = array<i64: 10>, scalar_prefetch = 0 : i64, scratch_operands = 0 : i64, tpu.core_type = #tpu.core_type<tc>, window_params = [{transform_indices = @transform_0, window_bounds = array<i64: 2, 1000, 128>}, {transform_indices = @transform_1, window_bounds = array<i64: 1000, 128>}, {transform_indices = @transform_2, window_bounds = array<i64: 1000, 2>}, {transform_indices = @transform_3, window_bounds = array<i64: 1000, 128>}, {pipeline_mode = #tpu.pipeline_mode<synchronous>, transform_indices = @transform_4, window_bounds = array<i64: 128, 128>}, {pipeline_mode = #tpu.pipeline_mode<synchronous>, transform_indices = @transform_5, window_bounds = array<i64: 1, 128>}, {pipeline_mode = #tpu.pipeline_mode<synchronous>, transform_indices = @transform_6, window_bounds = array<i64: 1, 128>}, {pipeline_mode = #tpu.pipeline_mode<synchronous>, transform_indices = @transform_7, window_bounds = array<i64: 1, 128>}, {transform_indices = @transform_8, window_bounds = array<i64: 1000, 128>}, {transform_indices = @transform_9, window_bounds = array<i64: 1000, 128>}]} {
    %get3A = arith.constant 0 : index
    %get3A_0 = arith.constant 0 : index
    %get3A_1 = vector.load %arg3[%get3A, %get3A_0] : memref<1000x2xf32, #tpu.memory_space<vmem>>, vector<1000x2xf32>
    %slice3A = vector.extract_strided_slice %get3A_1 {offsets = [0, 0], sizes = [1000, 1], strides = [1, 1]} : vector<1000x2xf32> to vector<1000x1xf32>
    %add3A = arith.constant 1.000000e+00 : f32
    %add3A_2 = vector.broadcast %add3A : f32 to vector<1000x1xf32>
    %add3A_3 = arith.addf %add3A_2, %slice3A : vector<1000x1xf32>
    %slice3A_4 = vector.extract_strided_slice %get3A_1 {offsets = [0, 1], sizes = [1000, 1], strides = [1, 1]} : vector<1000x2xf32> to vector<1000x1xf32>
    %add3A_5 = arith.addf %add3A_3, %slice3A_4 : vector<1000x1xf32>
    %rsqrt3A = math.rsqrt %add3A_5 : vector<1000x1xf32>
    %get3A_6 = arith.constant 0 : index
    %get3A_7 = arith.constant 0 : index
    %get3A_8 = arith.constant 0 : index
    %get3A_9 = vector.load %arg1[%get3A_6, %get3A_7, %get3A_8] : memref<2x1000x128xf32, #tpu.memory_space<vmem>>, vector<1x1000x128xf32>
    %get3A_10 = vector.shape_cast %get3A_9 : vector<1x1000x128xf32> to vector<1000x128xf32>
    %get3A_11 = arith.constant 1 : index
    %get3A_12 = arith.constant 0 : index
    %get3A_13 = arith.constant 0 : index
    %get3A_14 = vector.load %arg1[%get3A_11, %get3A_12, %get3A_13] : memref<2x1000x128xf32, #tpu.memory_space<vmem>>, vector<1x1000x128xf32>
    %get3A_15 = vector.shape_cast %get3A_14 : vector<1x1000x128xf32> to vector<1000x128xf32>
    %add3A_16 = arith.addf %get3A_10, %get3A_15 : vector<1000x128xf32>
    %get3A_17 = arith.constant 0 : index
    %get3A_18 = arith.constant 0 : index
    %get3A_19 = vector.load %arg2[%get3A_17, %get3A_18] : memref<1000x128xf32, #tpu.memory_space<vmem>>, vector<1000x128xf32>
    %add3A_20 = arith.addf %add3A_16, %get3A_19 : vector<1000x128xf32>
    %mul3A = vector.broadcast %rsqrt3A : vector<1000x1xf32> to vector<1000x128xf32>
    %mul3A_21 = arith.mulf %mul3A, %add3A_20 : vector<1000x128xf32>
    %get3A_22 = arith.constant 0 : index
    %get3A_23 = arith.constant 0 : index
    %get3A_24 = vector.load %arg6[%get3A_22, %get3A_23] : memref<1x128xf32, #tpu.memory_space<vmem>>, vector<1x128xf32>
    %add3A_25 = vector.broadcast %get3A_24 : vector<1x128xf32> to vector<1000x128xf32>
    %add3A_26 = arith.addf %mul3A_21, %add3A_25 : vector<1000x128xf32>
    %get3A_27 = arith.constant 0 : index
    %get3A_28 = arith.constant 0 : index
    %get3A_29 = vector.load %arg7[%get3A_27, %get3A_28] : memref<1x128xf32, #tpu.memory_space<vmem>>, vector<1x128xf32>
    %mul3A_30 = arith.constant 0.999994993 : f32
    %mul3A_31 = vector.broadcast %mul3A_30 : f32 to vector<1x128xf32>
    %mul3A_32 = arith.mulf %get3A_29, %mul3A_31 : vector<1x128xf32>
    %mul3A_33 = vector.broadcast %mul3A_32 : vector<1x128xf32> to vector<1000x128xf32>
    %mul3A_34 = arith.mulf %add3A_26, %mul3A_33 : vector<1000x128xf32>
    %get3A_35 = arith.constant 0 : index
    %get3A_36 = arith.constant 0 : index
    %get3A_37 = vector.load %arg8[%get3A_35, %get3A_36] : memref<1x128xf32, #tpu.memory_space<vmem>>, vector<1x128xf32>
    %add3A_38 = vector.broadcast %get3A_37 : vector<1x128xf32> to vector<1000x128xf32>
    %add3A_39 = arith.addf %mul3A_34, %add3A_38 : vector<1000x128xf32>
    %ge3A = arith.constant 0.000000e+00 : f32
    %ge3A_40 = vector.broadcast %ge3A : f32 to vector<1000x128xf32>
    %ge3A_41 = arith.cmpf oge, %add3A_39, %ge3A_40 : vector<1000x128xf32>
    %mul3A_42 = arith.constant 0.00999999977 : f32
    %mul3A_43 = vector.broadcast %mul3A_42 : f32 to vector<1000x128xf32>
    %mul3A_44 = arith.mulf %mul3A_43, %add3A_39 : vector<1000x128xf32>
    %select_n3A = arith.select %ge3A_41, %add3A_39, %mul3A_44 : vector<1000x128xi1>, vector<1000x128xf32>
    %get3A_45 = arith.constant 0 : index
    %get3A_46 = arith.constant 0 : index
    %get3A_47 = vector.load %arg4[%get3A_45, %get3A_46] : memref<1000x128xf32, #tpu.memory_space<vmem>>, vector<1000x128xf32>
    %add3A_48 = arith.addf %select_n3A, %get3A_47 : vector<1000x128xf32>
    %swap3A = arith.constant 0 : index
    %swap3A_49 = arith.constant 0 : index
    %swap3A_50 = vector.load %arg9[%swap3A, %swap3A_49] : memref<1000x128xf32, #tpu.memory_space<vmem>>, vector<1000x128xf32>
    tpu.vector_store %arg9[%swap3A, %swap3A_49], %add3A_48 {strides = array<i32>} : memref<1000x128xf32, #tpu.memory_space<vmem>>, vector<1000x128xf32>,
    %get3A_51 = arith.constant 0 : index
    %get3A_52 = arith.constant 0 : index
    %get3A_53 = vector.load %arg5[%get3A_51, %get3A_52] : memref<128x128xf32, #tpu.memory_space<vmem>>, vector<128x128xf32>
    %dot_general3A = arith.constant dense<0.000000e+00> : vector<1000x128xf32>
    %dot_general3A_54 = tpu.matmul %add3A_48, %get3A_53, %dot_general3A {dimension_numbers = #tpu.dot_dimension_numbers<[1], [0], [0], [1], [0, 0, 1, 1], [], []>, transpose_lhs_hint = false} : vector<1000x128xf32>, vector<128x128xf32>, vector<1000x128xf32> -> vector<1000x128xf32>
    %mul3A_55 = vector.broadcast %rsqrt3A : vector<1000x1xf32> to vector<1000x128xf32>
    %mul3A_56 = arith.mulf %mul3A_55, %dot_general3A_54 : vector<1000x128xf32>
    %swap3A_57 = arith.constant 0 : index
    %swap3A_58 = arith.constant 0 : index
    %swap3A_59 = vector.load %arg10[%swap3A_57, %swap3A_58] : memref<1000x128xf32, #tpu.memory_space<vmem>>, vector<1000x128xf32>
    tpu.vector_store %arg10[%swap3A_57, %swap3A_58], %mul3A_56 {strides = array<i32>} : memref<1000x128xf32, #tpu.memory_space<vmem>>, vector<1000x128xf32>,
    return
  }
  func.func @transform_0(%arg0: i32) -> (i32, i32, i32) {
    %c0_i32 = arith.constant 0 : i32
    %c0_i32_0 = arith.constant 0 : i32
    %c0_i32_1 = arith.constant 0 : i32
    return %c0_i32, %arg0, %c0_i32_0 : i32, i32, i32
  }
  func.func @transform_1(%arg0: i32) -> (i32, i32) {
    %c0_i32 = arith.constant 0 : i32
    %c0_i32_0 = arith.constant 0 : i32
    return %arg0, %c0_i32 : i32, i32
  }
  func.func @transform_2(%arg0: i32) -> (i32, i32) {
    %c0_i32 = arith.constant 0 : i32
    %c0_i32_0 = arith.constant 0 : i32
    return %arg0, %c0_i32 : i32, i32
  }
  func.func @transform_3(%arg0: i32) -> (i32, i32) {
    %c0_i32 = arith.constant 0 : i32
    %c0_i32_0 = arith.constant 0 : i32
    return %arg0, %c0_i32 : i32, i32
  }
  func.func @transform_4(%arg0: i32) -> (i32, i32) {
    %c0_i32 = arith.constant 0 : i32
    %c0_i32_0 = arith.constant 0 : i32
    %c0_i32_1 = arith.constant 0 : i32
    return %c0_i32, %c0_i32_0 : i32, i32
  }
  func.func @transform_5(%arg0: i32) -> (i32, i32) {
    %c0_i32 = arith.constant 0 : i32
    %c0_i32_0 = arith.constant 0 : i32
    %c0_i32_1 = arith.constant 0 : i32
    return %c0_i32, %c0_i32_0 : i32, i32
  }
  func.func @transform_6(%arg0: i32) -> (i32, i32) {
    %c0_i32 = arith.constant 0 : i32
    %c0_i32_0 = arith.constant 0 : i32
    %c0_i32_1 = arith.constant 0 : i32
    return %c0_i32, %c0_i32_0 : i32, i32
  }
  func.func @transform_7(%arg0: i32) -> (i32, i32) {
    %c0_i32 = arith.constant 0 : i32
    %c0_i32_0 = arith.constant 0 : i32
    %c0_i32_1 = arith.constant 0 : i32
    return %c0_i32, %c0_i32_0 : i32, i32
  }
  func.func @transform_8(%arg0: i32) -> (i32, i32) {
    %c0_i32 = arith.constant 0 : i32
    %c0_i32_0 = arith.constant 0 : i32
    return %arg0, %c0_i32 : i32, i32
  }
  func.func @transform_9(%arg0: i32) -> (i32, i32) {
    %c0_i32 = arith.constant 0 : i32
    %c0_i32_0 = arith.constant 0 : i32
    return %arg0, %c0_i32 : i32, i32
  }
}

module attributes {stable_mosaic.version = 14 : i64} {
  func.func @body(%arg0: i32, %arg1: memref<2x1000x128xf32, #tpu.memory_space<vmem>>, %arg2: memref<1000x128xf32, #tpu.memory_space<vmem>>, %arg3: memref<1000x2xf32, #tpu.memory_space<vmem>>, %arg4: memref<1x128xf32, #tpu.memory_space<vmem>>, %arg5: memref<1000x128xf32, #tpu.memory_space<vmem>>) attributes {dimension_semantics = [#tpu.dimension_semantics<arbitrary>], iteration_bounds = array<i64: 10>, scalar_prefetch = 0 : i64, scratch_operands = 0 : i64, tpu.core_type = #tpu.core_type<tc>, window_params = [{transform_indices = @transform_0, window_bounds = array<i64: 2, 1000, 128>}, {transform_indices = @transform_1, window_bounds = array<i64: 1000, 128>}, {transform_indices = @transform_2, window_bounds = array<i64: 1000, 2>}, {pipeline_mode = #tpu.pipeline_mode<synchronous>, transform_indices = @transform_3, window_bounds = array<i64: 1, 128>}, {transform_indices = @transform_4, window_bounds = array<i64: 1000, 128>}]} {
    %get3A = arith.constant 0 : index
    %get3A_0 = arith.constant 0 : index
    %get3A_1 = vector.load %arg3[%get3A, %get3A_0] : memref<1000x2xf32, #tpu.memory_space<vmem>>, vector<1000x2xf32>
    %slice3A = vector.extract_strided_slice %get3A_1 {offsets = [0, 0], sizes = [1000, 1], strides = [1, 1]} : vector<1000x2xf32> to vector<1000x1xf32>
    %add3A = arith.constant 1.000000e+00 : f32
    %add3A_2 = vector.broadcast %add3A : f32 to vector<1000x1xf32>
    %add3A_3 = arith.addf %add3A_2, %slice3A : vector<1000x1xf32>
    %slice3A_4 = vector.extract_strided_slice %get3A_1 {offsets = [0, 1], sizes = [1000, 1], strides = [1, 1]} : vector<1000x2xf32> to vector<1000x1xf32>
    %add3A_5 = arith.addf %add3A_3, %slice3A_4 : vector<1000x1xf32>
    %rsqrt3A = math.rsqrt %add3A_5 : vector<1000x1xf32>
    %get3A_6 = arith.constant 0 : index
    %get3A_7 = arith.constant 0 : index
    %get3A_8 = arith.constant 0 : index
    %get3A_9 = vector.load %arg1[%get3A_6, %get3A_7, %get3A_8] : memref<2x1000x128xf32, #tpu.memory_space<vmem>>, vector<1x1000x128xf32>
    %get3A_10 = vector.shape_cast %get3A_9 : vector<1x1000x128xf32> to vector<1000x128xf32>
    %get3A_11 = arith.constant 1 : index
    %get3A_12 = arith.constant 0 : index
    %get3A_13 = arith.constant 0 : index
    %get3A_14 = vector.load %arg1[%get3A_11, %get3A_12, %get3A_13] : memref<2x1000x128xf32, #tpu.memory_space<vmem>>, vector<1x1000x128xf32>
    %get3A_15 = vector.shape_cast %get3A_14 : vector<1x1000x128xf32> to vector<1000x128xf32>
    %add3A_16 = arith.addf %get3A_10, %get3A_15 : vector<1000x128xf32>
    %get3A_17 = arith.constant 0 : index
    %get3A_18 = arith.constant 0 : index
    %get3A_19 = vector.load %arg2[%get3A_17, %get3A_18] : memref<1000x128xf32, #tpu.memory_space<vmem>>, vector<1000x128xf32>
    %add3A_20 = arith.addf %add3A_16, %get3A_19 : vector<1000x128xf32>
    %mul3A = vector.broadcast %rsqrt3A : vector<1000x1xf32> to vector<1000x128xf32>
    %mul3A_21 = arith.mulf %mul3A, %add3A_20 : vector<1000x128xf32>
    %get3A_22 = arith.constant 0 : index
    %get3A_23 = arith.constant 0 : index
    %get3A_24 = vector.load %arg4[%get3A_22, %get3A_23] : memref<1x128xf32, #tpu.memory_space<vmem>>, vector<1x128xf32>
    %add3A_25 = vector.broadcast %get3A_24 : vector<1x128xf32> to vector<1000x128xf32>
    %add3A_26 = arith.addf %mul3A_21, %add3A_25 : vector<1000x128xf32>
    %swap3A = arith.constant 0 : index
    %swap3A_27 = arith.constant 0 : index
    %swap3A_28 = vector.load %arg5[%swap3A, %swap3A_27] : memref<1000x128xf32, #tpu.memory_space<vmem>>, vector<1000x128xf32>
    tpu.vector_store %arg5[%swap3A, %swap3A_27], %add3A_26 {strides = array<i32>} : memref<1000x128xf32, #tpu.memory_space<vmem>>, vector<1000x128xf32>,
    return
  }
  func.func @transform_0(%arg0: i32) -> (i32, i32, i32) {
    %c0_i32 = arith.constant 0 : i32
    %c0_i32_0 = arith.constant 0 : i32
    %c0_i32_1 = arith.constant 0 : i32
    return %c0_i32, %arg0, %c0_i32_0 : i32, i32, i32
  }
  func.func @transform_1(%arg0: i32) -> (i32, i32) {
    %c0_i32 = arith.constant 0 : i32
    %c0_i32_0 = arith.constant 0 : i32
    return %arg0, %c0_i32 : i32, i32
  }
  func.func @transform_2(%arg0: i32) -> (i32, i32) {
    %c0_i32 = arith.constant 0 : i32
    %c0_i32_0 = arith.constant 0 : i32
    return %arg0, %c0_i32 : i32, i32
  }
  func.func @transform_3(%arg0: i32) -> (i32, i32) {
    %c0_i32 = arith.constant 0 : i32
    %c0_i32_0 = arith.constant 0 : i32
    %c0_i32_1 = arith.constant 0 : i32
    return %c0_i32, %c0_i32_0 : i32, i32
  }
  func.func @transform_4(%arg0: i32) -> (i32, i32) {
    %c0_i32 = arith.constant 0 : i32
    %c0_i32_0 = arith.constant 0 : i32
    return %arg0, %c0_i32 : i32, i32
  }
}

</mosaic_0001>

<sc_bundles>
// kernel: kernel.11.cloned.1.call-start
scs
__scs_entry_jumppad:
0x0: {  	(pc) =	sbr.rel $0x88, $3  }
0x1: {  	(tag) =	ssettag $0x0;
	lr =	simm.s32 $0x1  }
0x2: {  	[smem:$0x3F95] =	sst lr;
	_ =	strace $0xD0000000  }
0x3: {  	_ = 	snop  }
0x4: {  	_ = 	snop  }
0x5: {  	_ = 	snop  }
0x6: {  	_ = 	snop  }
0x7: {  	_ = 	snop  }
__scs_overlays_trampoline_lowered:
0x8: {  	[smem:$0x3FA4] =	sst s0  }
0x9: {  	[smem:$0x3FA5] =	sst s1  }
0xa: {  	[smem:$0x3FA6] =	sst s2  }
0xb: {  	[smem:$0x3FA7] =	sst s3  }
0xc: {  	[smem:$0x3FA8] =	sst s4  }
0xd: {  	[smem:$0x3FA9] =	sst s5  }
0xe: {  	[smem:$0x3FAA] =	sst s6  }
0xf: {  	[smem:$0x3FAB] =	sst s7  }
0x10: {  	[smem:$0x3FAC] =	sst s8  }
0x11: {  	[smem:$0x3FAD] =	sst s9;
	s0 =	simm.s32 @!p0 $0x0  }
0x12: {  	s1 =	sld [smem:$0x3F93];
	s0 =	simm.s32 @p0 $0x1  }
0x13: {  	[smem:$0x3FAE] =	sst s0;
	s0 =	simm.s32 @!p1 $0x0  }
0x14: {  	s2 =	sld [smem:$0x3F92];
	s0 =	simm.s32 @p1 $0x1  }
0x15: {  	[smem:$0x3FAF] =	sst s0;
	s0 =	simm.s32 @!p2 $0x0  }
0x16: {  	s3 =	sld [smem:$0x3FDB];
	s0 =	simm.s32 @p2 $0x1  }
0x17: {  	s4 =	simm.s32 $0x1BF5;
	[smem:$0x3FB1] =	sst s0  }
0x18: {  	s0 =	sld [smem:$0x3F94];
	_ =	swait.ge [sflag:s4], $0x0  }
0x19: {  	s7 =	sld [smem:$0x3F95]  }
0x1a: {  	s8 =	sadd.s32 $0xFFFFE003, lr  }
0x1b: {  	s9 =	sadd.s32 $0xFFFFFEF7, lr;
	s5 =	simm.s32 $0xFFFFFFFF;
	p2 =	slt.u32 s8, $0xFFFFF086  }
0x1c: {  	p1 =	slt.u32 s9, $0xF7A;
	s5 =	simm.s32 @!p2 $0x0  }
0x1d: {  	s5 =	simm.s32 @p1 $0x1;
	p0 =	seq.s32 s7, s2  }
0x1e: {  	s7 =	smul.u32 @!p0 $0xF7A, s2;
	p2 =	seq.s32 @!p0 s5, $0x0  }
0x1f: {  	s9 =	smul.u32 $0xF7A, s1;
	s8 =	simm.s32 @!p0 $0x1BF5;
	p2 =	por !p2, p0  }
0x20: {  	[sflag:s8] =	ssyncset.s32 @!p0 $0xFFFFF086;
	s6 =	sadd.s32 @!p0 s3, s7;
	s7 =	simm.s32 @!p0 $0x108  }
0x21: {  	s3 =	sadd.s32 s3, s9;
	s6 =	sadd.s32 @!p0 $0x88, s6;
	s7 =	simm.s32 @p2 $0x1082  }
0x22: {  	[simem:s7], [sflag:s8] =	dma.local @!p0 [hbm:s6], $0xF7A  }
0x23: {  	s9 =	sor.u32 $0xD0000000, s2;
	s6 =	simm.s32 $0x108;
	_ =	swait.ge @!p0 [sflag:s8], $0x0  }
0x24: {  	s3 =	sadd.s32 $0x88, s3;
	s6 =	simm.s32 @!p1 $0x1082;
	[sflag:s4] =	ssyncset.s32 $0xFFFFF086  }
0x25: {  	[simem:s6], [sflag:s4] =	dma.local [hbm:s3], $0xF7A  }
0x26: {  	[smem:$0x3F95] =	sst s1;
	(tag) =	ssettag s2;
	_ =	strace s9  }
0x27: {  	s1 =	sld [smem:$0x3FA5]  }
0x28: {  	s2 =	sld [smem:$0x3FA6]  }
0x29: {  	s4 =	sld [smem:$0x3FA8]  }
0x2a: {  	p0 =	seq.s32 s5, $0x0;
	s5 =	sld [smem:$0x3FA9]  }
0x2b: {  	s6 =	sld [smem:$0x3FAA]  }
0x2c: {  	s7 =	sld [smem:$0x3FAB]  }
0x2d: {  	s3 =	simm.s32 $0x108;
	s8 =	sld [smem:$0x3FAC]  }
0x2e: {  	s3 =	simm.s32 @!p0 $0x1082;
	s9 =	sld [smem:$0x3FAD]  }
0x2f: {  	lr =	sadd.s32 s0, s3;
	s0 =	sld [smem:$0x3FA4]  }
0x30: {  	s3 =	sld [smem:$0x3FA7]  }
0x31: {  	[smem:$0x3FB0] =	sst s10  }
0x32: {  	s10 =	sld [smem:$0x3FAE];
	_ =	sdelay $0x3  }
0x33: {  	p0 =	seq.s32 s10, $0x1;
	s10 =	sld [smem:$0x3FB0];
	_ =	sdelay $0x3  }
0x34: {  	[smem:$0x3FB0] =	sst s10  }
0x35: {  	s10 =	sld [smem:$0x3FAF];
	_ =	sdelay $0x3  }
0x36: {  	p1 =	seq.s32 s10, $0x1;
	s10 =	sld [smem:$0x3FB0];
	_ =	sdelay $0x3  }
0x37: {  	[smem:$0x3FB0] =	sst s10  }
0x38: {  	s10 =	sld [smem:$0x3FB1]  }
0x39: {  	_ = 	snop;
	(pc) =	sbr.ind lr, $3  }
0x3a: {  	_ = 	snop  }
0x3b: {  	_ = 	snop  }
0x3c: {  	p2 =	seq.s32 s10, $0x1;
	s10 =	sld [smem:$0x3FB0]  }
0x3d: {  	_ =	shalt  }
0x3e: {  	_ =	shalt  }
0x3f: {  	_ =	shalt  }
0x40: {  	_ =	shalt  }
0x41: {  	_ =	shalt  }
0x42: {  	_ =	shalt  }
0x43: {  	_ =	shalt  }
0x44: {  	_ =	shalt  }
0x45: {  	_ =	shalt  }
0x46: {  	_ =	shalt  }
0x47: {  	_ =	shalt  }
0x48: {  	_ =	shalt  }
0x49: {  	_ =	shalt  }
0x4a: {  	_ =	shalt  }
0x4b: {  	_ =	shalt  }
0x4c: {  	_ =	shalt  }
0x4d: {  	_ =	shalt  }
0x4e: {  	_ =	shalt  }
0x4f: {  	_ =	shalt  }
0x50: {  	_ =	shalt  }
0x51: {  	_ =	shalt  }
0x52: {  	_ =	shalt  }
0x53: {  	_ =	shalt  }
0x54: {  	_ =	shalt  }
0x55: {  	_ =	shalt  }
0x56: {  	_ =	shalt  }
0x57: {  	_ =	shalt  }
0x58: {  	_ =	shalt  }
0x59: {  	_ =	shalt  }
0x5a: {  	_ =	shalt  }
0x5b: {  	_ =	shalt  }
0x5c: {  	_ =	shalt  }
0x5d: {  	_ =	shalt  }
0x5e: {  	_ =	shalt  }
0x5f: {  	_ =	shalt  }
0x60: {  	_ =	shalt  }
0x61: {  	_ =	shalt  }
0x62: {  	_ =	shalt  }
0x63: {  	_ =	shalt  }
0x64: {  	_ =	shalt  }
0x65: {  	_ =	shalt  }
0x66: {  	_ =	shalt  }
0x67: {  	_ =	shalt  }
0x68: {  	_ =	shalt  }
0x69: {  	_ =	shalt  }
0x6a: {  	_ =	shalt  }
0x6b: {  	_ =	shalt  }
0x6c: {  	_ =	shalt  }
0x6d: {  	_ =	shalt  }
0x6e: {  	_ =	shalt  }
0x6f: {  	_ =	shalt  }
0x70: {  	_ =	shalt  }
0x71: {  	_ =	shalt  }
0x72: {  	_ =	shalt  }
0x73: {  	_ =	shalt  }
0x74: {  	_ =	shalt  }
0x75: {  	_ =	shalt  }
0x76: {  	_ =	shalt  }
0x77: {  	_ =	shalt  }
0x78: {  	_ =	shalt  }
0x79: {  	_ =	shalt  }
0x7a: {  	_ =	shalt  }
0x7b: {  	_ =	shalt  }
0x7c: {  	_ =	shalt  }
0x7d: {  	_ =	shalt  }
0x7e: {  	_ =	shalt  }
0x7f: {  	_ =	shalt  }
0x80: {  	_ =	shalt  }
0x81: {  	_ =	shalt  }
0x82: {  	_ =	shalt  }
0x83: {  	_ =	shalt  }
0x84: {  	_ =	shalt  }
0x85: {  	_ =	shalt  }
0x86: {  	_ =	shalt  }
0x87: {  	_ =	shalt  }
.Lfunc_end0:
.L_simem_size_0:
called_computation_lowered:
.L_overlay_start_0:
0x88: {  	s2 =	sld [smem:$0x3FD9]  }
0x89: {  	s3 =	sld [smem:$0x3FFE];
	_ =	sdelay $0x1  }
0x8a: {  	s1 =	srdreg.scid  }
0x8b: {  	s0 =	sand.u32 $0x1, s1  }
0x8c: {  	s17 =	sshll.u32 s0, $0xA;
	s2 =	sadd.s32 s3, s2  }
0x8d: {  	s2 =	sadd.s32 s2, s17  }
0x8e: {  	[smem:$0x3FBC] =	sst s2  }
0x8f: {  	_ = 	snop  }
0x90: {  	s2 =	sld [smem:$0x3FD0];
	(tm) =	ssettm $0x1  }
0x91: {  	s18 =	sld [smem:$0x3FFB];
	_ =	sdelay $0x3  }
0x92: {  	_ =	strace s18  }
0x93: {  	s3 =	sld [smem:$0x3FFC];
	_ =	sdelay $0x3  }
0x94: {  	_ =	strace s3  }
0x95: {  	s3 =	sld [smem:$0x3FFD];
	_ =	sdelay $0x3  }
0x96: {  	_ =	strace s3  }
0x97: {  	_ =	strace $0x8FFFFFFF  }
0x98: {  	s19 =	sld [smem:$0x3FDB];
	_ =	sdelay $0x1  }
0x99: {  	s4 =	simm.s32 $_scs_section_size  }
0x9a: {  	s5 =	simm.s32 $_size__tile_overlayer_lowered;
	s6 =	simm.s32 $_tile_overlayer_lowered  }
0x9b: {  	s22 =	simm.s32 $0x1BFF;
	s21 =	sshll.u32 s6, $0x1;
	s3 =	sadd.s32 s4, s19  }
0x9c: {  	s7 =	simm.s32 $0x0;
	s20 =	sshll.u32 s5, $0x1;
	s5 =	sadd.s32 s21, s3  }
0x9d: {  	[timem:s7], [sflag:s22] =	dma.local [hbm:s5], s20  }
0x9e: {  	_ =	swait.ge [sflag:s22], s20  }
0x9f: {  	s4 =	ssub.s32 $0x0, s20;
	[sflag:s22] =	ssyncset.done $0x0  }
0xa0: {  	[sflag:s22] =	ssyncadd.s32 s4;
	_ =	sdelay $0x1  }
0xa1: {  	s23 =	simm.s32 $0x1B8B  }
0xa2: {  	_ =	swait.ge [sflag:s23], $0x1  }
0xa3: {  	[sflag:s23] =	ssyncset.done $0x0  }
0xa4: {  	s25 =	simm.s32 $0x1B8E;
	s24 =	sld [smem:$0x3FFE];
	[sflag:s23] =	ssyncadd.s32 $0xFFFFFFFF  }
0xa5: {  	s26 =	simm.s32 $execute0_lowered;
	[smem:$0x3FD2] =	sst s25  }
0xa6: {  	s5 =	sshll.u32 s26, $0x1;
	_ =	strace $0x80000046;
	[dreg:$0x1] =	wrdreg $0xFFFFFFFF  }
0xa7: {  	s28 =	simm.s32 $_size_execute0_lowered;
	s3 =	sadd.s32 s3, s5;
	[dreg:$0x0] =	wrdreg $0x0  }
0xa8: {  	s5 =	sshll.u32 s28, $0x1;
	[dreg:$0x2] =	wrdreg s3  }
0xa9: {  	[dreg:$0x3] =	wrdreg s5  }
0xaa: {  	[dreg:$0x4] =	wrdreg $0xC0  }
0xab: {  	_ =	task [dreg:s7], $0x5FFFF  }
0xac: {  	[dreg:$0x1] =	wrdreg $0xFFFFFFFF  }
0xad: {  	[dreg:$0x0] =	wrdreg $0x60  }
0xae: {  	[dreg:$0x2] =	wrdreg s24  }
0xaf: {  	[dreg:$0x3] =	wrdreg s2  }
0xb0: {  	[dreg:$0x4] =	wrdreg $0x50000  }
0xb1: {  	[dreg:$0x5] =	wrdreg $0x9  }
0xb2: {  	_ =	task.clear_ibuf [dreg:s7], $0x6FFFF;
	_ =	strace $0x90000046  }
0xb3: {  	s29 =	simm.s32 $0x9;
	_ =	strace $0x80000048  }
0xb4: {  	_ =	swait.ge [sflag:s29], $0x1  }
0xb5: {  	[sflag:s29] =	ssyncadd.s32 $0xFFFFFFFF  }
0xb6: {  	_ =	strace $0x90000048  }
0xb7: {  	_ =	sfence  }
0xb8: {  	s30 =	sld [smem:$0x0];
	_ =	sdelay $0x2  }
0xb9: {  	s31 =	sshll.u32 s1, $0xD;
	s1 =	sshrl.u32 s1, $0x2  }
0xba: {  	s3 =	sand.u32 $0x4000, s31;
	s1 =	sadd.s32 s1, s30  }
0xbb: {  	s0 =	sor.u32 s3, s0;
	s1 =	sshll.u32 s1, $0x11  }
0xbc: {  	s0 =	sor.u32 s1, s0  }
0xbd: {  	s0 =	sadd.s32 $0x8F2B, s0  }
0xbe: {  	[sflag:s0] =	ssyncadd.remote.s32 $0x1  }
0xbf: {  	_ =	sfence.sel $0xFFFF  }
0xc0: {  	[dreg:$0x0] =	wrdreg $0xFFFFFFFF;
	(pc) =	sbr.abs _section_cstart, $3  }
0xc1: {  	[dreg:$0x1] =	wrdreg $0xFFFFFFFF  }
0xc2: {  	_ =	task.clear_ibuf [dreg:s7], $0x2FFFF;
	_ =	strace $0x9FFFFFFF  }
0xc3: {  	(tm) =	ssettm $0x7FFFFFFF  }
tec
execute0_lowered:
.L_overlay_start_1:
0x0: {  	(tag) =	ssettag $0x1  }
0x1: {  	s0 =	rddreg [dreg:$0x0];
	s2 =	srdreg.scid  }
0x2: {  	s1 =	rddreg [dreg:$0x1];
	s7 =	stileid.u32;
	s3 =	simm.s32 $0x0  }
0x3: {  	s16 =	simm.s32 $0x380;
	s17 =	simm.s32 $0x400;
	s18 =	simm.s32 $0x480  }
0x4: {  	s19 =	simm.s32 $0x500;
	s20 =	simm.s32 $0x580;
	s21 =	simm.s32 $0x600  }
0x5: {  	s22 =	simm.s32 $0x680;
	s23 =	simm.s32 $0x700;
	s24 =	simm.s32 $0x780  }
0x6: {  	s25 =	simm.s32 $0x800;
	s26 =	simm.s32 $0x880;
	s28 =	simm.s32 $0x900  }
0x7: {  	s29 =	simm.s32 $0x980;
	s30 =	simm.s32 $0xA00;
	s31 =	simm.s32 $0xA80  }
0x8: {  	s11 =	simm.s32 $0x1;
	s5 =	sand.u32 $0x1, s2;
	s2 =	rddreg [dreg:$0x2]  }
0x9: {  	s12 =	simm.s32 $0x0;
	[smem:$0x7FF] =	sst s3;
	s8 =	sadd.s32 $0x18C00, s0  }
0xa: {  	s4 =	sshll.u32 s5, $0x4;
	_ =	strace $0x80000047;
	s6 =	ssub.s32 $0x2, s5  }
0xb: {  	p0 =	seq.s32 s5, $0x1;
	s5 =	sadd.s32 $0xEB00, s0;
	s9 =	sor.u32 s7, s4  }
.Ltmp0:
0xc: {  	s10 =	sshrl.u32 s6, $0x1;
	s1 =	smov.u32 @p0 s8;
	(pc) =	sbr.rel .LBB2_1-.Ltmp0, $4  }
0xd: {  	p0 =	sne.s32 s7, $0x0;
	s8 =	simm.s32 $0x2;
	s4 =	smul.u32 $0x500, s9  }
0xe: {  	s7 =	simm.s32 $0xB80;
	s6 =	ssub.s32 s6, s10;
	p1 =	seq.s32 s9, $0x1F  }
0xf: {  	s9 =	simm.s32 $0x80;
	s10 =	simm.s32 $0x2800;
	s4 =	sadd.s32 s4, s0  }
0x10: {  	v0 =	vimm.f32 $1.000000000e+00;
	v1 =	vimm.f32 $0.0e+00;
	s6 =	smax.u32 s6, $0x1;
	s0 =	simm.s32 $0xB00;
	s4 =	sadd.s32 $0x5000, s4  }
.LBB2_11:
0x11: {  	[tilespmem:s3], [sflag:$0x2] =	stream.linear.gather [hbm4b:s5+s3], $0xC00, $0x38;
	[tilespmem:$0x5278] =	vst v63  }
0x12: {  	_ =	swait.ge [sflag:s8], $0xC00  }
0x13: {  	[sflag:s8] =	ssyncset.done $0x0  }
0x14: {  	[sflag:s8] =	ssyncadd.s32 $0xFFFFF400  }
0x15: {  	[spmem:s2] =	stream.indirect.scatter.add.f32 [tilespmem:s10], [sflag:$0x1], $0x1, s3, s9, $0xb8;
	[tilespmem:$0x5278] =	vst v63  }
0x16: {  	_ = 	snop  }
0x17: {  	[spmem:s2] =	stream.indirect.scatter.add.f32 [tilespmem:s10], [sflag:$0x1], $0x1, s9, s9, $0xb8;
	[tilespmem:$0x5278] =	vst v63  }
0x18: {  	s13 =	simm.s32 $0x100  }
0x19: {  	[spmem:s2] =	stream.indirect.scatter.add.f32 [tilespmem:s10], [sflag:$0x1], $0x1, s13, s9, $0xb8;
	[tilespmem:$0x5278] =	vst v63  }
0x1a: {  	s14 =	simm.s32 $0x180  }
0x1b: {  	[spmem:s2] =	stream.indirect.scatter.add.f32 [tilespmem:s10], [sflag:$0x1], $0x1, s14, s9, $0xb8;
	[tilespmem:$0x5278] =	vst v63  }
0x1c: {  	s15 =	simm.s32 $0x200  }
0x1d: {  	[spmem:s2] =	stream.indirect.scatter.add.f32 [tilespmem:s10], [sflag:$0x1], $0x1, s15, s9, $0xb8;
	[tilespmem:$0x5278] =	vst v63  }
0x1e: {  	s14 =	simm.s32 $0x280  }
0x1f: {  	[spmem:s2] =	stream.indirect.scatter.add.f32 [tilespmem:s10], [sflag:$0x1], $0x1, s14, s9, $0xb8;
	[tilespmem:$0x5278] =	vst v63  }
0x20: {  	s15 =	simm.s32 $0x300  }
0x21: {  	[spmem:s2] =	stream.indirect.scatter.add.f32 [tilespmem:s10], [sflag:$0x1], $0x1, s15, s9, $0xb8;
	[tilespmem:$0x5278] =	vst v63  }
0x22: {  	_ = 	snop  }
0x23: {  	[spmem:s2] =	stream.indirect.scatter.add.f32 [tilespmem:s10], [sflag:$0x1], $0x1, s16, s9, $0xb8;
	[tilespmem:$0x5278] =	vst v63  }
0x24: {  	_ = 	snop  }
0x25: {  	[spmem:s2] =	stream.indirect.scatter.add.f32 [tilespmem:s10], [sflag:$0x1], $0x1, s17, s9, $0xb8;
	[tilespmem:$0x5278] =	vst v63  }
0x26: {  	_ = 	snop  }
0x27: {  	[spmem:s2] =	stream.indirect.scatter.add.f32 [tilespmem:s10], [sflag:$0x1], $0x1, s18, s9, $0xb8;
	[tilespmem:$0x5278] =	vst v63  }
0x28: {  	_ = 	snop  }
0x29: {  	[spmem:s2] =	stream.indirect.scatter.add.f32 [tilespmem:s10], [sflag:$0x1], $0x1, s19, s9, $0xb8;
	[tilespmem:$0x5278] =	vst v63  }
0x2a: {  	_ = 	snop  }
0x2b: {  	[spmem:s2] =	stream.indirect.scatter.add.f32 [tilespmem:s10], [sflag:$0x1], $0x1, s20, s9, $0xb8;
	[tilespmem:$0x5278] =	vst v63  }
0x2c: {  	_ = 	snop  }
0x2d: {  	[spmem:s2] =	stream.indirect.scatter.add.f32 [tilespmem:s10], [sflag:$0x1], $0x1, s21, s9, $0xb8;
	[tilespmem:$0x5278] =	vst v63  }
0x2e: {  	_ = 	snop  }
0x2f: {  	[spmem:s2] =	stream.indirect.scatter.add.f32 [tilespmem:s10], [sflag:$0x1], $0x1, s22, s9, $0xb8;
	[tilespmem:$0x5278] =	vst v63  }
0x30: {  	_ = 	snop  }
0x31: {  	[spmem:s2] =	stream.indirect.scatter.add.f32 [tilespmem:s10], [sflag:$0x1], $0x1, s23, s9, $0xb8;
	[tilespmem:$0x5278] =	vst v63  }
0x32: {  	_ = 	snop  }
0x33: {  	[spmem:s2] =	stream.indirect.scatter.add.f32 [tilespmem:s10], [sflag:$0x1], $0x1, s24, s9, $0xb8;
	[tilespmem:$0x5278] =	vst v63  }
0x34: {  	_ = 	snop  }
0x35: {  	[spmem:s2] =	stream.indirect.scatter.add.f32 [tilespmem:s10], [sflag:$0x1], $0x1, s25, s9, $0xb8;
	[tilespmem:$0x5278] =	vst v63  }
0x36: {  	_ = 	snop  }
0x37: {  	[spmem:s2] =	stream.indirect.scatter.add.f32 [tilespmem:s10], [sflag:$0x1], $0x1, s26, s9, $0xb8;
	[tilespmem:$0x5278] =	vst v63  }
0x38: {  	_ = 	snop  }
0x39: {  	[spmem:s2] =	stream.indirect.scatter.add.f32 [tilespmem:s10], [sflag:$0x1], $0x1, s28, s9, $0xb8;
	[tilespmem:$0x5278] =	vst v63  }
0x3a: {  	_ = 	snop  }
0x3b: {  	[spmem:s2] =	stream.indirect.scatter.add.f32 [tilespmem:s10], [sflag:$0x1], $0x1, s29, s9, $0xb8;
	[tilespmem:$0x5278] =	vst v63  }
0x3c: {  	_ = 	snop  }
0x3d: {  	[spmem:s2] =	stream.indirect.scatter.add.f32 [tilespmem:s10], [sflag:$0x1], $0x1, s30, s9, $0xb8;
	[tilespmem:$0x5278] =	vst v63  }
0x3e: {  	_ = 	snop  }
0x3f: {  	[spmem:s2] =	stream.indirect.scatter.add.f32 [tilespmem:s10], [sflag:$0x1], $0x1, s31, s9, $0xb8;
	[tilespmem:$0x5278] =	vst v63  }
0x40: {  	_ = 	snop  }
0x41: {  	[spmem:s2] =	stream.indirect.scatter.add.f32 [tilespmem:s10], [sflag:$0x1], $0x1, s0, s9, $0xb8;
	[tilespmem:$0x5278] =	vst v63  }
0x42: {  	_ = 	snop  }
0x43: {  	[spmem:s2] =	stream.indirect.scatter.add.f32 [tilespmem:s10], [sflag:$0x1], $0x1, s7, s9, $0xb8;
	[tilespmem:$0x5278] =	vst v63  }
0x44: {  	_ =	swait.ge [sflag:s11], $0x80  }
0x45: {  	[sflag:s11] =	ssyncset.done $0x0  }
0x46: {  	[sflag:s11] =	ssyncadd.s32 $0xFFFFFF80  }
0x47: {  	_ =	swait.ge [sflag:s11], $0x80  }
0x48: {  	[sflag:s11] =	ssyncset.done $0x0  }
0x49: {  	[sflag:s11] =	ssyncadd.s32 $0xFFFFFF80  }
0x4a: {  	_ =	swait.ge [sflag:s11], $0x80  }
0x4b: {  	[sflag:s11] =	ssyncset.done $0x0  }
0x4c: {  	[sflag:s11] =	ssyncadd.s32 $0xFFFFFF80  }
0x4d: {  	_ =	swait.ge [sflag:s11], $0x80  }
0x4e: {  	[sflag:s11] =	ssyncset.done $0x0  }
0x4f: {  	[sflag:s11] =	ssyncadd.s32 $0xFFFFFF80  }
0x50: {  	_ =	swait.ge [sflag:s11], $0x80  }
0x51: {  	[sflag:s11] =	ssyncset.done $0x0  }
0x52: {  	[sflag:s11] =	ssyncadd.s32 $0xFFFFFF80  }
0x53: {  	_ =	swait.ge [sflag:s11], $0x80  }
0x54: {  	[sflag:s11] =	ssyncset.done $0x0  }
0x55: {  	[sflag:s11] =	ssyncadd.s32 $0xFFFFFF80  }
0x56: {  	_ =	swait.ge [sflag:s11], $0x80  }
0x57: {  	[sflag:s11] =	ssyncset.done $0x0  }
0x58: {  	[sflag:s11] =	ssyncadd.s32 $0xFFFFFF80  }
0x59: {  	_ =	swait.ge [sflag:s11], $0x80  }
0x5a: {  	[sflag:s11] =	ssyncset.done $0x0  }
0x5b: {  	[sflag:s11] =	ssyncadd.s32 $0xFFFFFF80  }
0x5c: {  	_ =	swait.ge [sflag:s11], $0x80  }
0x5d: {  	[sflag:s11] =	ssyncset.done $0x0  }
0x5e: {  	[sflag:s11] =	ssyncadd.s32 $0xFFFFFF80  }
0x5f: {  	_ =	swait.ge [sflag:s11], $0x80  }
0x60: {  	[sflag:s11] =	ssyncset.done $0x0  }
0x61: {  	[sflag:s11] =	ssyncadd.s32 $0xFFFFFF80  }
0x62: {  	_ =	swait.ge [sflag:s11], $0x80  }
0x63: {  	[sflag:s11] =	ssyncset.done $0x0  }
0x64: {  	[sflag:s11] =	ssyncadd.s32 $0xFFFFFF80  }
0x65: {  	_ =	swait.ge [sflag:s11], $0x80  }
0x66: {  	[sflag:s11] =	ssyncset.done $0x0  }
0x67: {  	[sflag:s11] =	ssyncadd.s32 $0xFFFFFF80  }
0x68: {  	_ =	swait.ge [sflag:s11], $0x80  }
0x69: {  	[sflag:s11] =	ssyncset.done $0x0  }
0x6a: {  	[sflag:s11] =	ssyncadd.s32 $0xFFFFFF80  }
0x6b: {  	_ =	swait.ge [sflag:s11], $0x80  }
0x6c: {  	[sflag:s11] =	ssyncset.done $0x0  }
0x6d: {  	[sflag:s11] =	ssyncadd.s32 $0xFFFFFF80  }
0x6e: {  	_ =	swait.ge [sflag:s11], $0x80  }
0x6f: {  	[sflag:s11] =	ssyncset.done $0x0  }
0x70: {  	[sflag:s11] =	ssyncadd.s32 $0xFFFFFF80  }
0x71: {  	_ =	swait.ge [sflag:s11], $0x80  }
0x72: {  	[sflag:s11] =	ssyncset.done $0x0  }
0x73: {  	[sflag:s11] =	ssyncadd.s32 $0xFFFFFF80  }
0x74: {  	_ =	swait.ge [sflag:s11], $0x80  }
0x75: {  	[sflag:s11] =	ssyncset.done $0x0  }
0x76: {  	[sflag:s11] =	ssyncadd.s32 $0xFFFFFF80  }
0x77: {  	_ =	swait.ge [sflag:s11], $0x80  }
0x78: {  	[sflag:s11] =	ssyncset.done $0x0  }
0x79: {  	[sflag:s11] =	ssyncadd.s32 $0xFFFFFF80  }
0x7a: {  	_ =	swait.ge [sflag:s11], $0x80  }
0x7b: {  	[sflag:s11] =	ssyncset.done $0x0  }
0x7c: {  	[sflag:s11] =	ssyncadd.s32 $0xFFFFFF80  }
0x7d: {  	_ =	swait.ge [sflag:s11], $0x80  }
0x7e: {  	[sflag:s11] =	ssyncset.done $0x0  }
0x7f: {  	[sflag:s11] =	ssyncadd.s32 $0xFFFFFF80  }
0x80: {  	_ =	swait.ge [sflag:s11], $0x80  }
0x81: {  	[sflag:s11] =	ssyncset.done $0x0  }
0x82: {  	[sflag:s11] =	ssyncadd.s32 $0xFFFFFF80  }
0x83: {  	_ =	swait.ge [sflag:s11], $0x80  }
0x84: {  	[sflag:s11] =	ssyncset.done $0x0  }
0x85: {  	[sflag:s11] =	ssyncadd.s32 $0xFFFFFF80  }
0x86: {  	_ =	swait.ge [sflag:s11], $0x80  }
0x87: {  	[sflag:s11] =	ssyncset.done $0x0  }
0x88: {  	[sflag:s11] =	ssyncadd.s32 $0xFFFFFF80  }
0x89: {  	_ =	swait.ge [sflag:s11], $0x80  }
0x8a: {  	[sflag:s11] =	ssyncset.done $0x0  }
0x8b: {  	[sflag:s11] =	ssyncadd.s32 $0xFFFFFF80  }
.LBB2_12:
0x8c: {  	[bflag:$0x0] =	sbarrier.arrive $0xFFFF;
	s13 =	simm.s32 @!p0 $0x2880;
	s14 =	simm.s32 @!p0 $0x2  }
0x8d: {  	[tilespmem:s13], [sflag:$0x2] =	stream.linear.gather @!p0 [spmem:s2], $0x2780, $0x38;
	[tilespmem:$0x5278] =	vst v63  }
0x8e: {  	s12 =	sadd.s32 $0x1, s12;
	_ =	swait.ge @!p0 [sflag:s14], $0x2780  }
0x8f: {  	p2 =	sne.s32 s12, s6;
	[sflag:s14] =	ssyncset.done @!p0 $0x0  }
.Ltmp1:
0x90: {  	s15 =	simm.s32 @!p0 $0x0;
	[sflag:s14] =	ssyncadd.s32 @!p0 $0xFFFFD880;
	(pc) =	sbr.rel @!p2 .LBB2_13-.Ltmp1, $4  }
0x91: {  	[hbm4b:s1+s15] =	stream.linear.scatter @!p0 [tilespmem:s13], [sflag:$0x2], $0x2780, $0x38;
	[tilespmem:$0x5278] =	vst v63  }
0x92: {  	_ =	swait.ge @!p0 [sflag:s14], $0x2780  }
0x93: {  	[sflag:s14] =	ssyncset.done @!p0 $0x0  }
0x94: {  	[sflag:s14] =	ssyncadd.s32 @!p0 $0xFFFFD880  }
.LBB2_1:
0x95: {  	[tilespmem:$0x2800] =	vst v0  }
0x96: {  	[tilespmem:$0x2810] =	vst v0  }
0x97: {  	[tilespmem:$0x2820] =	vst v0  }
.Ltmp2:
0x98: {  	[tilespmem:$0x2830] =	vst v0;
	(pc) =	sbr.rel @p0 .LBB2_5-.Ltmp2, $4  }
0x99: {  	[tilespmem:$0x2840] =	vst v0  }
0x9a: {  	[tilespmem:$0x2850] =	vst v0  }
0x9b: {  	[tilespmem:$0x2860] =	vst v0  }
0x9c: {  	[tilespmem:$0x2870] =	vst v0  }
0x9d: {  	s13 =	simm.s32 $0x40;
	s14 =	simm.s32 $0x0  }
.LBB2_3:
0x9e: {  	p2 =	sne.s32 s13, $0x9DC0;
	[tilespmem:s14+$0x2880] =	vst v1;
	s14 =	smov.u32 s13;
	s13 =	sadd.s32 $0x40, s13  }
.Ltmp3:
0x9f: {  	(pc) =	sbr.rel @p2 .LBB2_3-.Ltmp3, $2  }
0xa0: {  	_ =	sdelay $0x2  }
0xa1: {  	s14 =	sshra.s32 s14, $0x2  }
0xa2: {  	[tilespmem:s14+$0x2880] =	vst v1;
	s13 =	simm.s32 $0x2880  }
0xa3: {  	[spmem:s2] =	stream.linear.scatter [tilespmem:s13], [sflag:$0x2], $0x2780, $0x38;
	[tilespmem:$0x5278] =	vst v63  }
0xa4: {  	_ =	swait.ge [sflag:s8], $0x2780  }
0xa5: {  	[sflag:s8] =	ssyncset.done $0x0  }
0xa6: {  	[sflag:s8] =	ssyncadd.s32 $0xFFFFD880  }
.LBB2_5:
.Ltmp4:
0xa7: {  	(pc) =	sbr.rel @p1 .LBB2_11-.Ltmp4, $2  }
0xa8: {  	_ =	sdelay $0x1  }
0xa9: {  	[bflag:$0x0] =	sbarrier.arrive $0xFFFF;
	_ =	sdelay $0x1  }
0xaa: {  	s13 =	simm.s32 $0x0  }
0xab: {  	[tilespmem:s13], [sflag:$0x2] =	stream.linear.gather [hbm4b:s4+s13], $0x2800, $0x38;
	[tilespmem:$0x5278] =	vst v63  }
0xac: {  	_ =	swait.ge [sflag:s8], $0x2800  }
0xad: {  	[sflag:s8] =	ssyncset.done $0x0  }
0xae: {  	[sflag:s8] =	ssyncadd.s32 $0xFFFFD800  }
.LBB2_7:
0xaf: {  	p2 =	sne.s32 s13, $0x9E00  }
.Ltmp5:
0xb0: {  	_ = 	snop;
	(pc) =	sbr.rel @p2 .LBB2_7-.Ltmp5, $3  }
0xb1: {  	_ =	sdelay $0x1  }
0xb2: {  	s14 =	sshra.s32 s13, $0x2;
	s13 =	sadd.s32 $0x200, s13  }
0xb3: {  	[spmem:s2] =	stream.indirect.scatter.add.f32 [tilespmem:s10], [sflag:$0x1], $0x1, s14, s9, $0xb8;
	[tilespmem:$0x5278] =	vst v63  }
0xb4: {  	_ =	swait.ge [sflag:s11], $0x80  }
0xb5: {  	s13 =	simm.s32 $0x4F;
	[sflag:s11] =	ssyncset.done $0x0  }
.LBB2_9:
0xb6: {  	p2 =	seq.s32 s13, $0x1;
	s13 =	sadd.s32 $0xFFFFFFFF, s13;
	[sflag:s11] =	ssyncadd.s32 $0xFFFFFF80  }
.Ltmp6:
0xb7: {  	(pc) =	sbr.rel @!p2 .LBB2_9-.Ltmp6, $3  }
0xb8: {  	_ =	sdelay $0x1  }
0xb9: {  	_ =	swait.ge [sflag:s11], $0x80  }
0xba: {  	[sflag:s11] =	ssyncset.done $0x0  }
.Ltmp7:
0xbb: {  	(pc) =	sbr.rel .LBB2_12-.Ltmp7, $2  }
0xbc: {  	_ =	sdelay $0x2  }
0xbd: {  	[sflag:s11] =	ssyncadd.s32 $0xFFFFFF80  }
.LBB2_13:
0xbe: {  	_ =	sfence.sel $0x180000  }
0xbf: {  	[bflag:$0x0] =	sbarrier.arrive $0xFFFF  }
0xc0: {  	_ =	strace $0x90000047  }
0xc1: {  	[bflag:$0x2] =	sbarrier.arrive $0xFFFF  }
0xc2: {  	s0 =	rddreg [dreg:$0x3]  }
0xc3: {  	s0 =	sadd.s32 @!p0 $0x100000, s0  }
0xc4: {  	[sflag:s0] =	ssyncadd.tile.s32 @!p0 $0x1;
	_ =	shalt  }
.Lfunc_end2:
_tile_overlayer_lowered:
.L_overlay_start_2:
0xc5: {  	(tag) =	ssettag $0x2  }
0xc6: {  	s0 =	rddreg [dreg:$0x0];
	s2 =	stileid.u32  }
0xc7: {  	s1 =	rddreg [dreg:$0x1];
	p0 =	sne.s32 s2, $0x0  }
0xc8: {  	s3 =	rddreg [dreg:$0x2];
	[bflag:$0x3] =	sbarrier.arrive $0xFFFF;
	s2 =	simm.s32 @!p0 $0x1C02  }
0xc9: {  	[timem:s3], [sflag:s2] =	dma.local @!p0 [hbm:s0], s1  }
0xca: {  	s0 =	simm.s32 @!p0 $0x2  }
0xcb: {  	_ =	swait.ge @!p0 [sflag:s0], s1  }
0xcc: {  	s1 =	ssub.s32 @!p0 $0x0, s1;
	[sflag:s0] =	ssyncset.done @!p0 $0x0  }
0xcd: {  	[sflag:s0] =	ssyncadd.s32 @!p0 s1  }
0xce: {  	[bflag:$0x3] =	sbarrier.arrive $0xFFFF  }
0xcf: {  	_ =	shalt  }

// kernel: kernel.14.cloned.1.call-start
scs
__scs_entry_jumppad:
0x0: {  	(pc) =	sbr.rel $0x88, $3  }
0x1: {  	(tag) =	ssettag $0x0;
	lr =	simm.s32 $0x1  }
0x2: {  	[smem:$0x3F95] =	sst lr;
	_ =	strace $0xD0000000  }
0x3: {  	_ = 	snop  }
0x4: {  	_ = 	snop  }
0x5: {  	_ = 	snop  }
0x6: {  	_ = 	snop  }
0x7: {  	_ = 	snop  }
__scs_overlays_trampoline_lowered:
0x8: {  	[smem:$0x3FA4] =	sst s0  }
0x9: {  	[smem:$0x3FA5] =	sst s1  }
0xa: {  	[smem:$0x3FA6] =	sst s2  }
0xb: {  	[smem:$0x3FA7] =	sst s3  }
0xc: {  	[smem:$0x3FA8] =	sst s4  }
0xd: {  	[smem:$0x3FA9] =	sst s5  }
0xe: {  	[smem:$0x3FAA] =	sst s6  }
0xf: {  	[smem:$0x3FAB] =	sst s7  }
0x10: {  	[smem:$0x3FAC] =	sst s8  }
0x11: {  	[smem:$0x3FAD] =	sst s9;
	s0 =	simm.s32 @!p0 $0x0  }
0x12: {  	s1 =	sld [smem:$0x3F93];
	s0 =	simm.s32 @p0 $0x1  }
0x13: {  	[smem:$0x3FAE] =	sst s0;
	s0 =	simm.s32 @!p1 $0x0  }
0x14: {  	s2 =	sld [smem:$0x3F92];
	s0 =	simm.s32 @p1 $0x1  }
0x15: {  	[smem:$0x3FAF] =	sst s0;
	s0 =	simm.s32 @!p2 $0x0  }
0x16: {  	s3 =	sld [smem:$0x3FDB];
	s0 =	simm.s32 @p2 $0x1  }
0x17: {  	s4 =	simm.s32 $0x1BF5;
	[smem:$0x3FB1] =	sst s0  }
0x18: {  	s0 =	sld [smem:$0x3F94];
	_ =	swait.ge [sflag:s4], $0x0  }
0x19: {  	s7 =	sld [smem:$0x3F95]  }
0x1a: {  	s8 =	sadd.s32 $0xFFFFE003, lr  }
0x1b: {  	s9 =	sadd.s32 $0xFFFFFEF7, lr;
	s5 =	simm.s32 $0xFFFFFFFF;
	p2 =	slt.u32 s8, $0xFFFFF086  }
0x1c: {  	p1 =	slt.u32 s9, $0xF7A;
	s5 =	simm.s32 @!p2 $0x0  }
0x1d: {  	s5 =	simm.s32 @p1 $0x1;
	p0 =	seq.s32 s7, s2  }
0x1e: {  	s7 =	smul.u32 @!p0 $0xF7A, s2;
	p2 =	seq.s32 @!p0 s5, $0x0  }
0x1f: {  	s9 =	smul.u32 $0xF7A, s1;
	s8 =	simm.s32 @!p0 $0x1BF5;
	p2 =	por !p2, p0  }
0x20: {  	[sflag:s8] =	ssyncset.s32 @!p0 $0xFFFFF086;
	s6 =	sadd.s32 @!p0 s3, s7;
	s7 =	simm.s32 @!p0 $0x108  }
0x21: {  	s3 =	sadd.s32 s3, s9;
	s6 =	sadd.s32 @!p0 $0x88, s6;
	s7 =	simm.s32 @p2 $0x1082  }
0x22: {  	[simem:s7], [sflag:s8] =	dma.local @!p0 [hbm:s6], $0xF7A  }
0x23: {  	s9 =	sor.u32 $0xD0000000, s2;
	s6 =	simm.s32 $0x108;
	_ =	swait.ge @!p0 [sflag:s8], $0x0  }
0x24: {  	s3 =	sadd.s32 $0x88, s3;
	s6 =	simm.s32 @!p1 $0x1082;
	[sflag:s4] =	ssyncset.s32 $0xFFFFF086  }
0x25: {  	[simem:s6], [sflag:s4] =	dma.local [hbm:s3], $0xF7A  }
0x26: {  	[smem:$0x3F95] =	sst s1;
	(tag) =	ssettag s2;
	_ =	strace s9  }
0x27: {  	s1 =	sld [smem:$0x3FA5]  }
0x28: {  	s2 =	sld [smem:$0x3FA6]  }
0x29: {  	s4 =	sld [smem:$0x3FA8]  }
0x2a: {  	p0 =	seq.s32 s5, $0x0;
	s5 =	sld [smem:$0x3FA9]  }
0x2b: {  	s6 =	sld [smem:$0x3FAA]  }
0x2c: {  	s7 =	sld [smem:$0x3FAB]  }
0x2d: {  	s3 =	simm.s32 $0x108;
	s8 =	sld [smem:$0x3FAC]  }
0x2e: {  	s3 =	simm.s32 @!p0 $0x1082;
	s9 =	sld [smem:$0x3FAD]  }
0x2f: {  	lr =	sadd.s32 s0, s3;
	s0 =	sld [smem:$0x3FA4]  }
0x30: {  	s3 =	sld [smem:$0x3FA7]  }
0x31: {  	[smem:$0x3FB0] =	sst s10  }
0x32: {  	s10 =	sld [smem:$0x3FAE];
	_ =	sdelay $0x3  }
0x33: {  	p0 =	seq.s32 s10, $0x1;
	s10 =	sld [smem:$0x3FB0];
	_ =	sdelay $0x3  }
0x34: {  	[smem:$0x3FB0] =	sst s10  }
0x35: {  	s10 =	sld [smem:$0x3FAF];
	_ =	sdelay $0x3  }
0x36: {  	p1 =	seq.s32 s10, $0x1;
	s10 =	sld [smem:$0x3FB0];
	_ =	sdelay $0x3  }
0x37: {  	[smem:$0x3FB0] =	sst s10  }
0x38: {  	s10 =	sld [smem:$0x3FB1]  }
0x39: {  	_ = 	snop;
	(pc) =	sbr.ind lr, $3  }
0x3a: {  	_ = 	snop  }
0x3b: {  	_ = 	snop  }
0x3c: {  	p2 =	seq.s32 s10, $0x1;
	s10 =	sld [smem:$0x3FB0]  }
0x3d: {  	_ =	shalt  }
0x3e: {  	_ =	shalt  }
0x3f: {  	_ =	shalt  }
0x40: {  	_ =	shalt  }
0x41: {  	_ =	shalt  }
0x42: {  	_ =	shalt  }
0x43: {  	_ =	shalt  }
0x44: {  	_ =	shalt  }
0x45: {  	_ =	shalt  }
0x46: {  	_ =	shalt  }
0x47: {  	_ =	shalt  }
0x48: {  	_ =	shalt  }
0x49: {  	_ =	shalt  }
0x4a: {  	_ =	shalt  }
0x4b: {  	_ =	shalt  }
0x4c: {  	_ =	shalt  }
0x4d: {  	_ =	shalt  }
0x4e: {  	_ =	shalt  }
0x4f: {  	_ =	shalt  }
0x50: {  	_ =	shalt  }
0x51: {  	_ =	shalt  }
0x52: {  	_ =	shalt  }
0x53: {  	_ =	shalt  }
0x54: {  	_ =	shalt  }
0x55: {  	_ =	shalt  }
0x56: {  	_ =	shalt  }
0x57: {  	_ =	shalt  }
0x58: {  	_ =	shalt  }
0x59: {  	_ =	shalt  }
0x5a: {  	_ =	shalt  }
0x5b: {  	_ =	shalt  }
0x5c: {  	_ =	shalt  }
0x5d: {  	_ =	shalt  }
0x5e: {  	_ =	shalt  }
0x5f: {  	_ =	shalt  }
0x60: {  	_ =	shalt  }
0x61: {  	_ =	shalt  }
0x62: {  	_ =	shalt  }
0x63: {  	_ =	shalt  }
0x64: {  	_ =	shalt  }
0x65: {  	_ =	shalt  }
0x66: {  	_ =	shalt  }
0x67: {  	_ =	shalt  }
0x68: {  	_ =	shalt  }
0x69: {  	_ =	shalt  }
0x6a: {  	_ =	shalt  }
0x6b: {  	_ =	shalt  }
0x6c: {  	_ =	shalt  }
0x6d: {  	_ =	shalt  }
0x6e: {  	_ =	shalt  }
0x6f: {  	_ =	shalt  }
0x70: {  	_ =	shalt  }
0x71: {  	_ =	shalt  }
0x72: {  	_ =	shalt  }
0x73: {  	_ =	shalt  }
0x74: {  	_ =	shalt  }
0x75: {  	_ =	shalt  }
0x76: {  	_ =	shalt  }
0x77: {  	_ =	shalt  }
0x78: {  	_ =	shalt  }
0x79: {  	_ =	shalt  }
0x7a: {  	_ =	shalt  }
0x7b: {  	_ =	shalt  }
0x7c: {  	_ =	shalt  }
0x7d: {  	_ =	shalt  }
0x7e: {  	_ =	shalt  }
0x7f: {  	_ =	shalt  }
0x80: {  	_ =	shalt  }
0x81: {  	_ =	shalt  }
0x82: {  	_ =	shalt  }
0x83: {  	_ =	shalt  }
0x84: {  	_ =	shalt  }
0x85: {  	_ =	shalt  }
0x86: {  	_ =	shalt  }
0x87: {  	_ =	shalt  }
.Lfunc_end0:
.L_simem_size_0:
called_computation.1_lowered:
.L_overlay_start_0:
0x88: {  	s2 =	sld [smem:$0x3FD9]  }
0x89: {  	s3 =	sld [smem:$0x3FFE];
	_ =	sdelay $0x1  }
0x8a: {  	s1 =	srdreg.scid  }
0x8b: {  	s0 =	sand.u32 $0x1, s1  }
0x8c: {  	s17 =	sshll.u32 s0, $0xA;
	s2 =	sadd.s32 s3, s2  }
0x8d: {  	s2 =	sadd.s32 s2, s17  }
0x8e: {  	[smem:$0x3FBC] =	sst s2  }
0x8f: {  	_ = 	snop  }
0x90: {  	s2 =	sld [smem:$0x3FD0];
	(tm) =	ssettm $0x1  }
0x91: {  	s18 =	sld [smem:$0x3FFB];
	_ =	sdelay $0x3  }
0x92: {  	_ =	strace s18  }
0x93: {  	s3 =	sld [smem:$0x3FFC];
	_ =	sdelay $0x3  }
0x94: {  	_ =	strace s3  }
0x95: {  	s3 =	sld [smem:$0x3FFD];
	_ =	sdelay $0x3  }
0x96: {  	_ =	strace s3  }
0x97: {  	_ =	strace $0x8FFFFFFF  }
0x98: {  	s19 =	sld [smem:$0x3FDB];
	_ =	sdelay $0x1  }
0x99: {  	s4 =	simm.s32 $_scs_section_size  }
0x9a: {  	s5 =	simm.s32 $_size__tile_overlayer_lowered;
	s6 =	simm.s32 $_tile_overlayer_lowered  }
0x9b: {  	s22 =	simm.s32 $0x1BFF;
	s21 =	sshll.u32 s6, $0x1;
	s3 =	sadd.s32 s4, s19  }
0x9c: {  	s7 =	simm.s32 $0x0;
	s20 =	sshll.u32 s5, $0x1;
	s5 =	sadd.s32 s21, s3  }
0x9d: {  	[timem:s7], [sflag:s22] =	dma.local [hbm:s5], s20  }
0x9e: {  	_ =	swait.ge [sflag:s22], s20  }
0x9f: {  	s4 =	ssub.s32 $0x0, s20;
	[sflag:s22] =	ssyncset.done $0x0  }
0xa0: {  	[sflag:s22] =	ssyncadd.s32 s4;
	_ =	sdelay $0x1  }
0xa1: {  	s23 =	simm.s32 $0x1B8B  }
0xa2: {  	_ =	swait.ge [sflag:s23], $0x1  }
0xa3: {  	[sflag:s23] =	ssyncset.done $0x0  }
0xa4: {  	s25 =	simm.s32 $0x1B8E;
	s24 =	sld [smem:$0x3FFE];
	[sflag:s23] =	ssyncadd.s32 $0xFFFFFFFF  }
0xa5: {  	s26 =	simm.s32 $execute0_lowered;
	[smem:$0x3FD2] =	sst s25  }
0xa6: {  	s5 =	sshll.u32 s26, $0x1;
	_ =	strace $0x80000049;
	[dreg:$0x1] =	wrdreg $0xFFFFFFFF  }
0xa7: {  	s28 =	simm.s32 $_size_execute0_lowered;
	s3 =	sadd.s32 s3, s5;
	[dreg:$0x0] =	wrdreg $0x0  }
0xa8: {  	s5 =	sshll.u32 s28, $0x1;
	[dreg:$0x2] =	wrdreg s3  }
0xa9: {  	[dreg:$0x3] =	wrdreg s5  }
0xaa: {  	[dreg:$0x4] =	wrdreg $0xC0  }
0xab: {  	_ =	task [dreg:s7], $0x5FFFF  }
0xac: {  	[dreg:$0x1] =	wrdreg $0xFFFFFFFF  }
0xad: {  	[dreg:$0x0] =	wrdreg $0x60  }
0xae: {  	[dreg:$0x2] =	wrdreg s2  }
0xaf: {  	[dreg:$0x3] =	wrdreg s24  }
0xb0: {  	[dreg:$0x4] =	wrdreg $0xA8000  }
0xb1: {  	[dreg:$0x5] =	wrdreg $0x9  }
0xb2: {  	_ =	task.clear_ibuf [dreg:s7], $0x6FFFF;
	_ =	strace $0x90000049  }
0xb3: {  	s29 =	simm.s32 $0x9;
	_ =	strace $0x8000004B  }
0xb4: {  	_ =	swait.ge [sflag:s29], $0x1  }
0xb5: {  	[sflag:s29] =	ssyncadd.s32 $0xFFFFFFFF  }
0xb6: {  	_ =	strace $0x9000004B  }
0xb7: {  	_ =	sfence  }
0xb8: {  	s30 =	sld [smem:$0x0];
	_ =	sdelay $0x2  }
0xb9: {  	s31 =	sshll.u32 s1, $0xD;
	s1 =	sshrl.u32 s1, $0x2  }
0xba: {  	s3 =	sand.u32 $0x4000, s31;
	s1 =	sadd.s32 s1, s30  }
0xbb: {  	s0 =	sor.u32 s3, s0;
	s1 =	sshll.u32 s1, $0x11  }
0xbc: {  	s0 =	sor.u32 s1, s0  }
0xbd: {  	s0 =	sadd.s32 $0x8F2B, s0  }
0xbe: {  	[sflag:s0] =	ssyncadd.remote.s32 $0x1  }
0xbf: {  	_ =	sfence.sel $0xFFFF  }
0xc0: {  	[dreg:$0x0] =	wrdreg $0xFFFFFFFF;
	(pc) =	sbr.abs _section_cstart, $3  }
0xc1: {  	[dreg:$0x1] =	wrdreg $0xFFFFFFFF  }
0xc2: {  	_ =	task.clear_ibuf [dreg:s7], $0x2FFFF;
	_ =	strace $0x9FFFFFFF  }
0xc3: {  	(tm) =	ssettm $0x7FFFFFFF  }
tec
execute0_lowered:
.L_overlay_start_1:
0x0: {  	(tag) =	ssettag $0x1  }
0x1: {  	s1 =	rddreg [dreg:$0x0]  }
0x2: {  	s14 =	rddreg [dreg:$0x1]  }
0x3: {  	s2 =	rddreg [dreg:$0x2]  }
0x4: {  	s3 =	srdreg.scid;
	s0 =	rddreg [dreg:$0x3];
	s4 =	simm.s32 $0x0  }
0x5: {  	s18 =	simm.s32 $0x3;
	s19 =	simm.s32 $0x1400;
	s20 =	simm.s32 $0x80  }
0x6: {  	s21 =	simm.s32 $0x1;
	s22 =	simm.s32 $0x6800;
	s23 =	simm.s32 $0x2  }
0x7: {  	s25 =	simm.s32 $0x0;
	s10 =	sand.u32 $0x1, s3;
	s3 =	stileid.u32  }
0x8: {  	[smem:$0x7FF] =	sst s4;
	s5 =	sadd.s32 $0xEE00, s14;
	s7 =	smul.u32 $0x138800, s10  }
0x9: {  	s6 =	sadd.s32 $0x5000, s14;
	s13 =	sadd.s32 $0x18900, s14;
	s8 =	smul.u32 $0x1F400, s3  }
0xa: {  	_ =	strace $0x8000004A;
	s9 =	smul.u32 $0x4F000, s3;
	s30 =	ssub.s32 $0x2, s10  }
0xb: {  	s31 =	sshll.u32 s10, $0x4;
	s17 =	smul.u32 $0x7D000, s3;
	p0 =	sgt.u32 s3, $0x9  }
0xc: {  	s11 =	sshrl.u32 s30, $0x1;
	s12 =	sor.u32 s3, s31;
	s7 =	sadd.s32 s8, s7  }
0xd: {  	s9 =	sshrl.u32 s9, $0x2;
	s16 =	ssub.s32 s30, s11;
	s12 =	smul.u32 $0x50, s12  }
.Ltmp0:
0xe: {  	s17 =	sshrl.u32 s17, $0x2;
	s7 =	sshrl.u32 s7, $0x3;
	(pc) =	sbr.rel .LBB2_1-.Ltmp0, $4  }
0xf: {  	s24 =	sadd.s32 s17, s2;
	s16 =	smax.u32 s16, $0x1;
	s17 =	simm.s32 $0x2800  }
0x10: {  	s15 =	sadd.s32 s7, s14;
	s7 =	sadd.s32 s9, s2;
	s14 =	sadd.s32 $0xEB00, s14  }
0x11: {  	s24 =	sshrl.u32 @!p0 s24, $0x3;
	s8 =	sadd.s32 $0x4000, s7;
	s9 =	sadd.s32 $0x8000, s7  }
0x12: {  	v0 =	vimm.f32 $0.0e+00;
	s10 =	sadd.s32 $0xC000, s7;
	s11 =	sadd.s32 $0x10000, s7;
	s15 =	sadd.s32 $0x18C00, s15  }
.LBB2_14:
0x13: {  	s26 =	sshll.u32 @!p0 s3, $0x6;
	s25 =	sadd.s32 $0x1, s25  }
0x14: {  	[bflag:$0x0] =	sbarrier.arrive $0xFFFF;
	s26 =	sor.u32 @!p0 $0x1C03, s26;
	p1 =	sne.s32 s25, s16  }
0x15: {  	[hbm:s15], [sflag:s26] =	dma.local @!p0 [spmem:s24], $0x3E80  }
.Ltmp1:
0x16: {  	_ = 	snop;
	(pc) =	sbr.rel @!p1 .LBB2_15-.Ltmp1, $4  }
0x17: {  	s26 =	simm.s32 @!p0 $0x3  }
0x18: {  	_ =	swait.ge @!p0 [sflag:s26], $0x3E80  }
0x19: {  	[sflag:s26] =	ssyncset.done @!p0 $0x0  }
0x1a: {  	[sflag:s26] =	ssyncadd.s32 @!p0 $0xFFFFC180  }
.LBB2_1:
0x1b: {  	s26 =	simm.s32 $0x0;
	s28 =	simm.s32 $0x200  }
.LBB2_2:
0x1c: {  	p1 =	sne.s32 s28, $0xFE00;
	[tilespmem:s26+$0x2870] =	vst v0  }
0x1d: {  	[tilespmem:s26+$0x2800] =	vst v0  }
0x1e: {  	[tilespmem:s26+$0x2810] =	vst v0  }
.Ltmp2:
0x1f: {  	[tilespmem:s26+$0x2820] =	vst v0;
	(pc) =	sbr.rel @p1 .LBB2_2-.Ltmp2, $4  }
0x20: {  	[tilespmem:s26+$0x2830] =	vst v0  }
0x21: {  	[tilespmem:s26+$0x2840] =	vst v0  }
0x22: {  	[tilespmem:s26+$0x2850] =	vst v0  }
0x23: {  	[tilespmem:s26+$0x2860] =	vst v0;
	s26 =	sshra.s32 s28, $0x2;
	s28 =	sadd.s32 $0x200, s28  }
0x24: {  	[tilespmem:s26+$0x2870] =	vst v0  }
0x25: {  	[tilespmem:s26+$0x2800] =	vst v0  }
0x26: {  	[tilespmem:s26+$0x2810] =	vst v0  }
0x27: {  	[tilespmem:s26+$0x2820] =	vst v0  }
0x28: {  	[tilespmem:s26+$0x2830] =	vst v0  }
0x29: {  	[tilespmem:s26+$0x2840] =	vst v0  }
0x2a: {  	[tilespmem:s26+$0x2850] =	vst v0  }
0x2b: {  	[tilespmem:s26+$0x2860] =	vst v0  }
0x2c: {  	[spmem:s7] =	stream.linear.scatter [tilespmem:s17], [sflag:$0x3], $0x4000, $0x38;
	[tilespmem:$0x1E400] =	vst v63  }
0x2d: {  	_ =	swait.ge [sflag:s18], $0x4000  }
0x2e: {  	[sflag:s18] =	ssyncset.done $0x0  }
0x2f: {  	[sflag:s18] =	ssyncadd.s32 $0xFFFFC000  }
0x30: {  	[spmem:s8] =	stream.linear.scatter [tilespmem:s17], [sflag:$0x3], $0x4000, $0x38;
	[tilespmem:$0x1E400] =	vst v63  }
0x31: {  	_ =	swait.ge [sflag:s18], $0x4000  }
0x32: {  	[sflag:s18] =	ssyncset.done $0x0  }
0x33: {  	[sflag:s18] =	ssyncadd.s32 $0xFFFFC000  }
0x34: {  	[spmem:s9] =	stream.linear.scatter [tilespmem:s17], [sflag:$0x3], $0x4000, $0x38;
	[tilespmem:$0x1E400] =	vst v63  }
0x35: {  	_ =	swait.ge [sflag:s18], $0x4000  }
0x36: {  	[sflag:s18] =	ssyncset.done $0x0  }
0x37: {  	[sflag:s18] =	ssyncadd.s32 $0xFFFFC000  }
0x38: {  	[spmem:s10] =	stream.linear.scatter [tilespmem:s17], [sflag:$0x3], $0x4000, $0x38;
	[tilespmem:$0x1E400] =	vst v63  }
0x39: {  	_ =	swait.ge [sflag:s18], $0x4000  }
0x3a: {  	[sflag:s18] =	ssyncset.done $0x0  }
0x3b: {  	[sflag:s18] =	ssyncadd.s32 $0xFFFFC000  }
0x3c: {  	[spmem:s11] =	stream.linear.scatter [tilespmem:s17], [sflag:$0x3], $0x3C00, $0x38;
	[tilespmem:$0x1E400] =	vst v63  }
.Ltmp3:
0x3d: {  	_ =	swait.ge [sflag:s18], $0x3C00;
	(pc) =	sbr.rel .LBB2_4-.Ltmp3, $4  }
0x3e: {  	[sflag:s18] =	ssyncset.done $0x0  }
0x3f: {  	[sflag:s18] =	ssyncadd.s32 $0xFFFFC400  }
0x40: {  	[bflag:$0x0] =	sbarrier.arrive $0xFFFF  }
0x41: {  	s26 =	simm.s32 $0x0;
	p2 =	por $0x1, $0x1  }
.LBB2_7:
0x42: {  	[spmem:s2] =	stream.indirect.scatter.add.f32 [tilespmem:s17], [sflag:$0x2], $0x80, s28, s20, $0xb8;
	[tilespmem:$0x1E400] =	vst v63  }
0x43: {  	s26 =	simm.s32 $0x2780  }
.LBB2_12:
0x44: {  	_ =	swait.ge [sflag:s21], $0x4000  }
0x45: {  	[sflag:s21] =	ssyncset.done $0x0  }
0x46: {  	[sflag:s21] =	ssyncadd.s32 $0xFFFFC000  }
0x47: {  	_ =	swait.ge [sflag:s23], $0x4000  }
0x48: {  	[sflag:s23] =	ssyncset.done $0x0  }
0x49: {  	[sflag:s23] =	ssyncadd.s32 $0xFFFFC000  }
0x4a: {  	[spmem:s2] =	stream.indirect.scatter.add.f32 [tilespmem:s22], [sflag:$0x2], $0x80, s26, s20, $0xb8;
	[tilespmem:$0x1E400] =	vst v63  }
0x4b: {  	_ =	swait.ge [sflag:s23], $0x4000  }
0x4c: {  	[sflag:s23] =	ssyncset.done $0x0  }
0x4d: {  	[sflag:s23] =	ssyncadd.s32 $0xFFFFC000  }
.LBB2_13:
.Ltmp4:
0x4e: {  	(pc) =	sbr.rel @!p1 .LBB2_14-.Ltmp4, $2  }
0x4f: {  	_ =	sdelay $0x2  }
0x50: {  	s26 =	simm.s32 $0x28;
	p2 =	por $0x0, $0x0  }
.LBB2_4:
0x51: {  	s26 =	sadd.s32 s12, s26  }
0x52: {  	p3 =	sgt.u32 s26, $0x9A0  }
.Ltmp5:
0x53: {  	_ = 	snop;
	(pc) =	sbr.rel @p3 .LBB2_8-.Ltmp5, $2  }
0x54: {  	_ =	sdelay $0x2  }
0x55: {  	p1 =	por p2, p2  }
0x56: {  	s26 =	sshll.u32 s26, $0x4  }
0x57: {  	s28 =	sadd.s32 s5, s26  }
0x58: {  	[tilespmem:s4], [sflag:$0x3] =	stream.linear.gather [hbm4b:s28+s4], $0x1400, $0x38;
	[tilespmem:$0x1E400] =	vst v63  }
0x59: {  	_ =	swait.ge [sflag:s18], $0x1400  }
0x5a: {  	[sflag:s18] =	ssyncset.done $0x0  }
0x5b: {  	s26 =	sadd.s32 s6, s26;
	[sflag:s18] =	ssyncadd.s32 $0xFFFFEC00  }
0x5c: {  	[tilespmem:s19], [sflag:$0x3] =	stream.linear.gather [hbm4b:s26+s4], $0x1400, $0x38;
	[tilespmem:$0x1E400] =	vst v63  }
0x5d: {  	_ =	swait.ge [sflag:s18], $0x1400  }
0x5e: {  	[sflag:s18] =	ssyncset.done $0x0  }
0x5f: {  	[sflag:s18] =	ssyncadd.s32 $0xFFFFEC00  }
0x60: {  	[tilespmem:s17], [sflag:$0x1] =	stream.indirect.gather [hbm4b:s1+s20], $0x80, s4, s20, $0xb8;
	[tilespmem:$0x1E400] =	vst v63  }
0x61: {  	_ =	swait.ge [sflag:s21], $0x4000  }
0x62: {  	[sflag:s21] =	ssyncset.done $0x0  }
0x63: {  	[sflag:s21] =	ssyncadd.s32 $0xFFFFC000  }
0x64: {  	[tilespmem:s22], [sflag:$0x1] =	stream.indirect.gather [hbm4b:s1+s20], $0x80, s20, s20, $0xb8;
	[tilespmem:$0x1E400] =	vst v63  }
0x65: {  	_ = 	snop  }
0x66: {  	[spmem:s2] =	stream.indirect.scatter.add.f32 [tilespmem:s17], [sflag:$0x2], $0x80, s19, s20, $0xb8;
	[tilespmem:$0x1E400] =	vst v63  }
0x67: {  	_ =	swait.ge [sflag:s21], $0x4000  }
0x68: {  	[sflag:s21] =	ssyncset.done $0x0  }
0x69: {  	[sflag:s21] =	ssyncadd.s32 $0xFFFFC000  }
0x6a: {  	_ =	swait.ge [sflag:s23], $0x4000  }
0x6b: {  	[sflag:s23] =	ssyncset.done $0x0  }
0x6c: {  	s29 =	simm.s32 $0x100;
	[sflag:s23] =	ssyncadd.s32 $0xFFFFC000  }
0x6d: {  	[tilespmem:s17], [sflag:$0x1] =	stream.indirect.gather [hbm4b:s1+s20], $0x80, s29, s20, $0xb8;
	[tilespmem:$0x1E400] =	vst v63  }
0x6e: {  	s30 =	simm.s32 $0x1480  }
0x6f: {  	[spmem:s2] =	stream.indirect.scatter.add.f32 [tilespmem:s22], [sflag:$0x2], $0x80, s30, s20, $0xb8;
	[tilespmem:$0x1E400] =	vst v63  }
0x70: {  	_ =	swait.ge [sflag:s21], $0x4000  }
0x71: {  	p2 =	por $0x0, $0x0;
	[sflag:s21] =	ssyncset.done $0x0  }
.Ltmp6:
0x72: {  	[sflag:s21] =	ssyncadd.s32 $0xFFFFC000;
	(pc) =	sbr.rel @p2 .LBB2_7-.Ltmp6, $4  }
0x73: {  	_ =	swait.ge [sflag:s23], $0x4000  }
0x74: {  	s31 =	simm.s32 $0x180;
	[sflag:s23] =	ssyncset.done $0x0  }
0x75: {  	s28 =	simm.s32 $0x1500;
	s26 =	simm.s32 $0xFFFFB800;
	[sflag:s23] =	ssyncadd.s32 $0xFFFFC000  }
0x76: {  	[tilespmem:s22], [sflag:$0x1] =	stream.indirect.gather [hbm4b:s1+s20], $0x80, s31, s20, $0xb8;
	[tilespmem:$0x1E400] =	vst v63  }
.LBB2_6:
0x77: {  	[spmem:s2] =	stream.indirect.scatter.add.f32 [tilespmem:s17], [sflag:$0x2], $0x80, s28, s20, $0xb8;
	[tilespmem:$0x1E400] =	vst v63  }
0x78: {  	s28 =	smov.u32 s26  }
0x79: {  	p2 =	seq.s32 s26, $0xFFFFFC00;
	s26 =	sadd.s32 $0x400, s26;
	_ =	swait.ge [sflag:s21], $0x4000  }
0x7a: {  	[sflag:s21] =	ssyncset.done $0x0  }
0x7b: {  	[sflag:s21] =	ssyncadd.s32 $0xFFFFC000  }
0x7c: {  	_ =	swait.ge [sflag:s23], $0x4000  }
0x7d: {  	s28 =	sshra.s32 s28, $0x2;
	[sflag:s23] =	ssyncset.done $0x0  }
0x7e: {  	s29 =	sadd.s32 $0x1400, s28;
	[sflag:s23] =	ssyncadd.s32 $0xFFFFC000  }
0x7f: {  	[tilespmem:s17], [sflag:$0x1] =	stream.indirect.gather [hbm4b:s1+s20], $0x80, s29, s20, $0xb8;
	[tilespmem:$0x1E400] =	vst v63  }
0x80: {  	s29 =	sadd.s32 $0x2780, s28  }
0x81: {  	[spmem:s2] =	stream.indirect.scatter.add.f32 [tilespmem:s22], [sflag:$0x2], $0x80, s29, s20, $0xb8;
	[tilespmem:$0x1E400] =	vst v63  }
0x82: {  	_ =	swait.ge [sflag:s21], $0x4000  }
0x83: {  	[sflag:s21] =	ssyncset.done $0x0  }
0x84: {  	[sflag:s21] =	ssyncadd.s32 $0xFFFFC000  }
.Ltmp7:
0x85: {  	_ =	swait.ge [sflag:s23], $0x4000;
	(pc) =	sbr.rel @!p2 .LBB2_6-.Ltmp7, $4  }
0x86: {  	[sflag:s23] =	ssyncset.done $0x0  }
0x87: {  	s29 =	sadd.s32 $0x1480, s28;
	[sflag:s23] =	ssyncadd.s32 $0xFFFFC000  }
0x88: {  	[tilespmem:s22], [sflag:$0x1] =	stream.indirect.gather [hbm4b:s1+s20], $0x80, s29, s20, $0xb8;
	[tilespmem:$0x1E400] =	vst v63  }
0x89: {  	s28 =	sadd.s32 $0x2800, s28  }
.Ltmp8:
0x8a: {  	_ = 	snop;
	(pc) =	sbr.rel .LBB2_7-.Ltmp8, $1  }
0x8b: {  	_ =	sdelay $0x3  }
.LBB2_8:
0x8c: {  	p2 =	sne.s32 s26, $0x9B0  }
.Ltmp9:
0x8d: {  	_ = 	snop;
	(pc) =	sbr.rel @p2 .LBB2_13-.Ltmp9, $1  }
0x8e: {  	_ =	sdelay $0x3  }
0x8f: {  	[tilespmem:s4], [sflag:$0x3] =	stream.linear.gather [hbm4b:s13+s4], $0xC00, $0x38;
	[tilespmem:$0x1E400] =	vst v63  }
0x90: {  	_ =	swait.ge [sflag:s18], $0xC00  }
0x91: {  	[sflag:s18] =	ssyncset.done $0x0  }
0x92: {  	[sflag:s18] =	ssyncadd.s32 $0xFFFFF400  }
0x93: {  	[tilespmem:s19], [sflag:$0x3] =	stream.linear.gather [hbm4b:s14+s4], $0xC00, $0x38;
	[tilespmem:$0x1E400] =	vst v63  }
0x94: {  	_ =	swait.ge [sflag:s18], $0xC00  }
0x95: {  	[sflag:s18] =	ssyncset.done $0x0  }
0x96: {  	[sflag:s18] =	ssyncadd.s32 $0xFFFFF400  }
0x97: {  	[tilespmem:s17], [sflag:$0x1] =	stream.indirect.gather [hbm4b:s1+s20], $0x80, s4, s20, $0xb8;
	[tilespmem:$0x1E400] =	vst v63  }
0x98: {  	_ =	swait.ge [sflag:s21], $0x4000  }
0x99: {  	[sflag:s21] =	ssyncset.done $0x0  }
0x9a: {  	[sflag:s21] =	ssyncadd.s32 $0xFFFFC000  }
0x9b: {  	[tilespmem:s22], [sflag:$0x1] =	stream.indirect.gather [hbm4b:s1+s20], $0x80, s20, s20, $0xb8;
	[tilespmem:$0x1E400] =	vst v63  }
0x9c: {  	_ = 	snop  }
0x9d: {  	[spmem:s2] =	stream.indirect.scatter.add.f32 [tilespmem:s17], [sflag:$0x2], $0x80, s19, s20, $0xb8;
	[tilespmem:$0x1E400] =	vst v63  }
0x9e: {  	_ =	swait.ge [sflag:s21], $0x4000  }
0x9f: {  	[sflag:s21] =	ssyncset.done $0x0  }
0xa0: {  	[sflag:s21] =	ssyncadd.s32 $0xFFFFC000  }
0xa1: {  	_ =	swait.ge [sflag:s23], $0x4000  }
0xa2: {  	[sflag:s23] =	ssyncset.done $0x0  }
0xa3: {  	s26 =	simm.s32 $0x100;
	[sflag:s23] =	ssyncadd.s32 $0xFFFFC000  }
0xa4: {  	[tilespmem:s17], [sflag:$0x1] =	stream.indirect.gather [hbm4b:s1+s20], $0x80, s26, s20, $0xb8;
	[tilespmem:$0x1E400] =	vst v63  }
0xa5: {  	s30 =	simm.s32 $0x1480  }
0xa6: {  	[spmem:s2] =	stream.indirect.scatter.add.f32 [tilespmem:s22], [sflag:$0x2], $0x80, s30, s20, $0xb8;
	[tilespmem:$0x1E400] =	vst v63  }
0xa7: {  	_ =	swait.ge [sflag:s21], $0x4000  }
0xa8: {  	[sflag:s21] =	ssyncset.done $0x0  }
0xa9: {  	[sflag:s21] =	ssyncadd.s32 $0xFFFFC000  }
0xaa: {  	_ =	swait.ge [sflag:s23], $0x4000  }
0xab: {  	s31 =	simm.s32 $0x180;
	[sflag:s23] =	ssyncset.done $0x0  }
0xac: {  	s28 =	simm.s32 $0x1500;
	s26 =	simm.s32 $0xFFFFD800;
	[sflag:s23] =	ssyncadd.s32 $0xFFFFC000  }
0xad: {  	[tilespmem:s22], [sflag:$0x1] =	stream.indirect.gather [hbm4b:s1+s20], $0x80, s31, s20, $0xb8;
	[tilespmem:$0x1E400] =	vst v63  }
.LBB2_10:
0xae: {  	[spmem:s2] =	stream.indirect.scatter.add.f32 [tilespmem:s17], [sflag:$0x2], $0x80, s28, s20, $0xb8;
	[tilespmem:$0x1E400] =	vst v63  }
0xaf: {  	s28 =	smov.u32 s26  }
0xb0: {  	p2 =	sne.s32 s26, $0xFFFFFC00;
	s26 =	sadd.s32 $0x400, s26;
	_ =	swait.ge [sflag:s21], $0x4000  }
0xb1: {  	[sflag:s21] =	ssyncset.done $0x0  }
0xb2: {  	[sflag:s21] =	ssyncadd.s32 $0xFFFFC000  }
0xb3: {  	_ =	swait.ge [sflag:s23], $0x4000  }
0xb4: {  	s28 =	sshra.s32 s28, $0x2;
	[sflag:s23] =	ssyncset.done $0x0  }
0xb5: {  	s29 =	sadd.s32 $0xC00, s28;
	[sflag:s23] =	ssyncadd.s32 $0xFFFFC000  }
0xb6: {  	[tilespmem:s17], [sflag:$0x1] =	stream.indirect.gather [hbm4b:s1+s20], $0x80, s29, s20, $0xb8;
	[tilespmem:$0x1E400] =	vst v63  }
0xb7: {  	s29 =	sadd.s32 $0x1F80, s28  }
0xb8: {  	[spmem:s2] =	stream.indirect.scatter.add.f32 [tilespmem:s22], [sflag:$0x2], $0x80, s29, s20, $0xb8;
	[tilespmem:$0x1E400] =	vst v63  }
0xb9: {  	_ =	swait.ge [sflag:s21], $0x4000  }
0xba: {  	[sflag:s21] =	ssyncset.done $0x0  }
0xbb: {  	[sflag:s21] =	ssyncadd.s32 $0xFFFFC000  }
.Ltmp10:
0xbc: {  	_ =	swait.ge [sflag:s23], $0x4000;
	(pc) =	sbr.rel @p2 .LBB2_10-.Ltmp10, $4  }
0xbd: {  	[sflag:s23] =	ssyncset.done $0x0  }
0xbe: {  	s29 =	sadd.s32 $0xC80, s28;
	[sflag:s23] =	ssyncadd.s32 $0xFFFFC000  }
0xbf: {  	[tilespmem:s22], [sflag:$0x1] =	stream.indirect.gather [hbm4b:s1+s20], $0x80, s29, s20, $0xb8;
	[tilespmem:$0x1E400] =	vst v63  }
0xc0: {  	s28 =	sadd.s32 $0x2000, s28  }
.Ltmp11:
0xc1: {  	(pc) =	sbr.rel .LBB2_12-.Ltmp11, $3  }
0xc2: {  	_ =	sdelay $0x1  }
0xc3: {  	[spmem:s2] =	stream.indirect.scatter.add.f32 [tilespmem:s17], [sflag:$0x2], $0x80, s28, s20, $0xb8;
	[tilespmem:$0x1E400] =	vst v63  }
0xc4: {  	s26 =	simm.s32 $0x1F80  }
.LBB2_15:
0xc5: {  	_ =	sfence.sel $0x180000  }
0xc6: {  	[bflag:$0x0] =	sbarrier.arrive $0xFFFF  }
0xc7: {  	p0 =	sne.s32 s3, $0x0;
	_ =	strace $0x9000004A  }
0xc8: {  	s0 =	sadd.s32 @!p0 $0x100000, s0;
	[bflag:$0x2] =	sbarrier.arrive $0xFFFF  }
0xc9: {  	[sflag:s0] =	ssyncadd.tile.s32 @!p0 $0x1;
	_ =	shalt  }
.Lfunc_end2:
_tile_overlayer_lowered:
.L_overlay_start_2:
0xca: {  	(tag) =	ssettag $0x2  }
0xcb: {  	s0 =	rddreg [dreg:$0x0];
	s2 =	stileid.u32  }
0xcc: {  	s1 =	rddreg [dreg:$0x1];
	p0 =	sne.s32 s2, $0x0  }
0xcd: {  	s3 =	rddreg [dreg:$0x2];
	[bflag:$0x3] =	sbarrier.arrive $0xFFFF;
	s2 =	simm.s32 @!p0 $0x1C03  }
0xce: {  	[timem:s3], [sflag:s2] =	dma.local @!p0 [hbm:s0], s1  }
0xcf: {  	s0 =	simm.s32 @!p0 $0x3  }
0xd0: {  	_ =	swait.ge @!p0 [sflag:s0], s1  }
0xd1: {  	s1 =	ssub.s32 @!p0 $0x0, s1;
	[sflag:s0] =	ssyncset.done @!p0 $0x0  }
0xd2: {  	[sflag:s0] =	ssyncadd.s32 @!p0 s1  }
0xd3: {  	[bflag:$0x3] =	sbarrier.arrive $0xFFFF  }
0xd4: {  	_ =	shalt  }

// kernel: kernel.17.cloned.1.call-start
scs
__scs_entry_jumppad:
0x0: {  	(pc) =	sbr.rel $0x88, $3  }
0x1: {  	(tag) =	ssettag $0x0;
	lr =	simm.s32 $0x1  }
0x2: {  	[smem:$0x3F95] =	sst lr;
	_ =	strace $0xD0000000  }
0x3: {  	_ = 	snop  }
0x4: {  	_ = 	snop  }
0x5: {  	_ = 	snop  }
0x6: {  	_ = 	snop  }
0x7: {  	_ = 	snop  }
__scs_overlays_trampoline_lowered:
0x8: {  	[smem:$0x3FA4] =	sst s0  }
0x9: {  	[smem:$0x3FA5] =	sst s1  }
0xa: {  	[smem:$0x3FA6] =	sst s2  }
0xb: {  	[smem:$0x3FA7] =	sst s3  }
0xc: {  	[smem:$0x3FA8] =	sst s4  }
0xd: {  	[smem:$0x3FA9] =	sst s5  }
0xe: {  	[smem:$0x3FAA] =	sst s6  }
0xf: {  	[smem:$0x3FAB] =	sst s7  }
0x10: {  	[smem:$0x3FAC] =	sst s8  }
0x11: {  	[smem:$0x3FAD] =	sst s9;
	s0 =	simm.s32 @!p0 $0x0  }
0x12: {  	s1 =	sld [smem:$0x3F93];
	s0 =	simm.s32 @p0 $0x1  }
0x13: {  	[smem:$0x3FAE] =	sst s0;
	s0 =	simm.s32 @!p1 $0x0  }
0x14: {  	s2 =	sld [smem:$0x3F92];
	s0 =	simm.s32 @p1 $0x1  }
0x15: {  	[smem:$0x3FAF] =	sst s0;
	s0 =	simm.s32 @!p2 $0x0  }
0x16: {  	s3 =	sld [smem:$0x3FDB];
	s0 =	simm.s32 @p2 $0x1  }
0x17: {  	s4 =	simm.s32 $0x1BF5;
	[smem:$0x3FB1] =	sst s0  }
0x18: {  	s0 =	sld [smem:$0x3F94];
	_ =	swait.ge [sflag:s4], $0x0  }
0x19: {  	s7 =	sld [smem:$0x3F95]  }
0x1a: {  	s8 =	sadd.s32 $0xFFFFE003, lr  }
0x1b: {  	s9 =	sadd.s32 $0xFFFFFEF7, lr;
	s5 =	simm.s32 $0xFFFFFFFF;
	p2 =	slt.u32 s8, $0xFFFFF086  }
0x1c: {  	p1 =	slt.u32 s9, $0xF7A;
	s5 =	simm.s32 @!p2 $0x0  }
0x1d: {  	s5 =	simm.s32 @p1 $0x1;
	p0 =	seq.s32 s7, s2  }
0x1e: {  	s7 =	smul.u32 @!p0 $0xF7A, s2;
	p2 =	seq.s32 @!p0 s5, $0x0  }
0x1f: {  	s9 =	smul.u32 $0xF7A, s1;
	s8 =	simm.s32 @!p0 $0x1BF5;
	p2 =	por !p2, p0  }
0x20: {  	[sflag:s8] =	ssyncset.s32 @!p0 $0xFFFFF086;
	s6 =	sadd.s32 @!p0 s3, s7;
	s7 =	simm.s32 @!p0 $0x108  }
0x21: {  	s3 =	sadd.s32 s3, s9;
	s6 =	sadd.s32 @!p0 $0x88, s6;
	s7 =	simm.s32 @p2 $0x1082  }
0x22: {  	[simem:s7], [sflag:s8] =	dma.local @!p0 [hbm:s6], $0xF7A  }
0x23: {  	s9 =	sor.u32 $0xD0000000, s2;
	s6 =	simm.s32 $0x108;
	_ =	swait.ge @!p0 [sflag:s8], $0x0  }
0x24: {  	s3 =	sadd.s32 $0x88, s3;
	s6 =	simm.s32 @!p1 $0x1082;
	[sflag:s4] =	ssyncset.s32 $0xFFFFF086  }
0x25: {  	[simem:s6], [sflag:s4] =	dma.local [hbm:s3], $0xF7A  }
0x26: {  	[smem:$0x3F95] =	sst s1;
	(tag) =	ssettag s2;
	_ =	strace s9  }
0x27: {  	s1 =	sld [smem:$0x3FA5]  }
0x28: {  	s2 =	sld [smem:$0x3FA6]  }
0x29: {  	s4 =	sld [smem:$0x3FA8]  }
0x2a: {  	p0 =	seq.s32 s5, $0x0;
	s5 =	sld [smem:$0x3FA9]  }
0x2b: {  	s6 =	sld [smem:$0x3FAA]  }
0x2c: {  	s7 =	sld [smem:$0x3FAB]  }
0x2d: {  	s3 =	simm.s32 $0x108;
	s8 =	sld [smem:$0x3FAC]  }
0x2e: {  	s3 =	simm.s32 @!p0 $0x1082;
	s9 =	sld [smem:$0x3FAD]  }
0x2f: {  	lr =	sadd.s32 s0, s3;
	s0 =	sld [smem:$0x3FA4]  }
0x30: {  	s3 =	sld [smem:$0x3FA7]  }
0x31: {  	[smem:$0x3FB0] =	sst s10  }
0x32: {  	s10 =	sld [smem:$0x3FAE];
	_ =	sdelay $0x3  }
0x33: {  	p0 =	seq.s32 s10, $0x1;
	s10 =	sld [smem:$0x3FB0];
	_ =	sdelay $0x3  }
0x34: {  	[smem:$0x3FB0] =	sst s10  }
0x35: {  	s10 =	sld [smem:$0x3FAF];
	_ =	sdelay $0x3  }
0x36: {  	p1 =	seq.s32 s10, $0x1;
	s10 =	sld [smem:$0x3FB0];
	_ =	sdelay $0x3  }
0x37: {  	[smem:$0x3FB0] =	sst s10  }
0x38: {  	s10 =	sld [smem:$0x3FB1]  }
0x39: {  	_ = 	snop;
	(pc) =	sbr.ind lr, $3  }
0x3a: {  	_ = 	snop  }
0x3b: {  	_ = 	snop  }
0x3c: {  	p2 =	seq.s32 s10, $0x1;
	s10 =	sld [smem:$0x3FB0]  }
0x3d: {  	_ =	shalt  }
0x3e: {  	_ =	shalt  }
0x3f: {  	_ =	shalt  }
0x40: {  	_ =	shalt  }
0x41: {  	_ =	shalt  }
0x42: {  	_ =	shalt  }
0x43: {  	_ =	shalt  }
0x44: {  	_ =	shalt  }
0x45: {  	_ =	shalt  }
0x46: {  	_ =	shalt  }
0x47: {  	_ =	shalt  }
0x48: {  	_ =	shalt  }
0x49: {  	_ =	shalt  }
0x4a: {  	_ =	shalt  }
0x4b: {  	_ =	shalt  }
0x4c: {  	_ =	shalt  }
0x4d: {  	_ =	shalt  }
0x4e: {  	_ =	shalt  }
0x4f: {  	_ =	shalt  }
0x50: {  	_ =	shalt  }
0x51: {  	_ =	shalt  }
0x52: {  	_ =	shalt  }
0x53: {  	_ =	shalt  }
0x54: {  	_ =	shalt  }
0x55: {  	_ =	shalt  }
0x56: {  	_ =	shalt  }
0x57: {  	_ =	shalt  }
0x58: {  	_ =	shalt  }
0x59: {  	_ =	shalt  }
0x5a: {  	_ =	shalt  }
0x5b: {  	_ =	shalt  }
0x5c: {  	_ =	shalt  }
0x5d: {  	_ =	shalt  }
0x5e: {  	_ =	shalt  }
0x5f: {  	_ =	shalt  }
0x60: {  	_ =	shalt  }
0x61: {  	_ =	shalt  }
0x62: {  	_ =	shalt  }
0x63: {  	_ =	shalt  }
0x64: {  	_ =	shalt  }
0x65: {  	_ =	shalt  }
0x66: {  	_ =	shalt  }
0x67: {  	_ =	shalt  }
0x68: {  	_ =	shalt  }
0x69: {  	_ =	shalt  }
0x6a: {  	_ =	shalt  }
0x6b: {  	_ =	shalt  }
0x6c: {  	_ =	shalt  }
0x6d: {  	_ =	shalt  }
0x6e: {  	_ =	shalt  }
0x6f: {  	_ =	shalt  }
0x70: {  	_ =	shalt  }
0x71: {  	_ =	shalt  }
0x72: {  	_ =	shalt  }
0x73: {  	_ =	shalt  }
0x74: {  	_ =	shalt  }
0x75: {  	_ =	shalt  }
0x76: {  	_ =	shalt  }
0x77: {  	_ =	shalt  }
0x78: {  	_ =	shalt  }
0x79: {  	_ =	shalt  }
0x7a: {  	_ =	shalt  }
0x7b: {  	_ =	shalt  }
0x7c: {  	_ =	shalt  }
0x7d: {  	_ =	shalt  }
0x7e: {  	_ =	shalt  }
0x7f: {  	_ =	shalt  }
0x80: {  	_ =	shalt  }
0x81: {  	_ =	shalt  }
0x82: {  	_ =	shalt  }
0x83: {  	_ =	shalt  }
0x84: {  	_ =	shalt  }
0x85: {  	_ =	shalt  }
0x86: {  	_ =	shalt  }
0x87: {  	_ =	shalt  }
.Lfunc_end0:
.L_simem_size_0:
called_computation.2_lowered:
.L_overlay_start_0:
0x88: {  	s2 =	sld [smem:$0x3FD9]  }
0x89: {  	s3 =	sld [smem:$0x3FFE];
	_ =	sdelay $0x1  }
0x8a: {  	s1 =	srdreg.scid  }
0x8b: {  	s0 =	sand.u32 $0x1, s1  }
0x8c: {  	s17 =	sshll.u32 s0, $0xA;
	s2 =	sadd.s32 s3, s2  }
0x8d: {  	s2 =	sadd.s32 s2, s17  }
0x8e: {  	[smem:$0x3FBC] =	sst s2  }
0x8f: {  	_ = 	snop  }
0x90: {  	s2 =	sld [smem:$0x3FD0];
	(tm) =	ssettm $0x1  }
0x91: {  	s18 =	sld [smem:$0x3FFB];
	_ =	sdelay $0x3  }
0x92: {  	_ =	strace s18  }
0x93: {  	s3 =	sld [smem:$0x3FFC];
	_ =	sdelay $0x3  }
0x94: {  	_ =	strace s3  }
0x95: {  	s3 =	sld [smem:$0x3FFD];
	_ =	sdelay $0x3  }
0x96: {  	_ =	strace s3  }
0x97: {  	_ =	strace $0x8FFFFFFF  }
0x98: {  	s19 =	sld [smem:$0x3FDB];
	_ =	sdelay $0x1  }
0x99: {  	s4 =	simm.s32 $_scs_section_size  }
0x9a: {  	s5 =	simm.s32 $_size__tile_overlayer_lowered;
	s6 =	simm.s32 $_tile_overlayer_lowered  }
0x9b: {  	s22 =	simm.s32 $0x1BFF;
	s21 =	sshll.u32 s6, $0x1;
	s3 =	sadd.s32 s4, s19  }
0x9c: {  	s7 =	simm.s32 $0x0;
	s20 =	sshll.u32 s5, $0x1;
	s5 =	sadd.s32 s21, s3  }
0x9d: {  	[timem:s7], [sflag:s22] =	dma.local [hbm:s5], s20  }
0x9e: {  	_ =	swait.ge [sflag:s22], s20  }
0x9f: {  	s4 =	ssub.s32 $0x0, s20;
	[sflag:s22] =	ssyncset.done $0x0  }
0xa0: {  	[sflag:s22] =	ssyncadd.s32 s4;
	_ =	sdelay $0x1  }
0xa1: {  	s23 =	simm.s32 $0x1B8B  }
0xa2: {  	_ =	swait.ge [sflag:s23], $0x1  }
0xa3: {  	[sflag:s23] =	ssyncset.done $0x0  }
0xa4: {  	s25 =	simm.s32 $0x1B8E;
	s24 =	sld [smem:$0x3FFE];
	[sflag:s23] =	ssyncadd.s32 $0xFFFFFFFF  }
0xa5: {  	s26 =	simm.s32 $execute0_lowered;
	[smem:$0x3FD2] =	sst s25  }
0xa6: {  	s5 =	sshll.u32 s26, $0x1;
	_ =	strace $0x8000004C;
	[dreg:$0x1] =	wrdreg $0xFFFFFFFF  }
0xa7: {  	s28 =	simm.s32 $_size_execute0_lowered;
	s3 =	sadd.s32 s3, s5;
	[dreg:$0x0] =	wrdreg $0x0  }
0xa8: {  	s5 =	sshll.u32 s28, $0x1;
	[dreg:$0x2] =	wrdreg s3  }
0xa9: {  	[dreg:$0x3] =	wrdreg s5  }
0xaa: {  	[dreg:$0x4] =	wrdreg $0xC0  }
0xab: {  	_ =	task [dreg:s7], $0x5FFFF  }
0xac: {  	[dreg:$0x1] =	wrdreg $0xFFFFFFFF  }
0xad: {  	[dreg:$0x0] =	wrdreg $0x60  }
0xae: {  	[dreg:$0x2] =	wrdreg s2  }
0xaf: {  	[dreg:$0x3] =	wrdreg s24  }
0xb0: {  	[dreg:$0x4] =	wrdreg $0xA8000  }
0xb1: {  	[dreg:$0x5] =	wrdreg $0x9  }
0xb2: {  	_ =	task.clear_ibuf [dreg:s7], $0x6FFFF;
	_ =	strace $0x9000004C  }
0xb3: {  	s29 =	simm.s32 $0x9;
	_ =	strace $0x8000004E  }
0xb4: {  	_ =	swait.ge [sflag:s29], $0x1  }
0xb5: {  	[sflag:s29] =	ssyncadd.s32 $0xFFFFFFFF  }
0xb6: {  	_ =	strace $0x9000004E  }
0xb7: {  	_ =	sfence  }
0xb8: {  	s30 =	sld [smem:$0x0];
	_ =	sdelay $0x2  }
0xb9: {  	s31 =	sshll.u32 s1, $0xD;
	s1 =	sshrl.u32 s1, $0x2  }
0xba: {  	s3 =	sand.u32 $0x4000, s31;
	s1 =	sadd.s32 s1, s30  }
0xbb: {  	s0 =	sor.u32 s3, s0;
	s1 =	sshll.u32 s1, $0x11  }
0xbc: {  	s0 =	sor.u32 s1, s0  }
0xbd: {  	s0 =	sadd.s32 $0x8F2B, s0  }
0xbe: {  	[sflag:s0] =	ssyncadd.remote.s32 $0x1  }
0xbf: {  	_ =	sfence.sel $0xFFFF  }
0xc0: {  	[dreg:$0x0] =	wrdreg $0xFFFFFFFF;
	(pc) =	sbr.abs _section_cstart, $3  }
0xc1: {  	[dreg:$0x1] =	wrdreg $0xFFFFFFFF  }
0xc2: {  	_ =	task.clear_ibuf [dreg:s7], $0x2FFFF;
	_ =	strace $0x9FFFFFFF  }
0xc3: {  	(tm) =	ssettm $0x7FFFFFFF  }
tec
execute0_lowered:
.L_overlay_start_1:
0x0: {  	(tag) =	ssettag $0x1  }
0x1: {  	s1 =	rddreg [dreg:$0x0]  }
0x2: {  	s14 =	rddreg [dreg:$0x1]  }
0x3: {  	s2 =	rddreg [dreg:$0x2]  }
0x4: {  	s3 =	srdreg.scid;
	s0 =	rddreg [dreg:$0x3];
	s4 =	simm.s32 $0x0  }
0x5: {  	s18 =	simm.s32 $0x3;
	s19 =	simm.s32 $0x1400;
	s20 =	simm.s32 $0x80  }
0x6: {  	s21 =	simm.s32 $0x1;
	s22 =	simm.s32 $0x6800;
	s23 =	simm.s32 $0x2  }
0x7: {  	s25 =	simm.s32 $0x0;
	s10 =	sand.u32 $0x1, s3;
	s3 =	stileid.u32  }
0x8: {  	[smem:$0x7FF] =	sst s4;
	s5 =	sadd.s32 $0xEE00, s14;
	s7 =	smul.u32 $0x138800, s10  }
0x9: {  	s6 =	sadd.s32 $0x5000, s14;
	s13 =	sadd.s32 $0x18900, s14;
	s8 =	smul.u32 $0x1F400, s3  }
0xa: {  	_ =	strace $0x8000004D;
	s9 =	smul.u32 $0x4F000, s3;
	s30 =	ssub.s32 $0x2, s10  }
0xb: {  	s31 =	sshll.u32 s10, $0x4;
	s17 =	smul.u32 $0x7D000, s3;
	p0 =	sgt.u32 s3, $0x9  }
0xc: {  	s11 =	sshrl.u32 s30, $0x1;
	s12 =	sor.u32 s3, s31;
	s7 =	sadd.s32 s8, s7  }
0xd: {  	s9 =	sshrl.u32 s9, $0x2;
	s16 =	ssub.s32 s30, s11;
	s12 =	smul.u32 $0x50, s12  }
.Ltmp0:
0xe: {  	s17 =	sshrl.u32 s17, $0x2;
	s7 =	sshrl.u32 s7, $0x3;
	(pc) =	sbr.rel .LBB2_1-.Ltmp0, $4  }
0xf: {  	s24 =	sadd.s32 s17, s2;
	s16 =	smax.u32 s16, $0x1;
	s17 =	simm.s32 $0x2800  }
0x10: {  	s15 =	sadd.s32 s7, s14;
	s7 =	sadd.s32 s9, s2;
	s14 =	sadd.s32 $0xEB00, s14  }
0x11: {  	s24 =	sshrl.u32 @!p0 s24, $0x3;
	s8 =	sadd.s32 $0x4000, s7;
	s9 =	sadd.s32 $0x8000, s7  }
0x12: {  	v0 =	vimm.f32 $0.0e+00;
	s10 =	sadd.s32 $0xC000, s7;
	s11 =	sadd.s32 $0x10000, s7;
	s15 =	sadd.s32 $0x3FE00, s15  }
.LBB2_14:
0x13: {  	s26 =	sshll.u32 @!p0 s3, $0x6;
	s25 =	sadd.s32 $0x1, s25  }
0x14: {  	[bflag:$0x0] =	sbarrier.arrive $0xFFFF;
	s26 =	sor.u32 @!p0 $0x1C03, s26;
	p1 =	sne.s32 s25, s16  }
0x15: {  	[hbm:s15], [sflag:s26] =	dma.local @!p0 [spmem:s24], $0x3E80  }
.Ltmp1:
0x16: {  	_ = 	snop;
	(pc) =	sbr.rel @!p1 .LBB2_15-.Ltmp1, $4  }
0x17: {  	s26 =	simm.s32 @!p0 $0x3  }
0x18: {  	_ =	swait.ge @!p0 [sflag:s26], $0x3E80  }
0x19: {  	[sflag:s26] =	ssyncset.done @!p0 $0x0  }
0x1a: {  	[sflag:s26] =	ssyncadd.s32 @!p0 $0xFFFFC180  }
.LBB2_1:
0x1b: {  	s26 =	simm.s32 $0x0;
	s28 =	simm.s32 $0x200  }
.LBB2_2:
0x1c: {  	p1 =	sne.s32 s28, $0xFE00;
	[tilespmem:s26+$0x2870] =	vst v0  }
0x1d: {  	[tilespmem:s26+$0x2800] =	vst v0  }
0x1e: {  	[tilespmem:s26+$0x2810] =	vst v0  }
.Ltmp2:
0x1f: {  	[tilespmem:s26+$0x2820] =	vst v0;
	(pc) =	sbr.rel @p1 .LBB2_2-.Ltmp2, $4  }
0x20: {  	[tilespmem:s26+$0x2830] =	vst v0  }
0x21: {  	[tilespmem:s26+$0x2840] =	vst v0  }
0x22: {  	[tilespmem:s26+$0x2850] =	vst v0  }
0x23: {  	[tilespmem:s26+$0x2860] =	vst v0;
	s26 =	sshra.s32 s28, $0x2;
	s28 =	sadd.s32 $0x200, s28  }
0x24: {  	[tilespmem:s26+$0x2870] =	vst v0  }
0x25: {  	[tilespmem:s26+$0x2800] =	vst v0  }
0x26: {  	[tilespmem:s26+$0x2810] =	vst v0  }
0x27: {  	[tilespmem:s26+$0x2820] =	vst v0  }
0x28: {  	[tilespmem:s26+$0x2830] =	vst v0  }
0x29: {  	[tilespmem:s26+$0x2840] =	vst v0  }
0x2a: {  	[tilespmem:s26+$0x2850] =	vst v0  }
0x2b: {  	[tilespmem:s26+$0x2860] =	vst v0  }
0x2c: {  	[spmem:s7] =	stream.linear.scatter [tilespmem:s17], [sflag:$0x3], $0x4000, $0x38;
	[tilespmem:$0x1E400] =	vst v63  }
0x2d: {  	_ =	swait.ge [sflag:s18], $0x4000  }
0x2e: {  	[sflag:s18] =	ssyncset.done $0x0  }
0x2f: {  	[sflag:s18] =	ssyncadd.s32 $0xFFFFC000  }
0x30: {  	[spmem:s8] =	stream.linear.scatter [tilespmem:s17], [sflag:$0x3], $0x4000, $0x38;
	[tilespmem:$0x1E400] =	vst v63  }
0x31: {  	_ =	swait.ge [sflag:s18], $0x4000  }
0x32: {  	[sflag:s18] =	ssyncset.done $0x0  }
0x33: {  	[sflag:s18] =	ssyncadd.s32 $0xFFFFC000  }
0x34: {  	[spmem:s9] =	stream.linear.scatter [tilespmem:s17], [sflag:$0x3], $0x4000, $0x38;
	[tilespmem:$0x1E400] =	vst v63  }
0x35: {  	_ =	swait.ge [sflag:s18], $0x4000  }
0x36: {  	[sflag:s18] =	ssyncset.done $0x0  }
0x37: {  	[sflag:s18] =	ssyncadd.s32 $0xFFFFC000  }
0x38: {  	[spmem:s10] =	stream.linear.scatter [tilespmem:s17], [sflag:$0x3], $0x4000, $0x38;
	[tilespmem:$0x1E400] =	vst v63  }
0x39: {  	_ =	swait.ge [sflag:s18], $0x4000  }
0x3a: {  	[sflag:s18] =	ssyncset.done $0x0  }
0x3b: {  	[sflag:s18] =	ssyncadd.s32 $0xFFFFC000  }
0x3c: {  	[spmem:s11] =	stream.linear.scatter [tilespmem:s17], [sflag:$0x3], $0x3C00, $0x38;
	[tilespmem:$0x1E400] =	vst v63  }
.Ltmp3:
0x3d: {  	_ =	swait.ge [sflag:s18], $0x3C00;
	(pc) =	sbr.rel .LBB2_4-.Ltmp3, $4  }
0x3e: {  	[sflag:s18] =	ssyncset.done $0x0  }
0x3f: {  	[sflag:s18] =	ssyncadd.s32 $0xFFFFC400  }
0x40: {  	[bflag:$0x0] =	sbarrier.arrive $0xFFFF  }
0x41: {  	s26 =	simm.s32 $0x0;
	p2 =	por $0x1, $0x1  }
.LBB2_7:
0x42: {  	[spmem:s2] =	stream.indirect.scatter.add.f32 [tilespmem:s17], [sflag:$0x2], $0x80, s28, s20, $0xb8;
	[tilespmem:$0x1E400] =	vst v63  }
0x43: {  	s26 =	simm.s32 $0x2780  }
.LBB2_12:
0x44: {  	_ =	swait.ge [sflag:s21], $0x4000  }
0x45: {  	[sflag:s21] =	ssyncset.done $0x0  }
0x46: {  	[sflag:s21] =	ssyncadd.s32 $0xFFFFC000  }
0x47: {  	_ =	swait.ge [sflag:s23], $0x4000  }
0x48: {  	[sflag:s23] =	ssyncset.done $0x0  }
0x49: {  	[sflag:s23] =	ssyncadd.s32 $0xFFFFC000  }
0x4a: {  	[spmem:s2] =	stream.indirect.scatter.add.f32 [tilespmem:s22], [sflag:$0x2], $0x80, s26, s20, $0xb8;
	[tilespmem:$0x1E400] =	vst v63  }
0x4b: {  	_ =	swait.ge [sflag:s23], $0x4000  }
0x4c: {  	[sflag:s23] =	ssyncset.done $0x0  }
0x4d: {  	[sflag:s23] =	ssyncadd.s32 $0xFFFFC000  }
.LBB2_13:
.Ltmp4:
0x4e: {  	(pc) =	sbr.rel @!p1 .LBB2_14-.Ltmp4, $2  }
0x4f: {  	_ =	sdelay $0x2  }
0x50: {  	s26 =	simm.s32 $0x28;
	p2 =	por $0x0, $0x0  }
.LBB2_4:
0x51: {  	s26 =	sadd.s32 s12, s26  }
0x52: {  	p3 =	sgt.u32 s26, $0x9A0  }
.Ltmp5:
0x53: {  	_ = 	snop;
	(pc) =	sbr.rel @p3 .LBB2_8-.Ltmp5, $2  }
0x54: {  	_ =	sdelay $0x2  }
0x55: {  	p1 =	por p2, p2  }
0x56: {  	s26 =	sshll.u32 s26, $0x4  }
0x57: {  	s28 =	sadd.s32 s5, s26  }
0x58: {  	[tilespmem:s4], [sflag:$0x3] =	stream.linear.gather [hbm4b:s28+s4], $0x1400, $0x38;
	[tilespmem:$0x1E400] =	vst v63  }
0x59: {  	_ =	swait.ge [sflag:s18], $0x1400  }
0x5a: {  	[sflag:s18] =	ssyncset.done $0x0  }
0x5b: {  	s26 =	sadd.s32 s6, s26;
	[sflag:s18] =	ssyncadd.s32 $0xFFFFEC00  }
0x5c: {  	[tilespmem:s19], [sflag:$0x3] =	stream.linear.gather [hbm4b:s26+s4], $0x1400, $0x38;
	[tilespmem:$0x1E400] =	vst v63  }
0x5d: {  	_ =	swait.ge [sflag:s18], $0x1400  }
0x5e: {  	[sflag:s18] =	ssyncset.done $0x0  }
0x5f: {  	[sflag:s18] =	ssyncadd.s32 $0xFFFFEC00  }
0x60: {  	[tilespmem:s17], [sflag:$0x1] =	stream.indirect.gather [hbm4b:s1+s20], $0x80, s4, s20, $0xb8;
	[tilespmem:$0x1E400] =	vst v63  }
0x61: {  	_ =	swait.ge [sflag:s21], $0x4000  }
0x62: {  	[sflag:s21] =	ssyncset.done $0x0  }
0x63: {  	[sflag:s21] =	ssyncadd.s32 $0xFFFFC000  }
0x64: {  	[tilespmem:s22], [sflag:$0x1] =	stream.indirect.gather [hbm4b:s1+s20], $0x80, s20, s20, $0xb8;
	[tilespmem:$0x1E400] =	vst v63  }
0x65: {  	_ = 	snop  }
0x66: {  	[spmem:s2] =	stream.indirect.scatter.add.f32 [tilespmem:s17], [sflag:$0x2], $0x80, s19, s20, $0xb8;
	[tilespmem:$0x1E400] =	vst v63  }
0x67: {  	_ =	swait.ge [sflag:s21], $0x4000  }
0x68: {  	[sflag:s21] =	ssyncset.done $0x0  }
0x69: {  	[sflag:s21] =	ssyncadd.s32 $0xFFFFC000  }
0x6a: {  	_ =	swait.ge [sflag:s23], $0x4000  }
0x6b: {  	[sflag:s23] =	ssyncset.done $0x0  }
0x6c: {  	s29 =	simm.s32 $0x100;
	[sflag:s23] =	ssyncadd.s32 $0xFFFFC000  }
0x6d: {  	[tilespmem:s17], [sflag:$0x1] =	stream.indirect.gather [hbm4b:s1+s20], $0x80, s29, s20, $0xb8;
	[tilespmem:$0x1E400] =	vst v63  }
0x6e: {  	s30 =	simm.s32 $0x1480  }
0x6f: {  	[spmem:s2] =	stream.indirect.scatter.add.f32 [tilespmem:s22], [sflag:$0x2], $0x80, s30, s20, $0xb8;
	[tilespmem:$0x1E400] =	vst v63  }
0x70: {  	_ =	swait.ge [sflag:s21], $0x4000  }
0x71: {  	p2 =	por $0x0, $0x0;
	[sflag:s21] =	ssyncset.done $0x0  }
.Ltmp6:
0x72: {  	[sflag:s21] =	ssyncadd.s32 $0xFFFFC000;
	(pc) =	sbr.rel @p2 .LBB2_7-.Ltmp6, $4  }
0x73: {  	_ =	swait.ge [sflag:s23], $0x4000  }
0x74: {  	s31 =	simm.s32 $0x180;
	[sflag:s23] =	ssyncset.done $0x0  }
0x75: {  	s28 =	simm.s32 $0x1500;
	s26 =	simm.s32 $0xFFFFB800;
	[sflag:s23] =	ssyncadd.s32 $0xFFFFC000  }
0x76: {  	[tilespmem:s22], [sflag:$0x1] =	stream.indirect.gather [hbm4b:s1+s20], $0x80, s31, s20, $0xb8;
	[tilespmem:$0x1E400] =	vst v63  }
.LBB2_6:
0x77: {  	[spmem:s2] =	stream.indirect.scatter.add.f32 [tilespmem:s17], [sflag:$0x2], $0x80, s28, s20, $0xb8;
	[tilespmem:$0x1E400] =	vst v63  }
0x78: {  	s28 =	smov.u32 s26  }
0x79: {  	p2 =	seq.s32 s26, $0xFFFFFC00;
	s26 =	sadd.s32 $0x400, s26;
	_ =	swait.ge [sflag:s21], $0x4000  }
0x7a: {  	[sflag:s21] =	ssyncset.done $0x0  }
0x7b: {  	[sflag:s21] =	ssyncadd.s32 $0xFFFFC000  }
0x7c: {  	_ =	swait.ge [sflag:s23], $0x4000  }
0x7d: {  	s28 =	sshra.s32 s28, $0x2;
	[sflag:s23] =	ssyncset.done $0x0  }
0x7e: {  	s29 =	sadd.s32 $0x1400, s28;
	[sflag:s23] =	ssyncadd.s32 $0xFFFFC000  }
0x7f: {  	[tilespmem:s17], [sflag:$0x1] =	stream.indirect.gather [hbm4b:s1+s20], $0x80, s29, s20, $0xb8;
	[tilespmem:$0x1E400] =	vst v63  }
0x80: {  	s29 =	sadd.s32 $0x2780, s28  }
0x81: {  	[spmem:s2] =	stream.indirect.scatter.add.f32 [tilespmem:s22], [sflag:$0x2], $0x80, s29, s20, $0xb8;
	[tilespmem:$0x1E400] =	vst v63  }
0x82: {  	_ =	swait.ge [sflag:s21], $0x4000  }
0x83: {  	[sflag:s21] =	ssyncset.done $0x0  }
0x84: {  	[sflag:s21] =	ssyncadd.s32 $0xFFFFC000  }
.Ltmp7:
0x85: {  	_ =	swait.ge [sflag:s23], $0x4000;
	(pc) =	sbr.rel @!p2 .LBB2_6-.Ltmp7, $4  }
0x86: {  	[sflag:s23] =	ssyncset.done $0x0  }
0x87: {  	s29 =	sadd.s32 $0x1480, s28;
	[sflag:s23] =	ssyncadd.s32 $0xFFFFC000  }
0x88: {  	[tilespmem:s22], [sflag:$0x1] =	stream.indirect.gather [hbm4b:s1+s20], $0x80, s29, s20, $0xb8;
	[tilespmem:$0x1E400] =	vst v63  }
0x89: {  	s28 =	sadd.s32 $0x2800, s28  }
.Ltmp8:
0x8a: {  	_ = 	snop;
	(pc) =	sbr.rel .LBB2_7-.Ltmp8, $1  }
0x8b: {  	_ =	sdelay $0x3  }
.LBB2_8:
0x8c: {  	p2 =	sne.s32 s26, $0x9B0  }
.Ltmp9:
0x8d: {  	_ = 	snop;
	(pc) =	sbr.rel @p2 .LBB2_13-.Ltmp9, $1  }
0x8e: {  	_ =	sdelay $0x3  }
0x8f: {  	[tilespmem:s4], [sflag:$0x3] =	stream.linear.gather [hbm4b:s13+s4], $0xC00, $0x38;
	[tilespmem:$0x1E400] =	vst v63  }
0x90: {  	_ =	swait.ge [sflag:s18], $0xC00  }
0x91: {  	[sflag:s18] =	ssyncset.done $0x0  }
0x92: {  	[sflag:s18] =	ssyncadd.s32 $0xFFFFF400  }
0x93: {  	[tilespmem:s19], [sflag:$0x3] =	stream.linear.gather [hbm4b:s14+s4], $0xC00, $0x38;
	[tilespmem:$0x1E400] =	vst v63  }
0x94: {  	_ =	swait.ge [sflag:s18], $0xC00  }
0x95: {  	[sflag:s18] =	ssyncset.done $0x0  }
0x96: {  	[sflag:s18] =	ssyncadd.s32 $0xFFFFF400  }
0x97: {  	[tilespmem:s17], [sflag:$0x1] =	stream.indirect.gather [hbm4b:s1+s20], $0x80, s4, s20, $0xb8;
	[tilespmem:$0x1E400] =	vst v63  }
0x98: {  	_ =	swait.ge [sflag:s21], $0x4000  }
0x99: {  	[sflag:s21] =	ssyncset.done $0x0  }
0x9a: {  	[sflag:s21] =	ssyncadd.s32 $0xFFFFC000  }
0x9b: {  	[tilespmem:s22], [sflag:$0x1] =	stream.indirect.gather [hbm4b:s1+s20], $0x80, s20, s20, $0xb8;
	[tilespmem:$0x1E400] =	vst v63  }
0x9c: {  	_ = 	snop  }
0x9d: {  	[spmem:s2] =	stream.indirect.scatter.add.f32 [tilespmem:s17], [sflag:$0x2], $0x80, s19, s20, $0xb8;
	[tilespmem:$0x1E400] =	vst v63  }
0x9e: {  	_ =	swait.ge [sflag:s21], $0x4000  }
0x9f: {  	[sflag:s21] =	ssyncset.done $0x0  }
0xa0: {  	[sflag:s21] =	ssyncadd.s32 $0xFFFFC000  }
0xa1: {  	_ =	swait.ge [sflag:s23], $0x4000  }
0xa2: {  	[sflag:s23] =	ssyncset.done $0x0  }
0xa3: {  	s26 =	simm.s32 $0x100;
	[sflag:s23] =	ssyncadd.s32 $0xFFFFC000  }
0xa4: {  	[tilespmem:s17], [sflag:$0x1] =	stream.indirect.gather [hbm4b:s1+s20], $0x80, s26, s20, $0xb8;
	[tilespmem:$0x1E400] =	vst v63  }
0xa5: {  	s30 =	simm.s32 $0x1480  }
0xa6: {  	[spmem:s2] =	stream.indirect.scatter.add.f32 [tilespmem:s22], [sflag:$0x2], $0x80, s30, s20, $0xb8;
	[tilespmem:$0x1E400] =	vst v63  }
0xa7: {  	_ =	swait.ge [sflag:s21], $0x4000  }
0xa8: {  	[sflag:s21] =	ssyncset.done $0x0  }
0xa9: {  	[sflag:s21] =	ssyncadd.s32 $0xFFFFC000  }
0xaa: {  	_ =	swait.ge [sflag:s23], $0x4000  }
0xab: {  	s31 =	simm.s32 $0x180;
	[sflag:s23] =	ssyncset.done $0x0  }
0xac: {  	s28 =	simm.s32 $0x1500;
	s26 =	simm.s32 $0xFFFFD800;
	[sflag:s23] =	ssyncadd.s32 $0xFFFFC000  }
0xad: {  	[tilespmem:s22], [sflag:$0x1] =	stream.indirect.gather [hbm4b:s1+s20], $0x80, s31, s20, $0xb8;
	[tilespmem:$0x1E400] =	vst v63  }
.LBB2_10:
0xae: {  	[spmem:s2] =	stream.indirect.scatter.add.f32 [tilespmem:s17], [sflag:$0x2], $0x80, s28, s20, $0xb8;
	[tilespmem:$0x1E400] =	vst v63  }
0xaf: {  	s28 =	smov.u32 s26  }
0xb0: {  	p2 =	sne.s32 s26, $0xFFFFFC00;
	s26 =	sadd.s32 $0x400, s26;
	_ =	swait.ge [sflag:s21], $0x4000  }
0xb1: {  	[sflag:s21] =	ssyncset.done $0x0  }
0xb2: {  	[sflag:s21] =	ssyncadd.s32 $0xFFFFC000  }
0xb3: {  	_ =	swait.ge [sflag:s23], $0x4000  }
0xb4: {  	s28 =	sshra.s32 s28, $0x2;
	[sflag:s23] =	ssyncset.done $0x0  }
0xb5: {  	s29 =	sadd.s32 $0xC00, s28;
	[sflag:s23] =	ssyncadd.s32 $0xFFFFC000  }
0xb6: {  	[tilespmem:s17], [sflag:$0x1] =	stream.indirect.gather [hbm4b:s1+s20], $0x80, s29, s20, $0xb8;
	[tilespmem:$0x1E400] =	vst v63  }
0xb7: {  	s29 =	sadd.s32 $0x1F80, s28  }
0xb8: {  	[spmem:s2] =	stream.indirect.scatter.add.f32 [tilespmem:s22], [sflag:$0x2], $0x80, s29, s20, $0xb8;
	[tilespmem:$0x1E400] =	vst v63  }
0xb9: {  	_ =	swait.ge [sflag:s21], $0x4000  }
0xba: {  	[sflag:s21] =	ssyncset.done $0x0  }
0xbb: {  	[sflag:s21] =	ssyncadd.s32 $0xFFFFC000  }
.Ltmp10:
0xbc: {  	_ =	swait.ge [sflag:s23], $0x4000;
	(pc) =	sbr.rel @p2 .LBB2_10-.Ltmp10, $4  }
0xbd: {  	[sflag:s23] =	ssyncset.done $0x0  }
0xbe: {  	s29 =	sadd.s32 $0xC80, s28;
	[sflag:s23] =	ssyncadd.s32 $0xFFFFC000  }
0xbf: {  	[tilespmem:s22], [sflag:$0x1] =	stream.indirect.gather [hbm4b:s1+s20], $0x80, s29, s20, $0xb8;
	[tilespmem:$0x1E400] =	vst v63  }
0xc0: {  	s28 =	sadd.s32 $0x2000, s28  }
.Ltmp11:
0xc1: {  	(pc) =	sbr.rel .LBB2_12-.Ltmp11, $3  }
0xc2: {  	_ =	sdelay $0x1  }
0xc3: {  	[spmem:s2] =	stream.indirect.scatter.add.f32 [tilespmem:s17], [sflag:$0x2], $0x80, s28, s20, $0xb8;
	[tilespmem:$0x1E400] =	vst v63  }
0xc4: {  	s26 =	simm.s32 $0x1F80  }
.LBB2_15:
0xc5: {  	_ =	sfence.sel $0x180000  }
0xc6: {  	[bflag:$0x0] =	sbarrier.arrive $0xFFFF  }
0xc7: {  	p0 =	sne.s32 s3, $0x0;
	_ =	strace $0x9000004D  }
0xc8: {  	s0 =	sadd.s32 @!p0 $0x100000, s0;
	[bflag:$0x2] =	sbarrier.arrive $0xFFFF  }
0xc9: {  	[sflag:s0] =	ssyncadd.tile.s32 @!p0 $0x1;
	_ =	shalt  }
.Lfunc_end2:
_tile_overlayer_lowered:
.L_overlay_start_2:
0xca: {  	(tag) =	ssettag $0x2  }
0xcb: {  	s0 =	rddreg [dreg:$0x0];
	s2 =	stileid.u32  }
0xcc: {  	s1 =	rddreg [dreg:$0x1];
	p0 =	sne.s32 s2, $0x0  }
0xcd: {  	s3 =	rddreg [dreg:$0x2];
	[bflag:$0x3] =	sbarrier.arrive $0xFFFF;
	s2 =	simm.s32 @!p0 $0x1C03  }
0xce: {  	[timem:s3], [sflag:s2] =	dma.local @!p0 [hbm:s0], s1  }
0xcf: {  	s0 =	simm.s32 @!p0 $0x3  }
0xd0: {  	_ =	swait.ge @!p0 [sflag:s0], s1  }
0xd1: {  	s1 =	ssub.s32 @!p0 $0x0, s1;
	[sflag:s0] =	ssyncset.done @!p0 $0x0  }
0xd2: {  	[sflag:s0] =	ssyncadd.s32 @!p0 s1  }
0xd3: {  	[bflag:$0x3] =	sbarrier.arrive $0xFFFF  }
0xd4: {  	_ =	shalt  }

// kernel: kernel.20.cloned.1.call-start
scs
__scs_entry_jumppad:
0x0: {  	(pc) =	sbr.rel $0x88, $3  }
0x1: {  	(tag) =	ssettag $0x0;
	lr =	simm.s32 $0x1  }
0x2: {  	[smem:$0x3F95] =	sst lr;
	_ =	strace $0xD0000000  }
0x3: {  	_ = 	snop  }
0x4: {  	_ = 	snop  }
0x5: {  	_ = 	snop  }
0x6: {  	_ = 	snop  }
0x7: {  	_ = 	snop  }
__scs_overlays_trampoline_lowered:
0x8: {  	[smem:$0x3FA4] =	sst s0  }
0x9: {  	[smem:$0x3FA5] =	sst s1  }
0xa: {  	[smem:$0x3FA6] =	sst s2  }
0xb: {  	[smem:$0x3FA7] =	sst s3  }
0xc: {  	[smem:$0x3FA8] =	sst s4  }
0xd: {  	[smem:$0x3FA9] =	sst s5  }
0xe: {  	[smem:$0x3FAA] =	sst s6  }
0xf: {  	[smem:$0x3FAB] =	sst s7  }
0x10: {  	[smem:$0x3FAC] =	sst s8  }
0x11: {  	[smem:$0x3FAD] =	sst s9;
	s0 =	simm.s32 @!p0 $0x0  }
0x12: {  	s1 =	sld [smem:$0x3F93];
	s0 =	simm.s32 @p0 $0x1  }
0x13: {  	[smem:$0x3FAE] =	sst s0;
	s0 =	simm.s32 @!p1 $0x0  }
0x14: {  	s2 =	sld [smem:$0x3F92];
	s0 =	simm.s32 @p1 $0x1  }
0x15: {  	[smem:$0x3FAF] =	sst s0;
	s0 =	simm.s32 @!p2 $0x0  }
0x16: {  	s3 =	sld [smem:$0x3FDB];
	s0 =	simm.s32 @p2 $0x1  }
0x17: {  	s4 =	simm.s32 $0x1BF5;
	[smem:$0x3FB1] =	sst s0  }
0x18: {  	s0 =	sld [smem:$0x3F94];
	_ =	swait.ge [sflag:s4], $0x0  }
0x19: {  	s7 =	sld [smem:$0x3F95]  }
0x1a: {  	s8 =	sadd.s32 $0xFFFFE003, lr  }
0x1b: {  	s9 =	sadd.s32 $0xFFFFFEF7, lr;
	s5 =	simm.s32 $0xFFFFFFFF;
	p2 =	slt.u32 s8, $0xFFFFF086  }
0x1c: {  	p1 =	slt.u32 s9, $0xF7A;
	s5 =	simm.s32 @!p2 $0x0  }
0x1d: {  	s5 =	simm.s32 @p1 $0x1;
	p0 =	seq.s32 s7, s2  }
0x1e: {  	s7 =	smul.u32 @!p0 $0xF7A, s2;
	p2 =	seq.s32 @!p0 s5, $0x0  }
0x1f: {  	s9 =	smul.u32 $0xF7A, s1;
	s8 =	simm.s32 @!p0 $0x1BF5;
	p2 =	por !p2, p0  }
0x20: {  	[sflag:s8] =	ssyncset.s32 @!p0 $0xFFFFF086;
	s6 =	sadd.s32 @!p0 s3, s7;
	s7 =	simm.s32 @!p0 $0x108  }
0x21: {  	s3 =	sadd.s32 s3, s9;
	s6 =	sadd.s32 @!p0 $0x88, s6;
	s7 =	simm.s32 @p2 $0x1082  }
0x22: {  	[simem:s7], [sflag:s8] =	dma.local @!p0 [hbm:s6], $0xF7A  }
0x23: {  	s9 =	sor.u32 $0xD0000000, s2;
	s6 =	simm.s32 $0x108;
	_ =	swait.ge @!p0 [sflag:s8], $0x0  }
0x24: {  	s3 =	sadd.s32 $0x88, s3;
	s6 =	simm.s32 @!p1 $0x1082;
	[sflag:s4] =	ssyncset.s32 $0xFFFFF086  }
0x25: {  	[simem:s6], [sflag:s4] =	dma.local [hbm:s3], $0xF7A  }
0x26: {  	[smem:$0x3F95] =	sst s1;
	(tag) =	ssettag s2;
	_ =	strace s9  }
0x27: {  	s1 =	sld [smem:$0x3FA5]  }
0x28: {  	s2 =	sld [smem:$0x3FA6]  }
0x29: {  	s4 =	sld [smem:$0x3FA8]  }
0x2a: {  	p0 =	seq.s32 s5, $0x0;
	s5 =	sld [smem:$0x3FA9]  }
0x2b: {  	s6 =	sld [smem:$0x3FAA]  }
0x2c: {  	s7 =	sld [smem:$0x3FAB]  }
0x2d: {  	s3 =	simm.s32 $0x108;
	s8 =	sld [smem:$0x3FAC]  }
0x2e: {  	s3 =	simm.s32 @!p0 $0x1082;
	s9 =	sld [smem:$0x3FAD]  }
0x2f: {  	lr =	sadd.s32 s0, s3;
	s0 =	sld [smem:$0x3FA4]  }
0x30: {  	s3 =	sld [smem:$0x3FA7]  }
0x31: {  	[smem:$0x3FB0] =	sst s10  }
0x32: {  	s10 =	sld [smem:$0x3FAE];
	_ =	sdelay $0x3  }
0x33: {  	p0 =	seq.s32 s10, $0x1;
	s10 =	sld [smem:$0x3FB0];
	_ =	sdelay $0x3  }
0x34: {  	[smem:$0x3FB0] =	sst s10  }
0x35: {  	s10 =	sld [smem:$0x3FAF];
	_ =	sdelay $0x3  }
0x36: {  	p1 =	seq.s32 s10, $0x1;
	s10 =	sld [smem:$0x3FB0];
	_ =	sdelay $0x3  }
0x37: {  	[smem:$0x3FB0] =	sst s10  }
0x38: {  	s10 =	sld [smem:$0x3FB1]  }
0x39: {  	_ = 	snop;
	(pc) =	sbr.ind lr, $3  }
0x3a: {  	_ = 	snop  }
0x3b: {  	_ = 	snop  }
0x3c: {  	p2 =	seq.s32 s10, $0x1;
	s10 =	sld [smem:$0x3FB0]  }
0x3d: {  	_ =	shalt  }
0x3e: {  	_ =	shalt  }
0x3f: {  	_ =	shalt  }
0x40: {  	_ =	shalt  }
0x41: {  	_ =	shalt  }
0x42: {  	_ =	shalt  }
0x43: {  	_ =	shalt  }
0x44: {  	_ =	shalt  }
0x45: {  	_ =	shalt  }
0x46: {  	_ =	shalt  }
0x47: {  	_ =	shalt  }
0x48: {  	_ =	shalt  }
0x49: {  	_ =	shalt  }
0x4a: {  	_ =	shalt  }
0x4b: {  	_ =	shalt  }
0x4c: {  	_ =	shalt  }
0x4d: {  	_ =	shalt  }
0x4e: {  	_ =	shalt  }
0x4f: {  	_ =	shalt  }
0x50: {  	_ =	shalt  }
0x51: {  	_ =	shalt  }
0x52: {  	_ =	shalt  }
0x53: {  	_ =	shalt  }
0x54: {  	_ =	shalt  }
0x55: {  	_ =	shalt  }
0x56: {  	_ =	shalt  }
0x57: {  	_ =	shalt  }
0x58: {  	_ =	shalt  }
0x59: {  	_ =	shalt  }
0x5a: {  	_ =	shalt  }
0x5b: {  	_ =	shalt  }
0x5c: {  	_ =	shalt  }
0x5d: {  	_ =	shalt  }
0x5e: {  	_ =	shalt  }
0x5f: {  	_ =	shalt  }
0x60: {  	_ =	shalt  }
0x61: {  	_ =	shalt  }
0x62: {  	_ =	shalt  }
0x63: {  	_ =	shalt  }
0x64: {  	_ =	shalt  }
0x65: {  	_ =	shalt  }
0x66: {  	_ =	shalt  }
0x67: {  	_ =	shalt  }
0x68: {  	_ =	shalt  }
0x69: {  	_ =	shalt  }
0x6a: {  	_ =	shalt  }
0x6b: {  	_ =	shalt  }
0x6c: {  	_ =	shalt  }
0x6d: {  	_ =	shalt  }
0x6e: {  	_ =	shalt  }
0x6f: {  	_ =	shalt  }
0x70: {  	_ =	shalt  }
0x71: {  	_ =	shalt  }
0x72: {  	_ =	shalt  }
0x73: {  	_ =	shalt  }
0x74: {  	_ =	shalt  }
0x75: {  	_ =	shalt  }
0x76: {  	_ =	shalt  }
0x77: {  	_ =	shalt  }
0x78: {  	_ =	shalt  }
0x79: {  	_ =	shalt  }
0x7a: {  	_ =	shalt  }
0x7b: {  	_ =	shalt  }
0x7c: {  	_ =	shalt  }
0x7d: {  	_ =	shalt  }
0x7e: {  	_ =	shalt  }
0x7f: {  	_ =	shalt  }
0x80: {  	_ =	shalt  }
0x81: {  	_ =	shalt  }
0x82: {  	_ =	shalt  }
0x83: {  	_ =	shalt  }
0x84: {  	_ =	shalt  }
0x85: {  	_ =	shalt  }
0x86: {  	_ =	shalt  }
0x87: {  	_ =	shalt  }
.Lfunc_end0:
.L_simem_size_0:
called_computation.3_lowered:
.L_overlay_start_0:
0x88: {  	s2 =	sld [smem:$0x3FD9]  }
0x89: {  	s3 =	sld [smem:$0x3FFE];
	_ =	sdelay $0x1  }
0x8a: {  	s1 =	srdreg.scid  }
0x8b: {  	s0 =	sand.u32 $0x1, s1  }
0x8c: {  	s17 =	sshll.u32 s0, $0xA;
	s2 =	sadd.s32 s3, s2  }
0x8d: {  	s2 =	sadd.s32 s2, s17  }
0x8e: {  	[smem:$0x3FBC] =	sst s2  }
0x8f: {  	_ = 	snop  }
0x90: {  	s2 =	sld [smem:$0x3FD0];
	(tm) =	ssettm $0x1  }
0x91: {  	s18 =	sld [smem:$0x3FFB];
	_ =	sdelay $0x3  }
0x92: {  	_ =	strace s18  }
0x93: {  	s3 =	sld [smem:$0x3FFC];
	_ =	sdelay $0x3  }
0x94: {  	_ =	strace s3  }
0x95: {  	s3 =	sld [smem:$0x3FFD];
	_ =	sdelay $0x3  }
0x96: {  	_ =	strace s3  }
0x97: {  	_ =	strace $0x8FFFFFFF  }
0x98: {  	s19 =	sld [smem:$0x3FDB];
	_ =	sdelay $0x1  }
0x99: {  	s4 =	simm.s32 $_scs_section_size  }
0x9a: {  	s5 =	simm.s32 $_size__tile_overlayer_lowered;
	s6 =	simm.s32 $_tile_overlayer_lowered  }
0x9b: {  	s22 =	simm.s32 $0x1BFF;
	s21 =	sshll.u32 s6, $0x1;
	s3 =	sadd.s32 s4, s19  }
0x9c: {  	s7 =	simm.s32 $0x0;
	s20 =	sshll.u32 s5, $0x1;
	s5 =	sadd.s32 s21, s3  }
0x9d: {  	[timem:s7], [sflag:s22] =	dma.local [hbm:s5], s20  }
0x9e: {  	_ =	swait.ge [sflag:s22], s20  }
0x9f: {  	s4 =	ssub.s32 $0x0, s20;
	[sflag:s22] =	ssyncset.done $0x0  }
0xa0: {  	[sflag:s22] =	ssyncadd.s32 s4;
	_ =	sdelay $0x1  }
0xa1: {  	s23 =	simm.s32 $0x1B8B  }
0xa2: {  	_ =	swait.ge [sflag:s23], $0x1  }
0xa3: {  	[sflag:s23] =	ssyncset.done $0x0  }
0xa4: {  	s25 =	simm.s32 $0x1B8E;
	s24 =	sld [smem:$0x3FFE];
	[sflag:s23] =	ssyncadd.s32 $0xFFFFFFFF  }
0xa5: {  	s26 =	simm.s32 $execute0_lowered;
	[smem:$0x3FD2] =	sst s25  }
0xa6: {  	s5 =	sshll.u32 s26, $0x1;
	_ =	strace $0x8000004F;
	[dreg:$0x1] =	wrdreg $0xFFFFFFFF  }
0xa7: {  	s28 =	simm.s32 $_size_execute0_lowered;
	s3 =	sadd.s32 s3, s5;
	[dreg:$0x0] =	wrdreg $0x0  }
0xa8: {  	s5 =	sshll.u32 s28, $0x1;
	[dreg:$0x2] =	wrdreg s3  }
0xa9: {  	[dreg:$0x3] =	wrdreg s5  }
0xaa: {  	[dreg:$0x4] =	wrdreg $0xC0  }
0xab: {  	_ =	task [dreg:s7], $0x5FFFF  }
0xac: {  	[dreg:$0x1] =	wrdreg $0xFFFFFFFF  }
0xad: {  	[dreg:$0x0] =	wrdreg $0x60  }
0xae: {  	[dreg:$0x2] =	wrdreg s2  }
0xaf: {  	[dreg:$0x3] =	wrdreg s24  }
0xb0: {  	[dreg:$0x4] =	wrdreg $0xA8000  }
0xb1: {  	[dreg:$0x5] =	wrdreg $0x9  }
0xb2: {  	_ =	task.clear_ibuf [dreg:s7], $0x6FFFF;
	_ =	strace $0x9000004F  }
0xb3: {  	s29 =	simm.s32 $0x9;
	_ =	strace $0x80000051  }
0xb4: {  	_ =	swait.ge [sflag:s29], $0x1  }
0xb5: {  	[sflag:s29] =	ssyncadd.s32 $0xFFFFFFFF  }
0xb6: {  	_ =	strace $0x90000051  }
0xb7: {  	_ =	sfence  }
0xb8: {  	s30 =	sld [smem:$0x0];
	_ =	sdelay $0x2  }
0xb9: {  	s31 =	sshll.u32 s1, $0xD;
	s1 =	sshrl.u32 s1, $0x2  }
0xba: {  	s3 =	sand.u32 $0x4000, s31;
	s1 =	sadd.s32 s1, s30  }
0xbb: {  	s0 =	sor.u32 s3, s0;
	s1 =	sshll.u32 s1, $0x11  }
0xbc: {  	s0 =	sor.u32 s1, s0  }
0xbd: {  	s0 =	sadd.s32 $0x8F2B, s0  }
0xbe: {  	[sflag:s0] =	ssyncadd.remote.s32 $0x1  }
0xbf: {  	_ =	sfence.sel $0xFFFF  }
0xc0: {  	[dreg:$0x0] =	wrdreg $0xFFFFFFFF;
	(pc) =	sbr.abs _section_cstart, $3  }
0xc1: {  	[dreg:$0x1] =	wrdreg $0xFFFFFFFF  }
0xc2: {  	_ =	task.clear_ibuf [dreg:s7], $0x2FFFF;
	_ =	strace $0x9FFFFFFF  }
0xc3: {  	(tm) =	ssettm $0x7FFFFFFF  }
tec
execute0_lowered:
.L_overlay_start_1:
0x0: {  	(tag) =	ssettag $0x1  }
0x1: {  	s1 =	rddreg [dreg:$0x0]  }
0x2: {  	s14 =	rddreg [dreg:$0x1]  }
0x3: {  	s2 =	rddreg [dreg:$0x2]  }
0x4: {  	s3 =	srdreg.scid;
	s0 =	rddreg [dreg:$0x3];
	s4 =	simm.s32 $0x0  }
0x5: {  	s18 =	simm.s32 $0x3;
	s19 =	simm.s32 $0x1400;
	s20 =	simm.s32 $0x80  }
0x6: {  	s21 =	simm.s32 $0x1;
	s22 =	simm.s32 $0x6800;
	s23 =	simm.s32 $0x2  }
0x7: {  	s25 =	simm.s32 $0x0;
	s10 =	sand.u32 $0x1, s3;
	s3 =	stileid.u32  }
0x8: {  	[smem:$0x7FF] =	sst s4;
	s5 =	sadd.s32 $0xEE00, s14;
	s7 =	smul.u32 $0x138800, s10  }
0x9: {  	s6 =	sadd.s32 $0x5000, s14;
	s13 =	sadd.s32 $0x18900, s14;
	s8 =	smul.u32 $0x1F400, s3  }
0xa: {  	_ =	strace $0x80000050;
	s9 =	smul.u32 $0x4F000, s3;
	s30 =	ssub.s32 $0x2, s10  }
0xb: {  	s31 =	sshll.u32 s10, $0x4;
	s17 =	smul.u32 $0x7D000, s3;
	p0 =	sgt.u32 s3, $0x9  }
0xc: {  	s11 =	sshrl.u32 s30, $0x1;
	s12 =	sor.u32 s3, s31;
	s7 =	sadd.s32 s8, s7  }
0xd: {  	s9 =	sshrl.u32 s9, $0x2;
	s16 =	ssub.s32 s30, s11;
	s12 =	smul.u32 $0x50, s12  }
.Ltmp0:
0xe: {  	s17 =	sshrl.u32 s17, $0x2;
	s7 =	sshrl.u32 s7, $0x3;
	(pc) =	sbr.rel .LBB2_1-.Ltmp0, $4  }
0xf: {  	s24 =	sadd.s32 s17, s2;
	s16 =	smax.u32 s16, $0x1;
	s17 =	simm.s32 $0x2800  }
0x10: {  	s15 =	sadd.s32 s7, s14;
	s7 =	sadd.s32 s9, s2;
	s14 =	sadd.s32 $0xEB00, s14  }
0x11: {  	s24 =	sshrl.u32 @!p0 s24, $0x3;
	s8 =	sadd.s32 $0x4000, s7;
	s9 =	sadd.s32 $0x8000, s7  }
0x12: {  	v0 =	vimm.f32 $0.0e+00;
	s10 =	sadd.s32 $0xC000, s7;
	s11 =	sadd.s32 $0x10000, s7;
	s15 =	sadd.s32 $0x18C00, s15  }
.LBB2_14:
0x13: {  	s26 =	sshll.u32 @!p0 s3, $0x6;
	s25 =	sadd.s32 $0x1, s25  }
0x14: {  	[bflag:$0x0] =	sbarrier.arrive $0xFFFF;
	s26 =	sor.u32 @!p0 $0x1C03, s26;
	p1 =	sne.s32 s25, s16  }
0x15: {  	[hbm:s15], [sflag:s26] =	dma.local @!p0 [spmem:s24], $0x3E80  }
.Ltmp1:
0x16: {  	_ = 	snop;
	(pc) =	sbr.rel @!p1 .LBB2_15-.Ltmp1, $4  }
0x17: {  	s26 =	simm.s32 @!p0 $0x3  }
0x18: {  	_ =	swait.ge @!p0 [sflag:s26], $0x3E80  }
0x19: {  	[sflag:s26] =	ssyncset.done @!p0 $0x0  }
0x1a: {  	[sflag:s26] =	ssyncadd.s32 @!p0 $0xFFFFC180  }
.LBB2_1:
0x1b: {  	s26 =	simm.s32 $0x0;
	s28 =	simm.s32 $0x200  }
.LBB2_2:
0x1c: {  	p1 =	sne.s32 s28, $0xFE00;
	[tilespmem:s26+$0x2870] =	vst v0  }
0x1d: {  	[tilespmem:s26+$0x2800] =	vst v0  }
0x1e: {  	[tilespmem:s26+$0x2810] =	vst v0  }
.Ltmp2:
0x1f: {  	[tilespmem:s26+$0x2820] =	vst v0;
	(pc) =	sbr.rel @p1 .LBB2_2-.Ltmp2, $4  }
0x20: {  	[tilespmem:s26+$0x2830] =	vst v0  }
0x21: {  	[tilespmem:s26+$0x2840] =	vst v0  }
0x22: {  	[tilespmem:s26+$0x2850] =	vst v0  }
0x23: {  	[tilespmem:s26+$0x2860] =	vst v0;
	s26 =	sshra.s32 s28, $0x2;
	s28 =	sadd.s32 $0x200, s28  }
0x24: {  	[tilespmem:s26+$0x2870] =	vst v0  }
0x25: {  	[tilespmem:s26+$0x2800] =	vst v0  }
0x26: {  	[tilespmem:s26+$0x2810] =	vst v0  }
0x27: {  	[tilespmem:s26+$0x2820] =	vst v0  }
0x28: {  	[tilespmem:s26+$0x2830] =	vst v0  }
0x29: {  	[tilespmem:s26+$0x2840] =	vst v0  }
0x2a: {  	[tilespmem:s26+$0x2850] =	vst v0  }
0x2b: {  	[tilespmem:s26+$0x2860] =	vst v0  }
0x2c: {  	[spmem:s7] =	stream.linear.scatter [tilespmem:s17], [sflag:$0x3], $0x4000, $0x38;
	[tilespmem:$0x1E400] =	vst v63  }
0x2d: {  	_ =	swait.ge [sflag:s18], $0x4000  }
0x2e: {  	[sflag:s18] =	ssyncset.done $0x0  }
0x2f: {  	[sflag:s18] =	ssyncadd.s32 $0xFFFFC000  }
0x30: {  	[spmem:s8] =	stream.linear.scatter [tilespmem:s17], [sflag:$0x3], $0x4000, $0x38;
	[tilespmem:$0x1E400] =	vst v63  }
0x31: {  	_ =	swait.ge [sflag:s18], $0x4000  }
0x32: {  	[sflag:s18] =	ssyncset.done $0x0  }
0x33: {  	[sflag:s18] =	ssyncadd.s32 $0xFFFFC000  }
0x34: {  	[spmem:s9] =	stream.linear.scatter [tilespmem:s17], [sflag:$0x3], $0x4000, $0x38;
	[tilespmem:$0x1E400] =	vst v63  }
0x35: {  	_ =	swait.ge [sflag:s18], $0x4000  }
0x36: {  	[sflag:s18] =	ssyncset.done $0x0  }
0x37: {  	[sflag:s18] =	ssyncadd.s32 $0xFFFFC000  }
0x38: {  	[spmem:s10] =	stream.linear.scatter [tilespmem:s17], [sflag:$0x3], $0x4000, $0x38;
	[tilespmem:$0x1E400] =	vst v63  }
0x39: {  	_ =	swait.ge [sflag:s18], $0x4000  }
0x3a: {  	[sflag:s18] =	ssyncset.done $0x0  }
0x3b: {  	[sflag:s18] =	ssyncadd.s32 $0xFFFFC000  }
0x3c: {  	[spmem:s11] =	stream.linear.scatter [tilespmem:s17], [sflag:$0x3], $0x3C00, $0x38;
	[tilespmem:$0x1E400] =	vst v63  }
.Ltmp3:
0x3d: {  	_ =	swait.ge [sflag:s18], $0x3C00;
	(pc) =	sbr.rel .LBB2_4-.Ltmp3, $4  }
0x3e: {  	[sflag:s18] =	ssyncset.done $0x0  }
0x3f: {  	[sflag:s18] =	ssyncadd.s32 $0xFFFFC400  }
0x40: {  	[bflag:$0x0] =	sbarrier.arrive $0xFFFF  }
0x41: {  	s26 =	simm.s32 $0x0;
	p2 =	por $0x1, $0x1  }
.LBB2_7:
0x42: {  	[spmem:s2] =	stream.indirect.scatter.add.f32 [tilespmem:s17], [sflag:$0x2], $0x80, s28, s20, $0xb8;
	[tilespmem:$0x1E400] =	vst v63  }
0x43: {  	s26 =	simm.s32 $0x2780  }
.LBB2_12:
0x44: {  	_ =	swait.ge [sflag:s21], $0x4000  }
0x45: {  	[sflag:s21] =	ssyncset.done $0x0  }
0x46: {  	[sflag:s21] =	ssyncadd.s32 $0xFFFFC000  }
0x47: {  	_ =	swait.ge [sflag:s23], $0x4000  }
0x48: {  	[sflag:s23] =	ssyncset.done $0x0  }
0x49: {  	[sflag:s23] =	ssyncadd.s32 $0xFFFFC000  }
0x4a: {  	[spmem:s2] =	stream.indirect.scatter.add.f32 [tilespmem:s22], [sflag:$0x2], $0x80, s26, s20, $0xb8;
	[tilespmem:$0x1E400] =	vst v63  }
0x4b: {  	_ =	swait.ge [sflag:s23], $0x4000  }
0x4c: {  	[sflag:s23] =	ssyncset.done $0x0  }
0x4d: {  	[sflag:s23] =	ssyncadd.s32 $0xFFFFC000  }
.LBB2_13:
.Ltmp4:
0x4e: {  	(pc) =	sbr.rel @!p1 .LBB2_14-.Ltmp4, $2  }
0x4f: {  	_ =	sdelay $0x2  }
0x50: {  	s26 =	simm.s32 $0x28;
	p2 =	por $0x0, $0x0  }
.LBB2_4:
0x51: {  	s26 =	sadd.s32 s12, s26  }
0x52: {  	p3 =	sgt.u32 s26, $0x9A0  }
.Ltmp5:
0x53: {  	_ = 	snop;
	(pc) =	sbr.rel @p3 .LBB2_8-.Ltmp5, $2  }
0x54: {  	_ =	sdelay $0x2  }
0x55: {  	p1 =	por p2, p2  }
0x56: {  	s26 =	sshll.u32 s26, $0x4  }
0x57: {  	s28 =	sadd.s32 s5, s26  }
0x58: {  	[tilespmem:s4], [sflag:$0x3] =	stream.linear.gather [hbm4b:s28+s4], $0x1400, $0x38;
	[tilespmem:$0x1E400] =	vst v63  }
0x59: {  	_ =	swait.ge [sflag:s18], $0x1400  }
0x5a: {  	[sflag:s18] =	ssyncset.done $0x0  }
0x5b: {  	s26 =	sadd.s32 s6, s26;
	[sflag:s18] =	ssyncadd.s32 $0xFFFFEC00  }
0x5c: {  	[tilespmem:s19], [sflag:$0x3] =	stream.linear.gather [hbm4b:s26+s4], $0x1400, $0x38;
	[tilespmem:$0x1E400] =	vst v63  }
0x5d: {  	_ =	swait.ge [sflag:s18], $0x1400  }
0x5e: {  	[sflag:s18] =	ssyncset.done $0x0  }
0x5f: {  	[sflag:s18] =	ssyncadd.s32 $0xFFFFEC00  }
0x60: {  	[tilespmem:s17], [sflag:$0x1] =	stream.indirect.gather [hbm4b:s1+s20], $0x80, s4, s20, $0xb8;
	[tilespmem:$0x1E400] =	vst v63  }
0x61: {  	_ =	swait.ge [sflag:s21], $0x4000  }
0x62: {  	[sflag:s21] =	ssyncset.done $0x0  }
0x63: {  	[sflag:s21] =	ssyncadd.s32 $0xFFFFC000  }
0x64: {  	[tilespmem:s22], [sflag:$0x1] =	stream.indirect.gather [hbm4b:s1+s20], $0x80, s20, s20, $0xb8;
	[tilespmem:$0x1E400] =	vst v63  }
0x65: {  	_ = 	snop  }
0x66: {  	[spmem:s2] =	stream.indirect.scatter.add.f32 [tilespmem:s17], [sflag:$0x2], $0x80, s19, s20, $0xb8;
	[tilespmem:$0x1E400] =	vst v63  }
0x67: {  	_ =	swait.ge [sflag:s21], $0x4000  }
0x68: {  	[sflag:s21] =	ssyncset.done $0x0  }
0x69: {  	[sflag:s21] =	ssyncadd.s32 $0xFFFFC000  }
0x6a: {  	_ =	swait.ge [sflag:s23], $0x4000  }
0x6b: {  	[sflag:s23] =	ssyncset.done $0x0  }
0x6c: {  	s29 =	simm.s32 $0x100;
	[sflag:s23] =	ssyncadd.s32 $0xFFFFC000  }
0x6d: {  	[tilespmem:s17], [sflag:$0x1] =	stream.indirect.gather [hbm4b:s1+s20], $0x80, s29, s20, $0xb8;
	[tilespmem:$0x1E400] =	vst v63  }
0x6e: {  	s30 =	simm.s32 $0x1480  }
0x6f: {  	[spmem:s2] =	stream.indirect.scatter.add.f32 [tilespmem:s22], [sflag:$0x2], $0x80, s30, s20, $0xb8;
	[tilespmem:$0x1E400] =	vst v63  }
0x70: {  	_ =	swait.ge [sflag:s21], $0x4000  }
0x71: {  	p2 =	por $0x0, $0x0;
	[sflag:s21] =	ssyncset.done $0x0  }
.Ltmp6:
0x72: {  	[sflag:s21] =	ssyncadd.s32 $0xFFFFC000;
	(pc) =	sbr.rel @p2 .LBB2_7-.Ltmp6, $4  }
0x73: {  	_ =	swait.ge [sflag:s23], $0x4000  }
0x74: {  	s31 =	simm.s32 $0x180;
	[sflag:s23] =	ssyncset.done $0x0  }
0x75: {  	s28 =	simm.s32 $0x1500;
	s26 =	simm.s32 $0xFFFFB800;
	[sflag:s23] =	ssyncadd.s32 $0xFFFFC000  }
0x76: {  	[tilespmem:s22], [sflag:$0x1] =	stream.indirect.gather [hbm4b:s1+s20], $0x80, s31, s20, $0xb8;
	[tilespmem:$0x1E400] =	vst v63  }
.LBB2_6:
0x77: {  	[spmem:s2] =	stream.indirect.scatter.add.f32 [tilespmem:s17], [sflag:$0x2], $0x80, s28, s20, $0xb8;
	[tilespmem:$0x1E400] =	vst v63  }
0x78: {  	s28 =	smov.u32 s26  }
0x79: {  	p2 =	seq.s32 s26, $0xFFFFFC00;
	s26 =	sadd.s32 $0x400, s26;
	_ =	swait.ge [sflag:s21], $0x4000  }
0x7a: {  	[sflag:s21] =	ssyncset.done $0x0  }
0x7b: {  	[sflag:s21] =	ssyncadd.s32 $0xFFFFC000  }
0x7c: {  	_ =	swait.ge [sflag:s23], $0x4000  }
0x7d: {  	s28 =	sshra.s32 s28, $0x2;
	[sflag:s23] =	ssyncset.done $0x0  }
0x7e: {  	s29 =	sadd.s32 $0x1400, s28;
	[sflag:s23] =	ssyncadd.s32 $0xFFFFC000  }
0x7f: {  	[tilespmem:s17], [sflag:$0x1] =	stream.indirect.gather [hbm4b:s1+s20], $0x80, s29, s20, $0xb8;
	[tilespmem:$0x1E400] =	vst v63  }
0x80: {  	s29 =	sadd.s32 $0x2780, s28  }
0x81: {  	[spmem:s2] =	stream.indirect.scatter.add.f32 [tilespmem:s22], [sflag:$0x2], $0x80, s29, s20, $0xb8;
	[tilespmem:$0x1E400] =	vst v63  }
0x82: {  	_ =	swait.ge [sflag:s21], $0x4000  }
0x83: {  	[sflag:s21] =	ssyncset.done $0x0  }
0x84: {  	[sflag:s21] =	ssyncadd.s32 $0xFFFFC000  }
.Ltmp7:
0x85: {  	_ =	swait.ge [sflag:s23], $0x4000;
	(pc) =	sbr.rel @!p2 .LBB2_6-.Ltmp7, $4  }
0x86: {  	[sflag:s23] =	ssyncset.done $0x0  }
0x87: {  	s29 =	sadd.s32 $0x1480, s28;
	[sflag:s23] =	ssyncadd.s32 $0xFFFFC000  }
0x88: {  	[tilespmem:s22], [sflag:$0x1] =	stream.indirect.gather [hbm4b:s1+s20], $0x80, s29, s20, $0xb8;
	[tilespmem:$0x1E400] =	vst v63  }
0x89: {  	s28 =	sadd.s32 $0x2800, s28  }
.Ltmp8:
0x8a: {  	_ = 	snop;
	(pc) =	sbr.rel .LBB2_7-.Ltmp8, $1  }
0x8b: {  	_ =	sdelay $0x3  }
.LBB2_8:
0x8c: {  	p2 =	sne.s32 s26, $0x9B0  }
.Ltmp9:
0x8d: {  	_ = 	snop;
	(pc) =	sbr.rel @p2 .LBB2_13-.Ltmp9, $1  }
0x8e: {  	_ =	sdelay $0x3  }
0x8f: {  	[tilespmem:s4], [sflag:$0x3] =	stream.linear.gather [hbm4b:s13+s4], $0xC00, $0x38;
	[tilespmem:$0x1E400] =	vst v63  }
0x90: {  	_ =	swait.ge [sflag:s18], $0xC00  }
0x91: {  	[sflag:s18] =	ssyncset.done $0x0  }
0x92: {  	[sflag:s18] =	ssyncadd.s32 $0xFFFFF400  }
0x93: {  	[tilespmem:s19], [sflag:$0x3] =	stream.linear.gather [hbm4b:s14+s4], $0xC00, $0x38;
	[tilespmem:$0x1E400] =	vst v63  }
0x94: {  	_ =	swait.ge [sflag:s18], $0xC00  }
0x95: {  	[sflag:s18] =	ssyncset.done $0x0  }
0x96: {  	[sflag:s18] =	ssyncadd.s32 $0xFFFFF400  }
0x97: {  	[tilespmem:s17], [sflag:$0x1] =	stream.indirect.gather [hbm4b:s1+s20], $0x80, s4, s20, $0xb8;
	[tilespmem:$0x1E400] =	vst v63  }
0x98: {  	_ =	swait.ge [sflag:s21], $0x4000  }
0x99: {  	[sflag:s21] =	ssyncset.done $0x0  }
0x9a: {  	[sflag:s21] =	ssyncadd.s32 $0xFFFFC000  }
0x9b: {  	[tilespmem:s22], [sflag:$0x1] =	stream.indirect.gather [hbm4b:s1+s20], $0x80, s20, s20, $0xb8;
	[tilespmem:$0x1E400] =	vst v63  }
0x9c: {  	_ = 	snop  }
0x9d: {  	[spmem:s2] =	stream.indirect.scatter.add.f32 [tilespmem:s17], [sflag:$0x2], $0x80, s19, s20, $0xb8;
	[tilespmem:$0x1E400] =	vst v63  }
0x9e: {  	_ =	swait.ge [sflag:s21], $0x4000  }
0x9f: {  	[sflag:s21] =	ssyncset.done $0x0  }
0xa0: {  	[sflag:s21] =	ssyncadd.s32 $0xFFFFC000  }
0xa1: {  	_ =	swait.ge [sflag:s23], $0x4000  }
0xa2: {  	[sflag:s23] =	ssyncset.done $0x0  }
0xa3: {  	s26 =	simm.s32 $0x100;
	[sflag:s23] =	ssyncadd.s32 $0xFFFFC000  }
0xa4: {  	[tilespmem:s17], [sflag:$0x1] =	stream.indirect.gather [hbm4b:s1+s20], $0x80, s26, s20, $0xb8;
	[tilespmem:$0x1E400] =	vst v63  }
0xa5: {  	s30 =	simm.s32 $0x1480  }
0xa6: {  	[spmem:s2] =	stream.indirect.scatter.add.f32 [tilespmem:s22], [sflag:$0x2], $0x80, s30, s20, $0xb8;
	[tilespmem:$0x1E400] =	vst v63  }
0xa7: {  	_ =	swait.ge [sflag:s21], $0x4000  }
0xa8: {  	[sflag:s21] =	ssyncset.done $0x0  }
0xa9: {  	[sflag:s21] =	ssyncadd.s32 $0xFFFFC000  }
0xaa: {  	_ =	swait.ge [sflag:s23], $0x4000  }
0xab: {  	s31 =	simm.s32 $0x180;
	[sflag:s23] =	ssyncset.done $0x0  }
0xac: {  	s28 =	simm.s32 $0x1500;
	s26 =	simm.s32 $0xFFFFD800;
	[sflag:s23] =	ssyncadd.s32 $0xFFFFC000  }
0xad: {  	[tilespmem:s22], [sflag:$0x1] =	stream.indirect.gather [hbm4b:s1+s20], $0x80, s31, s20, $0xb8;
	[tilespmem:$0x1E400] =	vst v63  }
.LBB2_10:
0xae: {  	[spmem:s2] =	stream.indirect.scatter.add.f32 [tilespmem:s17], [sflag:$0x2], $0x80, s28, s20, $0xb8;
	[tilespmem:$0x1E400] =	vst v63  }
0xaf: {  	s28 =	smov.u32 s26  }
0xb0: {  	p2 =	sne.s32 s26, $0xFFFFFC00;
	s26 =	sadd.s32 $0x400, s26;
	_ =	swait.ge [sflag:s21], $0x4000  }
0xb1: {  	[sflag:s21] =	ssyncset.done $0x0  }
0xb2: {  	[sflag:s21] =	ssyncadd.s32 $0xFFFFC000  }
0xb3: {  	_ =	swait.ge [sflag:s23], $0x4000  }
0xb4: {  	s28 =	sshra.s32 s28, $0x2;
	[sflag:s23] =	ssyncset.done $0x0  }
0xb5: {  	s29 =	sadd.s32 $0xC00, s28;
	[sflag:s23] =	ssyncadd.s32 $0xFFFFC000  }
0xb6: {  	[tilespmem:s17], [sflag:$0x1] =	stream.indirect.gather [hbm4b:s1+s20], $0x80, s29, s20, $0xb8;
	[tilespmem:$0x1E400] =	vst v63  }
0xb7: {  	s29 =	sadd.s32 $0x1F80, s28  }
0xb8: {  	[spmem:s2] =	stream.indirect.scatter.add.f32 [tilespmem:s22], [sflag:$0x2], $0x80, s29, s20, $0xb8;
	[tilespmem:$0x1E400] =	vst v63  }
0xb9: {  	_ =	swait.ge [sflag:s21], $0x4000  }
0xba: {  	[sflag:s21] =	ssyncset.done $0x0  }
0xbb: {  	[sflag:s21] =	ssyncadd.s32 $0xFFFFC000  }
.Ltmp10:
0xbc: {  	_ =	swait.ge [sflag:s23], $0x4000;
	(pc) =	sbr.rel @p2 .LBB2_10-.Ltmp10, $4  }
0xbd: {  	[sflag:s23] =	ssyncset.done $0x0  }
0xbe: {  	s29 =	sadd.s32 $0xC80, s28;
	[sflag:s23] =	ssyncadd.s32 $0xFFFFC000  }
0xbf: {  	[tilespmem:s22], [sflag:$0x1] =	stream.indirect.gather [hbm4b:s1+s20], $0x80, s29, s20, $0xb8;
	[tilespmem:$0x1E400] =	vst v63  }
0xc0: {  	s28 =	sadd.s32 $0x2000, s28  }
.Ltmp11:
0xc1: {  	(pc) =	sbr.rel .LBB2_12-.Ltmp11, $3  }
0xc2: {  	_ =	sdelay $0x1  }
0xc3: {  	[spmem:s2] =	stream.indirect.scatter.add.f32 [tilespmem:s17], [sflag:$0x2], $0x80, s28, s20, $0xb8;
	[tilespmem:$0x1E400] =	vst v63  }
0xc4: {  	s26 =	simm.s32 $0x1F80  }
.LBB2_15:
0xc5: {  	_ =	sfence.sel $0x180000  }
0xc6: {  	[bflag:$0x0] =	sbarrier.arrive $0xFFFF  }
0xc7: {  	p0 =	sne.s32 s3, $0x0;
	_ =	strace $0x90000050  }
0xc8: {  	s0 =	sadd.s32 @!p0 $0x100000, s0;
	[bflag:$0x2] =	sbarrier.arrive $0xFFFF  }
0xc9: {  	[sflag:s0] =	ssyncadd.tile.s32 @!p0 $0x1;
	_ =	shalt  }
.Lfunc_end2:
_tile_overlayer_lowered:
.L_overlay_start_2:
0xca: {  	(tag) =	ssettag $0x2  }
0xcb: {  	s0 =	rddreg [dreg:$0x0];
	s2 =	stileid.u32  }
0xcc: {  	s1 =	rddreg [dreg:$0x1];
	p0 =	sne.s32 s2, $0x0  }
0xcd: {  	s3 =	rddreg [dreg:$0x2];
	[bflag:$0x3] =	sbarrier.arrive $0xFFFF;
	s2 =	simm.s32 @!p0 $0x1C03  }
0xce: {  	[timem:s3], [sflag:s2] =	dma.local @!p0 [hbm:s0], s1  }
0xcf: {  	s0 =	simm.s32 @!p0 $0x3  }
0xd0: {  	_ =	swait.ge @!p0 [sflag:s0], s1  }
0xd1: {  	s1 =	ssub.s32 @!p0 $0x0, s1;
	[sflag:s0] =	ssyncset.done @!p0 $0x0  }
0xd2: {  	[sflag:s0] =	ssyncadd.s32 @!p0 s1  }
0xd3: {  	[bflag:$0x3] =	sbarrier.arrive $0xFFFF  }
0xd4: {  	_ =	shalt  }

</sc_bundles>
